<compile_context>
chip_gen: v7x
topology: tpu7x:2x2x1
jax: 0.10.2.dev20260603
libtpu: 0.0.44.dev20260713+nightly
codegen_flags: <defaults>
</compile_context>

<pallas_src>
import jax
import jax.numpy as jnp
from jax import lax
from jax.experimental import pallas as pl
from jax.experimental.pallas import tpu as pltpu
from jax.experimental.pallas import tpu_sc as plsc

N = 10000
E = 320000
D = 128
H = 128
O = 64

NC = 2
NS = 16
NW = NC * NS
K = 80
NCHUNK = 128
HALF = NCHUNK // 2
EPT = NCHUNK * K
EPAD = NW * EPT
NBUF = 2
MAIN_ITERS = HALF // NBUF - 1
PADF = 2048
NF = N + PADF
ZROWS = 624
ZTAIL = N - NS * ZROWS


def _sc_aggregate(w_by_src: bool, width: int):
    mesh = plsc.VectorSubcoreMesh(core_axis_name="c", subcore_axis_name="s")

    def body(feat_hbm, src_hbm, dst_hbm, wtab_hbm, zrows_hbm, zvec_hbm,
             acc_out, side_out,
             acc_sh, side_sh, sidx, didx, rows, wvec, gsem, wgsem, ssem,
             wssem):
        c = lax.axis_index("c")
        s = lax.axis_index("s")
        tid = c * NS + s

        pltpu.sync_copy(zrows_hbm.at[pl.ds(s * ZROWS, ZROWS)],
                        acc_sh.at[pl.ds(s * ZROWS, ZROWS)])

        @pl.when(s == 0)
        def _():
            pltpu.sync_copy(zrows_hbm.at[pl.ds(NS * ZROWS, ZTAIL)],
                            acc_sh.at[pl.ds(NS * ZROWS, ZTAIL)])
            pltpu.sync_copy(zvec_hbm, side_sh)

        plsc.subcore_barrier()

        wtgt = didx if w_by_src else sidx

        def issue_gather(b, i, first):
            pltpu.async_copy(feat_hbm.at[sidx.at[i]], rows[b], gsem[b])
            if not w_by_src:
                pltpu.async_copy(wtab_hbm.at[didx.at[i]], wvec[b], wgsem[b])

        def process(b, i, first):
            pltpu.make_async_copy(feat_hbm.at[sidx.at[i]], rows[b],
                                  gsem[b]).wait()
            if w_by_src:
                for off in range(0, K, 16):
                    sv = sidx[i, pl.ds(off, 16)]
                    wvec[b][pl.ds(off, 16)] = jnp.where(
                        sv < N, 1.0, 0.0).astype(jnp.float32)
            else:
                pltpu.make_async_copy(wtab_hbm.at[didx.at[i]], wvec[b],
                                      wgsem[b]).wait()
            rdesc = pltpu.async_copy(rows[b], acc_sh.at[didx.at[i]], ssem[b],
                                     add=True)
            wdesc = pltpu.async_copy(wvec[b], side_sh.at[wtgt.at[i]],
                                     wssem[b], add=True)
            rdesc.wait()
            wdesc.wait()

        for half in range(2):
            pltpu.sync_copy(src_hbm.at[tid, pl.ds(half * HALF, HALF)], sidx)
            pltpu.sync_copy(dst_hbm.at[tid, pl.ds(half * HALF, HALF)], didx)

            for b in range(NBUF):
                issue_gather(b, b, True)
            for b in range(NBUF):
                process(b, b, True)
            for b in range(NBUF):
                issue_gather(b, b + NBUF, False)

            def step(j, carry):
                for b in range(NBUF):
                    process(b, j * NBUF + b, False)
                for b in range(NBUF):
                    issue_gather(b, (j + 1) * NBUF + b, False)
                return carry

            lax.fori_loop(1, MAIN_ITERS, step, 0)

            for b in range(NBUF):
                process(b, MAIN_ITERS * NBUF + b, False)

        plsc.subcore_barrier()

        pltpu.sync_copy(acc_sh.at[pl.ds(s * ZROWS, ZROWS)],
                        acc_out.at[c, pl.ds(s * ZROWS, ZROWS)])

        @pl.when(s == 0)
        def _():
            pltpu.sync_copy(acc_sh.at[pl.ds(NS * ZROWS, ZTAIL)],
                            acc_out.at[c, pl.ds(NS * ZROWS, ZTAIL)])
            pltpu.sync_copy(side_sh, side_out.at[c])

    return pl.kernel(
        body,
        out_type=[
            jax.ShapeDtypeStruct((NC, N, width), jnp.float32),
            jax.ShapeDtypeStruct((NC, NF), jnp.float32),
        ],
        mesh=mesh,
        scratch_types=[
            pltpu.VMEM_SHARED((N, width), jnp.float32),
            pltpu.VMEM_SHARED((NF,), jnp.float32),
            pltpu.VMEM((HALF, K), jnp.int32),
            pltpu.VMEM((HALF, K), jnp.int32),
            [pltpu.VMEM((K, width), jnp.float32) for _ in range(NBUF)],
            [pltpu.VMEM((K,), jnp.float32) for _ in range(NBUF)],
            [pltpu.SemaphoreType.DMA for _ in range(NBUF)],
            [pltpu.SemaphoreType.DMA for _ in range(NBUF)],
            [pltpu.SemaphoreType.DMA for _ in range(NBUF)],
            [pltpu.SemaphoreType.DMA for _ in range(NBUF)],
        ],
    )


def _layer1_body(acc_ref, cnt_ref, x_ref, wl_ref, wr_ref, b_ref, g_ref,
                 be_ref, h_ref, inv_ref):
    cnt_full = cnt_ref[0] + cnt_ref[1]
    inv_full = 1.0 / jnp.maximum(cnt_full, 1.0)
    inv = inv_full[:N]
    agg = acc_ref[0] + acc_ref[1]
    mean = agg * inv[:, None]
    h = (jnp.dot(mean, wl_ref[...], preferred_element_type=jnp.float32)
         + jnp.dot(x_ref[...], wr_ref[...], preferred_element_type=jnp.float32)
         + b_ref[...])
    mu = jnp.mean(h, axis=0)
    var = jnp.mean((h - mu) ** 2, axis=0)
    hn = g_ref[...] * (h - mu) / jnp.sqrt(var + 1e-5) + be_ref[...]
    h_ref[...] = jnp.concatenate(
        [jnp.maximum(hn, 0.0), jnp.zeros((NF - N, H), jnp.float32)], axis=0)
    inv_ref[...] = inv_full


def _layer23_body(acc_ref, s_ref, inv_ref, h1_ref, wl_ref, wr_ref, b_ref,
                  g_ref, be_ref, w3l_ref, w3r_ref, b3_ref, out_ref):
    inv = inv_ref[...][:N]
    h1 = h1_ref[...][:N]
    agg = acc_ref[0] + acc_ref[1]
    mean = agg * inv[:, None]
    h = (jnp.dot(mean, wl_ref[...], preferred_element_type=jnp.float32)
         + jnp.dot(h1, wr_ref[...], preferred_element_type=jnp.float32)
         + b_ref[...])
    mu = jnp.mean(h, axis=0)
    var = jnp.mean((h - mu) ** 2, axis=0)
    hn = g_ref[...] * (h - mu) / jnp.sqrt(var + 1e-5) + be_ref[...]
    h2 = jnp.maximum(hn, 0.0)
    ssum = (s_ref[0] + s_ref[1])[:N]
    v1 = jnp.sum(h2 * ssum[:, None], axis=0, keepdims=True)
    v0 = jnp.sum(h2, axis=0, keepdims=True)
    state = (jnp.dot(v1, w3l_ref[...], preferred_element_type=jnp.float32)
             + jnp.dot(v0, w3r_ref[...], preferred_element_type=jnp.float32)
             ) * (1.0 / N) + b3_ref[...][None, :]
    out_ref[...] = state


def kernel(x, edge_index, W1l, W1r, b1, g1, be1, W2l, W2r, b2, g2, be2,
           W3l, W3r, b3):
    src = edge_index[0].astype(jnp.int32)
    dst = edge_index[1].astype(jnp.int32)
    npad = EPAD - E
    pad_ids = jnp.arange(npad, dtype=jnp.int32)
    src_p = jnp.concatenate(
        [src, N + pad_ids % PADF]).reshape(NW, NCHUNK, K)
    dst_p = jnp.concatenate(
        [dst, pad_ids % N]).reshape(NW, NCHUNK, K)
    zrows = jnp.zeros((N, D), jnp.float32)
    zvec = jnp.zeros((NF,), jnp.float32)
    x_pad = jnp.concatenate([x, jnp.zeros((NF - N, D), jnp.float32)])

    agg1, cnt = _sc_aggregate(True, D)(x_pad, src_p, dst_p, zvec,
                                       zrows, zvec)
    h1p, invf = pl.pallas_call(
        _layer1_body,
        out_shape=[
            jax.ShapeDtypeStruct((NF, H), jnp.float32),
            jax.ShapeDtypeStruct((NF,), jnp.float32),
        ],
    )(agg1, cnt, x, W1l, W1r, b1, g1, be1)

    agg2, svec = _sc_aggregate(False, H)(h1p, src_p, dst_p, invf,
                                         zrows, zvec)
    state = pl.pallas_call(
        _layer23_body,
        out_shape=jax.ShapeDtypeStruct((1, O), jnp.float32),
    )(agg2, svec, invf, h1p, W2l, W2r, b2, g2, be2, W3l, W3r, b3)
    return state.reshape(O)

# --- scband reference (transcript-rebuilt; emitter-appended) ---
"""Pipeline reference for scband-graph-state-encoder-35158602285177 (READ-ONLY COPY).

The authoritative reference and input builder live on the scoring server;
editing this copy changes nothing except your own understanding.
"""

import jax, jax.numpy as jnp
import numpy as np

N = 10000
E = 320000
D = 128
H = 128
O = 64


def _p(key, shape, scale):
    return jax.random.normal(key, shape, dtype=jnp.float32) * scale


def setup_inputs(seed: int = 0) -> dict:
    key = jax.random.key(seed)
    ks = jax.random.split(key, 20)
    x = jax.random.normal(ks[0], (N, D), dtype=jnp.float32)
    edge_index = jax.random.randint(ks[1], (2, E), 0, N, dtype=jnp.int64)
    inp = {
        'x': x,
        'edge_index': edge_index,
        # SAGEConv 1: D -> H
        'W1l': _p(ks[2], (D, H), 1.0 / np.sqrt(D)),
        'W1r': _p(ks[3], (D, H), 1.0 / np.sqrt(D)),
        'b1': jnp.zeros((H,), dtype=jnp.float32),
        'g1': jnp.ones((H,), dtype=jnp.float32),
        'be1': jnp.zeros((H,), dtype=jnp.float32),
        # SAGEConv 2: H -> H
        'W2l': _p(ks[4], (H, H), 1.0 / np.sqrt(H)),
        'W2r': _p(ks[5], (H, H), 1.0 / np.sqrt(H)),
        'b2': jnp.zeros((H,), dtype=jnp.float32),
        'g2': jnp.ones((H,), dtype=jnp.float32),
        'be2': jnp.zeros((H,), dtype=jnp.float32),
        # SAGEConv 3: H -> O
        'W3l': _p(ks[6], (H, O), 1.0 / np.sqrt(H)),
        'W3r': _p(ks[7], (H, O), 1.0 / np.sqrt(H)),
        'b3': jnp.zeros((O,), dtype=jnp.float32),
    }
    return inp


def _sage_conv(x, src, dst, Wl, Wr, b):
    # PyG SAGEConv with mean aggregation:
    # out = lin_l(mean_{j in N(i)} x_j) + lin_r(x_i)
    msgs = x[src]
    agg = jax.ops.segment_sum(msgs, dst, num_segments=N)
    cnt = jax.ops.segment_sum(jnp.ones((src.shape[0], 1), dtype=x.dtype), dst, num_segments=N)
    mean = agg / jnp.maximum(cnt, 1.0)
    return mean @ Wl + x @ Wr + b


def _batch_norm(h, g, be):
    mu = h.mean(axis=0)
    var = h.var(axis=0)
    return g * (h - mu) / jnp.sqrt(var + 1e-5) + be


def reference(x, edge_index, W1l, W1r, b1, g1, be1, W2l, W2r, b2, g2, be2, W3l, W3r, b3):
    src = edge_index[0]
    dst = edge_index[1]
    h = _sage_conv(x, src, dst, W1l, W1r, b1)
    h = _batch_norm(h, g1, be1)
    h = jax.nn.relu(h)
    h = _sage_conv(h, src, dst, W2l, W2r, b2)
    h = _batch_norm(h, g2, be2)
    h = jax.nn.relu(h)
    h = _sage_conv(h, src, dst, W3l, W3r, b3)
    # mean aggregation over all nodes, batch=None -> squeeze
    state = h.mean(axis=0)
    return state

if __name__ == "__main__":
    import jax
    _d = setup_inputs()
    print(jax.jit(kernel)(*tuple(_d.values())))

</pallas_src>

<mosaic_0001>
#map = affine_map<(d0, d1) -> (0, 0)>
#map1 = affine_map<(d0, d1) -> (0, 0, 0)>
#map2 = affine_map<(d0, d1) -> (0)>
module attributes {stable_mosaic.version = 14 : i64} {
  func.func @body(%arg0: i32, %arg1: i32, %arg2: memref<12048x128xf32, #tpu.memory_space<hbm>>, %arg3: memref<32x128x80xi32, #tpu.memory_space<hbm>>, %arg4: memref<32x128x80xi32, #tpu.memory_space<hbm>>, %arg5: memref<12048xf32, #tpu.memory_space<hbm>>, %arg6: memref<10000x128xf32, #tpu.memory_space<hbm>>, %arg7: memref<12048xf32, #tpu.memory_space<hbm>>, %arg8: memref<2x10000x128xf32, #tpu.memory_space<hbm>>, %arg9: memref<2x12048xf32, #tpu.memory_space<hbm>>, %arg10: memref<10000x128xf32, #tpu.memory_space<vmem_shared>>, %arg11: memref<12048xf32, #tpu.memory_space<vmem_shared>>, %arg12: memref<64x80xi32, #tpu.memory_space<vmem>>, %arg13: memref<64x80xi32, #tpu.memory_space<vmem>>, %arg14: memref<80x128xf32, #tpu.memory_space<vmem>>, %arg15: memref<80x128xf32, #tpu.memory_space<vmem>>, %arg16: memref<80xf32, #tpu.memory_space<vmem>>, %arg17: memref<80xf32, #tpu.memory_space<vmem>>, %arg18: memref<!tpu.dma_semaphore, #tpu.memory_space<semaphore_mem>>, %arg19: memref<!tpu.dma_semaphore, #tpu.memory_space<semaphore_mem>>, %arg20: memref<!tpu.dma_semaphore, #tpu.memory_space<semaphore_mem>>, %arg21: memref<!tpu.dma_semaphore, #tpu.memory_space<semaphore_mem>>, %arg22: memref<!tpu.dma_semaphore, #tpu.memory_space<semaphore_mem>>, %arg23: memref<!tpu.dma_semaphore, #tpu.memory_space<semaphore_mem>>, %arg24: memref<!tpu.dma_semaphore, #tpu.memory_space<semaphore_mem>>, %arg25: memref<!tpu.dma_semaphore, #tpu.memory_space<semaphore_mem>>) attributes {dimension_semantics = [#tpu.dimension_semantics<core_parallel>, #tpu.dimension_semantics<subcore_parallel>], iteration_bounds = array<i64: 2, 16>, scalar_prefetch = 0 : i64, scratch_operands = 16 : i64, tpu.core_type = #tpu.core_type<sc_vector_subcore>, window_params = [{transform_indices = #map}, {transform_indices = #map1}, {transform_indices = #map1}, {transform_indices = #map2}, {transform_indices = #map}, {transform_indices = #map2}, {transform_indices = #map1}, {transform_indices = #map}]} {
    %mul3A = arith.constant 16 : i32
    %mul3A_0 = arith.muli %arg0, %mul3A : i32
    %add3A = arith.addi %mul3A_0, %arg1 : i32
    %mul3A_1 = arith.constant 624 : i32
    %mul3A_2 = arith.muli %arg1, %mul3A_1 : i32
    %mul3A_3 = arith.constant 624 : i32
    %mul3A_4 = arith.muli %arg1, %mul3A_3 : i32
    "tpu.region"() ({
      %run_scoped3A = tpu.sem_alloc : memref<!tpu.dma_semaphore, #tpu.memory_space<semaphore_mem>>
      %dma_start3A_1020 = arith.constant 0 : i32
      %dma_start3A_1021 = tpu.memref_slice %arg10[%mul3A_4, %dma_start3A_1020] : memref<10000x128xf32, #tpu.memory_space<vmem_shared>> -> memref<624x128xf32, #tpu.memory_space<vmem_shared>>
      %dma_start3A_1022 = arith.constant 0 : i32
      %dma_start3A_1023 = tpu.memref_slice %arg6[%mul3A_2, %dma_start3A_1022] : memref<10000x128xf32, #tpu.memory_space<hbm>> -> memref<624x128xf32, #tpu.memory_space<hbm>>
      tpu.enqueue_dma source(%dma_start3A_1023 : memref<624x128xf32, #tpu.memory_space<hbm>>) target(%dma_start3A_1021 : memref<624x128xf32, #tpu.memory_space<vmem_shared>>) target_semaphore(%run_scoped3A : memref<!tpu.dma_semaphore, #tpu.memory_space<semaphore_mem>>)
      %dma_wait3A_1024 = arith.constant 0 : i32
      %dma_wait3A_1025 = tpu.memref_slice %arg10[%mul3A_4, %dma_wait3A_1024] : memref<10000x128xf32, #tpu.memory_space<vmem_shared>> -> memref<624x128xf32, #tpu.memory_space<vmem_shared>>
      %dma_wait3A_1026 = arith.constant 0 : i32
      %dma_wait3A_1027 = tpu.memref_slice %arg6[%mul3A_2, %dma_wait3A_1026] : memref<10000x128xf32, #tpu.memory_space<hbm>> -> memref<624x128xf32, #tpu.memory_space<hbm>>
      tpu.wait_dma2 semaphore(%run_scoped3A : memref<!tpu.dma_semaphore, #tpu.memory_space<semaphore_mem>>) src(%dma_wait3A_1027 : memref<624x128xf32, #tpu.memory_space<hbm>>) dst(%dma_wait3A_1025 : memref<624x128xf32, #tpu.memory_space<vmem_shared>>)
      tpu.yield
    }) : () -> ()
    %eq3A = arith.constant 0 : i32
    %eq3A_5 = arith.cmpi eq, %arg1, %eq3A : i32
    %convert_element_type3A = arith.extui %eq3A_5 : i1 to i32
    %cond3A = arith.constant 0 : i32
    %cond3A_6 = arith.cmpi ne, %convert_element_type3A, %cond3A : i32
    scf.if %cond3A_6 {
      "tpu.region"() ({
        %run_scoped3A = tpu.sem_alloc : memref<!tpu.dma_semaphore, #tpu.memory_space<semaphore_mem>>
        %dma_start3A_1020 = arith.constant 9984 : i32
        %dma_start3A_1021 = arith.constant 0 : i32
        %dma_start3A_1022 = tpu.memref_slice %arg10[%dma_start3A_1020, %dma_start3A_1021] : memref<10000x128xf32, #tpu.memory_space<vmem_shared>> -> memref<16x128xf32, #tpu.memory_space<vmem_shared>>
        %dma_start3A_1023 = arith.constant 9984 : i32
        %dma_start3A_1024 = arith.constant 0 : i32
        %dma_start3A_1025 = tpu.memref_slice %arg6[%dma_start3A_1023, %dma_start3A_1024] : memref<10000x128xf32, #tpu.memory_space<hbm>> -> memref<16x128xf32, #tpu.memory_space<hbm>>
        tpu.enqueue_dma source(%dma_start3A_1025 : memref<16x128xf32, #tpu.memory_space<hbm>>) target(%dma_start3A_1022 : memref<16x128xf32, #tpu.memory_space<vmem_shared>>) target_semaphore(%run_scoped3A : memref<!tpu.dma_semaphore, #tpu.memory_space<semaphore_mem>>)
        %dma_wait3A_1026 = arith.constant 9984 : i32
        %dma_wait3A_1027 = arith.constant 0 : i32
        %dma_wait3A_1028 = tpu.memref_slice %arg10[%dma_wait3A_1026, %dma_wait3A_1027] : memref<10000x128xf32, #tpu.memory_space<vmem_shared>> -> memref<16x128xf32, #tpu.memory_space<vmem_shared>>
        %dma_wait3A_1029 = arith.constant 9984 : i32
        %dma_wait3A_1030 = arith.constant 0 : i32
        %dma_wait3A_1031 = tpu.memref_slice %arg6[%dma_wait3A_1029, %dma_wait3A_1030] : memref<10000x128xf32, #tpu.memory_space<hbm>> -> memref<16x128xf32, #tpu.memory_space<hbm>>
        tpu.wait_dma2 semaphore(%run_scoped3A : memref<!tpu.dma_semaphore, #tpu.memory_space<semaphore_mem>>) src(%dma_wait3A_1031 : memref<16x128xf32, #tpu.memory_space<hbm>>) dst(%dma_wait3A_1028 : memref<16x128xf32, #tpu.memory_space<vmem_shared>>)
        tpu.yield
      }) : () -> ()
      "tpu.region"() ({
        %run_scoped3A = tpu.sem_alloc : memref<!tpu.dma_semaphore, #tpu.memory_space<semaphore_mem>>
        tpu.enqueue_dma source(%arg7 : memref<12048xf32, #tpu.memory_space<hbm>>) target(%arg11 : memref<12048xf32, #tpu.memory_space<vmem_shared>>) target_semaphore(%run_scoped3A : memref<!tpu.dma_semaphore, #tpu.memory_space<semaphore_mem>>)
        tpu.wait_dma2 semaphore(%run_scoped3A : memref<!tpu.dma_semaphore, #tpu.memory_space<semaphore_mem>>) src(%arg7 : memref<12048xf32, #tpu.memory_space<hbm>>) dst(%arg11 : memref<12048xf32, #tpu.memory_space<vmem_shared>>)
        tpu.yield
      }) : () -> ()
    } else {
    }
    %barrier3A = arith.constant 0 : index
    tpu.barrier barrier_id(%barrier3A)
    "tpu.region"() ({
      %run_scoped3A = tpu.sem_alloc : memref<!tpu.dma_semaphore, #tpu.memory_space<semaphore_mem>>
      %dma_start3A_1020 = arith.constant 0 : i32
      %dma_start3A_1021 = arith.constant 0 : i32
      %dma_start3A_1022 = tpu.memref_slice %arg3[%add3A, %dma_start3A_1020, %dma_start3A_1021] : memref<32x128x80xi32, #tpu.memory_space<hbm>> -> memref<1x64x80xi32, #tpu.memory_space<hbm>>
      %dma_start3A_1023 = tpu.memref_squeeze %dma_start3A_1022 : memref<1x64x80xi32, #tpu.memory_space<hbm>> -> memref<64x80xi32, #tpu.memory_space<hbm>>
      %dma_start3A_1024 = arith.constant 0 : i32
      %dma_start3A_1025 = arith.constant 0 : i32
      %dma_start3A_1026 = tpu.memref_slice %arg3[%add3A, %dma_start3A_1024, %dma_start3A_1025] : memref<32x128x80xi32, #tpu.memory_space<hbm>> -> memref<1x64x80xi32, #tpu.memory_space<hbm>>
      %dma_start3A_1027 = tpu.memref_squeeze %dma_start3A_1026 : memref<1x64x80xi32, #tpu.memory_space<hbm>> -> memref<64x80xi32, #tpu.memory_space<hbm>>
      tpu.enqueue_dma source(%dma_start3A_1027 : memref<64x80xi32, #tpu.memory_space<hbm>>) target(%arg12 : memref<64x80xi32, #tpu.memory_space<vmem>>) target_semaphore(%run_scoped3A : memref<!tpu.dma_semaphore, #tpu.memory_space<semaphore_mem>>)
      %dma_wait3A_1028 = arith.constant 0 : i32
      %dma_wait3A_1029 = arith.constant 0 : i32
      %dma_wait3A_1030 = tpu.memref_slice %arg3[%add3A, %dma_wait3A_1028, %dma_wait3A_1029] : memref<32x128x80xi32, #tpu.memory_space<hbm>> -> memref<1x64x80xi32, #tpu.memory_space<hbm>>
      %dma_wait3A_1031 = tpu.memref_squeeze %dma_wait3A_1030 : memref<1x64x80xi32, #tpu.memory_space<hbm>> -> memref<64x80xi32, #tpu.memory_space<hbm>>
      %dma_wait3A_1032 = arith.constant 0 : i32
      %dma_wait3A_1033 = arith.constant 0 : i32
      %dma_wait3A_1034 = tpu.memref_slice %arg3[%add3A, %dma_wait3A_1032, %dma_wait3A_1033] : memref<32x128x80xi32, #tpu.memory_space<hbm>> -> memref<1x64x80xi32, #tpu.memory_space<hbm>>
      %dma_wait3A_1035 = tpu.memref_squeeze %dma_wait3A_1034 : memref<1x64x80xi32, #tpu.memory_space<hbm>> -> memref<64x80xi32, #tpu.memory_space<hbm>>
      tpu.wait_dma2 semaphore(%run_scoped3A : memref<!tpu.dma_semaphore, #tpu.memory_space<semaphore_mem>>) src(%dma_wait3A_1035 : memref<64x80xi32, #tpu.memory_space<hbm>>) dst(%arg12 : memref<64x80xi32, #tpu.memory_space<vmem>>)
      tpu.yield
    }) : () -> ()
    "tpu.region"() ({
      %run_scoped3A = tpu.sem_alloc : memref<!tpu.dma_semaphore, #tpu.memory_space<semaphore_mem>>
      %dma_start3A_1020 = arith.constant 0 : i32
      %dma_start3A_1021 = arith.constant 0 : i32
      %dma_start3A_1022 = tpu.memref_slice %arg4[%add3A, %dma_start3A_1020, %dma_start3A_1021] : memref<32x128x80xi32, #tpu.memory_space<hbm>> -> memref<1x64x80xi32, #tpu.memory_space<hbm>>
      %dma_start3A_1023 = tpu.memref_squeeze %dma_start3A_1022 : memref<1x64x80xi32, #tpu.memory_space<hbm>> -> memref<64x80xi32, #tpu.memory_space<hbm>>
      %dma_start3A_1024 = arith.constant 0 : i32
      %dma_start3A_1025 = arith.constant 0 : i32
      %dma_start3A_1026 = tpu.memref_slice %arg4[%add3A, %dma_start3A_1024, %dma_start3A_1025] : memref<32x128x80xi32, #tpu.memory_space<hbm>> -> memref<1x64x80xi32, #tpu.memory_space<hbm>>
      %dma_start3A_1027 = tpu.memref_squeeze %dma_start3A_1026 : memref<1x64x80xi32, #tpu.memory_space<hbm>> -> memref<64x80xi32, #tpu.memory_space<hbm>>
      tpu.enqueue_dma source(%dma_start3A_1027 : memref<64x80xi32, #tpu.memory_space<hbm>>) target(%arg13 : memref<64x80xi32, #tpu.memory_space<vmem>>) target_semaphore(%run_scoped3A : memref<!tpu.dma_semaphore, #tpu.memory_space<semaphore_mem>>)
      %dma_wait3A_1028 = arith.constant 0 : i32
      %dma_wait3A_1029 = arith.constant 0 : i32
      %dma_wait3A_1030 = tpu.memref_slice %arg4[%add3A, %dma_wait3A_1028, %dma_wait3A_1029] : memref<32x128x80xi32, #tpu.memory_space<hbm>> -> memref<1x64x80xi32, #tpu.memory_space<hbm>>
      %dma_wait3A_1031 = tpu.memref_squeeze %dma_wait3A_1030 : memref<1x64x80xi32, #tpu.memory_space<hbm>> -> memref<64x80xi32, #tpu.memory_space<hbm>>
      %dma_wait3A_1032 = arith.constant 0 : i32
      %dma_wait3A_1033 = arith.constant 0 : i32
      %dma_wait3A_1034 = tpu.memref_slice %arg4[%add3A, %dma_wait3A_1032, %dma_wait3A_1033] : memref<32x128x80xi32, #tpu.memory_space<hbm>> -> memref<1x64x80xi32, #tpu.memory_space<hbm>>
      %dma_wait3A_1035 = tpu.memref_squeeze %dma_wait3A_1034 : memref<1x64x80xi32, #tpu.memory_space<hbm>> -> memref<64x80xi32, #tpu.memory_space<hbm>>
      tpu.wait_dma2 semaphore(%run_scoped3A : memref<!tpu.dma_semaphore, #tpu.memory_space<semaphore_mem>>) src(%dma_wait3A_1035 : memref<64x80xi32, #tpu.memory_space<hbm>>) dst(%arg13 : memref<64x80xi32, #tpu.memory_space<vmem>>)
      tpu.yield
    }) : () -> ()
    %dma_start3A = arith.constant 0 : i32
    %dma_start3A_7 = arith.constant 0 : i32
    %dma_start3A_8 = tpu.memref_slice %arg12[%dma_start3A, %dma_start3A_7] : memref<64x80xi32, #tpu.memory_space<vmem>> -> memref<1x80xi32, #tpu.memory_space<vmem>>
    %dma_start3A_9 = tpu.memref_squeeze %dma_start3A_8 : memref<1x80xi32, #tpu.memory_space<vmem>> -> memref<80xi32, #tpu.memory_space<vmem>>
    %dma_start3A_10 = arith.constant 0 : i32
    %dma_start3A_11 = arith.constant 0 : i32
    %dma_start3A_12 = tpu.memref_slice %arg2[%dma_start3A_10, %dma_start3A_11] : memref<12048x128xf32, #tpu.memory_space<hbm>> -> memref<12048x128xf32, #tpu.memory_space<hbm>>
    tpu.enqueue_indirect_dma source(%dma_start3A_12 : memref<12048x128xf32, #tpu.memory_space<hbm>>) target(%arg14 : memref<80x128xf32, #tpu.memory_space<vmem>>) offsets(%dma_start3A_9 : memref<80xi32, #tpu.memory_space<vmem>>) semaphore(%arg18 : memref<!tpu.dma_semaphore, #tpu.memory_space<semaphore_mem>>)
    %dma_start3A_13 = arith.constant 1 : i32
    %dma_start3A_14 = arith.constant 0 : i32
    %dma_start3A_15 = tpu.memref_slice %arg12[%dma_start3A_13, %dma_start3A_14] : memref<64x80xi32, #tpu.memory_space<vmem>> -> memref<1x80xi32, #tpu.memory_space<vmem>>
    %dma_start3A_16 = tpu.memref_squeeze %dma_start3A_15 : memref<1x80xi32, #tpu.memory_space<vmem>> -> memref<80xi32, #tpu.memory_space<vmem>>
    %dma_start3A_17 = arith.constant 0 : i32
    %dma_start3A_18 = arith.constant 0 : i32
    %dma_start3A_19 = tpu.memref_slice %arg2[%dma_start3A_17, %dma_start3A_18] : memref<12048x128xf32, #tpu.memory_space<hbm>> -> memref<12048x128xf32, #tpu.memory_space<hbm>>
    tpu.enqueue_indirect_dma source(%dma_start3A_19 : memref<12048x128xf32, #tpu.memory_space<hbm>>) target(%arg15 : memref<80x128xf32, #tpu.memory_space<vmem>>) offsets(%dma_start3A_16 : memref<80xi32, #tpu.memory_space<vmem>>) semaphore(%arg19 : memref<!tpu.dma_semaphore, #tpu.memory_space<semaphore_mem>>)
    %dma_wait3A = arith.constant 0 : i32
    %dma_wait3A_20 = arith.constant 0 : i32
    %dma_wait3A_21 = tpu.memref_slice %arg12[%dma_wait3A, %dma_wait3A_20] : memref<64x80xi32, #tpu.memory_space<vmem>> -> memref<1x80xi32, #tpu.memory_space<vmem>>
    %dma_wait3A_22 = tpu.memref_squeeze %dma_wait3A_21 : memref<1x80xi32, #tpu.memory_space<vmem>> -> memref<80xi32, #tpu.memory_space<vmem>>
    %dma_wait3A_23 = arith.constant 0 : i32
    %dma_wait3A_24 = arith.constant 0 : i32
    %dma_wait3A_25 = tpu.memref_slice %arg2[%dma_wait3A_23, %dma_wait3A_24] : memref<12048x128xf32, #tpu.memory_space<hbm>> -> memref<12048x128xf32, #tpu.memory_space<hbm>>
    tpu.wait_indirect_dma semaphore(%arg18 : memref<!tpu.dma_semaphore, #tpu.memory_space<semaphore_mem>>) src(%dma_wait3A_25 : memref<12048x128xf32, #tpu.memory_space<hbm>>) dst(%arg14 : memref<80x128xf32, #tpu.memory_space<vmem>>)
    %get3A = arith.constant 0 : i32
    %get3A_26 = arith.index_cast %get3A : i32 to index
    %get3A_27 = arith.constant 0 : index
    %get3A_28 = tpu.vector_load %arg12[%get3A_26, %get3A_27] {strides = array<i32>} : memref<64x80xi32, #tpu.memory_space<vmem>>, vector<1x16xi32>,
    %get3A_29 = vector.shape_cast %get3A_28 : vector<1x16xi32> to vector<16xi32>
    %lt3A = arith.constant 10000 : i32
    %lt3A_30 = vector.broadcast %lt3A : i32 to vector<16xi32>
    %lt3A_31 = arith.cmpi slt, %get3A_29, %lt3A_30 : vector<16xi32>
    %jit3A = arith.constant 1.000000e+00 : f32
    %jit3A_32 = arith.constant 0.000000e+00 : f32
    %broadcast_in_dim3A = vector.broadcast %jit3A : f32 to vector<16xf32>
    %broadcast_in_dim3A_33 = vector.broadcast %jit3A_32 : f32 to vector<16xf32>
    %select_n3A = arith.select %lt3A_31, %broadcast_in_dim3A, %broadcast_in_dim3A_33 : vector<16xi1>, vector<16xf32>
    %swap3A = arith.constant 0 : index
    %swap3A_34 = tpu.vector_load %arg16[%swap3A] {strides = array<i32>} : memref<80xf32, #tpu.memory_space<vmem>>, vector<16xf32>,
    %swap3A_35 = vector.shape_cast %swap3A_34 : vector<16xf32> to vector<16xf32>
    %swap3A_36 = vector.shape_cast %select_n3A : vector<16xf32> to vector<16xf32>
    tpu.vector_store %arg16[%swap3A], %swap3A_36 {strides = array<i32>} : memref<80xf32, #tpu.memory_space<vmem>>, vector<16xf32>,
    %get3A_37 = arith.constant 0 : i32
    %get3A_38 = arith.index_cast %get3A_37 : i32 to index
    %get3A_39 = arith.constant 16 : index
    %get3A_40 = tpu.vector_load %arg12[%get3A_38, %get3A_39] {strides = array<i32>} : memref<64x80xi32, #tpu.memory_space<vmem>>, vector<1x16xi32>,
    %get3A_41 = vector.shape_cast %get3A_40 : vector<1x16xi32> to vector<16xi32>
    %lt3A_42 = arith.constant 10000 : i32
    %lt3A_43 = vector.broadcast %lt3A_42 : i32 to vector<16xi32>
    %lt3A_44 = arith.cmpi slt, %get3A_41, %lt3A_43 : vector<16xi32>
    %jit3A_45 = arith.constant 1.000000e+00 : f32
    %jit3A_46 = arith.constant 0.000000e+00 : f32
    %broadcast_in_dim3A_47 = vector.broadcast %jit3A_45 : f32 to vector<16xf32>
    %broadcast_in_dim3A_48 = vector.broadcast %jit3A_46 : f32 to vector<16xf32>
    %select_n3A_49 = arith.select %lt3A_44, %broadcast_in_dim3A_47, %broadcast_in_dim3A_48 : vector<16xi1>, vector<16xf32>
    %swap3A_50 = arith.constant 16 : index
    %swap3A_51 = tpu.vector_load %arg16[%swap3A_50] {strides = array<i32>} : memref<80xf32, #tpu.memory_space<vmem>>, vector<16xf32>,
    %swap3A_52 = vector.shape_cast %swap3A_51 : vector<16xf32> to vector<16xf32>
    %swap3A_53 = vector.shape_cast %select_n3A_49 : vector<16xf32> to vector<16xf32>
    tpu.vector_store %arg16[%swap3A_50], %swap3A_53 {strides = array<i32>} : memref<80xf32, #tpu.memory_space<vmem>>, vector<16xf32>,
    %get3A_54 = arith.constant 0 : i32
    %get3A_55 = arith.index_cast %get3A_54 : i32 to index
    %get3A_56 = arith.constant 32 : index
    %get3A_57 = tpu.vector_load %arg12[%get3A_55, %get3A_56] {strides = array<i32>} : memref<64x80xi32, #tpu.memory_space<vmem>>, vector<1x16xi32>,
    %get3A_58 = vector.shape_cast %get3A_57 : vector<1x16xi32> to vector<16xi32>
    %lt3A_59 = arith.constant 10000 : i32
    %lt3A_60 = vector.broadcast %lt3A_59 : i32 to vector<16xi32>
    %lt3A_61 = arith.cmpi slt, %get3A_58, %lt3A_60 : vector<16xi32>
    %jit3A_62 = arith.constant 1.000000e+00 : f32
    %jit3A_63 = arith.constant 0.000000e+00 : f32
    %broadcast_in_dim3A_64 = vector.broadcast %jit3A_62 : f32 to vector<16xf32>
    %broadcast_in_dim3A_65 = vector.broadcast %jit3A_63 : f32 to vector<16xf32>
    %select_n3A_66 = arith.select %lt3A_61, %broadcast_in_dim3A_64, %broadcast_in_dim3A_65 : vector<16xi1>, vector<16xf32>
    %swap3A_67 = arith.constant 32 : index
    %swap3A_68 = tpu.vector_load %arg16[%swap3A_67] {strides = array<i32>} : memref<80xf32, #tpu.memory_space<vmem>>, vector<16xf32>,
    %swap3A_69 = vector.shape_cast %swap3A_68 : vector<16xf32> to vector<16xf32>
    %swap3A_70 = vector.shape_cast %select_n3A_66 : vector<16xf32> to vector<16xf32>
    tpu.vector_store %arg16[%swap3A_67], %swap3A_70 {strides = array<i32>} : memref<80xf32, #tpu.memory_space<vmem>>, vector<16xf32>,
    %get3A_71 = arith.constant 0 : i32
    %get3A_72 = arith.index_cast %get3A_71 : i32 to index
    %get3A_73 = arith.constant 48 : index
    %get3A_74 = tpu.vector_load %arg12[%get3A_72, %get3A_73] {strides = array<i32>} : memref<64x80xi32, #tpu.memory_space<vmem>>, vector<1x16xi32>,
    %get3A_75 = vector.shape_cast %get3A_74 : vector<1x16xi32> to vector<16xi32>
    %lt3A_76 = arith.constant 10000 : i32
    %lt3A_77 = vector.broadcast %lt3A_76 : i32 to vector<16xi32>
    %lt3A_78 = arith.cmpi slt, %get3A_75, %lt3A_77 : vector<16xi32>
    %jit3A_79 = arith.constant 1.000000e+00 : f32
    %jit3A_80 = arith.constant 0.000000e+00 : f32
    %broadcast_in_dim3A_81 = vector.broadcast %jit3A_79 : f32 to vector<16xf32>
    %broadcast_in_dim3A_82 = vector.broadcast %jit3A_80 : f32 to vector<16xf32>
    %select_n3A_83 = arith.select %lt3A_78, %broadcast_in_dim3A_81, %broadcast_in_dim3A_82 : vector<16xi1>, vector<16xf32>
    %swap3A_84 = arith.constant 48 : index
    %swap3A_85 = tpu.vector_load %arg16[%swap3A_84] {strides = array<i32>} : memref<80xf32, #tpu.memory_space<vmem>>, vector<16xf32>,
    %swap3A_86 = vector.shape_cast %swap3A_85 : vector<16xf32> to vector<16xf32>
    %swap3A_87 = vector.shape_cast %select_n3A_83 : vector<16xf32> to vector<16xf32>
    tpu.vector_store %arg16[%swap3A_84], %swap3A_87 {strides = array<i32>} : memref<80xf32, #tpu.memory_space<vmem>>, vector<16xf32>,
    %get3A_88 = arith.constant 0 : i32
    %get3A_89 = arith.index_cast %get3A_88 : i32 to index
    %get3A_90 = arith.constant 64 : index
    %get3A_91 = tpu.vector_load %arg12[%get3A_89, %get3A_90] {strides = array<i32>} : memref<64x80xi32, #tpu.memory_space<vmem>>, vector<1x16xi32>,
    %get3A_92 = vector.shape_cast %get3A_91 : vector<1x16xi32> to vector<16xi32>
    %lt3A_93 = arith.constant 10000 : i32
    %lt3A_94 = vector.broadcast %lt3A_93 : i32 to vector<16xi32>
    %lt3A_95 = arith.cmpi slt, %get3A_92, %lt3A_94 : vector<16xi32>
    %jit3A_96 = arith.constant 1.000000e+00 : f32
    %jit3A_97 = arith.constant 0.000000e+00 : f32
    %broadcast_in_dim3A_98 = vector.broadcast %jit3A_96 : f32 to vector<16xf32>
    %broadcast_in_dim3A_99 = vector.broadcast %jit3A_97 : f32 to vector<16xf32>
    %select_n3A_100 = arith.select %lt3A_95, %broadcast_in_dim3A_98, %broadcast_in_dim3A_99 : vector<16xi1>, vector<16xf32>
    %swap3A_101 = arith.constant 64 : index
    %swap3A_102 = tpu.vector_load %arg16[%swap3A_101] {strides = array<i32>} : memref<80xf32, #tpu.memory_space<vmem>>, vector<16xf32>,
    %swap3A_103 = vector.shape_cast %swap3A_102 : vector<16xf32> to vector<16xf32>
    %swap3A_104 = vector.shape_cast %select_n3A_100 : vector<16xf32> to vector<16xf32>
    tpu.vector_store %arg16[%swap3A_101], %swap3A_104 {strides = array<i32>} : memref<80xf32, #tpu.memory_space<vmem>>, vector<16xf32>,
    %dma_start3A_105 = arith.constant 0 : i32
    %dma_start3A_106 = arith.constant 0 : i32
    %dma_start3A_107 = tpu.memref_slice %arg13[%dma_start3A_105, %dma_start3A_106] : memref<64x80xi32, #tpu.memory_space<vmem>> -> memref<1x80xi32, #tpu.memory_space<vmem>>
    %dma_start3A_108 = tpu.memref_squeeze %dma_start3A_107 : memref<1x80xi32, #tpu.memory_space<vmem>> -> memref<80xi32, #tpu.memory_space<vmem>>
    %dma_start3A_109 = arith.constant 0 : i32
    %dma_start3A_110 = arith.constant 0 : i32
    %dma_start3A_111 = tpu.memref_slice %arg10[%dma_start3A_109, %dma_start3A_110] : memref<10000x128xf32, #tpu.memory_space<vmem_shared>> -> memref<10000x128xf32, #tpu.memory_space<vmem_shared>>
    tpu.enqueue_indirect_dma source(%arg14 : memref<80x128xf32, #tpu.memory_space<vmem>>) target(%dma_start3A_111 : memref<10000x128xf32, #tpu.memory_space<vmem_shared>>) offsets(%dma_start3A_108 : memref<80xi32, #tpu.memory_space<vmem>>) semaphore(%arg22 : memref<!tpu.dma_semaphore, #tpu.memory_space<semaphore_mem>>) {add = true}
    %dma_start3A_112 = arith.constant 0 : i32
    %dma_start3A_113 = arith.constant 0 : i32
    %dma_start3A_114 = tpu.memref_slice %arg13[%dma_start3A_112, %dma_start3A_113] : memref<64x80xi32, #tpu.memory_space<vmem>> -> memref<1x80xi32, #tpu.memory_space<vmem>>
    %dma_start3A_115 = tpu.memref_squeeze %dma_start3A_114 : memref<1x80xi32, #tpu.memory_space<vmem>> -> memref<80xi32, #tpu.memory_space<vmem>>
    %dma_start3A_116 = arith.constant 0 : i32
    %dma_start3A_117 = tpu.memref_slice %arg11[%dma_start3A_116] : memref<12048xf32, #tpu.memory_space<vmem_shared>> -> memref<12048xf32, #tpu.memory_space<vmem_shared>>
    tpu.enqueue_indirect_dma source(%arg16 : memref<80xf32, #tpu.memory_space<vmem>>) target(%dma_start3A_117 : memref<12048xf32, #tpu.memory_space<vmem_shared>>) offsets(%dma_start3A_115 : memref<80xi32, #tpu.memory_space<vmem>>) semaphore(%arg24 : memref<!tpu.dma_semaphore, #tpu.memory_space<semaphore_mem>>) {add = true}
    %dma_wait3A_118 = arith.constant 0 : i32
    %dma_wait3A_119 = arith.constant 0 : i32
    %dma_wait3A_120 = tpu.memref_slice %arg13[%dma_wait3A_118, %dma_wait3A_119] : memref<64x80xi32, #tpu.memory_space<vmem>> -> memref<1x80xi32, #tpu.memory_space<vmem>>
    %dma_wait3A_121 = tpu.memref_squeeze %dma_wait3A_120 : memref<1x80xi32, #tpu.memory_space<vmem>> -> memref<80xi32, #tpu.memory_space<vmem>>
    %dma_wait3A_122 = arith.constant 0 : i32
    %dma_wait3A_123 = arith.constant 0 : i32
    %dma_wait3A_124 = tpu.memref_slice %arg10[%dma_wait3A_122, %dma_wait3A_123] : memref<10000x128xf32, #tpu.memory_space<vmem_shared>> -> memref<10000x128xf32, #tpu.memory_space<vmem_shared>>
    tpu.wait_indirect_dma semaphore(%arg22 : memref<!tpu.dma_semaphore, #tpu.memory_space<semaphore_mem>>) src(%arg14 : memref<80x128xf32, #tpu.memory_space<vmem>>) dst(%dma_wait3A_124 : memref<10000x128xf32, #tpu.memory_space<vmem_shared>>)
    %dma_wait3A_125 = arith.constant 0 : i32
    %dma_wait3A_126 = arith.constant 0 : i32
    %dma_wait3A_127 = tpu.memref_slice %arg13[%dma_wait3A_125, %dma_wait3A_126] : memref<64x80xi32, #tpu.memory_space<vmem>> -> memref<1x80xi32, #tpu.memory_space<vmem>>
    %dma_wait3A_128 = tpu.memref_squeeze %dma_wait3A_127 : memref<1x80xi32, #tpu.memory_space<vmem>> -> memref<80xi32, #tpu.memory_space<vmem>>
    %dma_wait3A_129 = arith.constant 0 : i32
    %dma_wait3A_130 = tpu.memref_slice %arg11[%dma_wait3A_129] : memref<12048xf32, #tpu.memory_space<vmem_shared>> -> memref<12048xf32, #tpu.memory_space<vmem_shared>>
    tpu.wait_indirect_dma semaphore(%arg24 : memref<!tpu.dma_semaphore, #tpu.memory_space<semaphore_mem>>) src(%arg16 : memref<80xf32, #tpu.memory_space<vmem>>) dst(%dma_wait3A_130 : memref<12048xf32, #tpu.memory_space<vmem_shared>>)
    %dma_wait3A_131 = arith.constant 1 : i32
    %dma_wait3A_132 = arith.constant 0 : i32
    %dma_wait3A_133 = tpu.memref_slice %arg12[%dma_wait3A_131, %dma_wait3A_132] : memref<64x80xi32, #tpu.memory_space<vmem>> -> memref<1x80xi32, #tpu.memory_space<vmem>>
    %dma_wait3A_134 = tpu.memref_squeeze %dma_wait3A_133 : memref<1x80xi32, #tpu.memory_space<vmem>> -> memref<80xi32, #tpu.memory_space<vmem>>
    %dma_wait3A_135 = arith.constant 0 : i32
    %dma_wait3A_136 = arith.constant 0 : i32
    %dma_wait3A_137 = tpu.memref_slice %arg2[%dma_wait3A_135, %dma_wait3A_136] : memref<12048x128xf32, #tpu.memory_space<hbm>> -> memref<12048x128xf32, #tpu.memory_space<hbm>>
    tpu.wait_indirect_dma semaphore(%arg19 : memref<!tpu.dma_semaphore, #tpu.memory_space<semaphore_mem>>) src(%dma_wait3A_137 : memref<12048x128xf32, #tpu.memory_space<hbm>>) dst(%arg15 : memref<80x128xf32, #tpu.memory_space<vmem>>)
    %get3A_138 = arith.constant 1 : i32
    %get3A_139 = arith.index_cast %get3A_138 : i32 to index
    %get3A_140 = arith.constant 0 : index
    %get3A_141 = tpu.vector_load %arg12[%get3A_139, %get3A_140] {strides = array<i32>} : memref<64x80xi32, #tpu.memory_space<vmem>>, vector<1x16xi32>,
    %get3A_142 = vector.shape_cast %get3A_141 : vector<1x16xi32> to vector<16xi32>
    %lt3A_143 = arith.constant 10000 : i32
    %lt3A_144 = vector.broadcast %lt3A_143 : i32 to vector<16xi32>
    %lt3A_145 = arith.cmpi slt, %get3A_142, %lt3A_144 : vector<16xi32>
    %jit3A_146 = arith.constant 1.000000e+00 : f32
    %jit3A_147 = arith.constant 0.000000e+00 : f32
    %broadcast_in_dim3A_148 = vector.broadcast %jit3A_146 : f32 to vector<16xf32>
    %broadcast_in_dim3A_149 = vector.broadcast %jit3A_147 : f32 to vector<16xf32>
    %select_n3A_150 = arith.select %lt3A_145, %broadcast_in_dim3A_148, %broadcast_in_dim3A_149 : vector<16xi1>, vector<16xf32>
    %swap3A_151 = arith.constant 0 : index
    %swap3A_152 = tpu.vector_load %arg17[%swap3A_151] {strides = array<i32>} : memref<80xf32, #tpu.memory_space<vmem>>, vector<16xf32>,
    %swap3A_153 = vector.shape_cast %swap3A_152 : vector<16xf32> to vector<16xf32>
    %swap3A_154 = vector.shape_cast %select_n3A_150 : vector<16xf32> to vector<16xf32>
    tpu.vector_store %arg17[%swap3A_151], %swap3A_154 {strides = array<i32>} : memref<80xf32, #tpu.memory_space<vmem>>, vector<16xf32>,
    %get3A_155 = arith.constant 1 : i32
    %get3A_156 = arith.index_cast %get3A_155 : i32 to index
    %get3A_157 = arith.constant 16 : index
    %get3A_158 = tpu.vector_load %arg12[%get3A_156, %get3A_157] {strides = array<i32>} : memref<64x80xi32, #tpu.memory_space<vmem>>, vector<1x16xi32>,
    %get3A_159 = vector.shape_cast %get3A_158 : vector<1x16xi32> to vector<16xi32>
    %lt3A_160 = arith.constant 10000 : i32
    %lt3A_161 = vector.broadcast %lt3A_160 : i32 to vector<16xi32>
    %lt3A_162 = arith.cmpi slt, %get3A_159, %lt3A_161 : vector<16xi32>
    %jit3A_163 = arith.constant 1.000000e+00 : f32
    %jit3A_164 = arith.constant 0.000000e+00 : f32
    %broadcast_in_dim3A_165 = vector.broadcast %jit3A_163 : f32 to vector<16xf32>
    %broadcast_in_dim3A_166 = vector.broadcast %jit3A_164 : f32 to vector<16xf32>
    %select_n3A_167 = arith.select %lt3A_162, %broadcast_in_dim3A_165, %broadcast_in_dim3A_166 : vector<16xi1>, vector<16xf32>
    %swap3A_168 = arith.constant 16 : index
    %swap3A_169 = tpu.vector_load %arg17[%swap3A_168] {strides = array<i32>} : memref<80xf32, #tpu.memory_space<vmem>>, vector<16xf32>,
    %swap3A_170 = vector.shape_cast %swap3A_169 : vector<16xf32> to vector<16xf32>
    %swap3A_171 = vector.shape_cast %select_n3A_167 : vector<16xf32> to vector<16xf32>
    tpu.vector_store %arg17[%swap3A_168], %swap3A_171 {strides = array<i32>} : memref<80xf32, #tpu.memory_space<vmem>>, vector<16xf32>,
    %get3A_172 = arith.constant 1 : i32
    %get3A_173 = arith.index_cast %get3A_172 : i32 to index
    %get3A_174 = arith.constant 32 : index
    %get3A_175 = tpu.vector_load %arg12[%get3A_173, %get3A_174] {strides = array<i32>} : memref<64x80xi32, #tpu.memory_space<vmem>>, vector<1x16xi32>,
    %get3A_176 = vector.shape_cast %get3A_175 : vector<1x16xi32> to vector<16xi32>
    %lt3A_177 = arith.constant 10000 : i32
    %lt3A_178 = vector.broadcast %lt3A_177 : i32 to vector<16xi32>
    %lt3A_179 = arith.cmpi slt, %get3A_176, %lt3A_178 : vector<16xi32>
    %jit3A_180 = arith.constant 1.000000e+00 : f32
    %jit3A_181 = arith.constant 0.000000e+00 : f32
    %broadcast_in_dim3A_182 = vector.broadcast %jit3A_180 : f32 to vector<16xf32>
    %broadcast_in_dim3A_183 = vector.broadcast %jit3A_181 : f32 to vector<16xf32>
    %select_n3A_184 = arith.select %lt3A_179, %broadcast_in_dim3A_182, %broadcast_in_dim3A_183 : vector<16xi1>, vector<16xf32>
    %swap3A_185 = arith.constant 32 : index
    %swap3A_186 = tpu.vector_load %arg17[%swap3A_185] {strides = array<i32>} : memref<80xf32, #tpu.memory_space<vmem>>, vector<16xf32>,
    %swap3A_187 = vector.shape_cast %swap3A_186 : vector<16xf32> to vector<16xf32>
    %swap3A_188 = vector.shape_cast %select_n3A_184 : vector<16xf32> to vector<16xf32>
    tpu.vector_store %arg17[%swap3A_185], %swap3A_188 {strides = array<i32>} : memref<80xf32, #tpu.memory_space<vmem>>, vector<16xf32>,
    %get3A_189 = arith.constant 1 : i32
    %get3A_190 = arith.index_cast %get3A_189 : i32 to index
    %get3A_191 = arith.constant 48 : index
    %get3A_192 = tpu.vector_load %arg12[%get3A_190, %get3A_191] {strides = array<i32>} : memref<64x80xi32, #tpu.memory_space<vmem>>, vector<1x16xi32>,
    %get3A_193 = vector.shape_cast %get3A_192 : vector<1x16xi32> to vector<16xi32>
    %lt3A_194 = arith.constant 10000 : i32
    %lt3A_195 = vector.broadcast %lt3A_194 : i32 to vector<16xi32>
    %lt3A_196 = arith.cmpi slt, %get3A_193, %lt3A_195 : vector<16xi32>
    %jit3A_197 = arith.constant 1.000000e+00 : f32
    %jit3A_198 = arith.constant 0.000000e+00 : f32
    %broadcast_in_dim3A_199 = vector.broadcast %jit3A_197 : f32 to vector<16xf32>
    %broadcast_in_dim3A_200 = vector.broadcast %jit3A_198 : f32 to vector<16xf32>
    %select_n3A_201 = arith.select %lt3A_196, %broadcast_in_dim3A_199, %broadcast_in_dim3A_200 : vector<16xi1>, vector<16xf32>
    %swap3A_202 = arith.constant 48 : index
    %swap3A_203 = tpu.vector_load %arg17[%swap3A_202] {strides = array<i32>} : memref<80xf32, #tpu.memory_space<vmem>>, vector<16xf32>,
    %swap3A_204 = vector.shape_cast %swap3A_203 : vector<16xf32> to vector<16xf32>
    %swap3A_205 = vector.shape_cast %select_n3A_201 : vector<16xf32> to vector<16xf32>
    tpu.vector_store %arg17[%swap3A_202], %swap3A_205 {strides = array<i32>} : memref<80xf32, #tpu.memory_space<vmem>>, vector<16xf32>,
    %get3A_206 = arith.constant 1 : i32
    %get3A_207 = arith.index_cast %get3A_206 : i32 to index
    %get3A_208 = arith.constant 64 : index
    %get3A_209 = tpu.vector_load %arg12[%get3A_207, %get3A_208] {strides = array<i32>} : memref<64x80xi32, #tpu.memory_space<vmem>>, vector<1x16xi32>,
    %get3A_210 = vector.shape_cast %get3A_209 : vector<1x16xi32> to vector<16xi32>
    %lt3A_211 = arith.constant 10000 : i32
    %lt3A_212 = vector.broadcast %lt3A_211 : i32 to vector<16xi32>
    %lt3A_213 = arith.cmpi slt, %get3A_210, %lt3A_212 : vector<16xi32>
    %jit3A_214 = arith.constant 1.000000e+00 : f32
    %jit3A_215 = arith.constant 0.000000e+00 : f32
    %broadcast_in_dim3A_216 = vector.broadcast %jit3A_214 : f32 to vector<16xf32>
    %broadcast_in_dim3A_217 = vector.broadcast %jit3A_215 : f32 to vector<16xf32>
    %select_n3A_218 = arith.select %lt3A_213, %broadcast_in_dim3A_216, %broadcast_in_dim3A_217 : vector<16xi1>, vector<16xf32>
    %swap3A_219 = arith.constant 64 : index
    %swap3A_220 = tpu.vector_load %arg17[%swap3A_219] {strides = array<i32>} : memref<80xf32, #tpu.memory_space<vmem>>, vector<16xf32>,
    %swap3A_221 = vector.shape_cast %swap3A_220 : vector<16xf32> to vector<16xf32>
    %swap3A_222 = vector.shape_cast %select_n3A_218 : vector<16xf32> to vector<16xf32>
    tpu.vector_store %arg17[%swap3A_219], %swap3A_222 {strides = array<i32>} : memref<80xf32, #tpu.memory_space<vmem>>, vector<16xf32>,
    %dma_start3A_223 = arith.constant 1 : i32
    %dma_start3A_224 = arith.constant 0 : i32
    %dma_start3A_225 = tpu.memref_slice %arg13[%dma_start3A_223, %dma_start3A_224] : memref<64x80xi32, #tpu.memory_space<vmem>> -> memref<1x80xi32, #tpu.memory_space<vmem>>
    %dma_start3A_226 = tpu.memref_squeeze %dma_start3A_225 : memref<1x80xi32, #tpu.memory_space<vmem>> -> memref<80xi32, #tpu.memory_space<vmem>>
    %dma_start3A_227 = arith.constant 0 : i32
    %dma_start3A_228 = arith.constant 0 : i32
    %dma_start3A_229 = tpu.memref_slice %arg10[%dma_start3A_227, %dma_start3A_228] : memref<10000x128xf32, #tpu.memory_space<vmem_shared>> -> memref<10000x128xf32, #tpu.memory_space<vmem_shared>>
    tpu.enqueue_indirect_dma source(%arg15 : memref<80x128xf32, #tpu.memory_space<vmem>>) target(%dma_start3A_229 : memref<10000x128xf32, #tpu.memory_space<vmem_shared>>) offsets(%dma_start3A_226 : memref<80xi32, #tpu.memory_space<vmem>>) semaphore(%arg23 : memref<!tpu.dma_semaphore, #tpu.memory_space<semaphore_mem>>) {add = true}
    %dma_start3A_230 = arith.constant 1 : i32
    %dma_start3A_231 = arith.constant 0 : i32
    %dma_start3A_232 = tpu.memref_slice %arg13[%dma_start3A_230, %dma_start3A_231] : memref<64x80xi32, #tpu.memory_space<vmem>> -> memref<1x80xi32, #tpu.memory_space<vmem>>
    %dma_start3A_233 = tpu.memref_squeeze %dma_start3A_232 : memref<1x80xi32, #tpu.memory_space<vmem>> -> memref<80xi32, #tpu.memory_space<vmem>>
    %dma_start3A_234 = arith.constant 0 : i32
    %dma_start3A_235 = tpu.memref_slice %arg11[%dma_start3A_234] : memref<12048xf32, #tpu.memory_space<vmem_shared>> -> memref<12048xf32, #tpu.memory_space<vmem_shared>>
    tpu.enqueue_indirect_dma source(%arg17 : memref<80xf32, #tpu.memory_space<vmem>>) target(%dma_start3A_235 : memref<12048xf32, #tpu.memory_space<vmem_shared>>) offsets(%dma_start3A_233 : memref<80xi32, #tpu.memory_space<vmem>>) semaphore(%arg25 : memref<!tpu.dma_semaphore, #tpu.memory_space<semaphore_mem>>) {add = true}
    %dma_wait3A_236 = arith.constant 1 : i32
    %dma_wait3A_237 = arith.constant 0 : i32
    %dma_wait3A_238 = tpu.memref_slice %arg13[%dma_wait3A_236, %dma_wait3A_237] : memref<64x80xi32, #tpu.memory_space<vmem>> -> memref<1x80xi32, #tpu.memory_space<vmem>>
    %dma_wait3A_239 = tpu.memref_squeeze %dma_wait3A_238 : memref<1x80xi32, #tpu.memory_space<vmem>> -> memref<80xi32, #tpu.memory_space<vmem>>
    %dma_wait3A_240 = arith.constant 0 : i32
    %dma_wait3A_241 = arith.constant 0 : i32
    %dma_wait3A_242 = tpu.memref_slice %arg10[%dma_wait3A_240, %dma_wait3A_241] : memref<10000x128xf32, #tpu.memory_space<vmem_shared>> -> memref<10000x128xf32, #tpu.memory_space<vmem_shared>>
    tpu.wait_indirect_dma semaphore(%arg23 : memref<!tpu.dma_semaphore, #tpu.memory_space<semaphore_mem>>) src(%arg15 : memref<80x128xf32, #tpu.memory_space<vmem>>) dst(%dma_wait3A_242 : memref<10000x128xf32, #tpu.memory_space<vmem_shared>>)
    %dma_wait3A_243 = arith.constant 1 : i32
    %dma_wait3A_244 = arith.constant 0 : i32
    %dma_wait3A_245 = tpu.memref_slice %arg13[%dma_wait3A_243, %dma_wait3A_244] : memref<64x80xi32, #tpu.memory_space<vmem>> -> memref<1x80xi32, #tpu.memory_space<vmem>>
    %dma_wait3A_246 = tpu.memref_squeeze %dma_wait3A_245 : memref<1x80xi32, #tpu.memory_space<vmem>> -> memref<80xi32, #tpu.memory_space<vmem>>
    %dma_wait3A_247 = arith.constant 0 : i32
    %dma_wait3A_248 = tpu.memref_slice %arg11[%dma_wait3A_247] : memref<12048xf32, #tpu.memory_space<vmem_shared>> -> memref<12048xf32, #tpu.memory_space<vmem_shared>>
    tpu.wait_indirect_dma semaphore(%arg25 : memref<!tpu.dma_semaphore, #tpu.memory_space<semaphore_mem>>) src(%arg17 : memref<80xf32, #tpu.memory_space<vmem>>) dst(%dma_wait3A_248 : memref<12048xf32, #tpu.memory_space<vmem_shared>>)
    %dma_start3A_249 = arith.constant 2 : i32
    %dma_start3A_250 = arith.constant 0 : i32
    %dma_start3A_251 = tpu.memref_slice %arg12[%dma_start3A_249, %dma_start3A_250] : memref<64x80xi32, #tpu.memory_space<vmem>> -> memref<1x80xi32, #tpu.memory_space<vmem>>
    %dma_start3A_252 = tpu.memref_squeeze %dma_start3A_251 : memref<1x80xi32, #tpu.memory_space<vmem>> -> memref<80xi32, #tpu.memory_space<vmem>>
    %dma_start3A_253 = arith.constant 0 : i32
    %dma_start3A_254 = arith.constant 0 : i32
    %dma_start3A_255 = tpu.memref_slice %arg2[%dma_start3A_253, %dma_start3A_254] : memref<12048x128xf32, #tpu.memory_space<hbm>> -> memref<12048x128xf32, #tpu.memory_space<hbm>>
    tpu.enqueue_indirect_dma source(%dma_start3A_255 : memref<12048x128xf32, #tpu.memory_space<hbm>>) target(%arg14 : memref<80x128xf32, #tpu.memory_space<vmem>>) offsets(%dma_start3A_252 : memref<80xi32, #tpu.memory_space<vmem>>) semaphore(%arg18 : memref<!tpu.dma_semaphore, #tpu.memory_space<semaphore_mem>>)
    %dma_start3A_256 = arith.constant 3 : i32
    %dma_start3A_257 = arith.constant 0 : i32
    %dma_start3A_258 = tpu.memref_slice %arg12[%dma_start3A_256, %dma_start3A_257] : memref<64x80xi32, #tpu.memory_space<vmem>> -> memref<1x80xi32, #tpu.memory_space<vmem>>
    %dma_start3A_259 = tpu.memref_squeeze %dma_start3A_258 : memref<1x80xi32, #tpu.memory_space<vmem>> -> memref<80xi32, #tpu.memory_space<vmem>>
    %dma_start3A_260 = arith.constant 0 : i32
    %dma_start3A_261 = arith.constant 0 : i32
    %dma_start3A_262 = tpu.memref_slice %arg2[%dma_start3A_260, %dma_start3A_261] : memref<12048x128xf32, #tpu.memory_space<hbm>> -> memref<12048x128xf32, #tpu.memory_space<hbm>>
    tpu.enqueue_indirect_dma source(%dma_start3A_262 : memref<12048x128xf32, #tpu.memory_space<hbm>>) target(%arg15 : memref<80x128xf32, #tpu.memory_space<vmem>>) offsets(%dma_start3A_259 : memref<80xi32, #tpu.memory_space<vmem>>) semaphore(%arg19 : memref<!tpu.dma_semaphore, #tpu.memory_space<semaphore_mem>>)
    %scan3A = arith.constant 0 : i32
    %scan3A_263 = arith.constant 1 : i32
    %scan3A_264 = arith.constant 30 : i32
    %scan3A_265 = arith.addi %scan3A_263, %scan3A_264 : i32
    %scan3A_266 = arith.constant 1 : i32
    scf.for %scan3A_1020 = %scan3A_263 to %scan3A_265 step %scan3A_266  : i32 {
      %mul3A_1021 = arith.constant 2 : i32
      %mul3A_1022 = arith.muli %scan3A_1020, %mul3A_1021 : i32
      %add3A_1023 = arith.constant 0 : i32
      %add3A_1024 = arith.addi %mul3A_1022, %add3A_1023 : i32
      %dma_wait3A_1025 = arith.constant 0 : i32
      %dma_wait3A_1026 = tpu.memref_slice %arg12[%add3A_1024, %dma_wait3A_1025] : memref<64x80xi32, #tpu.memory_space<vmem>> -> memref<1x80xi32, #tpu.memory_space<vmem>>
      %dma_wait3A_1027 = tpu.memref_squeeze %dma_wait3A_1026 : memref<1x80xi32, #tpu.memory_space<vmem>> -> memref<80xi32, #tpu.memory_space<vmem>>
      %dma_wait3A_1028 = arith.constant 0 : i32
      %dma_wait3A_1029 = arith.constant 0 : i32
      %dma_wait3A_1030 = tpu.memref_slice %arg2[%dma_wait3A_1028, %dma_wait3A_1029] : memref<12048x128xf32, #tpu.memory_space<hbm>> -> memref<12048x128xf32, #tpu.memory_space<hbm>>
      tpu.wait_indirect_dma semaphore(%arg18 : memref<!tpu.dma_semaphore, #tpu.memory_space<semaphore_mem>>) src(%dma_wait3A_1030 : memref<12048x128xf32, #tpu.memory_space<hbm>>) dst(%arg14 : memref<80x128xf32, #tpu.memory_space<vmem>>)
      %get3A_1031 = arith.index_cast %add3A_1024 : i32 to index
      %get3A_1032 = arith.constant 0 : index
      %get3A_1033 = tpu.vector_load %arg12[%get3A_1031, %get3A_1032] {strides = array<i32>} : memref<64x80xi32, #tpu.memory_space<vmem>>, vector<1x16xi32>,
      %get3A_1034 = vector.shape_cast %get3A_1033 : vector<1x16xi32> to vector<16xi32>
      %lt3A_1035 = arith.constant 10000 : i32
      %lt3A_1036 = vector.broadcast %lt3A_1035 : i32 to vector<16xi32>
      %lt3A_1037 = arith.cmpi slt, %get3A_1034, %lt3A_1036 : vector<16xi32>
      %jit3A_1038 = arith.constant 1.000000e+00 : f32
      %jit3A_1039 = arith.constant 0.000000e+00 : f32
      %broadcast_in_dim3A_1040 = vector.broadcast %jit3A_1038 : f32 to vector<16xf32>
      %broadcast_in_dim3A_1041 = vector.broadcast %jit3A_1039 : f32 to vector<16xf32>
      %select_n3A_1042 = arith.select %lt3A_1037, %broadcast_in_dim3A_1040, %broadcast_in_dim3A_1041 : vector<16xi1>, vector<16xf32>
      %swap3A_1043 = arith.constant 0 : index
      %swap3A_1044 = tpu.vector_load %arg16[%swap3A_1043] {strides = array<i32>} : memref<80xf32, #tpu.memory_space<vmem>>, vector<16xf32>,
      %swap3A_1045 = vector.shape_cast %swap3A_1044 : vector<16xf32> to vector<16xf32>
      %swap3A_1046 = vector.shape_cast %select_n3A_1042 : vector<16xf32> to vector<16xf32>
      tpu.vector_store %arg16[%swap3A_1043], %swap3A_1046 {strides = array<i32>} : memref<80xf32, #tpu.memory_space<vmem>>, vector<16xf32>,
      %get3A_1047 = arith.index_cast %add3A_1024 : i32 to index
      %get3A_1048 = arith.constant 16 : index
      %get3A_1049 = tpu.vector_load %arg12[%get3A_1047, %get3A_1048] {strides = array<i32>} : memref<64x80xi32, #tpu.memory_space<vmem>>, vector<1x16xi32>,
      %get3A_1050 = vector.shape_cast %get3A_1049 : vector<1x16xi32> to vector<16xi32>
      %lt3A_1051 = arith.constant 10000 : i32
      %lt3A_1052 = vector.broadcast %lt3A_1051 : i32 to vector<16xi32>
      %lt3A_1053 = arith.cmpi slt, %get3A_1050, %lt3A_1052 : vector<16xi32>
      %jit3A_1054 = arith.constant 1.000000e+00 : f32
      %jit3A_1055 = arith.constant 0.000000e+00 : f32
      %broadcast_in_dim3A_1056 = vector.broadcast %jit3A_1054 : f32 to vector<16xf32>
      %broadcast_in_dim3A_1057 = vector.broadcast %jit3A_1055 : f32 to vector<16xf32>
      %select_n3A_1058 = arith.select %lt3A_1053, %broadcast_in_dim3A_1056, %broadcast_in_dim3A_1057 : vector<16xi1>, vector<16xf32>
      %swap3A_1059 = arith.constant 16 : index
      %swap3A_1060 = tpu.vector_load %arg16[%swap3A_1059] {strides = array<i32>} : memref<80xf32, #tpu.memory_space<vmem>>, vector<16xf32>,
      %swap3A_1061 = vector.shape_cast %swap3A_1060 : vector<16xf32> to vector<16xf32>
      %swap3A_1062 = vector.shape_cast %select_n3A_1058 : vector<16xf32> to vector<16xf32>
      tpu.vector_store %arg16[%swap3A_1059], %swap3A_1062 {strides = array<i32>} : memref<80xf32, #tpu.memory_space<vmem>>, vector<16xf32>,
      %get3A_1063 = arith.index_cast %add3A_1024 : i32 to index
      %get3A_1064 = arith.constant 32 : index
      %get3A_1065 = tpu.vector_load %arg12[%get3A_1063, %get3A_1064] {strides = array<i32>} : memref<64x80xi32, #tpu.memory_space<vmem>>, vector<1x16xi32>,
      %get3A_1066 = vector.shape_cast %get3A_1065 : vector<1x16xi32> to vector<16xi32>
      %lt3A_1067 = arith.constant 10000 : i32
      %lt3A_1068 = vector.broadcast %lt3A_1067 : i32 to vector<16xi32>
      %lt3A_1069 = arith.cmpi slt, %get3A_1066, %lt3A_1068 : vector<16xi32>
      %jit3A_1070 = arith.constant 1.000000e+00 : f32
      %jit3A_1071 = arith.constant 0.000000e+00 : f32
      %broadcast_in_dim3A_1072 = vector.broadcast %jit3A_1070 : f32 to vector<16xf32>
      %broadcast_in_dim3A_1073 = vector.broadcast %jit3A_1071 : f32 to vector<16xf32>
      %select_n3A_1074 = arith.select %lt3A_1069, %broadcast_in_dim3A_1072, %broadcast_in_dim3A_1073 : vector<16xi1>, vector<16xf32>
      %swap3A_1075 = arith.constant 32 : index
      %swap3A_1076 = tpu.vector_load %arg16[%swap3A_1075] {strides = array<i32>} : memref<80xf32, #tpu.memory_space<vmem>>, vector<16xf32>,
      %swap3A_1077 = vector.shape_cast %swap3A_1076 : vector<16xf32> to vector<16xf32>
      %swap3A_1078 = vector.shape_cast %select_n3A_1074 : vector<16xf32> to vector<16xf32>
      tpu.vector_store %arg16[%swap3A_1075], %swap3A_1078 {strides = array<i32>} : memref<80xf32, #tpu.memory_space<vmem>>, vector<16xf32>,
      %get3A_1079 = arith.index_cast %add3A_1024 : i32 to index
      %get3A_1080 = arith.constant 48 : index
      %get3A_1081 = tpu.vector_load %arg12[%get3A_1079, %get3A_1080] {strides = array<i32>} : memref<64x80xi32, #tpu.memory_space<vmem>>, vector<1x16xi32>,
      %get3A_1082 = vector.shape_cast %get3A_1081 : vector<1x16xi32> to vector<16xi32>
      %lt3A_1083 = arith.constant 10000 : i32
      %lt3A_1084 = vector.broadcast %lt3A_1083 : i32 to vector<16xi32>
      %lt3A_1085 = arith.cmpi slt, %get3A_1082, %lt3A_1084 : vector<16xi32>
      %jit3A_1086 = arith.constant 1.000000e+00 : f32
      %jit3A_1087 = arith.constant 0.000000e+00 : f32
      %broadcast_in_dim3A_1088 = vector.broadcast %jit3A_1086 : f32 to vector<16xf32>
      %broadcast_in_dim3A_1089 = vector.broadcast %jit3A_1087 : f32 to vector<16xf32>
      %select_n3A_1090 = arith.select %lt3A_1085, %broadcast_in_dim3A_1088, %broadcast_in_dim3A_1089 : vector<16xi1>, vector<16xf32>
      %swap3A_1091 = arith.constant 48 : index
      %swap3A_1092 = tpu.vector_load %arg16[%swap3A_1091] {strides = array<i32>} : memref<80xf32, #tpu.memory_space<vmem>>, vector<16xf32>,
      %swap3A_1093 = vector.shape_cast %swap3A_1092 : vector<16xf32> to vector<16xf32>
      %swap3A_1094 = vector.shape_cast %select_n3A_1090 : vector<16xf32> to vector<16xf32>
      tpu.vector_store %arg16[%swap3A_1091], %swap3A_1094 {strides = array<i32>} : memref<80xf32, #tpu.memory_space<vmem>>, vector<16xf32>,
      %get3A_1095 = arith.index_cast %add3A_1024 : i32 to index
      %get3A_1096 = arith.constant 64 : index
      %get3A_1097 = tpu.vector_load %arg12[%get3A_1095, %get3A_1096] {strides = array<i32>} : memref<64x80xi32, #tpu.memory_space<vmem>>, vector<1x16xi32>,
      %get3A_1098 = vector.shape_cast %get3A_1097 : vector<1x16xi32> to vector<16xi32>
      %lt3A_1099 = arith.constant 10000 : i32
      %lt3A_1100 = vector.broadcast %lt3A_1099 : i32 to vector<16xi32>
      %lt3A_1101 = arith.cmpi slt, %get3A_1098, %lt3A_1100 : vector<16xi32>
      %jit3A_1102 = arith.constant 1.000000e+00 : f32
      %jit3A_1103 = arith.constant 0.000000e+00 : f32
      %broadcast_in_dim3A_1104 = vector.broadcast %jit3A_1102 : f32 to vector<16xf32>
      %broadcast_in_dim3A_1105 = vector.broadcast %jit3A_1103 : f32 to vector<16xf32>
      %select_n3A_1106 = arith.select %lt3A_1101, %broadcast_in_dim3A_1104, %broadcast_in_dim3A_1105 : vector<16xi1>, vector<16xf32>
      %swap3A_1107 = arith.constant 64 : index
      %swap3A_1108 = tpu.vector_load %arg16[%swap3A_1107] {strides = array<i32>} : memref<80xf32, #tpu.memory_space<vmem>>, vector<16xf32>,
      %swap3A_1109 = vector.shape_cast %swap3A_1108 : vector<16xf32> to vector<16xf32>
      %swap3A_1110 = vector.shape_cast %select_n3A_1106 : vector<16xf32> to vector<16xf32>
      tpu.vector_store %arg16[%swap3A_1107], %swap3A_1110 {strides = array<i32>} : memref<80xf32, #tpu.memory_space<vmem>>, vector<16xf32>,
      %dma_start3A_1111 = arith.constant 0 : i32
      %dma_start3A_1112 = tpu.memref_slice %arg13[%add3A_1024, %dma_start3A_1111] : memref<64x80xi32, #tpu.memory_space<vmem>> -> memref<1x80xi32, #tpu.memory_space<vmem>>
      %dma_start3A_1113 = tpu.memref_squeeze %dma_start3A_1112 : memref<1x80xi32, #tpu.memory_space<vmem>> -> memref<80xi32, #tpu.memory_space<vmem>>
      %dma_start3A_1114 = arith.constant 0 : i32
      %dma_start3A_1115 = arith.constant 0 : i32
      %dma_start3A_1116 = tpu.memref_slice %arg10[%dma_start3A_1114, %dma_start3A_1115] : memref<10000x128xf32, #tpu.memory_space<vmem_shared>> -> memref<10000x128xf32, #tpu.memory_space<vmem_shared>>
      tpu.enqueue_indirect_dma source(%arg14 : memref<80x128xf32, #tpu.memory_space<vmem>>) target(%dma_start3A_1116 : memref<10000x128xf32, #tpu.memory_space<vmem_shared>>) offsets(%dma_start3A_1113 : memref<80xi32, #tpu.memory_space<vmem>>) semaphore(%arg22 : memref<!tpu.dma_semaphore, #tpu.memory_space<semaphore_mem>>) {add = true}
      %dma_start3A_1117 = arith.constant 0 : i32
      %dma_start3A_1118 = tpu.memref_slice %arg13[%add3A_1024, %dma_start3A_1117] : memref<64x80xi32, #tpu.memory_space<vmem>> -> memref<1x80xi32, #tpu.memory_space<vmem>>
      %dma_start3A_1119 = tpu.memref_squeeze %dma_start3A_1118 : memref<1x80xi32, #tpu.memory_space<vmem>> -> memref<80xi32, #tpu.memory_space<vmem>>
      %dma_start3A_1120 = arith.constant 0 : i32
      %dma_start3A_1121 = tpu.memref_slice %arg11[%dma_start3A_1120] : memref<12048xf32, #tpu.memory_space<vmem_shared>> -> memref<12048xf32, #tpu.memory_space<vmem_shared>>
      tpu.enqueue_indirect_dma source(%arg16 : memref<80xf32, #tpu.memory_space<vmem>>) target(%dma_start3A_1121 : memref<12048xf32, #tpu.memory_space<vmem_shared>>) offsets(%dma_start3A_1119 : memref<80xi32, #tpu.memory_space<vmem>>) semaphore(%arg24 : memref<!tpu.dma_semaphore, #tpu.memory_space<semaphore_mem>>) {add = true}
      %dma_wait3A_1122 = arith.constant 0 : i32
      %dma_wait3A_1123 = tpu.memref_slice %arg13[%add3A_1024, %dma_wait3A_1122] : memref<64x80xi32, #tpu.memory_space<vmem>> -> memref<1x80xi32, #tpu.memory_space<vmem>>
      %dma_wait3A_1124 = tpu.memref_squeeze %dma_wait3A_1123 : memref<1x80xi32, #tpu.memory_space<vmem>> -> memref<80xi32, #tpu.memory_space<vmem>>
      %dma_wait3A_1125 = arith.constant 0 : i32
      %dma_wait3A_1126 = arith.constant 0 : i32
      %dma_wait3A_1127 = tpu.memref_slice %arg10[%dma_wait3A_1125, %dma_wait3A_1126] : memref<10000x128xf32, #tpu.memory_space<vmem_shared>> -> memref<10000x128xf32, #tpu.memory_space<vmem_shared>>
      tpu.wait_indirect_dma semaphore(%arg22 : memref<!tpu.dma_semaphore, #tpu.memory_space<semaphore_mem>>) src(%arg14 : memref<80x128xf32, #tpu.memory_space<vmem>>) dst(%dma_wait3A_1127 : memref<10000x128xf32, #tpu.memory_space<vmem_shared>>)
      %dma_wait3A_1128 = arith.constant 0 : i32
      %dma_wait3A_1129 = tpu.memref_slice %arg13[%add3A_1024, %dma_wait3A_1128] : memref<64x80xi32, #tpu.memory_space<vmem>> -> memref<1x80xi32, #tpu.memory_space<vmem>>
      %dma_wait3A_1130 = tpu.memref_squeeze %dma_wait3A_1129 : memref<1x80xi32, #tpu.memory_space<vmem>> -> memref<80xi32, #tpu.memory_space<vmem>>
      %dma_wait3A_1131 = arith.constant 0 : i32
      %dma_wait3A_1132 = tpu.memref_slice %arg11[%dma_wait3A_1131] : memref<12048xf32, #tpu.memory_space<vmem_shared>> -> memref<12048xf32, #tpu.memory_space<vmem_shared>>
      tpu.wait_indirect_dma semaphore(%arg24 : memref<!tpu.dma_semaphore, #tpu.memory_space<semaphore_mem>>) src(%arg16 : memref<80xf32, #tpu.memory_space<vmem>>) dst(%dma_wait3A_1132 : memref<12048xf32, #tpu.memory_space<vmem_shared>>)
      %mul3A_1133 = arith.constant 2 : i32
      %mul3A_1134 = arith.muli %scan3A_1020, %mul3A_1133 : i32
      %add3A_1135 = arith.constant 1 : i32
      %add3A_1136 = arith.addi %mul3A_1134, %add3A_1135 : i32
      %dma_wait3A_1137 = arith.constant 0 : i32
      %dma_wait3A_1138 = tpu.memref_slice %arg12[%add3A_1136, %dma_wait3A_1137] : memref<64x80xi32, #tpu.memory_space<vmem>> -> memref<1x80xi32, #tpu.memory_space<vmem>>
      %dma_wait3A_1139 = tpu.memref_squeeze %dma_wait3A_1138 : memref<1x80xi32, #tpu.memory_space<vmem>> -> memref<80xi32, #tpu.memory_space<vmem>>
      %dma_wait3A_1140 = arith.constant 0 : i32
      %dma_wait3A_1141 = arith.constant 0 : i32
      %dma_wait3A_1142 = tpu.memref_slice %arg2[%dma_wait3A_1140, %dma_wait3A_1141] : memref<12048x128xf32, #tpu.memory_space<hbm>> -> memref<12048x128xf32, #tpu.memory_space<hbm>>
      tpu.wait_indirect_dma semaphore(%arg19 : memref<!tpu.dma_semaphore, #tpu.memory_space<semaphore_mem>>) src(%dma_wait3A_1142 : memref<12048x128xf32, #tpu.memory_space<hbm>>) dst(%arg15 : memref<80x128xf32, #tpu.memory_space<vmem>>)
      %get3A_1143 = arith.index_cast %add3A_1136 : i32 to index
      %get3A_1144 = arith.constant 0 : index
      %get3A_1145 = tpu.vector_load %arg12[%get3A_1143, %get3A_1144] {strides = array<i32>} : memref<64x80xi32, #tpu.memory_space<vmem>>, vector<1x16xi32>,
      %get3A_1146 = vector.shape_cast %get3A_1145 : vector<1x16xi32> to vector<16xi32>
      %lt3A_1147 = arith.constant 10000 : i32
      %lt3A_1148 = vector.broadcast %lt3A_1147 : i32 to vector<16xi32>
      %lt3A_1149 = arith.cmpi slt, %get3A_1146, %lt3A_1148 : vector<16xi32>
      %jit3A_1150 = arith.constant 1.000000e+00 : f32
      %jit3A_1151 = arith.constant 0.000000e+00 : f32
      %broadcast_in_dim3A_1152 = vector.broadcast %jit3A_1150 : f32 to vector<16xf32>
      %broadcast_in_dim3A_1153 = vector.broadcast %jit3A_1151 : f32 to vector<16xf32>
      %select_n3A_1154 = arith.select %lt3A_1149, %broadcast_in_dim3A_1152, %broadcast_in_dim3A_1153 : vector<16xi1>, vector<16xf32>
      %swap3A_1155 = arith.constant 0 : index
      %swap3A_1156 = tpu.vector_load %arg17[%swap3A_1155] {strides = array<i32>} : memref<80xf32, #tpu.memory_space<vmem>>, vector<16xf32>,
      %swap3A_1157 = vector.shape_cast %swap3A_1156 : vector<16xf32> to vector<16xf32>
      %swap3A_1158 = vector.shape_cast %select_n3A_1154 : vector<16xf32> to vector<16xf32>
      tpu.vector_store %arg17[%swap3A_1155], %swap3A_1158 {strides = array<i32>} : memref<80xf32, #tpu.memory_space<vmem>>, vector<16xf32>,
      %get3A_1159 = arith.index_cast %add3A_1136 : i32 to index
      %get3A_1160 = arith.constant 16 : index
      %get3A_1161 = tpu.vector_load %arg12[%get3A_1159, %get3A_1160] {strides = array<i32>} : memref<64x80xi32, #tpu.memory_space<vmem>>, vector<1x16xi32>,
      %get3A_1162 = vector.shape_cast %get3A_1161 : vector<1x16xi32> to vector<16xi32>
      %lt3A_1163 = arith.constant 10000 : i32
      %lt3A_1164 = vector.broadcast %lt3A_1163 : i32 to vector<16xi32>
      %lt3A_1165 = arith.cmpi slt, %get3A_1162, %lt3A_1164 : vector<16xi32>
      %jit3A_1166 = arith.constant 1.000000e+00 : f32
      %jit3A_1167 = arith.constant 0.000000e+00 : f32
      %broadcast_in_dim3A_1168 = vector.broadcast %jit3A_1166 : f32 to vector<16xf32>
      %broadcast_in_dim3A_1169 = vector.broadcast %jit3A_1167 : f32 to vector<16xf32>
      %select_n3A_1170 = arith.select %lt3A_1165, %broadcast_in_dim3A_1168, %broadcast_in_dim3A_1169 : vector<16xi1>, vector<16xf32>
      %swap3A_1171 = arith.constant 16 : index
      %swap3A_1172 = tpu.vector_load %arg17[%swap3A_1171] {strides = array<i32>} : memref<80xf32, #tpu.memory_space<vmem>>, vector<16xf32>,
      %swap3A_1173 = vector.shape_cast %swap3A_1172 : vector<16xf32> to vector<16xf32>
      %swap3A_1174 = vector.shape_cast %select_n3A_1170 : vector<16xf32> to vector<16xf32>
      tpu.vector_store %arg17[%swap3A_1171], %swap3A_1174 {strides = array<i32>} : memref<80xf32, #tpu.memory_space<vmem>>, vector<16xf32>,
      %get3A_1175 = arith.index_cast %add3A_1136 : i32 to index
      %get3A_1176 = arith.constant 32 : index
      %get3A_1177 = tpu.vector_load %arg12[%get3A_1175, %get3A_1176] {strides = array<i32>} : memref<64x80xi32, #tpu.memory_space<vmem>>, vector<1x16xi32>,
      %get3A_1178 = vector.shape_cast %get3A_1177 : vector<1x16xi32> to vector<16xi32>
      %lt3A_1179 = arith.constant 10000 : i32
      %lt3A_1180 = vector.broadcast %lt3A_1179 : i32 to vector<16xi32>
      %lt3A_1181 = arith.cmpi slt, %get3A_1178, %lt3A_1180 : vector<16xi32>
      %jit3A_1182 = arith.constant 1.000000e+00 : f32
      %jit3A_1183 = arith.constant 0.000000e+00 : f32
      %broadcast_in_dim3A_1184 = vector.broadcast %jit3A_1182 : f32 to vector<16xf32>
      %broadcast_in_dim3A_1185 = vector.broadcast %jit3A_1183 : f32 to vector<16xf32>
      %select_n3A_1186 = arith.select %lt3A_1181, %broadcast_in_dim3A_1184, %broadcast_in_dim3A_1185 : vector<16xi1>, vector<16xf32>
      %swap3A_1187 = arith.constant 32 : index
      %swap3A_1188 = tpu.vector_load %arg17[%swap3A_1187] {strides = array<i32>} : memref<80xf32, #tpu.memory_space<vmem>>, vector<16xf32>,
      %swap3A_1189 = vector.shape_cast %swap3A_1188 : vector<16xf32> to vector<16xf32>
      %swap3A_1190 = vector.shape_cast %select_n3A_1186 : vector<16xf32> to vector<16xf32>
      tpu.vector_store %arg17[%swap3A_1187], %swap3A_1190 {strides = array<i32>} : memref<80xf32, #tpu.memory_space<vmem>>, vector<16xf32>,
      %get3A_1191 = arith.index_cast %add3A_1136 : i32 to index
      %get3A_1192 = arith.constant 48 : index
      %get3A_1193 = tpu.vector_load %arg12[%get3A_1191, %get3A_1192] {strides = array<i32>} : memref<64x80xi32, #tpu.memory_space<vmem>>, vector<1x16xi32>,
      %get3A_1194 = vector.shape_cast %get3A_1193 : vector<1x16xi32> to vector<16xi32>
      %lt3A_1195 = arith.constant 10000 : i32
      %lt3A_1196 = vector.broadcast %lt3A_1195 : i32 to vector<16xi32>
      %lt3A_1197 = arith.cmpi slt, %get3A_1194, %lt3A_1196 : vector<16xi32>
      %jit3A_1198 = arith.constant 1.000000e+00 : f32
      %jit3A_1199 = arith.constant 0.000000e+00 : f32
      %broadcast_in_dim3A_1200 = vector.broadcast %jit3A_1198 : f32 to vector<16xf32>
      %broadcast_in_dim3A_1201 = vector.broadcast %jit3A_1199 : f32 to vector<16xf32>
      %select_n3A_1202 = arith.select %lt3A_1197, %broadcast_in_dim3A_1200, %broadcast_in_dim3A_1201 : vector<16xi1>, vector<16xf32>
      %swap3A_1203 = arith.constant 48 : index
      %swap3A_1204 = tpu.vector_load %arg17[%swap3A_1203] {strides = array<i32>} : memref<80xf32, #tpu.memory_space<vmem>>, vector<16xf32>,
      %swap3A_1205 = vector.shape_cast %swap3A_1204 : vector<16xf32> to vector<16xf32>
      %swap3A_1206 = vector.shape_cast %select_n3A_1202 : vector<16xf32> to vector<16xf32>
      tpu.vector_store %arg17[%swap3A_1203], %swap3A_1206 {strides = array<i32>} : memref<80xf32, #tpu.memory_space<vmem>>, vector<16xf32>,
      %get3A_1207 = arith.index_cast %add3A_1136 : i32 to index
      %get3A_1208 = arith.constant 64 : index
      %get3A_1209 = tpu.vector_load %arg12[%get3A_1207, %get3A_1208] {strides = array<i32>} : memref<64x80xi32, #tpu.memory_space<vmem>>, vector<1x16xi32>,
      %get3A_1210 = vector.shape_cast %get3A_1209 : vector<1x16xi32> to vector<16xi32>
      %lt3A_1211 = arith.constant 10000 : i32
      %lt3A_1212 = vector.broadcast %lt3A_1211 : i32 to vector<16xi32>
      %lt3A_1213 = arith.cmpi slt, %get3A_1210, %lt3A_1212 : vector<16xi32>
      %jit3A_1214 = arith.constant 1.000000e+00 : f32
      %jit3A_1215 = arith.constant 0.000000e+00 : f32
      %broadcast_in_dim3A_1216 = vector.broadcast %jit3A_1214 : f32 to vector<16xf32>
      %broadcast_in_dim3A_1217 = vector.broadcast %jit3A_1215 : f32 to vector<16xf32>
      %select_n3A_1218 = arith.select %lt3A_1213, %broadcast_in_dim3A_1216, %broadcast_in_dim3A_1217 : vector<16xi1>, vector<16xf32>
      %swap3A_1219 = arith.constant 64 : index
      %swap3A_1220 = tpu.vector_load %arg17[%swap3A_1219] {strides = array<i32>} : memref<80xf32, #tpu.memory_space<vmem>>, vector<16xf32>,
      %swap3A_1221 = vector.shape_cast %swap3A_1220 : vector<16xf32> to vector<16xf32>
      %swap3A_1222 = vector.shape_cast %select_n3A_1218 : vector<16xf32> to vector<16xf32>
      tpu.vector_store %arg17[%swap3A_1219], %swap3A_1222 {strides = array<i32>} : memref<80xf32, #tpu.memory_space<vmem>>, vector<16xf32>,
      %dma_start3A_1223 = arith.constant 0 : i32
      %dma_start3A_1224 = tpu.memref_slice %arg13[%add3A_1136, %dma_start3A_1223] : memref<64x80xi32, #tpu.memory_space<vmem>> -> memref<1x80xi32, #tpu.memory_space<vmem>>
      %dma_start3A_1225 = tpu.memref_squeeze %dma_start3A_1224 : memref<1x80xi32, #tpu.memory_space<vmem>> -> memref<80xi32, #tpu.memory_space<vmem>>
      %dma_start3A_1226 = arith.constant 0 : i32
      %dma_start3A_1227 = arith.constant 0 : i32
      %dma_start3A_1228 = tpu.memref_slice %arg10[%dma_start3A_1226, %dma_start3A_1227] : memref<10000x128xf32, #tpu.memory_space<vmem_shared>> -> memref<10000x128xf32, #tpu.memory_space<vmem_shared>>
      tpu.enqueue_indirect_dma source(%arg15 : memref<80x128xf32, #tpu.memory_space<vmem>>) target(%dma_start3A_1228 : memref<10000x128xf32, #tpu.memory_space<vmem_shared>>) offsets(%dma_start3A_1225 : memref<80xi32, #tpu.memory_space<vmem>>) semaphore(%arg23 : memref<!tpu.dma_semaphore, #tpu.memory_space<semaphore_mem>>) {add = true}
      %dma_start3A_1229 = arith.constant 0 : i32
      %dma_start3A_1230 = tpu.memref_slice %arg13[%add3A_1136, %dma_start3A_1229] : memref<64x80xi32, #tpu.memory_space<vmem>> -> memref<1x80xi32, #tpu.memory_space<vmem>>
      %dma_start3A_1231 = tpu.memref_squeeze %dma_start3A_1230 : memref<1x80xi32, #tpu.memory_space<vmem>> -> memref<80xi32, #tpu.memory_space<vmem>>
      %dma_start3A_1232 = arith.constant 0 : i32
      %dma_start3A_1233 = tpu.memref_slice %arg11[%dma_start3A_1232] : memref<12048xf32, #tpu.memory_space<vmem_shared>> -> memref<12048xf32, #tpu.memory_space<vmem_shared>>
      tpu.enqueue_indirect_dma source(%arg17 : memref<80xf32, #tpu.memory_space<vmem>>) target(%dma_start3A_1233 : memref<12048xf32, #tpu.memory_space<vmem_shared>>) offsets(%dma_start3A_1231 : memref<80xi32, #tpu.memory_space<vmem>>) semaphore(%arg25 : memref<!tpu.dma_semaphore, #tpu.memory_space<semaphore_mem>>) {add = true}
      %dma_wait3A_1234 = arith.constant 0 : i32
      %dma_wait3A_1235 = tpu.memref_slice %arg13[%add3A_1136, %dma_wait3A_1234] : memref<64x80xi32, #tpu.memory_space<vmem>> -> memref<1x80xi32, #tpu.memory_space<vmem>>
      %dma_wait3A_1236 = tpu.memref_squeeze %dma_wait3A_1235 : memref<1x80xi32, #tpu.memory_space<vmem>> -> memref<80xi32, #tpu.memory_space<vmem>>
      %dma_wait3A_1237 = arith.constant 0 : i32
      %dma_wait3A_1238 = arith.constant 0 : i32
      %dma_wait3A_1239 = tpu.memref_slice %arg10[%dma_wait3A_1237, %dma_wait3A_1238] : memref<10000x128xf32, #tpu.memory_space<vmem_shared>> -> memref<10000x128xf32, #tpu.memory_space<vmem_shared>>
      tpu.wait_indirect_dma semaphore(%arg23 : memref<!tpu.dma_semaphore, #tpu.memory_space<semaphore_mem>>) src(%arg15 : memref<80x128xf32, #tpu.memory_space<vmem>>) dst(%dma_wait3A_1239 : memref<10000x128xf32, #tpu.memory_space<vmem_shared>>)
      %dma_wait3A_1240 = arith.constant 0 : i32
      %dma_wait3A_1241 = tpu.memref_slice %arg13[%add3A_1136, %dma_wait3A_1240] : memref<64x80xi32, #tpu.memory_space<vmem>> -> memref<1x80xi32, #tpu.memory_space<vmem>>
      %dma_wait3A_1242 = tpu.memref_squeeze %dma_wait3A_1241 : memref<1x80xi32, #tpu.memory_space<vmem>> -> memref<80xi32, #tpu.memory_space<vmem>>
      %dma_wait3A_1243 = arith.constant 0 : i32
      %dma_wait3A_1244 = tpu.memref_slice %arg11[%dma_wait3A_1243] : memref<12048xf32, #tpu.memory_space<vmem_shared>> -> memref<12048xf32, #tpu.memory_space<vmem_shared>>
      tpu.wait_indirect_dma semaphore(%arg25 : memref<!tpu.dma_semaphore, #tpu.memory_space<semaphore_mem>>) src(%arg17 : memref<80xf32, #tpu.memory_space<vmem>>) dst(%dma_wait3A_1244 : memref<12048xf32, #tpu.memory_space<vmem_shared>>)
      %add3A_1245 = arith.constant 1 : i32
      %add3A_1246 = arith.addi %scan3A_1020, %add3A_1245 : i32
      %mul3A_1247 = arith.constant 2 : i32
      %mul3A_1248 = arith.muli %add3A_1246, %mul3A_1247 : i32
      %add3A_1249 = arith.constant 0 : i32
      %add3A_1250 = arith.addi %mul3A_1248, %add3A_1249 : i32
      %dma_start3A_1251 = arith.constant 0 : i32
      %dma_start3A_1252 = tpu.memref_slice %arg12[%add3A_1250, %dma_start3A_1251] : memref<64x80xi32, #tpu.memory_space<vmem>> -> memref<1x80xi32, #tpu.memory_space<vmem>>
      %dma_start3A_1253 = tpu.memref_squeeze %dma_start3A_1252 : memref<1x80xi32, #tpu.memory_space<vmem>> -> memref<80xi32, #tpu.memory_space<vmem>>
      %dma_start3A_1254 = arith.constant 0 : i32
      %dma_start3A_1255 = arith.constant 0 : i32
      %dma_start3A_1256 = tpu.memref_slice %arg2[%dma_start3A_1254, %dma_start3A_1255] : memref<12048x128xf32, #tpu.memory_space<hbm>> -> memref<12048x128xf32, #tpu.memory_space<hbm>>
      tpu.enqueue_indirect_dma source(%dma_start3A_1256 : memref<12048x128xf32, #tpu.memory_space<hbm>>) target(%arg14 : memref<80x128xf32, #tpu.memory_space<vmem>>) offsets(%dma_start3A_1253 : memref<80xi32, #tpu.memory_space<vmem>>) semaphore(%arg18 : memref<!tpu.dma_semaphore, #tpu.memory_space<semaphore_mem>>)
      %add3A_1257 = arith.constant 1 : i32
      %add3A_1258 = arith.addi %scan3A_1020, %add3A_1257 : i32
      %mul3A_1259 = arith.constant 2 : i32
      %mul3A_1260 = arith.muli %add3A_1258, %mul3A_1259 : i32
      %add3A_1261 = arith.constant 1 : i32
      %add3A_1262 = arith.addi %mul3A_1260, %add3A_1261 : i32
      %dma_start3A_1263 = arith.constant 0 : i32
      %dma_start3A_1264 = tpu.memref_slice %arg12[%add3A_1262, %dma_start3A_1263] : memref<64x80xi32, #tpu.memory_space<vmem>> -> memref<1x80xi32, #tpu.memory_space<vmem>>
      %dma_start3A_1265 = tpu.memref_squeeze %dma_start3A_1264 : memref<1x80xi32, #tpu.memory_space<vmem>> -> memref<80xi32, #tpu.memory_space<vmem>>
      %dma_start3A_1266 = arith.constant 0 : i32
      %dma_start3A_1267 = arith.constant 0 : i32
      %dma_start3A_1268 = tpu.memref_slice %arg2[%dma_start3A_1266, %dma_start3A_1267] : memref<12048x128xf32, #tpu.memory_space<hbm>> -> memref<12048x128xf32, #tpu.memory_space<hbm>>
      tpu.enqueue_indirect_dma source(%dma_start3A_1268 : memref<12048x128xf32, #tpu.memory_space<hbm>>) target(%arg15 : memref<80x128xf32, #tpu.memory_space<vmem>>) offsets(%dma_start3A_1265 : memref<80xi32, #tpu.memory_space<vmem>>) semaphore(%arg19 : memref<!tpu.dma_semaphore, #tpu.memory_space<semaphore_mem>>)
    }
    %scan3A_267 = arith.constant 30 : i32
    %dma_wait3A_268 = arith.constant 62 : i32
    %dma_wait3A_269 = arith.constant 0 : i32
    %dma_wait3A_270 = tpu.memref_slice %arg12[%dma_wait3A_268, %dma_wait3A_269] : memref<64x80xi32, #tpu.memory_space<vmem>> -> memref<1x80xi32, #tpu.memory_space<vmem>>
    %dma_wait3A_271 = tpu.memref_squeeze %dma_wait3A_270 : memref<1x80xi32, #tpu.memory_space<vmem>> -> memref<80xi32, #tpu.memory_space<vmem>>
    %dma_wait3A_272 = arith.constant 0 : i32
    %dma_wait3A_273 = arith.constant 0 : i32
    %dma_wait3A_274 = tpu.memref_slice %arg2[%dma_wait3A_272, %dma_wait3A_273] : memref<12048x128xf32, #tpu.memory_space<hbm>> -> memref<12048x128xf32, #tpu.memory_space<hbm>>
    tpu.wait_indirect_dma semaphore(%arg18 : memref<!tpu.dma_semaphore, #tpu.memory_space<semaphore_mem>>) src(%dma_wait3A_274 : memref<12048x128xf32, #tpu.memory_space<hbm>>) dst(%arg14 : memref<80x128xf32, #tpu.memory_space<vmem>>)
    %get3A_275 = arith.constant 62 : i32
    %get3A_276 = arith.index_cast %get3A_275 : i32 to index
    %get3A_277 = arith.constant 0 : index
    %get3A_278 = tpu.vector_load %arg12[%get3A_276, %get3A_277] {strides = array<i32>} : memref<64x80xi32, #tpu.memory_space<vmem>>, vector<1x16xi32>,
    %get3A_279 = vector.shape_cast %get3A_278 : vector<1x16xi32> to vector<16xi32>
    %lt3A_280 = arith.constant 10000 : i32
    %lt3A_281 = vector.broadcast %lt3A_280 : i32 to vector<16xi32>
    %lt3A_282 = arith.cmpi slt, %get3A_279, %lt3A_281 : vector<16xi32>
    %jit3A_283 = arith.constant 1.000000e+00 : f32
    %jit3A_284 = arith.constant 0.000000e+00 : f32
    %broadcast_in_dim3A_285 = vector.broadcast %jit3A_283 : f32 to vector<16xf32>
    %broadcast_in_dim3A_286 = vector.broadcast %jit3A_284 : f32 to vector<16xf32>
    %select_n3A_287 = arith.select %lt3A_282, %broadcast_in_dim3A_285, %broadcast_in_dim3A_286 : vector<16xi1>, vector<16xf32>
    %swap3A_288 = arith.constant 0 : index
    %swap3A_289 = tpu.vector_load %arg16[%swap3A_288] {strides = array<i32>} : memref<80xf32, #tpu.memory_space<vmem>>, vector<16xf32>,
    %swap3A_290 = vector.shape_cast %swap3A_289 : vector<16xf32> to vector<16xf32>
    %swap3A_291 = vector.shape_cast %select_n3A_287 : vector<16xf32> to vector<16xf32>
    tpu.vector_store %arg16[%swap3A_288], %swap3A_291 {strides = array<i32>} : memref<80xf32, #tpu.memory_space<vmem>>, vector<16xf32>,
    %get3A_292 = arith.constant 62 : i32
    %get3A_293 = arith.index_cast %get3A_292 : i32 to index
    %get3A_294 = arith.constant 16 : index
    %get3A_295 = tpu.vector_load %arg12[%get3A_293, %get3A_294] {strides = array<i32>} : memref<64x80xi32, #tpu.memory_space<vmem>>, vector<1x16xi32>,
    %get3A_296 = vector.shape_cast %get3A_295 : vector<1x16xi32> to vector<16xi32>
    %lt3A_297 = arith.constant 10000 : i32
    %lt3A_298 = vector.broadcast %lt3A_297 : i32 to vector<16xi32>
    %lt3A_299 = arith.cmpi slt, %get3A_296, %lt3A_298 : vector<16xi32>
    %jit3A_300 = arith.constant 1.000000e+00 : f32
    %jit3A_301 = arith.constant 0.000000e+00 : f32
    %broadcast_in_dim3A_302 = vector.broadcast %jit3A_300 : f32 to vector<16xf32>
    %broadcast_in_dim3A_303 = vector.broadcast %jit3A_301 : f32 to vector<16xf32>
    %select_n3A_304 = arith.select %lt3A_299, %broadcast_in_dim3A_302, %broadcast_in_dim3A_303 : vector<16xi1>, vector<16xf32>
    %swap3A_305 = arith.constant 16 : index
    %swap3A_306 = tpu.vector_load %arg16[%swap3A_305] {strides = array<i32>} : memref<80xf32, #tpu.memory_space<vmem>>, vector<16xf32>,
    %swap3A_307 = vector.shape_cast %swap3A_306 : vector<16xf32> to vector<16xf32>
    %swap3A_308 = vector.shape_cast %select_n3A_304 : vector<16xf32> to vector<16xf32>
    tpu.vector_store %arg16[%swap3A_305], %swap3A_308 {strides = array<i32>} : memref<80xf32, #tpu.memory_space<vmem>>, vector<16xf32>,
    %get3A_309 = arith.constant 62 : i32
    %get3A_310 = arith.index_cast %get3A_309 : i32 to index
    %get3A_311 = arith.constant 32 : index
    %get3A_312 = tpu.vector_load %arg12[%get3A_310, %get3A_311] {strides = array<i32>} : memref<64x80xi32, #tpu.memory_space<vmem>>, vector<1x16xi32>,
    %get3A_313 = vector.shape_cast %get3A_312 : vector<1x16xi32> to vector<16xi32>
    %lt3A_314 = arith.constant 10000 : i32
    %lt3A_315 = vector.broadcast %lt3A_314 : i32 to vector<16xi32>
    %lt3A_316 = arith.cmpi slt, %get3A_313, %lt3A_315 : vector<16xi32>
    %jit3A_317 = arith.constant 1.000000e+00 : f32
    %jit3A_318 = arith.constant 0.000000e+00 : f32
    %broadcast_in_dim3A_319 = vector.broadcast %jit3A_317 : f32 to vector<16xf32>
    %broadcast_in_dim3A_320 = vector.broadcast %jit3A_318 : f32 to vector<16xf32>
    %select_n3A_321 = arith.select %lt3A_316, %broadcast_in_dim3A_319, %broadcast_in_dim3A_320 : vector<16xi1>, vector<16xf32>
    %swap3A_322 = arith.constant 32 : index
    %swap3A_323 = tpu.vector_load %arg16[%swap3A_322] {strides = array<i32>} : memref<80xf32, #tpu.memory_space<vmem>>, vector<16xf32>,
    %swap3A_324 = vector.shape_cast %swap3A_323 : vector<16xf32> to vector<16xf32>
    %swap3A_325 = vector.shape_cast %select_n3A_321 : vector<16xf32> to vector<16xf32>
    tpu.vector_store %arg16[%swap3A_322], %swap3A_325 {strides = array<i32>} : memref<80xf32, #tpu.memory_space<vmem>>, vector<16xf32>,
    %get3A_326 = arith.constant 62 : i32
    %get3A_327 = arith.index_cast %get3A_326 : i32 to index
    %get3A_328 = arith.constant 48 : index
    %get3A_329 = tpu.vector_load %arg12[%get3A_327, %get3A_328] {strides = array<i32>} : memref<64x80xi32, #tpu.memory_space<vmem>>, vector<1x16xi32>,
    %get3A_330 = vector.shape_cast %get3A_329 : vector<1x16xi32> to vector<16xi32>
    %lt3A_331 = arith.constant 10000 : i32
    %lt3A_332 = vector.broadcast %lt3A_331 : i32 to vector<16xi32>
    %lt3A_333 = arith.cmpi slt, %get3A_330, %lt3A_332 : vector<16xi32>
    %jit3A_334 = arith.constant 1.000000e+00 : f32
    %jit3A_335 = arith.constant 0.000000e+00 : f32
    %broadcast_in_dim3A_336 = vector.broadcast %jit3A_334 : f32 to vector<16xf32>
    %broadcast_in_dim3A_337 = vector.broadcast %jit3A_335 : f32 to vector<16xf32>
    %select_n3A_338 = arith.select %lt3A_333, %broadcast_in_dim3A_336, %broadcast_in_dim3A_337 : vector<16xi1>, vector<16xf32>
    %swap3A_339 = arith.constant 48 : index
    %swap3A_340 = tpu.vector_load %arg16[%swap3A_339] {strides = array<i32>} : memref<80xf32, #tpu.memory_space<vmem>>, vector<16xf32>,
    %swap3A_341 = vector.shape_cast %swap3A_340 : vector<16xf32> to vector<16xf32>
    %swap3A_342 = vector.shape_cast %select_n3A_338 : vector<16xf32> to vector<16xf32>
    tpu.vector_store %arg16[%swap3A_339], %swap3A_342 {strides = array<i32>} : memref<80xf32, #tpu.memory_space<vmem>>, vector<16xf32>,
    %get3A_343 = arith.constant 62 : i32
    %get3A_344 = arith.index_cast %get3A_343 : i32 to index
    %get3A_345 = arith.constant 64 : index
    %get3A_346 = tpu.vector_load %arg12[%get3A_344, %get3A_345] {strides = array<i32>} : memref<64x80xi32, #tpu.memory_space<vmem>>, vector<1x16xi32>,
    %get3A_347 = vector.shape_cast %get3A_346 : vector<1x16xi32> to vector<16xi32>
    %lt3A_348 = arith.constant 10000 : i32
    %lt3A_349 = vector.broadcast %lt3A_348 : i32 to vector<16xi32>
    %lt3A_350 = arith.cmpi slt, %get3A_347, %lt3A_349 : vector<16xi32>
    %jit3A_351 = arith.constant 1.000000e+00 : f32
    %jit3A_352 = arith.constant 0.000000e+00 : f32
    %broadcast_in_dim3A_353 = vector.broadcast %jit3A_351 : f32 to vector<16xf32>
    %broadcast_in_dim3A_354 = vector.broadcast %jit3A_352 : f32 to vector<16xf32>
    %select_n3A_355 = arith.select %lt3A_350, %broadcast_in_dim3A_353, %broadcast_in_dim3A_354 : vector<16xi1>, vector<16xf32>
    %swap3A_356 = arith.constant 64 : index
    %swap3A_357 = tpu.vector_load %arg16[%swap3A_356] {strides = array<i32>} : memref<80xf32, #tpu.memory_space<vmem>>, vector<16xf32>,
    %swap3A_358 = vector.shape_cast %swap3A_357 : vector<16xf32> to vector<16xf32>
    %swap3A_359 = vector.shape_cast %select_n3A_355 : vector<16xf32> to vector<16xf32>
    tpu.vector_store %arg16[%swap3A_356], %swap3A_359 {strides = array<i32>} : memref<80xf32, #tpu.memory_space<vmem>>, vector<16xf32>,
    %dma_start3A_360 = arith.constant 62 : i32
    %dma_start3A_361 = arith.constant 0 : i32
    %dma_start3A_362 = tpu.memref_slice %arg13[%dma_start3A_360, %dma_start3A_361] : memref<64x80xi32, #tpu.memory_space<vmem>> -> memref<1x80xi32, #tpu.memory_space<vmem>>
    %dma_start3A_363 = tpu.memref_squeeze %dma_start3A_362 : memref<1x80xi32, #tpu.memory_space<vmem>> -> memref<80xi32, #tpu.memory_space<vmem>>
    %dma_start3A_364 = arith.constant 0 : i32
    %dma_start3A_365 = arith.constant 0 : i32
    %dma_start3A_366 = tpu.memref_slice %arg10[%dma_start3A_364, %dma_start3A_365] : memref<10000x128xf32, #tpu.memory_space<vmem_shared>> -> memref<10000x128xf32, #tpu.memory_space<vmem_shared>>
    tpu.enqueue_indirect_dma source(%arg14 : memref<80x128xf32, #tpu.memory_space<vmem>>) target(%dma_start3A_366 : memref<10000x128xf32, #tpu.memory_space<vmem_shared>>) offsets(%dma_start3A_363 : memref<80xi32, #tpu.memory_space<vmem>>) semaphore(%arg22 : memref<!tpu.dma_semaphore, #tpu.memory_space<semaphore_mem>>) {add = true}
    %dma_start3A_367 = arith.constant 62 : i32
    %dma_start3A_368 = arith.constant 0 : i32
    %dma_start3A_369 = tpu.memref_slice %arg13[%dma_start3A_367, %dma_start3A_368] : memref<64x80xi32, #tpu.memory_space<vmem>> -> memref<1x80xi32, #tpu.memory_space<vmem>>
    %dma_start3A_370 = tpu.memref_squeeze %dma_start3A_369 : memref<1x80xi32, #tpu.memory_space<vmem>> -> memref<80xi32, #tpu.memory_space<vmem>>
    %dma_start3A_371 = arith.constant 0 : i32
    %dma_start3A_372 = tpu.memref_slice %arg11[%dma_start3A_371] : memref<12048xf32, #tpu.memory_space<vmem_shared>> -> memref<12048xf32, #tpu.memory_space<vmem_shared>>
    tpu.enqueue_indirect_dma source(%arg16 : memref<80xf32, #tpu.memory_space<vmem>>) target(%dma_start3A_372 : memref<12048xf32, #tpu.memory_space<vmem_shared>>) offsets(%dma_start3A_370 : memref<80xi32, #tpu.memory_space<vmem>>) semaphore(%arg24 : memref<!tpu.dma_semaphore, #tpu.memory_space<semaphore_mem>>) {add = true}
    %dma_wait3A_373 = arith.constant 62 : i32
    %dma_wait3A_374 = arith.constant 0 : i32
    %dma_wait3A_375 = tpu.memref_slice %arg13[%dma_wait3A_373, %dma_wait3A_374] : memref<64x80xi32, #tpu.memory_space<vmem>> -> memref<1x80xi32, #tpu.memory_space<vmem>>
    %dma_wait3A_376 = tpu.memref_squeeze %dma_wait3A_375 : memref<1x80xi32, #tpu.memory_space<vmem>> -> memref<80xi32, #tpu.memory_space<vmem>>
    %dma_wait3A_377 = arith.constant 0 : i32
    %dma_wait3A_378 = arith.constant 0 : i32
    %dma_wait3A_379 = tpu.memref_slice %arg10[%dma_wait3A_377, %dma_wait3A_378] : memref<10000x128xf32, #tpu.memory_space<vmem_shared>> -> memref<10000x128xf32, #tpu.memory_space<vmem_shared>>
    tpu.wait_indirect_dma semaphore(%arg22 : memref<!tpu.dma_semaphore, #tpu.memory_space<semaphore_mem>>) src(%arg14 : memref<80x128xf32, #tpu.memory_space<vmem>>) dst(%dma_wait3A_379 : memref<10000x128xf32, #tpu.memory_space<vmem_shared>>)
    %dma_wait3A_380 = arith.constant 62 : i32
    %dma_wait3A_381 = arith.constant 0 : i32
    %dma_wait3A_382 = tpu.memref_slice %arg13[%dma_wait3A_380, %dma_wait3A_381] : memref<64x80xi32, #tpu.memory_space<vmem>> -> memref<1x80xi32, #tpu.memory_space<vmem>>
    %dma_wait3A_383 = tpu.memref_squeeze %dma_wait3A_382 : memref<1x80xi32, #tpu.memory_space<vmem>> -> memref<80xi32, #tpu.memory_space<vmem>>
    %dma_wait3A_384 = arith.constant 0 : i32
    %dma_wait3A_385 = tpu.memref_slice %arg11[%dma_wait3A_384] : memref<12048xf32, #tpu.memory_space<vmem_shared>> -> memref<12048xf32, #tpu.memory_space<vmem_shared>>
    tpu.wait_indirect_dma semaphore(%arg24 : memref<!tpu.dma_semaphore, #tpu.memory_space<semaphore_mem>>) src(%arg16 : memref<80xf32, #tpu.memory_space<vmem>>) dst(%dma_wait3A_385 : memref<12048xf32, #tpu.memory_space<vmem_shared>>)
    %dma_wait3A_386 = arith.constant 63 : i32
    %dma_wait3A_387 = arith.constant 0 : i32
    %dma_wait3A_388 = tpu.memref_slice %arg12[%dma_wait3A_386, %dma_wait3A_387] : memref<64x80xi32, #tpu.memory_space<vmem>> -> memref<1x80xi32, #tpu.memory_space<vmem>>
    %dma_wait3A_389 = tpu.memref_squeeze %dma_wait3A_388 : memref<1x80xi32, #tpu.memory_space<vmem>> -> memref<80xi32, #tpu.memory_space<vmem>>
    %dma_wait3A_390 = arith.constant 0 : i32
    %dma_wait3A_391 = arith.constant 0 : i32
    %dma_wait3A_392 = tpu.memref_slice %arg2[%dma_wait3A_390, %dma_wait3A_391] : memref<12048x128xf32, #tpu.memory_space<hbm>> -> memref<12048x128xf32, #tpu.memory_space<hbm>>
    tpu.wait_indirect_dma semaphore(%arg19 : memref<!tpu.dma_semaphore, #tpu.memory_space<semaphore_mem>>) src(%dma_wait3A_392 : memref<12048x128xf32, #tpu.memory_space<hbm>>) dst(%arg15 : memref<80x128xf32, #tpu.memory_space<vmem>>)
    %get3A_393 = arith.constant 63 : i32
    %get3A_394 = arith.index_cast %get3A_393 : i32 to index
    %get3A_395 = arith.constant 0 : index
    %get3A_396 = tpu.vector_load %arg12[%get3A_394, %get3A_395] {strides = array<i32>} : memref<64x80xi32, #tpu.memory_space<vmem>>, vector<1x16xi32>,
    %get3A_397 = vector.shape_cast %get3A_396 : vector<1x16xi32> to vector<16xi32>
    %lt3A_398 = arith.constant 10000 : i32
    %lt3A_399 = vector.broadcast %lt3A_398 : i32 to vector<16xi32>
    %lt3A_400 = arith.cmpi slt, %get3A_397, %lt3A_399 : vector<16xi32>
    %jit3A_401 = arith.constant 1.000000e+00 : f32
    %jit3A_402 = arith.constant 0.000000e+00 : f32
    %broadcast_in_dim3A_403 = vector.broadcast %jit3A_401 : f32 to vector<16xf32>
    %broadcast_in_dim3A_404 = vector.broadcast %jit3A_402 : f32 to vector<16xf32>
    %select_n3A_405 = arith.select %lt3A_400, %broadcast_in_dim3A_403, %broadcast_in_dim3A_404 : vector<16xi1>, vector<16xf32>
    %swap3A_406 = arith.constant 0 : index
    %swap3A_407 = tpu.vector_load %arg17[%swap3A_406] {strides = array<i32>} : memref<80xf32, #tpu.memory_space<vmem>>, vector<16xf32>,
    %swap3A_408 = vector.shape_cast %swap3A_407 : vector<16xf32> to vector<16xf32>
    %swap3A_409 = vector.shape_cast %select_n3A_405 : vector<16xf32> to vector<16xf32>
    tpu.vector_store %arg17[%swap3A_406], %swap3A_409 {strides = array<i32>} : memref<80xf32, #tpu.memory_space<vmem>>, vector<16xf32>,
    %get3A_410 = arith.constant 63 : i32
    %get3A_411 = arith.index_cast %get3A_410 : i32 to index
    %get3A_412 = arith.constant 16 : index
    %get3A_413 = tpu.vector_load %arg12[%get3A_411, %get3A_412] {strides = array<i32>} : memref<64x80xi32, #tpu.memory_space<vmem>>, vector<1x16xi32>,
    %get3A_414 = vector.shape_cast %get3A_413 : vector<1x16xi32> to vector<16xi32>
    %lt3A_415 = arith.constant 10000 : i32
    %lt3A_416 = vector.broadcast %lt3A_415 : i32 to vector<16xi32>
    %lt3A_417 = arith.cmpi slt, %get3A_414, %lt3A_416 : vector<16xi32>
    %jit3A_418 = arith.constant 1.000000e+00 : f32
    %jit3A_419 = arith.constant 0.000000e+00 : f32
    %broadcast_in_dim3A_420 = vector.broadcast %jit3A_418 : f32 to vector<16xf32>
    %broadcast_in_dim3A_421 = vector.broadcast %jit3A_419 : f32 to vector<16xf32>
    %select_n3A_422 = arith.select %lt3A_417, %broadcast_in_dim3A_420, %broadcast_in_dim3A_421 : vector<16xi1>, vector<16xf32>
    %swap3A_423 = arith.constant 16 : index
    %swap3A_424 = tpu.vector_load %arg17[%swap3A_423] {strides = array<i32>} : memref<80xf32, #tpu.memory_space<vmem>>, vector<16xf32>,
    %swap3A_425 = vector.shape_cast %swap3A_424 : vector<16xf32> to vector<16xf32>
    %swap3A_426 = vector.shape_cast %select_n3A_422 : vector<16xf32> to vector<16xf32>
    tpu.vector_store %arg17[%swap3A_423], %swap3A_426 {strides = array<i32>} : memref<80xf32, #tpu.memory_space<vmem>>, vector<16xf32>,
    %get3A_427 = arith.constant 63 : i32
    %get3A_428 = arith.index_cast %get3A_427 : i32 to index
    %get3A_429 = arith.constant 32 : index
    %get3A_430 = tpu.vector_load %arg12[%get3A_428, %get3A_429] {strides = array<i32>} : memref<64x80xi32, #tpu.memory_space<vmem>>, vector<1x16xi32>,
    %get3A_431 = vector.shape_cast %get3A_430 : vector<1x16xi32> to vector<16xi32>
    %lt3A_432 = arith.constant 10000 : i32
    %lt3A_433 = vector.broadcast %lt3A_432 : i32 to vector<16xi32>
    %lt3A_434 = arith.cmpi slt, %get3A_431, %lt3A_433 : vector<16xi32>
    %jit3A_435 = arith.constant 1.000000e+00 : f32
    %jit3A_436 = arith.constant 0.000000e+00 : f32
    %broadcast_in_dim3A_437 = vector.broadcast %jit3A_435 : f32 to vector<16xf32>
    %broadcast_in_dim3A_438 = vector.broadcast %jit3A_436 : f32 to vector<16xf32>
    %select_n3A_439 = arith.select %lt3A_434, %broadcast_in_dim3A_437, %broadcast_in_dim3A_438 : vector<16xi1>, vector<16xf32>
    %swap3A_440 = arith.constant 32 : index
    %swap3A_441 = tpu.vector_load %arg17[%swap3A_440] {strides = array<i32>} : memref<80xf32, #tpu.memory_space<vmem>>, vector<16xf32>,
    %swap3A_442 = vector.shape_cast %swap3A_441 : vector<16xf32> to vector<16xf32>
    %swap3A_443 = vector.shape_cast %select_n3A_439 : vector<16xf32> to vector<16xf32>
    tpu.vector_store %arg17[%swap3A_440], %swap3A_443 {strides = array<i32>} : memref<80xf32, #tpu.memory_space<vmem>>, vector<16xf32>,
    %get3A_444 = arith.constant 63 : i32
    %get3A_445 = arith.index_cast %get3A_444 : i32 to index
    %get3A_446 = arith.constant 48 : index
    %get3A_447 = tpu.vector_load %arg12[%get3A_445, %get3A_446] {strides = array<i32>} : memref<64x80xi32, #tpu.memory_space<vmem>>, vector<1x16xi32>,
    %get3A_448 = vector.shape_cast %get3A_447 : vector<1x16xi32> to vector<16xi32>
    %lt3A_449 = arith.constant 10000 : i32
    %lt3A_450 = vector.broadcast %lt3A_449 : i32 to vector<16xi32>
    %lt3A_451 = arith.cmpi slt, %get3A_448, %lt3A_450 : vector<16xi32>
    %jit3A_452 = arith.constant 1.000000e+00 : f32
    %jit3A_453 = arith.constant 0.000000e+00 : f32
    %broadcast_in_dim3A_454 = vector.broadcast %jit3A_452 : f32 to vector<16xf32>
    %broadcast_in_dim3A_455 = vector.broadcast %jit3A_453 : f32 to vector<16xf32>
    %select_n3A_456 = arith.select %lt3A_451, %broadcast_in_dim3A_454, %broadcast_in_dim3A_455 : vector<16xi1>, vector<16xf32>
    %swap3A_457 = arith.constant 48 : index
    %swap3A_458 = tpu.vector_load %arg17[%swap3A_457] {strides = array<i32>} : memref<80xf32, #tpu.memory_space<vmem>>, vector<16xf32>,
    %swap3A_459 = vector.shape_cast %swap3A_458 : vector<16xf32> to vector<16xf32>
    %swap3A_460 = vector.shape_cast %select_n3A_456 : vector<16xf32> to vector<16xf32>
    tpu.vector_store %arg17[%swap3A_457], %swap3A_460 {strides = array<i32>} : memref<80xf32, #tpu.memory_space<vmem>>, vector<16xf32>,
    %get3A_461 = arith.constant 63 : i32
    %get3A_462 = arith.index_cast %get3A_461 : i32 to index
    %get3A_463 = arith.constant 64 : index
    %get3A_464 = tpu.vector_load %arg12[%get3A_462, %get3A_463] {strides = array<i32>} : memref<64x80xi32, #tpu.memory_space<vmem>>, vector<1x16xi32>,
    %get3A_465 = vector.shape_cast %get3A_464 : vector<1x16xi32> to vector<16xi32>
    %lt3A_466 = arith.constant 10000 : i32
    %lt3A_467 = vector.broadcast %lt3A_466 : i32 to vector<16xi32>
    %lt3A_468 = arith.cmpi slt, %get3A_465, %lt3A_467 : vector<16xi32>
    %jit3A_469 = arith.constant 1.000000e+00 : f32
    %jit3A_470 = arith.constant 0.000000e+00 : f32
    %broadcast_in_dim3A_471 = vector.broadcast %jit3A_469 : f32 to vector<16xf32>
    %broadcast_in_dim3A_472 = vector.broadcast %jit3A_470 : f32 to vector<16xf32>
    %select_n3A_473 = arith.select %lt3A_468, %broadcast_in_dim3A_471, %broadcast_in_dim3A_472 : vector<16xi1>, vector<16xf32>
    %swap3A_474 = arith.constant 64 : index
    %swap3A_475 = tpu.vector_load %arg17[%swap3A_474] {strides = array<i32>} : memref<80xf32, #tpu.memory_space<vmem>>, vector<16xf32>,
    %swap3A_476 = vector.shape_cast %swap3A_475 : vector<16xf32> to vector<16xf32>
    %swap3A_477 = vector.shape_cast %select_n3A_473 : vector<16xf32> to vector<16xf32>
    tpu.vector_store %arg17[%swap3A_474], %swap3A_477 {strides = array<i32>} : memref<80xf32, #tpu.memory_space<vmem>>, vector<16xf32>,
    %dma_start3A_478 = arith.constant 63 : i32
    %dma_start3A_479 = arith.constant 0 : i32
    %dma_start3A_480 = tpu.memref_slice %arg13[%dma_start3A_478, %dma_start3A_479] : memref<64x80xi32, #tpu.memory_space<vmem>> -> memref<1x80xi32, #tpu.memory_space<vmem>>
    %dma_start3A_481 = tpu.memref_squeeze %dma_start3A_480 : memref<1x80xi32, #tpu.memory_space<vmem>> -> memref<80xi32, #tpu.memory_space<vmem>>
    %dma_start3A_482 = arith.constant 0 : i32
    %dma_start3A_483 = arith.constant 0 : i32
    %dma_start3A_484 = tpu.memref_slice %arg10[%dma_start3A_482, %dma_start3A_483] : memref<10000x128xf32, #tpu.memory_space<vmem_shared>> -> memref<10000x128xf32, #tpu.memory_space<vmem_shared>>
    tpu.enqueue_indirect_dma source(%arg15 : memref<80x128xf32, #tpu.memory_space<vmem>>) target(%dma_start3A_484 : memref<10000x128xf32, #tpu.memory_space<vmem_shared>>) offsets(%dma_start3A_481 : memref<80xi32, #tpu.memory_space<vmem>>) semaphore(%arg23 : memref<!tpu.dma_semaphore, #tpu.memory_space<semaphore_mem>>) {add = true}
    %dma_start3A_485 = arith.constant 63 : i32
    %dma_start3A_486 = arith.constant 0 : i32
    %dma_start3A_487 = tpu.memref_slice %arg13[%dma_start3A_485, %dma_start3A_486] : memref<64x80xi32, #tpu.memory_space<vmem>> -> memref<1x80xi32, #tpu.memory_space<vmem>>
    %dma_start3A_488 = tpu.memref_squeeze %dma_start3A_487 : memref<1x80xi32, #tpu.memory_space<vmem>> -> memref<80xi32, #tpu.memory_space<vmem>>
    %dma_start3A_489 = arith.constant 0 : i32
    %dma_start3A_490 = tpu.memref_slice %arg11[%dma_start3A_489] : memref<12048xf32, #tpu.memory_space<vmem_shared>> -> memref<12048xf32, #tpu.memory_space<vmem_shared>>
    tpu.enqueue_indirect_dma source(%arg17 : memref<80xf32, #tpu.memory_space<vmem>>) target(%dma_start3A_490 : memref<12048xf32, #tpu.memory_space<vmem_shared>>) offsets(%dma_start3A_488 : memref<80xi32, #tpu.memory_space<vmem>>) semaphore(%arg25 : memref<!tpu.dma_semaphore, #tpu.memory_space<semaphore_mem>>) {add = true}
    %dma_wait3A_491 = arith.constant 63 : i32
    %dma_wait3A_492 = arith.constant 0 : i32
    %dma_wait3A_493 = tpu.memref_slice %arg13[%dma_wait3A_491, %dma_wait3A_492] : memref<64x80xi32, #tpu.memory_space<vmem>> -> memref<1x80xi32, #tpu.memory_space<vmem>>
    %dma_wait3A_494 = tpu.memref_squeeze %dma_wait3A_493 : memref<1x80xi32, #tpu.memory_space<vmem>> -> memref<80xi32, #tpu.memory_space<vmem>>
    %dma_wait3A_495 = arith.constant 0 : i32
    %dma_wait3A_496 = arith.constant 0 : i32
    %dma_wait3A_497 = tpu.memref_slice %arg10[%dma_wait3A_495, %dma_wait3A_496] : memref<10000x128xf32, #tpu.memory_space<vmem_shared>> -> memref<10000x128xf32, #tpu.memory_space<vmem_shared>>
    tpu.wait_indirect_dma semaphore(%arg23 : memref<!tpu.dma_semaphore, #tpu.memory_space<semaphore_mem>>) src(%arg15 : memref<80x128xf32, #tpu.memory_space<vmem>>) dst(%dma_wait3A_497 : memref<10000x128xf32, #tpu.memory_space<vmem_shared>>)
    %dma_wait3A_498 = arith.constant 63 : i32
    %dma_wait3A_499 = arith.constant 0 : i32
    %dma_wait3A_500 = tpu.memref_slice %arg13[%dma_wait3A_498, %dma_wait3A_499] : memref<64x80xi32, #tpu.memory_space<vmem>> -> memref<1x80xi32, #tpu.memory_space<vmem>>
    %dma_wait3A_501 = tpu.memref_squeeze %dma_wait3A_500 : memref<1x80xi32, #tpu.memory_space<vmem>> -> memref<80xi32, #tpu.memory_space<vmem>>
    %dma_wait3A_502 = arith.constant 0 : i32
    %dma_wait3A_503 = tpu.memref_slice %arg11[%dma_wait3A_502] : memref<12048xf32, #tpu.memory_space<vmem_shared>> -> memref<12048xf32, #tpu.memory_space<vmem_shared>>
    tpu.wait_indirect_dma semaphore(%arg25 : memref<!tpu.dma_semaphore, #tpu.memory_space<semaphore_mem>>) src(%arg17 : memref<80xf32, #tpu.memory_space<vmem>>) dst(%dma_wait3A_503 : memref<12048xf32, #tpu.memory_space<vmem_shared>>)
    "tpu.region"() ({
      %run_scoped3A = tpu.sem_alloc : memref<!tpu.dma_semaphore, #tpu.memory_space<semaphore_mem>>
      %dma_start3A_1020 = arith.constant 64 : i32
      %dma_start3A_1021 = arith.constant 0 : i32
      %dma_start3A_1022 = tpu.memref_slice %arg3[%add3A, %dma_start3A_1020, %dma_start3A_1021] : memref<32x128x80xi32, #tpu.memory_space<hbm>> -> memref<1x64x80xi32, #tpu.memory_space<hbm>>
      %dma_start3A_1023 = tpu.memref_squeeze %dma_start3A_1022 : memref<1x64x80xi32, #tpu.memory_space<hbm>> -> memref<64x80xi32, #tpu.memory_space<hbm>>
      %dma_start3A_1024 = arith.constant 64 : i32
      %dma_start3A_1025 = arith.constant 0 : i32
      %dma_start3A_1026 = tpu.memref_slice %arg3[%add3A, %dma_start3A_1024, %dma_start3A_1025] : memref<32x128x80xi32, #tpu.memory_space<hbm>> -> memref<1x64x80xi32, #tpu.memory_space<hbm>>
      %dma_start3A_1027 = tpu.memref_squeeze %dma_start3A_1026 : memref<1x64x80xi32, #tpu.memory_space<hbm>> -> memref<64x80xi32, #tpu.memory_space<hbm>>
      tpu.enqueue_dma source(%dma_start3A_1027 : memref<64x80xi32, #tpu.memory_space<hbm>>) target(%arg12 : memref<64x80xi32, #tpu.memory_space<vmem>>) target_semaphore(%run_scoped3A : memref<!tpu.dma_semaphore, #tpu.memory_space<semaphore_mem>>)
      %dma_wait3A_1028 = arith.constant 64 : i32
      %dma_wait3A_1029 = arith.constant 0 : i32
      %dma_wait3A_1030 = tpu.memref_slice %arg3[%add3A, %dma_wait3A_1028, %dma_wait3A_1029] : memref<32x128x80xi32, #tpu.memory_space<hbm>> -> memref<1x64x80xi32, #tpu.memory_space<hbm>>
      %dma_wait3A_1031 = tpu.memref_squeeze %dma_wait3A_1030 : memref<1x64x80xi32, #tpu.memory_space<hbm>> -> memref<64x80xi32, #tpu.memory_space<hbm>>
      %dma_wait3A_1032 = arith.constant 64 : i32
      %dma_wait3A_1033 = arith.constant 0 : i32
      %dma_wait3A_1034 = tpu.memref_slice %arg3[%add3A, %dma_wait3A_1032, %dma_wait3A_1033] : memref<32x128x80xi32, #tpu.memory_space<hbm>> -> memref<1x64x80xi32, #tpu.memory_space<hbm>>
      %dma_wait3A_1035 = tpu.memref_squeeze %dma_wait3A_1034 : memref<1x64x80xi32, #tpu.memory_space<hbm>> -> memref<64x80xi32, #tpu.memory_space<hbm>>
      tpu.wait_dma2 semaphore(%run_scoped3A : memref<!tpu.dma_semaphore, #tpu.memory_space<semaphore_mem>>) src(%dma_wait3A_1035 : memref<64x80xi32, #tpu.memory_space<hbm>>) dst(%arg12 : memref<64x80xi32, #tpu.memory_space<vmem>>)
      tpu.yield
    }) : () -> ()
    "tpu.region"() ({
      %run_scoped3A = tpu.sem_alloc : memref<!tpu.dma_semaphore, #tpu.memory_space<semaphore_mem>>
      %dma_start3A_1020 = arith.constant 64 : i32
      %dma_start3A_1021 = arith.constant 0 : i32
      %dma_start3A_1022 = tpu.memref_slice %arg4[%add3A, %dma_start3A_1020, %dma_start3A_1021] : memref<32x128x80xi32, #tpu.memory_space<hbm>> -> memref<1x64x80xi32, #tpu.memory_space<hbm>>
      %dma_start3A_1023 = tpu.memref_squeeze %dma_start3A_1022 : memref<1x64x80xi32, #tpu.memory_space<hbm>> -> memref<64x80xi32, #tpu.memory_space<hbm>>
      %dma_start3A_1024 = arith.constant 64 : i32
      %dma_start3A_1025 = arith.constant 0 : i32
      %dma_start3A_1026 = tpu.memref_slice %arg4[%add3A, %dma_start3A_1024, %dma_start3A_1025] : memref<32x128x80xi32, #tpu.memory_space<hbm>> -> memref<1x64x80xi32, #tpu.memory_space<hbm>>
      %dma_start3A_1027 = tpu.memref_squeeze %dma_start3A_1026 : memref<1x64x80xi32, #tpu.memory_space<hbm>> -> memref<64x80xi32, #tpu.memory_space<hbm>>
      tpu.enqueue_dma source(%dma_start3A_1027 : memref<64x80xi32, #tpu.memory_space<hbm>>) target(%arg13 : memref<64x80xi32, #tpu.memory_space<vmem>>) target_semaphore(%run_scoped3A : memref<!tpu.dma_semaphore, #tpu.memory_space<semaphore_mem>>)
      %dma_wait3A_1028 = arith.constant 64 : i32
      %dma_wait3A_1029 = arith.constant 0 : i32
      %dma_wait3A_1030 = tpu.memref_slice %arg4[%add3A, %dma_wait3A_1028, %dma_wait3A_1029] : memref<32x128x80xi32, #tpu.memory_space<hbm>> -> memref<1x64x80xi32, #tpu.memory_space<hbm>>
      %dma_wait3A_1031 = tpu.memref_squeeze %dma_wait3A_1030 : memref<1x64x80xi32, #tpu.memory_space<hbm>> -> memref<64x80xi32, #tpu.memory_space<hbm>>
      %dma_wait3A_1032 = arith.constant 64 : i32
      %dma_wait3A_1033 = arith.constant 0 : i32
      %dma_wait3A_1034 = tpu.memref_slice %arg4[%add3A, %dma_wait3A_1032, %dma_wait3A_1033] : memref<32x128x80xi32, #tpu.memory_space<hbm>> -> memref<1x64x80xi32, #tpu.memory_space<hbm>>
      %dma_wait3A_1035 = tpu.memref_squeeze %dma_wait3A_1034 : memref<1x64x80xi32, #tpu.memory_space<hbm>> -> memref<64x80xi32, #tpu.memory_space<hbm>>
      tpu.wait_dma2 semaphore(%run_scoped3A : memref<!tpu.dma_semaphore, #tpu.memory_space<semaphore_mem>>) src(%dma_wait3A_1035 : memref<64x80xi32, #tpu.memory_space<hbm>>) dst(%arg13 : memref<64x80xi32, #tpu.memory_space<vmem>>)
      tpu.yield
    }) : () -> ()
    %dma_start3A_504 = arith.constant 0 : i32
    %dma_start3A_505 = arith.constant 0 : i32
    %dma_start3A_506 = tpu.memref_slice %arg12[%dma_start3A_504, %dma_start3A_505] : memref<64x80xi32, #tpu.memory_space<vmem>> -> memref<1x80xi32, #tpu.memory_space<vmem>>
    %dma_start3A_507 = tpu.memref_squeeze %dma_start3A_506 : memref<1x80xi32, #tpu.memory_space<vmem>> -> memref<80xi32, #tpu.memory_space<vmem>>
    %dma_start3A_508 = arith.constant 0 : i32
    %dma_start3A_509 = arith.constant 0 : i32
    %dma_start3A_510 = tpu.memref_slice %arg2[%dma_start3A_508, %dma_start3A_509] : memref<12048x128xf32, #tpu.memory_space<hbm>> -> memref<12048x128xf32, #tpu.memory_space<hbm>>
    tpu.enqueue_indirect_dma source(%dma_start3A_510 : memref<12048x128xf32, #tpu.memory_space<hbm>>) target(%arg14 : memref<80x128xf32, #tpu.memory_space<vmem>>) offsets(%dma_start3A_507 : memref<80xi32, #tpu.memory_space<vmem>>) semaphore(%arg18 : memref<!tpu.dma_semaphore, #tpu.memory_space<semaphore_mem>>)
    %dma_start3A_511 = arith.constant 1 : i32
    %dma_start3A_512 = arith.constant 0 : i32
    %dma_start3A_513 = tpu.memref_slice %arg12[%dma_start3A_511, %dma_start3A_512] : memref<64x80xi32, #tpu.memory_space<vmem>> -> memref<1x80xi32, #tpu.memory_space<vmem>>
    %dma_start3A_514 = tpu.memref_squeeze %dma_start3A_513 : memref<1x80xi32, #tpu.memory_space<vmem>> -> memref<80xi32, #tpu.memory_space<vmem>>
    %dma_start3A_515 = arith.constant 0 : i32
    %dma_start3A_516 = arith.constant 0 : i32
    %dma_start3A_517 = tpu.memref_slice %arg2[%dma_start3A_515, %dma_start3A_516] : memref<12048x128xf32, #tpu.memory_space<hbm>> -> memref<12048x128xf32, #tpu.memory_space<hbm>>
    tpu.enqueue_indirect_dma source(%dma_start3A_517 : memref<12048x128xf32, #tpu.memory_space<hbm>>) target(%arg15 : memref<80x128xf32, #tpu.memory_space<vmem>>) offsets(%dma_start3A_514 : memref<80xi32, #tpu.memory_space<vmem>>) semaphore(%arg19 : memref<!tpu.dma_semaphore, #tpu.memory_space<semaphore_mem>>)
    %dma_wait3A_518 = arith.constant 0 : i32
    %dma_wait3A_519 = arith.constant 0 : i32
    %dma_wait3A_520 = tpu.memref_slice %arg12[%dma_wait3A_518, %dma_wait3A_519] : memref<64x80xi32, #tpu.memory_space<vmem>> -> memref<1x80xi32, #tpu.memory_space<vmem>>
    %dma_wait3A_521 = tpu.memref_squeeze %dma_wait3A_520 : memref<1x80xi32, #tpu.memory_space<vmem>> -> memref<80xi32, #tpu.memory_space<vmem>>
    %dma_wait3A_522 = arith.constant 0 : i32
    %dma_wait3A_523 = arith.constant 0 : i32
    %dma_wait3A_524 = tpu.memref_slice %arg2[%dma_wait3A_522, %dma_wait3A_523] : memref<12048x128xf32, #tpu.memory_space<hbm>> -> memref<12048x128xf32, #tpu.memory_space<hbm>>
    tpu.wait_indirect_dma semaphore(%arg18 : memref<!tpu.dma_semaphore, #tpu.memory_space<semaphore_mem>>) src(%dma_wait3A_524 : memref<12048x128xf32, #tpu.memory_space<hbm>>) dst(%arg14 : memref<80x128xf32, #tpu.memory_space<vmem>>)
    %get3A_525 = arith.constant 0 : i32
    %get3A_526 = arith.index_cast %get3A_525 : i32 to index
    %get3A_527 = arith.constant 0 : index
    %get3A_528 = tpu.vector_load %arg12[%get3A_526, %get3A_527] {strides = array<i32>} : memref<64x80xi32, #tpu.memory_space<vmem>>, vector<1x16xi32>,
    %get3A_529 = vector.shape_cast %get3A_528 : vector<1x16xi32> to vector<16xi32>
    %lt3A_530 = arith.constant 10000 : i32
    %lt3A_531 = vector.broadcast %lt3A_530 : i32 to vector<16xi32>
    %lt3A_532 = arith.cmpi slt, %get3A_529, %lt3A_531 : vector<16xi32>
    %jit3A_533 = arith.constant 1.000000e+00 : f32
    %jit3A_534 = arith.constant 0.000000e+00 : f32
    %broadcast_in_dim3A_535 = vector.broadcast %jit3A_533 : f32 to vector<16xf32>
    %broadcast_in_dim3A_536 = vector.broadcast %jit3A_534 : f32 to vector<16xf32>
    %select_n3A_537 = arith.select %lt3A_532, %broadcast_in_dim3A_535, %broadcast_in_dim3A_536 : vector<16xi1>, vector<16xf32>
    %swap3A_538 = arith.constant 0 : index
    %swap3A_539 = tpu.vector_load %arg16[%swap3A_538] {strides = array<i32>} : memref<80xf32, #tpu.memory_space<vmem>>, vector<16xf32>,
    %swap3A_540 = vector.shape_cast %swap3A_539 : vector<16xf32> to vector<16xf32>
    %swap3A_541 = vector.shape_cast %select_n3A_537 : vector<16xf32> to vector<16xf32>
    tpu.vector_store %arg16[%swap3A_538], %swap3A_541 {strides = array<i32>} : memref<80xf32, #tpu.memory_space<vmem>>, vector<16xf32>,
    %get3A_542 = arith.constant 0 : i32
    %get3A_543 = arith.index_cast %get3A_542 : i32 to index
    %get3A_544 = arith.constant 16 : index
    %get3A_545 = tpu.vector_load %arg12[%get3A_543, %get3A_544] {strides = array<i32>} : memref<64x80xi32, #tpu.memory_space<vmem>>, vector<1x16xi32>,
    %get3A_546 = vector.shape_cast %get3A_545 : vector<1x16xi32> to vector<16xi32>
    %lt3A_547 = arith.constant 10000 : i32
    %lt3A_548 = vector.broadcast %lt3A_547 : i32 to vector<16xi32>
    %lt3A_549 = arith.cmpi slt, %get3A_546, %lt3A_548 : vector<16xi32>
    %jit3A_550 = arith.constant 1.000000e+00 : f32
    %jit3A_551 = arith.constant 0.000000e+00 : f32
    %broadcast_in_dim3A_552 = vector.broadcast %jit3A_550 : f32 to vector<16xf32>
    %broadcast_in_dim3A_553 = vector.broadcast %jit3A_551 : f32 to vector<16xf32>
    %select_n3A_554 = arith.select %lt3A_549, %broadcast_in_dim3A_552, %broadcast_in_dim3A_553 : vector<16xi1>, vector<16xf32>
    %swap3A_555 = arith.constant 16 : index
    %swap3A_556 = tpu.vector_load %arg16[%swap3A_555] {strides = array<i32>} : memref<80xf32, #tpu.memory_space<vmem>>, vector<16xf32>,
    %swap3A_557 = vector.shape_cast %swap3A_556 : vector<16xf32> to vector<16xf32>
    %swap3A_558 = vector.shape_cast %select_n3A_554 : vector<16xf32> to vector<16xf32>
    tpu.vector_store %arg16[%swap3A_555], %swap3A_558 {strides = array<i32>} : memref<80xf32, #tpu.memory_space<vmem>>, vector<16xf32>,
    %get3A_559 = arith.constant 0 : i32
    %get3A_560 = arith.index_cast %get3A_559 : i32 to index
    %get3A_561 = arith.constant 32 : index
    %get3A_562 = tpu.vector_load %arg12[%get3A_560, %get3A_561] {strides = array<i32>} : memref<64x80xi32, #tpu.memory_space<vmem>>, vector<1x16xi32>,
    %get3A_563 = vector.shape_cast %get3A_562 : vector<1x16xi32> to vector<16xi32>
    %lt3A_564 = arith.constant 10000 : i32
    %lt3A_565 = vector.broadcast %lt3A_564 : i32 to vector<16xi32>
    %lt3A_566 = arith.cmpi slt, %get3A_563, %lt3A_565 : vector<16xi32>
    %jit3A_567 = arith.constant 1.000000e+00 : f32
    %jit3A_568 = arith.constant 0.000000e+00 : f32
    %broadcast_in_dim3A_569 = vector.broadcast %jit3A_567 : f32 to vector<16xf32>
    %broadcast_in_dim3A_570 = vector.broadcast %jit3A_568 : f32 to vector<16xf32>
    %select_n3A_571 = arith.select %lt3A_566, %broadcast_in_dim3A_569, %broadcast_in_dim3A_570 : vector<16xi1>, vector<16xf32>
    %swap3A_572 = arith.constant 32 : index
    %swap3A_573 = tpu.vector_load %arg16[%swap3A_572] {strides = array<i32>} : memref<80xf32, #tpu.memory_space<vmem>>, vector<16xf32>,
    %swap3A_574 = vector.shape_cast %swap3A_573 : vector<16xf32> to vector<16xf32>
    %swap3A_575 = vector.shape_cast %select_n3A_571 : vector<16xf32> to vector<16xf32>
    tpu.vector_store %arg16[%swap3A_572], %swap3A_575 {strides = array<i32>} : memref<80xf32, #tpu.memory_space<vmem>>, vector<16xf32>,
    %get3A_576 = arith.constant 0 : i32
    %get3A_577 = arith.index_cast %get3A_576 : i32 to index
    %get3A_578 = arith.constant 48 : index
    %get3A_579 = tpu.vector_load %arg12[%get3A_577, %get3A_578] {strides = array<i32>} : memref<64x80xi32, #tpu.memory_space<vmem>>, vector<1x16xi32>,
    %get3A_580 = vector.shape_cast %get3A_579 : vector<1x16xi32> to vector<16xi32>
    %lt3A_581 = arith.constant 10000 : i32
    %lt3A_582 = vector.broadcast %lt3A_581 : i32 to vector<16xi32>
    %lt3A_583 = arith.cmpi slt, %get3A_580, %lt3A_582 : vector<16xi32>
    %jit3A_584 = arith.constant 1.000000e+00 : f32
    %jit3A_585 = arith.constant 0.000000e+00 : f32
    %broadcast_in_dim3A_586 = vector.broadcast %jit3A_584 : f32 to vector<16xf32>
    %broadcast_in_dim3A_587 = vector.broadcast %jit3A_585 : f32 to vector<16xf32>
    %select_n3A_588 = arith.select %lt3A_583, %broadcast_in_dim3A_586, %broadcast_in_dim3A_587 : vector<16xi1>, vector<16xf32>
    %swap3A_589 = arith.constant 48 : index
    %swap3A_590 = tpu.vector_load %arg16[%swap3A_589] {strides = array<i32>} : memref<80xf32, #tpu.memory_space<vmem>>, vector<16xf32>,
    %swap3A_591 = vector.shape_cast %swap3A_590 : vector<16xf32> to vector<16xf32>
    %swap3A_592 = vector.shape_cast %select_n3A_588 : vector<16xf32> to vector<16xf32>
    tpu.vector_store %arg16[%swap3A_589], %swap3A_592 {strides = array<i32>} : memref<80xf32, #tpu.memory_space<vmem>>, vector<16xf32>,
    %get3A_593 = arith.constant 0 : i32
    %get3A_594 = arith.index_cast %get3A_593 : i32 to index
    %get3A_595 = arith.constant 64 : index
    %get3A_596 = tpu.vector_load %arg12[%get3A_594, %get3A_595] {strides = array<i32>} : memref<64x80xi32, #tpu.memory_space<vmem>>, vector<1x16xi32>,
    %get3A_597 = vector.shape_cast %get3A_596 : vector<1x16xi32> to vector<16xi32>
    %lt3A_598 = arith.constant 10000 : i32
    %lt3A_599 = vector.broadcast %lt3A_598 : i32 to vector<16xi32>
    %lt3A_600 = arith.cmpi slt, %get3A_597, %lt3A_599 : vector<16xi32>
    %jit3A_601 = arith.constant 1.000000e+00 : f32
    %jit3A_602 = arith.constant 0.000000e+00 : f32
    %broadcast_in_dim3A_603 = vector.broadcast %jit3A_601 : f32 to vector<16xf32>
    %broadcast_in_dim3A_604 = vector.broadcast %jit3A_602 : f32 to vector<16xf32>
    %select_n3A_605 = arith.select %lt3A_600, %broadcast_in_dim3A_603, %broadcast_in_dim3A_604 : vector<16xi1>, vector<16xf32>
    %swap3A_606 = arith.constant 64 : index
    %swap3A_607 = tpu.vector_load %arg16[%swap3A_606] {strides = array<i32>} : memref<80xf32, #tpu.memory_space<vmem>>, vector<16xf32>,
    %swap3A_608 = vector.shape_cast %swap3A_607 : vector<16xf32> to vector<16xf32>
    %swap3A_609 = vector.shape_cast %select_n3A_605 : vector<16xf32> to vector<16xf32>
    tpu.vector_store %arg16[%swap3A_606], %swap3A_609 {strides = array<i32>} : memref<80xf32, #tpu.memory_space<vmem>>, vector<16xf32>,
    %dma_start3A_610 = arith.constant 0 : i32
    %dma_start3A_611 = arith.constant 0 : i32
    %dma_start3A_612 = tpu.memref_slice %arg13[%dma_start3A_610, %dma_start3A_611] : memref<64x80xi32, #tpu.memory_space<vmem>> -> memref<1x80xi32, #tpu.memory_space<vmem>>
    %dma_start3A_613 = tpu.memref_squeeze %dma_start3A_612 : memref<1x80xi32, #tpu.memory_space<vmem>> -> memref<80xi32, #tpu.memory_space<vmem>>
    %dma_start3A_614 = arith.constant 0 : i32
    %dma_start3A_615 = arith.constant 0 : i32
    %dma_start3A_616 = tpu.memref_slice %arg10[%dma_start3A_614, %dma_start3A_615] : memref<10000x128xf32, #tpu.memory_space<vmem_shared>> -> memref<10000x128xf32, #tpu.memory_space<vmem_shared>>
    tpu.enqueue_indirect_dma source(%arg14 : memref<80x128xf32, #tpu.memory_space<vmem>>) target(%dma_start3A_616 : memref<10000x128xf32, #tpu.memory_space<vmem_shared>>) offsets(%dma_start3A_613 : memref<80xi32, #tpu.memory_space<vmem>>) semaphore(%arg22 : memref<!tpu.dma_semaphore, #tpu.memory_space<semaphore_mem>>) {add = true}
    %dma_start3A_617 = arith.constant 0 : i32
    %dma_start3A_618 = arith.constant 0 : i32
    %dma_start3A_619 = tpu.memref_slice %arg13[%dma_start3A_617, %dma_start3A_618] : memref<64x80xi32, #tpu.memory_space<vmem>> -> memref<1x80xi32, #tpu.memory_space<vmem>>
    %dma_start3A_620 = tpu.memref_squeeze %dma_start3A_619 : memref<1x80xi32, #tpu.memory_space<vmem>> -> memref<80xi32, #tpu.memory_space<vmem>>
    %dma_start3A_621 = arith.constant 0 : i32
    %dma_start3A_622 = tpu.memref_slice %arg11[%dma_start3A_621] : memref<12048xf32, #tpu.memory_space<vmem_shared>> -> memref<12048xf32, #tpu.memory_space<vmem_shared>>
    tpu.enqueue_indirect_dma source(%arg16 : memref<80xf32, #tpu.memory_space<vmem>>) target(%dma_start3A_622 : memref<12048xf32, #tpu.memory_space<vmem_shared>>) offsets(%dma_start3A_620 : memref<80xi32, #tpu.memory_space<vmem>>) semaphore(%arg24 : memref<!tpu.dma_semaphore, #tpu.memory_space<semaphore_mem>>) {add = true}
    %dma_wait3A_623 = arith.constant 0 : i32
    %dma_wait3A_624 = arith.constant 0 : i32
    %dma_wait3A_625 = tpu.memref_slice %arg13[%dma_wait3A_623, %dma_wait3A_624] : memref<64x80xi32, #tpu.memory_space<vmem>> -> memref<1x80xi32, #tpu.memory_space<vmem>>
    %dma_wait3A_626 = tpu.memref_squeeze %dma_wait3A_625 : memref<1x80xi32, #tpu.memory_space<vmem>> -> memref<80xi32, #tpu.memory_space<vmem>>
    %dma_wait3A_627 = arith.constant 0 : i32
    %dma_wait3A_628 = arith.constant 0 : i32
    %dma_wait3A_629 = tpu.memref_slice %arg10[%dma_wait3A_627, %dma_wait3A_628] : memref<10000x128xf32, #tpu.memory_space<vmem_shared>> -> memref<10000x128xf32, #tpu.memory_space<vmem_shared>>
    tpu.wait_indirect_dma semaphore(%arg22 : memref<!tpu.dma_semaphore, #tpu.memory_space<semaphore_mem>>) src(%arg14 : memref<80x128xf32, #tpu.memory_space<vmem>>) dst(%dma_wait3A_629 : memref<10000x128xf32, #tpu.memory_space<vmem_shared>>)
    %dma_wait3A_630 = arith.constant 0 : i32
    %dma_wait3A_631 = arith.constant 0 : i32
    %dma_wait3A_632 = tpu.memref_slice %arg13[%dma_wait3A_630, %dma_wait3A_631] : memref<64x80xi32, #tpu.memory_space<vmem>> -> memref<1x80xi32, #tpu.memory_space<vmem>>
    %dma_wait3A_633 = tpu.memref_squeeze %dma_wait3A_632 : memref<1x80xi32, #tpu.memory_space<vmem>> -> memref<80xi32, #tpu.memory_space<vmem>>
    %dma_wait3A_634 = arith.constant 0 : i32
    %dma_wait3A_635 = tpu.memref_slice %arg11[%dma_wait3A_634] : memref<12048xf32, #tpu.memory_space<vmem_shared>> -> memref<12048xf32, #tpu.memory_space<vmem_shared>>
    tpu.wait_indirect_dma semaphore(%arg24 : memref<!tpu.dma_semaphore, #tpu.memory_space<semaphore_mem>>) src(%arg16 : memref<80xf32, #tpu.memory_space<vmem>>) dst(%dma_wait3A_635 : memref<12048xf32, #tpu.memory_space<vmem_shared>>)
    %dma_wait3A_636 = arith.constant 1 : i32
    %dma_wait3A_637 = arith.constant 0 : i32
    %dma_wait3A_638 = tpu.memref_slice %arg12[%dma_wait3A_636, %dma_wait3A_637] : memref<64x80xi32, #tpu.memory_space<vmem>> -> memref<1x80xi32, #tpu.memory_space<vmem>>
    %dma_wait3A_639 = tpu.memref_squeeze %dma_wait3A_638 : memref<1x80xi32, #tpu.memory_space<vmem>> -> memref<80xi32, #tpu.memory_space<vmem>>
    %dma_wait3A_640 = arith.constant 0 : i32
    %dma_wait3A_641 = arith.constant 0 : i32
    %dma_wait3A_642 = tpu.memref_slice %arg2[%dma_wait3A_640, %dma_wait3A_641] : memref<12048x128xf32, #tpu.memory_space<hbm>> -> memref<12048x128xf32, #tpu.memory_space<hbm>>
    tpu.wait_indirect_dma semaphore(%arg19 : memref<!tpu.dma_semaphore, #tpu.memory_space<semaphore_mem>>) src(%dma_wait3A_642 : memref<12048x128xf32, #tpu.memory_space<hbm>>) dst(%arg15 : memref<80x128xf32, #tpu.memory_space<vmem>>)
    %get3A_643 = arith.constant 1 : i32
    %get3A_644 = arith.index_cast %get3A_643 : i32 to index
    %get3A_645 = arith.constant 0 : index
    %get3A_646 = tpu.vector_load %arg12[%get3A_644, %get3A_645] {strides = array<i32>} : memref<64x80xi32, #tpu.memory_space<vmem>>, vector<1x16xi32>,
    %get3A_647 = vector.shape_cast %get3A_646 : vector<1x16xi32> to vector<16xi32>
    %lt3A_648 = arith.constant 10000 : i32
    %lt3A_649 = vector.broadcast %lt3A_648 : i32 to vector<16xi32>
    %lt3A_650 = arith.cmpi slt, %get3A_647, %lt3A_649 : vector<16xi32>
    %jit3A_651 = arith.constant 1.000000e+00 : f32
    %jit3A_652 = arith.constant 0.000000e+00 : f32
    %broadcast_in_dim3A_653 = vector.broadcast %jit3A_651 : f32 to vector<16xf32>
    %broadcast_in_dim3A_654 = vector.broadcast %jit3A_652 : f32 to vector<16xf32>
    %select_n3A_655 = arith.select %lt3A_650, %broadcast_in_dim3A_653, %broadcast_in_dim3A_654 : vector<16xi1>, vector<16xf32>
    %swap3A_656 = arith.constant 0 : index
    %swap3A_657 = tpu.vector_load %arg17[%swap3A_656] {strides = array<i32>} : memref<80xf32, #tpu.memory_space<vmem>>, vector<16xf32>,
    %swap3A_658 = vector.shape_cast %swap3A_657 : vector<16xf32> to vector<16xf32>
    %swap3A_659 = vector.shape_cast %select_n3A_655 : vector<16xf32> to vector<16xf32>
    tpu.vector_store %arg17[%swap3A_656], %swap3A_659 {strides = array<i32>} : memref<80xf32, #tpu.memory_space<vmem>>, vector<16xf32>,
    %get3A_660 = arith.constant 1 : i32
    %get3A_661 = arith.index_cast %get3A_660 : i32 to index
    %get3A_662 = arith.constant 16 : index
    %get3A_663 = tpu.vector_load %arg12[%get3A_661, %get3A_662] {strides = array<i32>} : memref<64x80xi32, #tpu.memory_space<vmem>>, vector<1x16xi32>,
    %get3A_664 = vector.shape_cast %get3A_663 : vector<1x16xi32> to vector<16xi32>
    %lt3A_665 = arith.constant 10000 : i32
    %lt3A_666 = vector.broadcast %lt3A_665 : i32 to vector<16xi32>
    %lt3A_667 = arith.cmpi slt, %get3A_664, %lt3A_666 : vector<16xi32>
    %jit3A_668 = arith.constant 1.000000e+00 : f32
    %jit3A_669 = arith.constant 0.000000e+00 : f32
    %broadcast_in_dim3A_670 = vector.broadcast %jit3A_668 : f32 to vector<16xf32>
    %broadcast_in_dim3A_671 = vector.broadcast %jit3A_669 : f32 to vector<16xf32>
    %select_n3A_672 = arith.select %lt3A_667, %broadcast_in_dim3A_670, %broadcast_in_dim3A_671 : vector<16xi1>, vector<16xf32>
    %swap3A_673 = arith.constant 16 : index
    %swap3A_674 = tpu.vector_load %arg17[%swap3A_673] {strides = array<i32>} : memref<80xf32, #tpu.memory_space<vmem>>, vector<16xf32>,
    %swap3A_675 = vector.shape_cast %swap3A_674 : vector<16xf32> to vector<16xf32>
    %swap3A_676 = vector.shape_cast %select_n3A_672 : vector<16xf32> to vector<16xf32>
    tpu.vector_store %arg17[%swap3A_673], %swap3A_676 {strides = array<i32>} : memref<80xf32, #tpu.memory_space<vmem>>, vector<16xf32>,
    %get3A_677 = arith.constant 1 : i32
    %get3A_678 = arith.index_cast %get3A_677 : i32 to index
    %get3A_679 = arith.constant 32 : index
    %get3A_680 = tpu.vector_load %arg12[%get3A_678, %get3A_679] {strides = array<i32>} : memref<64x80xi32, #tpu.memory_space<vmem>>, vector<1x16xi32>,
    %get3A_681 = vector.shape_cast %get3A_680 : vector<1x16xi32> to vector<16xi32>
    %lt3A_682 = arith.constant 10000 : i32
    %lt3A_683 = vector.broadcast %lt3A_682 : i32 to vector<16xi32>
    %lt3A_684 = arith.cmpi slt, %get3A_681, %lt3A_683 : vector<16xi32>
    %jit3A_685 = arith.constant 1.000000e+00 : f32
    %jit3A_686 = arith.constant 0.000000e+00 : f32
    %broadcast_in_dim3A_687 = vector.broadcast %jit3A_685 : f32 to vector<16xf32>
    %broadcast_in_dim3A_688 = vector.broadcast %jit3A_686 : f32 to vector<16xf32>
    %select_n3A_689 = arith.select %lt3A_684, %broadcast_in_dim3A_687, %broadcast_in_dim3A_688 : vector<16xi1>, vector<16xf32>
    %swap3A_690 = arith.constant 32 : index
    %swap3A_691 = tpu.vector_load %arg17[%swap3A_690] {strides = array<i32>} : memref<80xf32, #tpu.memory_space<vmem>>, vector<16xf32>,
    %swap3A_692 = vector.shape_cast %swap3A_691 : vector<16xf32> to vector<16xf32>
    %swap3A_693 = vector.shape_cast %select_n3A_689 : vector<16xf32> to vector<16xf32>
    tpu.vector_store %arg17[%swap3A_690], %swap3A_693 {strides = array<i32>} : memref<80xf32, #tpu.memory_space<vmem>>, vector<16xf32>,
    %get3A_694 = arith.constant 1 : i32
    %get3A_695 = arith.index_cast %get3A_694 : i32 to index
    %get3A_696 = arith.constant 48 : index
    %get3A_697 = tpu.vector_load %arg12[%get3A_695, %get3A_696] {strides = array<i32>} : memref<64x80xi32, #tpu.memory_space<vmem>>, vector<1x16xi32>,
    %get3A_698 = vector.shape_cast %get3A_697 : vector<1x16xi32> to vector<16xi32>
    %lt3A_699 = arith.constant 10000 : i32
    %lt3A_700 = vector.broadcast %lt3A_699 : i32 to vector<16xi32>
    %lt3A_701 = arith.cmpi slt, %get3A_698, %lt3A_700 : vector<16xi32>
    %jit3A_702 = arith.constant 1.000000e+00 : f32
    %jit3A_703 = arith.constant 0.000000e+00 : f32
    %broadcast_in_dim3A_704 = vector.broadcast %jit3A_702 : f32 to vector<16xf32>
    %broadcast_in_dim3A_705 = vector.broadcast %jit3A_703 : f32 to vector<16xf32>
    %select_n3A_706 = arith.select %lt3A_701, %broadcast_in_dim3A_704, %broadcast_in_dim3A_705 : vector<16xi1>, vector<16xf32>
    %swap3A_707 = arith.constant 48 : index
    %swap3A_708 = tpu.vector_load %arg17[%swap3A_707] {strides = array<i32>} : memref<80xf32, #tpu.memory_space<vmem>>, vector<16xf32>,
    %swap3A_709 = vector.shape_cast %swap3A_708 : vector<16xf32> to vector<16xf32>
    %swap3A_710 = vector.shape_cast %select_n3A_706 : vector<16xf32> to vector<16xf32>
    tpu.vector_store %arg17[%swap3A_707], %swap3A_710 {strides = array<i32>} : memref<80xf32, #tpu.memory_space<vmem>>, vector<16xf32>,
    %get3A_711 = arith.constant 1 : i32
    %get3A_712 = arith.index_cast %get3A_711 : i32 to index
    %get3A_713 = arith.constant 64 : index
    %get3A_714 = tpu.vector_load %arg12[%get3A_712, %get3A_713] {strides = array<i32>} : memref<64x80xi32, #tpu.memory_space<vmem>>, vector<1x16xi32>,
    %get3A_715 = vector.shape_cast %get3A_714 : vector<1x16xi32> to vector<16xi32>
    %lt3A_716 = arith.constant 10000 : i32
    %lt3A_717 = vector.broadcast %lt3A_716 : i32 to vector<16xi32>
    %lt3A_718 = arith.cmpi slt, %get3A_715, %lt3A_717 : vector<16xi32>
    %jit3A_719 = arith.constant 1.000000e+00 : f32
    %jit3A_720 = arith.constant 0.000000e+00 : f32
    %broadcast_in_dim3A_721 = vector.broadcast %jit3A_719 : f32 to vector<16xf32>
    %broadcast_in_dim3A_722 = vector.broadcast %jit3A_720 : f32 to vector<16xf32>
    %select_n3A_723 = arith.select %lt3A_718, %broadcast_in_dim3A_721, %broadcast_in_dim3A_722 : vector<16xi1>, vector<16xf32>
    %swap3A_724 = arith.constant 64 : index
    %swap3A_725 = tpu.vector_load %arg17[%swap3A_724] {strides = array<i32>} : memref<80xf32, #tpu.memory_space<vmem>>, vector<16xf32>,
    %swap3A_726 = vector.shape_cast %swap3A_725 : vector<16xf32> to vector<16xf32>
    %swap3A_727 = vector.shape_cast %select_n3A_723 : vector<16xf32> to vector<16xf32>
    tpu.vector_store %arg17[%swap3A_724], %swap3A_727 {strides = array<i32>} : memref<80xf32, #tpu.memory_space<vmem>>, vector<16xf32>,
    %dma_start3A_728 = arith.constant 1 : i32
    %dma_start3A_729 = arith.constant 0 : i32
    %dma_start3A_730 = tpu.memref_slice %arg13[%dma_start3A_728, %dma_start3A_729] : memref<64x80xi32, #tpu.memory_space<vmem>> -> memref<1x80xi32, #tpu.memory_space<vmem>>
    %dma_start3A_731 = tpu.memref_squeeze %dma_start3A_730 : memref<1x80xi32, #tpu.memory_space<vmem>> -> memref<80xi32, #tpu.memory_space<vmem>>
    %dma_start3A_732 = arith.constant 0 : i32
    %dma_start3A_733 = arith.constant 0 : i32
    %dma_start3A_734 = tpu.memref_slice %arg10[%dma_start3A_732, %dma_start3A_733] : memref<10000x128xf32, #tpu.memory_space<vmem_shared>> -> memref<10000x128xf32, #tpu.memory_space<vmem_shared>>
    tpu.enqueue_indirect_dma source(%arg15 : memref<80x128xf32, #tpu.memory_space<vmem>>) target(%dma_start3A_734 : memref<10000x128xf32, #tpu.memory_space<vmem_shared>>) offsets(%dma_start3A_731 : memref<80xi32, #tpu.memory_space<vmem>>) semaphore(%arg23 : memref<!tpu.dma_semaphore, #tpu.memory_space<semaphore_mem>>) {add = true}
    %dma_start3A_735 = arith.constant 1 : i32
    %dma_start3A_736 = arith.constant 0 : i32
    %dma_start3A_737 = tpu.memref_slice %arg13[%dma_start3A_735, %dma_start3A_736] : memref<64x80xi32, #tpu.memory_space<vmem>> -> memref<1x80xi32, #tpu.memory_space<vmem>>
    %dma_start3A_738 = tpu.memref_squeeze %dma_start3A_737 : memref<1x80xi32, #tpu.memory_space<vmem>> -> memref<80xi32, #tpu.memory_space<vmem>>
    %dma_start3A_739 = arith.constant 0 : i32
    %dma_start3A_740 = tpu.memref_slice %arg11[%dma_start3A_739] : memref<12048xf32, #tpu.memory_space<vmem_shared>> -> memref<12048xf32, #tpu.memory_space<vmem_shared>>
    tpu.enqueue_indirect_dma source(%arg17 : memref<80xf32, #tpu.memory_space<vmem>>) target(%dma_start3A_740 : memref<12048xf32, #tpu.memory_space<vmem_shared>>) offsets(%dma_start3A_738 : memref<80xi32, #tpu.memory_space<vmem>>) semaphore(%arg25 : memref<!tpu.dma_semaphore, #tpu.memory_space<semaphore_mem>>) {add = true}
    %dma_wait3A_741 = arith.constant 1 : i32
    %dma_wait3A_742 = arith.constant 0 : i32
    %dma_wait3A_743 = tpu.memref_slice %arg13[%dma_wait3A_741, %dma_wait3A_742] : memref<64x80xi32, #tpu.memory_space<vmem>> -> memref<1x80xi32, #tpu.memory_space<vmem>>
    %dma_wait3A_744 = tpu.memref_squeeze %dma_wait3A_743 : memref<1x80xi32, #tpu.memory_space<vmem>> -> memref<80xi32, #tpu.memory_space<vmem>>
    %dma_wait3A_745 = arith.constant 0 : i32
    %dma_wait3A_746 = arith.constant 0 : i32
    %dma_wait3A_747 = tpu.memref_slice %arg10[%dma_wait3A_745, %dma_wait3A_746] : memref<10000x128xf32, #tpu.memory_space<vmem_shared>> -> memref<10000x128xf32, #tpu.memory_space<vmem_shared>>
    tpu.wait_indirect_dma semaphore(%arg23 : memref<!tpu.dma_semaphore, #tpu.memory_space<semaphore_mem>>) src(%arg15 : memref<80x128xf32, #tpu.memory_space<vmem>>) dst(%dma_wait3A_747 : memref<10000x128xf32, #tpu.memory_space<vmem_shared>>)
    %dma_wait3A_748 = arith.constant 1 : i32
    %dma_wait3A_749 = arith.constant 0 : i32
    %dma_wait3A_750 = tpu.memref_slice %arg13[%dma_wait3A_748, %dma_wait3A_749] : memref<64x80xi32, #tpu.memory_space<vmem>> -> memref<1x80xi32, #tpu.memory_space<vmem>>
    %dma_wait3A_751 = tpu.memref_squeeze %dma_wait3A_750 : memref<1x80xi32, #tpu.memory_space<vmem>> -> memref<80xi32, #tpu.memory_space<vmem>>
    %dma_wait3A_752 = arith.constant 0 : i32
    %dma_wait3A_753 = tpu.memref_slice %arg11[%dma_wait3A_752] : memref<12048xf32, #tpu.memory_space<vmem_shared>> -> memref<12048xf32, #tpu.memory_space<vmem_shared>>
    tpu.wait_indirect_dma semaphore(%arg25 : memref<!tpu.dma_semaphore, #tpu.memory_space<semaphore_mem>>) src(%arg17 : memref<80xf32, #tpu.memory_space<vmem>>) dst(%dma_wait3A_753 : memref<12048xf32, #tpu.memory_space<vmem_shared>>)
    %dma_start3A_754 = arith.constant 2 : i32
    %dma_start3A_755 = arith.constant 0 : i32
    %dma_start3A_756 = tpu.memref_slice %arg12[%dma_start3A_754, %dma_start3A_755] : memref<64x80xi32, #tpu.memory_space<vmem>> -> memref<1x80xi32, #tpu.memory_space<vmem>>
    %dma_start3A_757 = tpu.memref_squeeze %dma_start3A_756 : memref<1x80xi32, #tpu.memory_space<vmem>> -> memref<80xi32, #tpu.memory_space<vmem>>
    %dma_start3A_758 = arith.constant 0 : i32
    %dma_start3A_759 = arith.constant 0 : i32
    %dma_start3A_760 = tpu.memref_slice %arg2[%dma_start3A_758, %dma_start3A_759] : memref<12048x128xf32, #tpu.memory_space<hbm>> -> memref<12048x128xf32, #tpu.memory_space<hbm>>
    tpu.enqueue_indirect_dma source(%dma_start3A_760 : memref<12048x128xf32, #tpu.memory_space<hbm>>) target(%arg14 : memref<80x128xf32, #tpu.memory_space<vmem>>) offsets(%dma_start3A_757 : memref<80xi32, #tpu.memory_space<vmem>>) semaphore(%arg18 : memref<!tpu.dma_semaphore, #tpu.memory_space<semaphore_mem>>)
    %dma_start3A_761 = arith.constant 3 : i32
    %dma_start3A_762 = arith.constant 0 : i32
    %dma_start3A_763 = tpu.memref_slice %arg12[%dma_start3A_761, %dma_start3A_762] : memref<64x80xi32, #tpu.memory_space<vmem>> -> memref<1x80xi32, #tpu.memory_space<vmem>>
    %dma_start3A_764 = tpu.memref_squeeze %dma_start3A_763 : memref<1x80xi32, #tpu.memory_space<vmem>> -> memref<80xi32, #tpu.memory_space<vmem>>
    %dma_start3A_765 = arith.constant 0 : i32
    %dma_start3A_766 = arith.constant 0 : i32
    %dma_start3A_767 = tpu.memref_slice %arg2[%dma_start3A_765, %dma_start3A_766] : memref<12048x128xf32, #tpu.memory_space<hbm>> -> memref<12048x128xf32, #tpu.memory_space<hbm>>
    tpu.enqueue_indirect_dma source(%dma_start3A_767 : memref<12048x128xf32, #tpu.memory_space<hbm>>) target(%arg15 : memref<80x128xf32, #tpu.memory_space<vmem>>) offsets(%dma_start3A_764 : memref<80xi32, #tpu.memory_space<vmem>>) semaphore(%arg19 : memref<!tpu.dma_semaphore, #tpu.memory_space<semaphore_mem>>)
    %scan3A_768 = arith.constant 0 : i32
    %scan3A_769 = arith.constant 1 : i32
    %scan3A_770 = arith.constant 30 : i32
    %scan3A_771 = arith.addi %scan3A_769, %scan3A_770 : i32
    %scan3A_772 = arith.constant 1 : i32
    scf.for %scan3A_1020 = %scan3A_769 to %scan3A_771 step %scan3A_772  : i32 {
      %mul3A_1021 = arith.constant 2 : i32
      %mul3A_1022 = arith.muli %scan3A_1020, %mul3A_1021 : i32
      %add3A_1023 = arith.constant 0 : i32
      %add3A_1024 = arith.addi %mul3A_1022, %add3A_1023 : i32
      %dma_wait3A_1025 = arith.constant 0 : i32
      %dma_wait3A_1026 = tpu.memref_slice %arg12[%add3A_1024, %dma_wait3A_1025] : memref<64x80xi32, #tpu.memory_space<vmem>> -> memref<1x80xi32, #tpu.memory_space<vmem>>
      %dma_wait3A_1027 = tpu.memref_squeeze %dma_wait3A_1026 : memref<1x80xi32, #tpu.memory_space<vmem>> -> memref<80xi32, #tpu.memory_space<vmem>>
      %dma_wait3A_1028 = arith.constant 0 : i32
      %dma_wait3A_1029 = arith.constant 0 : i32
      %dma_wait3A_1030 = tpu.memref_slice %arg2[%dma_wait3A_1028, %dma_wait3A_1029] : memref<12048x128xf32, #tpu.memory_space<hbm>> -> memref<12048x128xf32, #tpu.memory_space<hbm>>
      tpu.wait_indirect_dma semaphore(%arg18 : memref<!tpu.dma_semaphore, #tpu.memory_space<semaphore_mem>>) src(%dma_wait3A_1030 : memref<12048x128xf32, #tpu.memory_space<hbm>>) dst(%arg14 : memref<80x128xf32, #tpu.memory_space<vmem>>)
      %get3A_1031 = arith.index_cast %add3A_1024 : i32 to index
      %get3A_1032 = arith.constant 0 : index
      %get3A_1033 = tpu.vector_load %arg12[%get3A_1031, %get3A_1032] {strides = array<i32>} : memref<64x80xi32, #tpu.memory_space<vmem>>, vector<1x16xi32>,
      %get3A_1034 = vector.shape_cast %get3A_1033 : vector<1x16xi32> to vector<16xi32>
      %lt3A_1035 = arith.constant 10000 : i32
      %lt3A_1036 = vector.broadcast %lt3A_1035 : i32 to vector<16xi32>
      %lt3A_1037 = arith.cmpi slt, %get3A_1034, %lt3A_1036 : vector<16xi32>
      %jit3A_1038 = arith.constant 1.000000e+00 : f32
      %jit3A_1039 = arith.constant 0.000000e+00 : f32
      %broadcast_in_dim3A_1040 = vector.broadcast %jit3A_1038 : f32 to vector<16xf32>
      %broadcast_in_dim3A_1041 = vector.broadcast %jit3A_1039 : f32 to vector<16xf32>
      %select_n3A_1042 = arith.select %lt3A_1037, %broadcast_in_dim3A_1040, %broadcast_in_dim3A_1041 : vector<16xi1>, vector<16xf32>
      %swap3A_1043 = arith.constant 0 : index
      %swap3A_1044 = tpu.vector_load %arg16[%swap3A_1043] {strides = array<i32>} : memref<80xf32, #tpu.memory_space<vmem>>, vector<16xf32>,
      %swap3A_1045 = vector.shape_cast %swap3A_1044 : vector<16xf32> to vector<16xf32>
      %swap3A_1046 = vector.shape_cast %select_n3A_1042 : vector<16xf32> to vector<16xf32>
      tpu.vector_store %arg16[%swap3A_1043], %swap3A_1046 {strides = array<i32>} : memref<80xf32, #tpu.memory_space<vmem>>, vector<16xf32>,
      %get3A_1047 = arith.index_cast %add3A_1024 : i32 to index
      %get3A_1048 = arith.constant 16 : index
      %get3A_1049 = tpu.vector_load %arg12[%get3A_1047, %get3A_1048] {strides = array<i32>} : memref<64x80xi32, #tpu.memory_space<vmem>>, vector<1x16xi32>,
      %get3A_1050 = vector.shape_cast %get3A_1049 : vector<1x16xi32> to vector<16xi32>
      %lt3A_1051 = arith.constant 10000 : i32
      %lt3A_1052 = vector.broadcast %lt3A_1051 : i32 to vector<16xi32>
      %lt3A_1053 = arith.cmpi slt, %get3A_1050, %lt3A_1052 : vector<16xi32>
      %jit3A_1054 = arith.constant 1.000000e+00 : f32
      %jit3A_1055 = arith.constant 0.000000e+00 : f32
      %broadcast_in_dim3A_1056 = vector.broadcast %jit3A_1054 : f32 to vector<16xf32>
      %broadcast_in_dim3A_1057 = vector.broadcast %jit3A_1055 : f32 to vector<16xf32>
      %select_n3A_1058 = arith.select %lt3A_1053, %broadcast_in_dim3A_1056, %broadcast_in_dim3A_1057 : vector<16xi1>, vector<16xf32>
      %swap3A_1059 = arith.constant 16 : index
      %swap3A_1060 = tpu.vector_load %arg16[%swap3A_1059] {strides = array<i32>} : memref<80xf32, #tpu.memory_space<vmem>>, vector<16xf32>,
      %swap3A_1061 = vector.shape_cast %swap3A_1060 : vector<16xf32> to vector<16xf32>
      %swap3A_1062 = vector.shape_cast %select_n3A_1058 : vector<16xf32> to vector<16xf32>
      tpu.vector_store %arg16[%swap3A_1059], %swap3A_1062 {strides = array<i32>} : memref<80xf32, #tpu.memory_space<vmem>>, vector<16xf32>,
      %get3A_1063 = arith.index_cast %add3A_1024 : i32 to index
      %get3A_1064 = arith.constant 32 : index
      %get3A_1065 = tpu.vector_load %arg12[%get3A_1063, %get3A_1064] {strides = array<i32>} : memref<64x80xi32, #tpu.memory_space<vmem>>, vector<1x16xi32>,
      %get3A_1066 = vector.shape_cast %get3A_1065 : vector<1x16xi32> to vector<16xi32>
      %lt3A_1067 = arith.constant 10000 : i32
      %lt3A_1068 = vector.broadcast %lt3A_1067 : i32 to vector<16xi32>
      %lt3A_1069 = arith.cmpi slt, %get3A_1066, %lt3A_1068 : vector<16xi32>
      %jit3A_1070 = arith.constant 1.000000e+00 : f32
      %jit3A_1071 = arith.constant 0.000000e+00 : f32
      %broadcast_in_dim3A_1072 = vector.broadcast %jit3A_1070 : f32 to vector<16xf32>
      %broadcast_in_dim3A_1073 = vector.broadcast %jit3A_1071 : f32 to vector<16xf32>
      %select_n3A_1074 = arith.select %lt3A_1069, %broadcast_in_dim3A_1072, %broadcast_in_dim3A_1073 : vector<16xi1>, vector<16xf32>
      %swap3A_1075 = arith.constant 32 : index
      %swap3A_1076 = tpu.vector_load %arg16[%swap3A_1075] {strides = array<i32>} : memref<80xf32, #tpu.memory_space<vmem>>, vector<16xf32>,
      %swap3A_1077 = vector.shape_cast %swap3A_1076 : vector<16xf32> to vector<16xf32>
      %swap3A_1078 = vector.shape_cast %select_n3A_1074 : vector<16xf32> to vector<16xf32>
      tpu.vector_store %arg16[%swap3A_1075], %swap3A_1078 {strides = array<i32>} : memref<80xf32, #tpu.memory_space<vmem>>, vector<16xf32>,
      %get3A_1079 = arith.index_cast %add3A_1024 : i32 to index
      %get3A_1080 = arith.constant 48 : index
      %get3A_1081 = tpu.vector_load %arg12[%get3A_1079, %get3A_1080] {strides = array<i32>} : memref<64x80xi32, #tpu.memory_space<vmem>>, vector<1x16xi32>,
      %get3A_1082 = vector.shape_cast %get3A_1081 : vector<1x16xi32> to vector<16xi32>
      %lt3A_1083 = arith.constant 10000 : i32
      %lt3A_1084 = vector.broadcast %lt3A_1083 : i32 to vector<16xi32>
      %lt3A_1085 = arith.cmpi slt, %get3A_1082, %lt3A_1084 : vector<16xi32>
      %jit3A_1086 = arith.constant 1.000000e+00 : f32
      %jit3A_1087 = arith.constant 0.000000e+00 : f32
      %broadcast_in_dim3A_1088 = vector.broadcast %jit3A_1086 : f32 to vector<16xf32>
      %broadcast_in_dim3A_1089 = vector.broadcast %jit3A_1087 : f32 to vector<16xf32>
      %select_n3A_1090 = arith.select %lt3A_1085, %broadcast_in_dim3A_1088, %broadcast_in_dim3A_1089 : vector<16xi1>, vector<16xf32>
      %swap3A_1091 = arith.constant 48 : index
      %swap3A_1092 = tpu.vector_load %arg16[%swap3A_1091] {strides = array<i32>} : memref<80xf32, #tpu.memory_space<vmem>>, vector<16xf32>,
      %swap3A_1093 = vector.shape_cast %swap3A_1092 : vector<16xf32> to vector<16xf32>
      %swap3A_1094 = vector.shape_cast %select_n3A_1090 : vector<16xf32> to vector<16xf32>
      tpu.vector_store %arg16[%swap3A_1091], %swap3A_1094 {strides = array<i32>} : memref<80xf32, #tpu.memory_space<vmem>>, vector<16xf32>,
      %get3A_1095 = arith.index_cast %add3A_1024 : i32 to index
      %get3A_1096 = arith.constant 64 : index
      %get3A_1097 = tpu.vector_load %arg12[%get3A_1095, %get3A_1096] {strides = array<i32>} : memref<64x80xi32, #tpu.memory_space<vmem>>, vector<1x16xi32>,
      %get3A_1098 = vector.shape_cast %get3A_1097 : vector<1x16xi32> to vector<16xi32>
      %lt3A_1099 = arith.constant 10000 : i32
      %lt3A_1100 = vector.broadcast %lt3A_1099 : i32 to vector<16xi32>
      %lt3A_1101 = arith.cmpi slt, %get3A_1098, %lt3A_1100 : vector<16xi32>
      %jit3A_1102 = arith.constant 1.000000e+00 : f32
      %jit3A_1103 = arith.constant 0.000000e+00 : f32
      %broadcast_in_dim3A_1104 = vector.broadcast %jit3A_1102 : f32 to vector<16xf32>
      %broadcast_in_dim3A_1105 = vector.broadcast %jit3A_1103 : f32 to vector<16xf32>
      %select_n3A_1106 = arith.select %lt3A_1101, %broadcast_in_dim3A_1104, %broadcast_in_dim3A_1105 : vector<16xi1>, vector<16xf32>
      %swap3A_1107 = arith.constant 64 : index
      %swap3A_1108 = tpu.vector_load %arg16[%swap3A_1107] {strides = array<i32>} : memref<80xf32, #tpu.memory_space<vmem>>, vector<16xf32>,
      %swap3A_1109 = vector.shape_cast %swap3A_1108 : vector<16xf32> to vector<16xf32>
      %swap3A_1110 = vector.shape_cast %select_n3A_1106 : vector<16xf32> to vector<16xf32>
      tpu.vector_store %arg16[%swap3A_1107], %swap3A_1110 {strides = array<i32>} : memref<80xf32, #tpu.memory_space<vmem>>, vector<16xf32>,
      %dma_start3A_1111 = arith.constant 0 : i32
      %dma_start3A_1112 = tpu.memref_slice %arg13[%add3A_1024, %dma_start3A_1111] : memref<64x80xi32, #tpu.memory_space<vmem>> -> memref<1x80xi32, #tpu.memory_space<vmem>>
      %dma_start3A_1113 = tpu.memref_squeeze %dma_start3A_1112 : memref<1x80xi32, #tpu.memory_space<vmem>> -> memref<80xi32, #tpu.memory_space<vmem>>
      %dma_start3A_1114 = arith.constant 0 : i32
      %dma_start3A_1115 = arith.constant 0 : i32
      %dma_start3A_1116 = tpu.memref_slice %arg10[%dma_start3A_1114, %dma_start3A_1115] : memref<10000x128xf32, #tpu.memory_space<vmem_shared>> -> memref<10000x128xf32, #tpu.memory_space<vmem_shared>>
      tpu.enqueue_indirect_dma source(%arg14 : memref<80x128xf32, #tpu.memory_space<vmem>>) target(%dma_start3A_1116 : memref<10000x128xf32, #tpu.memory_space<vmem_shared>>) offsets(%dma_start3A_1113 : memref<80xi32, #tpu.memory_space<vmem>>) semaphore(%arg22 : memref<!tpu.dma_semaphore, #tpu.memory_space<semaphore_mem>>) {add = true}
      %dma_start3A_1117 = arith.constant 0 : i32
      %dma_start3A_1118 = tpu.memref_slice %arg13[%add3A_1024, %dma_start3A_1117] : memref<64x80xi32, #tpu.memory_space<vmem>> -> memref<1x80xi32, #tpu.memory_space<vmem>>
      %dma_start3A_1119 = tpu.memref_squeeze %dma_start3A_1118 : memref<1x80xi32, #tpu.memory_space<vmem>> -> memref<80xi32, #tpu.memory_space<vmem>>
      %dma_start3A_1120 = arith.constant 0 : i32
      %dma_start3A_1121 = tpu.memref_slice %arg11[%dma_start3A_1120] : memref<12048xf32, #tpu.memory_space<vmem_shared>> -> memref<12048xf32, #tpu.memory_space<vmem_shared>>
      tpu.enqueue_indirect_dma source(%arg16 : memref<80xf32, #tpu.memory_space<vmem>>) target(%dma_start3A_1121 : memref<12048xf32, #tpu.memory_space<vmem_shared>>) offsets(%dma_start3A_1119 : memref<80xi32, #tpu.memory_space<vmem>>) semaphore(%arg24 : memref<!tpu.dma_semaphore, #tpu.memory_space<semaphore_mem>>) {add = true}
      %dma_wait3A_1122 = arith.constant 0 : i32
      %dma_wait3A_1123 = tpu.memref_slice %arg13[%add3A_1024, %dma_wait3A_1122] : memref<64x80xi32, #tpu.memory_space<vmem>> -> memref<1x80xi32, #tpu.memory_space<vmem>>
      %dma_wait3A_1124 = tpu.memref_squeeze %dma_wait3A_1123 : memref<1x80xi32, #tpu.memory_space<vmem>> -> memref<80xi32, #tpu.memory_space<vmem>>
      %dma_wait3A_1125 = arith.constant 0 : i32
      %dma_wait3A_1126 = arith.constant 0 : i32
      %dma_wait3A_1127 = tpu.memref_slice %arg10[%dma_wait3A_1125, %dma_wait3A_1126] : memref<10000x128xf32, #tpu.memory_space<vmem_shared>> -> memref<10000x128xf32, #tpu.memory_space<vmem_shared>>
      tpu.wait_indirect_dma semaphore(%arg22 : memref<!tpu.dma_semaphore, #tpu.memory_space<semaphore_mem>>) src(%arg14 : memref<80x128xf32, #tpu.memory_space<vmem>>) dst(%dma_wait3A_1127 : memref<10000x128xf32, #tpu.memory_space<vmem_shared>>)
      %dma_wait3A_1128 = arith.constant 0 : i32
      %dma_wait3A_1129 = tpu.memref_slice %arg13[%add3A_1024, %dma_wait3A_1128] : memref<64x80xi32, #tpu.memory_space<vmem>> -> memref<1x80xi32, #tpu.memory_space<vmem>>
      %dma_wait3A_1130 = tpu.memref_squeeze %dma_wait3A_1129 : memref<1x80xi32, #tpu.memory_space<vmem>> -> memref<80xi32, #tpu.memory_space<vmem>>
      %dma_wait3A_1131 = arith.constant 0 : i32
      %dma_wait3A_1132 = tpu.memref_slice %arg11[%dma_wait3A_1131] : memref<12048xf32, #tpu.memory_space<vmem_shared>> -> memref<12048xf32, #tpu.memory_space<vmem_shared>>
      tpu.wait_indirect_dma semaphore(%arg24 : memref<!tpu.dma_semaphore, #tpu.memory_space<semaphore_mem>>) src(%arg16 : memref<80xf32, #tpu.memory_space<vmem>>) dst(%dma_wait3A_1132 : memref<12048xf32, #tpu.memory_space<vmem_shared>>)
      %mul3A_1133 = arith.constant 2 : i32
      %mul3A_1134 = arith.muli %scan3A_1020, %mul3A_1133 : i32
      %add3A_1135 = arith.constant 1 : i32
      %add3A_1136 = arith.addi %mul3A_1134, %add3A_1135 : i32
      %dma_wait3A_1137 = arith.constant 0 : i32
      %dma_wait3A_1138 = tpu.memref_slice %arg12[%add3A_1136, %dma_wait3A_1137] : memref<64x80xi32, #tpu.memory_space<vmem>> -> memref<1x80xi32, #tpu.memory_space<vmem>>
      %dma_wait3A_1139 = tpu.memref_squeeze %dma_wait3A_1138 : memref<1x80xi32, #tpu.memory_space<vmem>> -> memref<80xi32, #tpu.memory_space<vmem>>
      %dma_wait3A_1140 = arith.constant 0 : i32
      %dma_wait3A_1141 = arith.constant 0 : i32
      %dma_wait3A_1142 = tpu.memref_slice %arg2[%dma_wait3A_1140, %dma_wait3A_1141] : memref<12048x128xf32, #tpu.memory_space<hbm>> -> memref<12048x128xf32, #tpu.memory_space<hbm>>
      tpu.wait_indirect_dma semaphore(%arg19 : memref<!tpu.dma_semaphore, #tpu.memory_space<semaphore_mem>>) src(%dma_wait3A_1142 : memref<12048x128xf32, #tpu.memory_space<hbm>>) dst(%arg15 : memref<80x128xf32, #tpu.memory_space<vmem>>)
      %get3A_1143 = arith.index_cast %add3A_1136 : i32 to index
      %get3A_1144 = arith.constant 0 : index
      %get3A_1145 = tpu.vector_load %arg12[%get3A_1143, %get3A_1144] {strides = array<i32>} : memref<64x80xi32, #tpu.memory_space<vmem>>, vector<1x16xi32>,
      %get3A_1146 = vector.shape_cast %get3A_1145 : vector<1x16xi32> to vector<16xi32>
      %lt3A_1147 = arith.constant 10000 : i32
      %lt3A_1148 = vector.broadcast %lt3A_1147 : i32 to vector<16xi32>
      %lt3A_1149 = arith.cmpi slt, %get3A_1146, %lt3A_1148 : vector<16xi32>
      %jit3A_1150 = arith.constant 1.000000e+00 : f32
      %jit3A_1151 = arith.constant 0.000000e+00 : f32
      %broadcast_in_dim3A_1152 = vector.broadcast %jit3A_1150 : f32 to vector<16xf32>
      %broadcast_in_dim3A_1153 = vector.broadcast %jit3A_1151 : f32 to vector<16xf32>
      %select_n3A_1154 = arith.select %lt3A_1149, %broadcast_in_dim3A_1152, %broadcast_in_dim3A_1153 : vector<16xi1>, vector<16xf32>
      %swap3A_1155 = arith.constant 0 : index
      %swap3A_1156 = tpu.vector_load %arg17[%swap3A_1155] {strides = array<i32>} : memref<80xf32, #tpu.memory_space<vmem>>, vector<16xf32>,
      %swap3A_1157 = vector.shape_cast %swap3A_1156 : vector<16xf32> to vector<16xf32>
      %swap3A_1158 = vector.shape_cast %select_n3A_1154 : vector<16xf32> to vector<16xf32>
      tpu.vector_store %arg17[%swap3A_1155], %swap3A_1158 {strides = array<i32>} : memref<80xf32, #tpu.memory_space<vmem>>, vector<16xf32>,
      %get3A_1159 = arith.index_cast %add3A_1136 : i32 to index
      %get3A_1160 = arith.constant 16 : index
      %get3A_1161 = tpu.vector_load %arg12[%get3A_1159, %get3A_1160] {strides = array<i32>} : memref<64x80xi32, #tpu.memory_space<vmem>>, vector<1x16xi32>,
      %get3A_1162 = vector.shape_cast %get3A_1161 : vector<1x16xi32> to vector<16xi32>
      %lt3A_1163 = arith.constant 10000 : i32
      %lt3A_1164 = vector.broadcast %lt3A_1163 : i32 to vector<16xi32>
      %lt3A_1165 = arith.cmpi slt, %get3A_1162, %lt3A_1164 : vector<16xi32>
      %jit3A_1166 = arith.constant 1.000000e+00 : f32
      %jit3A_1167 = arith.constant 0.000000e+00 : f32
      %broadcast_in_dim3A_1168 = vector.broadcast %jit3A_1166 : f32 to vector<16xf32>
      %broadcast_in_dim3A_1169 = vector.broadcast %jit3A_1167 : f32 to vector<16xf32>
      %select_n3A_1170 = arith.select %lt3A_1165, %broadcast_in_dim3A_1168, %broadcast_in_dim3A_1169 : vector<16xi1>, vector<16xf32>
      %swap3A_1171 = arith.constant 16 : index
      %swap3A_1172 = tpu.vector_load %arg17[%swap3A_1171] {strides = array<i32>} : memref<80xf32, #tpu.memory_space<vmem>>, vector<16xf32>,
      %swap3A_1173 = vector.shape_cast %swap3A_1172 : vector<16xf32> to vector<16xf32>
      %swap3A_1174 = vector.shape_cast %select_n3A_1170 : vector<16xf32> to vector<16xf32>
      tpu.vector_store %arg17[%swap3A_1171], %swap3A_1174 {strides = array<i32>} : memref<80xf32, #tpu.memory_space<vmem>>, vector<16xf32>,
      %get3A_1175 = arith.index_cast %add3A_1136 : i32 to index
      %get3A_1176 = arith.constant 32 : index
      %get3A_1177 = tpu.vector_load %arg12[%get3A_1175, %get3A_1176] {strides = array<i32>} : memref<64x80xi32, #tpu.memory_space<vmem>>, vector<1x16xi32>,
      %get3A_1178 = vector.shape_cast %get3A_1177 : vector<1x16xi32> to vector<16xi32>
      %lt3A_1179 = arith.constant 10000 : i32
      %lt3A_1180 = vector.broadcast %lt3A_1179 : i32 to vector<16xi32>
      %lt3A_1181 = arith.cmpi slt, %get3A_1178, %lt3A_1180 : vector<16xi32>
      %jit3A_1182 = arith.constant 1.000000e+00 : f32
      %jit3A_1183 = arith.constant 0.000000e+00 : f32
      %broadcast_in_dim3A_1184 = vector.broadcast %jit3A_1182 : f32 to vector<16xf32>
      %broadcast_in_dim3A_1185 = vector.broadcast %jit3A_1183 : f32 to vector<16xf32>
      %select_n3A_1186 = arith.select %lt3A_1181, %broadcast_in_dim3A_1184, %broadcast_in_dim3A_1185 : vector<16xi1>, vector<16xf32>
      %swap3A_1187 = arith.constant 32 : index
      %swap3A_1188 = tpu.vector_load %arg17[%swap3A_1187] {strides = array<i32>} : memref<80xf32, #tpu.memory_space<vmem>>, vector<16xf32>,
      %swap3A_1189 = vector.shape_cast %swap3A_1188 : vector<16xf32> to vector<16xf32>
      %swap3A_1190 = vector.shape_cast %select_n3A_1186 : vector<16xf32> to vector<16xf32>
      tpu.vector_store %arg17[%swap3A_1187], %swap3A_1190 {strides = array<i32>} : memref<80xf32, #tpu.memory_space<vmem>>, vector<16xf32>,
      %get3A_1191 = arith.index_cast %add3A_1136 : i32 to index
      %get3A_1192 = arith.constant 48 : index
      %get3A_1193 = tpu.vector_load %arg12[%get3A_1191, %get3A_1192] {strides = array<i32>} : memref<64x80xi32, #tpu.memory_space<vmem>>, vector<1x16xi32>,
      %get3A_1194 = vector.shape_cast %get3A_1193 : vector<1x16xi32> to vector<16xi32>
      %lt3A_1195 = arith.constant 10000 : i32
      %lt3A_1196 = vector.broadcast %lt3A_1195 : i32 to vector<16xi32>
      %lt3A_1197 = arith.cmpi slt, %get3A_1194, %lt3A_1196 : vector<16xi32>
      %jit3A_1198 = arith.constant 1.000000e+00 : f32
      %jit3A_1199 = arith.constant 0.000000e+00 : f32
      %broadcast_in_dim3A_1200 = vector.broadcast %jit3A_1198 : f32 to vector<16xf32>
      %broadcast_in_dim3A_1201 = vector.broadcast %jit3A_1199 : f32 to vector<16xf32>
      %select_n3A_1202 = arith.select %lt3A_1197, %broadcast_in_dim3A_1200, %broadcast_in_dim3A_1201 : vector<16xi1>, vector<16xf32>
      %swap3A_1203 = arith.constant 48 : index
      %swap3A_1204 = tpu.vector_load %arg17[%swap3A_1203] {strides = array<i32>} : memref<80xf32, #tpu.memory_space<vmem>>, vector<16xf32>,
      %swap3A_1205 = vector.shape_cast %swap3A_1204 : vector<16xf32> to vector<16xf32>
      %swap3A_1206 = vector.shape_cast %select_n3A_1202 : vector<16xf32> to vector<16xf32>
      tpu.vector_store %arg17[%swap3A_1203], %swap3A_1206 {strides = array<i32>} : memref<80xf32, #tpu.memory_space<vmem>>, vector<16xf32>,
      %get3A_1207 = arith.index_cast %add3A_1136 : i32 to index
      %get3A_1208 = arith.constant 64 : index
      %get3A_1209 = tpu.vector_load %arg12[%get3A_1207, %get3A_1208] {strides = array<i32>} : memref<64x80xi32, #tpu.memory_space<vmem>>, vector<1x16xi32>,
      %get3A_1210 = vector.shape_cast %get3A_1209 : vector<1x16xi32> to vector<16xi32>
      %lt3A_1211 = arith.constant 10000 : i32
      %lt3A_1212 = vector.broadcast %lt3A_1211 : i32 to vector<16xi32>
      %lt3A_1213 = arith.cmpi slt, %get3A_1210, %lt3A_1212 : vector<16xi32>
      %jit3A_1214 = arith.constant 1.000000e+00 : f32
      %jit3A_1215 = arith.constant 0.000000e+00 : f32
      %broadcast_in_dim3A_1216 = vector.broadcast %jit3A_1214 : f32 to vector<16xf32>
      %broadcast_in_dim3A_1217 = vector.broadcast %jit3A_1215 : f32 to vector<16xf32>
      %select_n3A_1218 = arith.select %lt3A_1213, %broadcast_in_dim3A_1216, %broadcast_in_dim3A_1217 : vector<16xi1>, vector<16xf32>
      %swap3A_1219 = arith.constant 64 : index
      %swap3A_1220 = tpu.vector_load %arg17[%swap3A_1219] {strides = array<i32>} : memref<80xf32, #tpu.memory_space<vmem>>, vector<16xf32>,
      %swap3A_1221 = vector.shape_cast %swap3A_1220 : vector<16xf32> to vector<16xf32>
      %swap3A_1222 = vector.shape_cast %select_n3A_1218 : vector<16xf32> to vector<16xf32>
      tpu.vector_store %arg17[%swap3A_1219], %swap3A_1222 {strides = array<i32>} : memref<80xf32, #tpu.memory_space<vmem>>, vector<16xf32>,
      %dma_start3A_1223 = arith.constant 0 : i32
      %dma_start3A_1224 = tpu.memref_slice %arg13[%add3A_1136, %dma_start3A_1223] : memref<64x80xi32, #tpu.memory_space<vmem>> -> memref<1x80xi32, #tpu.memory_space<vmem>>
      %dma_start3A_1225 = tpu.memref_squeeze %dma_start3A_1224 : memref<1x80xi32, #tpu.memory_space<vmem>> -> memref<80xi32, #tpu.memory_space<vmem>>
      %dma_start3A_1226 = arith.constant 0 : i32
      %dma_start3A_1227 = arith.constant 0 : i32
      %dma_start3A_1228 = tpu.memref_slice %arg10[%dma_start3A_1226, %dma_start3A_1227] : memref<10000x128xf32, #tpu.memory_space<vmem_shared>> -> memref<10000x128xf32, #tpu.memory_space<vmem_shared>>
      tpu.enqueue_indirect_dma source(%arg15 : memref<80x128xf32, #tpu.memory_space<vmem>>) target(%dma_start3A_1228 : memref<10000x128xf32, #tpu.memory_space<vmem_shared>>) offsets(%dma_start3A_1225 : memref<80xi32, #tpu.memory_space<vmem>>) semaphore(%arg23 : memref<!tpu.dma_semaphore, #tpu.memory_space<semaphore_mem>>) {add = true}
      %dma_start3A_1229 = arith.constant 0 : i32
      %dma_start3A_1230 = tpu.memref_slice %arg13[%add3A_1136, %dma_start3A_1229] : memref<64x80xi32, #tpu.memory_space<vmem>> -> memref<1x80xi32, #tpu.memory_space<vmem>>
      %dma_start3A_1231 = tpu.memref_squeeze %dma_start3A_1230 : memref<1x80xi32, #tpu.memory_space<vmem>> -> memref<80xi32, #tpu.memory_space<vmem>>
      %dma_start3A_1232 = arith.constant 0 : i32
      %dma_start3A_1233 = tpu.memref_slice %arg11[%dma_start3A_1232] : memref<12048xf32, #tpu.memory_space<vmem_shared>> -> memref<12048xf32, #tpu.memory_space<vmem_shared>>
      tpu.enqueue_indirect_dma source(%arg17 : memref<80xf32, #tpu.memory_space<vmem>>) target(%dma_start3A_1233 : memref<12048xf32, #tpu.memory_space<vmem_shared>>) offsets(%dma_start3A_1231 : memref<80xi32, #tpu.memory_space<vmem>>) semaphore(%arg25 : memref<!tpu.dma_semaphore, #tpu.memory_space<semaphore_mem>>) {add = true}
      %dma_wait3A_1234 = arith.constant 0 : i32
      %dma_wait3A_1235 = tpu.memref_slice %arg13[%add3A_1136, %dma_wait3A_1234] : memref<64x80xi32, #tpu.memory_space<vmem>> -> memref<1x80xi32, #tpu.memory_space<vmem>>
      %dma_wait3A_1236 = tpu.memref_squeeze %dma_wait3A_1235 : memref<1x80xi32, #tpu.memory_space<vmem>> -> memref<80xi32, #tpu.memory_space<vmem>>
      %dma_wait3A_1237 = arith.constant 0 : i32
      %dma_wait3A_1238 = arith.constant 0 : i32
      %dma_wait3A_1239 = tpu.memref_slice %arg10[%dma_wait3A_1237, %dma_wait3A_1238] : memref<10000x128xf32, #tpu.memory_space<vmem_shared>> -> memref<10000x128xf32, #tpu.memory_space<vmem_shared>>
      tpu.wait_indirect_dma semaphore(%arg23 : memref<!tpu.dma_semaphore, #tpu.memory_space<semaphore_mem>>) src(%arg15 : memref<80x128xf32, #tpu.memory_space<vmem>>) dst(%dma_wait3A_1239 : memref<10000x128xf32, #tpu.memory_space<vmem_shared>>)
      %dma_wait3A_1240 = arith.constant 0 : i32
      %dma_wait3A_1241 = tpu.memref_slice %arg13[%add3A_1136, %dma_wait3A_1240] : memref<64x80xi32, #tpu.memory_space<vmem>> -> memref<1x80xi32, #tpu.memory_space<vmem>>
      %dma_wait3A_1242 = tpu.memref_squeeze %dma_wait3A_1241 : memref<1x80xi32, #tpu.memory_space<vmem>> -> memref<80xi32, #tpu.memory_space<vmem>>
      %dma_wait3A_1243 = arith.constant 0 : i32
      %dma_wait3A_1244 = tpu.memref_slice %arg11[%dma_wait3A_1243] : memref<12048xf32, #tpu.memory_space<vmem_shared>> -> memref<12048xf32, #tpu.memory_space<vmem_shared>>
      tpu.wait_indirect_dma semaphore(%arg25 : memref<!tpu.dma_semaphore, #tpu.memory_space<semaphore_mem>>) src(%arg17 : memref<80xf32, #tpu.memory_space<vmem>>) dst(%dma_wait3A_1244 : memref<12048xf32, #tpu.memory_space<vmem_shared>>)
      %add3A_1245 = arith.constant 1 : i32
      %add3A_1246 = arith.addi %scan3A_1020, %add3A_1245 : i32
      %mul3A_1247 = arith.constant 2 : i32
      %mul3A_1248 = arith.muli %add3A_1246, %mul3A_1247 : i32
      %add3A_1249 = arith.constant 0 : i32
      %add3A_1250 = arith.addi %mul3A_1248, %add3A_1249 : i32
      %dma_start3A_1251 = arith.constant 0 : i32
      %dma_start3A_1252 = tpu.memref_slice %arg12[%add3A_1250, %dma_start3A_1251] : memref<64x80xi32, #tpu.memory_space<vmem>> -> memref<1x80xi32, #tpu.memory_space<vmem>>
      %dma_start3A_1253 = tpu.memref_squeeze %dma_start3A_1252 : memref<1x80xi32, #tpu.memory_space<vmem>> -> memref<80xi32, #tpu.memory_space<vmem>>
      %dma_start3A_1254 = arith.constant 0 : i32
      %dma_start3A_1255 = arith.constant 0 : i32
      %dma_start3A_1256 = tpu.memref_slice %arg2[%dma_start3A_1254, %dma_start3A_1255] : memref<12048x128xf32, #tpu.memory_space<hbm>> -> memref<12048x128xf32, #tpu.memory_space<hbm>>
      tpu.enqueue_indirect_dma source(%dma_start3A_1256 : memref<12048x128xf32, #tpu.memory_space<hbm>>) target(%arg14 : memref<80x128xf32, #tpu.memory_space<vmem>>) offsets(%dma_start3A_1253 : memref<80xi32, #tpu.memory_space<vmem>>) semaphore(%arg18 : memref<!tpu.dma_semaphore, #tpu.memory_space<semaphore_mem>>)
      %add3A_1257 = arith.constant 1 : i32
      %add3A_1258 = arith.addi %scan3A_1020, %add3A_1257 : i32
      %mul3A_1259 = arith.constant 2 : i32
      %mul3A_1260 = arith.muli %add3A_1258, %mul3A_1259 : i32
      %add3A_1261 = arith.constant 1 : i32
      %add3A_1262 = arith.addi %mul3A_1260, %add3A_1261 : i32
      %dma_start3A_1263 = arith.constant 0 : i32
      %dma_start3A_1264 = tpu.memref_slice %arg12[%add3A_1262, %dma_start3A_1263] : memref<64x80xi32, #tpu.memory_space<vmem>> -> memref<1x80xi32, #tpu.memory_space<vmem>>
      %dma_start3A_1265 = tpu.memref_squeeze %dma_start3A_1264 : memref<1x80xi32, #tpu.memory_space<vmem>> -> memref<80xi32, #tpu.memory_space<vmem>>
      %dma_start3A_1266 = arith.constant 0 : i32
      %dma_start3A_1267 = arith.constant 0 : i32
      %dma_start3A_1268 = tpu.memref_slice %arg2[%dma_start3A_1266, %dma_start3A_1267] : memref<12048x128xf32, #tpu.memory_space<hbm>> -> memref<12048x128xf32, #tpu.memory_space<hbm>>
      tpu.enqueue_indirect_dma source(%dma_start3A_1268 : memref<12048x128xf32, #tpu.memory_space<hbm>>) target(%arg15 : memref<80x128xf32, #tpu.memory_space<vmem>>) offsets(%dma_start3A_1265 : memref<80xi32, #tpu.memory_space<vmem>>) semaphore(%arg19 : memref<!tpu.dma_semaphore, #tpu.memory_space<semaphore_mem>>)
    }
    %scan3A_773 = arith.constant 30 : i32
    %dma_wait3A_774 = arith.constant 62 : i32
    %dma_wait3A_775 = arith.constant 0 : i32
    %dma_wait3A_776 = tpu.memref_slice %arg12[%dma_wait3A_774, %dma_wait3A_775] : memref<64x80xi32, #tpu.memory_space<vmem>> -> memref<1x80xi32, #tpu.memory_space<vmem>>
    %dma_wait3A_777 = tpu.memref_squeeze %dma_wait3A_776 : memref<1x80xi32, #tpu.memory_space<vmem>> -> memref<80xi32, #tpu.memory_space<vmem>>
    %dma_wait3A_778 = arith.constant 0 : i32
    %dma_wait3A_779 = arith.constant 0 : i32
    %dma_wait3A_780 = tpu.memref_slice %arg2[%dma_wait3A_778, %dma_wait3A_779] : memref<12048x128xf32, #tpu.memory_space<hbm>> -> memref<12048x128xf32, #tpu.memory_space<hbm>>
    tpu.wait_indirect_dma semaphore(%arg18 : memref<!tpu.dma_semaphore, #tpu.memory_space<semaphore_mem>>) src(%dma_wait3A_780 : memref<12048x128xf32, #tpu.memory_space<hbm>>) dst(%arg14 : memref<80x128xf32, #tpu.memory_space<vmem>>)
    %get3A_781 = arith.constant 62 : i32
    %get3A_782 = arith.index_cast %get3A_781 : i32 to index
    %get3A_783 = arith.constant 0 : index
    %get3A_784 = tpu.vector_load %arg12[%get3A_782, %get3A_783] {strides = array<i32>} : memref<64x80xi32, #tpu.memory_space<vmem>>, vector<1x16xi32>,
    %get3A_785 = vector.shape_cast %get3A_784 : vector<1x16xi32> to vector<16xi32>
    %lt3A_786 = arith.constant 10000 : i32
    %lt3A_787 = vector.broadcast %lt3A_786 : i32 to vector<16xi32>
    %lt3A_788 = arith.cmpi slt, %get3A_785, %lt3A_787 : vector<16xi32>
    %jit3A_789 = arith.constant 1.000000e+00 : f32
    %jit3A_790 = arith.constant 0.000000e+00 : f32
    %broadcast_in_dim3A_791 = vector.broadcast %jit3A_789 : f32 to vector<16xf32>
    %broadcast_in_dim3A_792 = vector.broadcast %jit3A_790 : f32 to vector<16xf32>
    %select_n3A_793 = arith.select %lt3A_788, %broadcast_in_dim3A_791, %broadcast_in_dim3A_792 : vector<16xi1>, vector<16xf32>
    %swap3A_794 = arith.constant 0 : index
    %swap3A_795 = tpu.vector_load %arg16[%swap3A_794] {strides = array<i32>} : memref<80xf32, #tpu.memory_space<vmem>>, vector<16xf32>,
    %swap3A_796 = vector.shape_cast %swap3A_795 : vector<16xf32> to vector<16xf32>
    %swap3A_797 = vector.shape_cast %select_n3A_793 : vector<16xf32> to vector<16xf32>
    tpu.vector_store %arg16[%swap3A_794], %swap3A_797 {strides = array<i32>} : memref<80xf32, #tpu.memory_space<vmem>>, vector<16xf32>,
    %get3A_798 = arith.constant 62 : i32
    %get3A_799 = arith.index_cast %get3A_798 : i32 to index
    %get3A_800 = arith.constant 16 : index
    %get3A_801 = tpu.vector_load %arg12[%get3A_799, %get3A_800] {strides = array<i32>} : memref<64x80xi32, #tpu.memory_space<vmem>>, vector<1x16xi32>,
    %get3A_802 = vector.shape_cast %get3A_801 : vector<1x16xi32> to vector<16xi32>
    %lt3A_803 = arith.constant 10000 : i32
    %lt3A_804 = vector.broadcast %lt3A_803 : i32 to vector<16xi32>
    %lt3A_805 = arith.cmpi slt, %get3A_802, %lt3A_804 : vector<16xi32>
    %jit3A_806 = arith.constant 1.000000e+00 : f32
    %jit3A_807 = arith.constant 0.000000e+00 : f32
    %broadcast_in_dim3A_808 = vector.broadcast %jit3A_806 : f32 to vector<16xf32>
    %broadcast_in_dim3A_809 = vector.broadcast %jit3A_807 : f32 to vector<16xf32>
    %select_n3A_810 = arith.select %lt3A_805, %broadcast_in_dim3A_808, %broadcast_in_dim3A_809 : vector<16xi1>, vector<16xf32>
    %swap3A_811 = arith.constant 16 : index
    %swap3A_812 = tpu.vector_load %arg16[%swap3A_811] {strides = array<i32>} : memref<80xf32, #tpu.memory_space<vmem>>, vector<16xf32>,
    %swap3A_813 = vector.shape_cast %swap3A_812 : vector<16xf32> to vector<16xf32>
    %swap3A_814 = vector.shape_cast %select_n3A_810 : vector<16xf32> to vector<16xf32>
    tpu.vector_store %arg16[%swap3A_811], %swap3A_814 {strides = array<i32>} : memref<80xf32, #tpu.memory_space<vmem>>, vector<16xf32>,
    %get3A_815 = arith.constant 62 : i32
    %get3A_816 = arith.index_cast %get3A_815 : i32 to index
    %get3A_817 = arith.constant 32 : index
    %get3A_818 = tpu.vector_load %arg12[%get3A_816, %get3A_817] {strides = array<i32>} : memref<64x80xi32, #tpu.memory_space<vmem>>, vector<1x16xi32>,
    %get3A_819 = vector.shape_cast %get3A_818 : vector<1x16xi32> to vector<16xi32>
    %lt3A_820 = arith.constant 10000 : i32
    %lt3A_821 = vector.broadcast %lt3A_820 : i32 to vector<16xi32>
    %lt3A_822 = arith.cmpi slt, %get3A_819, %lt3A_821 : vector<16xi32>
    %jit3A_823 = arith.constant 1.000000e+00 : f32
    %jit3A_824 = arith.constant 0.000000e+00 : f32
    %broadcast_in_dim3A_825 = vector.broadcast %jit3A_823 : f32 to vector<16xf32>
    %broadcast_in_dim3A_826 = vector.broadcast %jit3A_824 : f32 to vector<16xf32>
    %select_n3A_827 = arith.select %lt3A_822, %broadcast_in_dim3A_825, %broadcast_in_dim3A_826 : vector<16xi1>, vector<16xf32>
    %swap3A_828 = arith.constant 32 : index
    %swap3A_829 = tpu.vector_load %arg16[%swap3A_828] {strides = array<i32>} : memref<80xf32, #tpu.memory_space<vmem>>, vector<16xf32>,
    %swap3A_830 = vector.shape_cast %swap3A_829 : vector<16xf32> to vector<16xf32>
    %swap3A_831 = vector.shape_cast %select_n3A_827 : vector<16xf32> to vector<16xf32>
    tpu.vector_store %arg16[%swap3A_828], %swap3A_831 {strides = array<i32>} : memref<80xf32, #tpu.memory_space<vmem>>, vector<16xf32>,
    %get3A_832 = arith.constant 62 : i32
    %get3A_833 = arith.index_cast %get3A_832 : i32 to index
    %get3A_834 = arith.constant 48 : index
    %get3A_835 = tpu.vector_load %arg12[%get3A_833, %get3A_834] {strides = array<i32>} : memref<64x80xi32, #tpu.memory_space<vmem>>, vector<1x16xi32>,
    %get3A_836 = vector.shape_cast %get3A_835 : vector<1x16xi32> to vector<16xi32>
    %lt3A_837 = arith.constant 10000 : i32
    %lt3A_838 = vector.broadcast %lt3A_837 : i32 to vector<16xi32>
    %lt3A_839 = arith.cmpi slt, %get3A_836, %lt3A_838 : vector<16xi32>
    %jit3A_840 = arith.constant 1.000000e+00 : f32
    %jit3A_841 = arith.constant 0.000000e+00 : f32
    %broadcast_in_dim3A_842 = vector.broadcast %jit3A_840 : f32 to vector<16xf32>
    %broadcast_in_dim3A_843 = vector.broadcast %jit3A_841 : f32 to vector<16xf32>
    %select_n3A_844 = arith.select %lt3A_839, %broadcast_in_dim3A_842, %broadcast_in_dim3A_843 : vector<16xi1>, vector<16xf32>
    %swap3A_845 = arith.constant 48 : index
    %swap3A_846 = tpu.vector_load %arg16[%swap3A_845] {strides = array<i32>} : memref<80xf32, #tpu.memory_space<vmem>>, vector<16xf32>,
    %swap3A_847 = vector.shape_cast %swap3A_846 : vector<16xf32> to vector<16xf32>
    %swap3A_848 = vector.shape_cast %select_n3A_844 : vector<16xf32> to vector<16xf32>
    tpu.vector_store %arg16[%swap3A_845], %swap3A_848 {strides = array<i32>} : memref<80xf32, #tpu.memory_space<vmem>>, vector<16xf32>,
    %get3A_849 = arith.constant 62 : i32
    %get3A_850 = arith.index_cast %get3A_849 : i32 to index
    %get3A_851 = arith.constant 64 : index
    %get3A_852 = tpu.vector_load %arg12[%get3A_850, %get3A_851] {strides = array<i32>} : memref<64x80xi32, #tpu.memory_space<vmem>>, vector<1x16xi32>,
    %get3A_853 = vector.shape_cast %get3A_852 : vector<1x16xi32> to vector<16xi32>
    %lt3A_854 = arith.constant 10000 : i32
    %lt3A_855 = vector.broadcast %lt3A_854 : i32 to vector<16xi32>
    %lt3A_856 = arith.cmpi slt, %get3A_853, %lt3A_855 : vector<16xi32>
    %jit3A_857 = arith.constant 1.000000e+00 : f32
    %jit3A_858 = arith.constant 0.000000e+00 : f32
    %broadcast_in_dim3A_859 = vector.broadcast %jit3A_857 : f32 to vector<16xf32>
    %broadcast_in_dim3A_860 = vector.broadcast %jit3A_858 : f32 to vector<16xf32>
    %select_n3A_861 = arith.select %lt3A_856, %broadcast_in_dim3A_859, %broadcast_in_dim3A_860 : vector<16xi1>, vector<16xf32>
    %swap3A_862 = arith.constant 64 : index
    %swap3A_863 = tpu.vector_load %arg16[%swap3A_862] {strides = array<i32>} : memref<80xf32, #tpu.memory_space<vmem>>, vector<16xf32>,
    %swap3A_864 = vector.shape_cast %swap3A_863 : vector<16xf32> to vector<16xf32>
    %swap3A_865 = vector.shape_cast %select_n3A_861 : vector<16xf32> to vector<16xf32>
    tpu.vector_store %arg16[%swap3A_862], %swap3A_865 {strides = array<i32>} : memref<80xf32, #tpu.memory_space<vmem>>, vector<16xf32>,
    %dma_start3A_866 = arith.constant 62 : i32
    %dma_start3A_867 = arith.constant 0 : i32
    %dma_start3A_868 = tpu.memref_slice %arg13[%dma_start3A_866, %dma_start3A_867] : memref<64x80xi32, #tpu.memory_space<vmem>> -> memref<1x80xi32, #tpu.memory_space<vmem>>
    %dma_start3A_869 = tpu.memref_squeeze %dma_start3A_868 : memref<1x80xi32, #tpu.memory_space<vmem>> -> memref<80xi32, #tpu.memory_space<vmem>>
    %dma_start3A_870 = arith.constant 0 : i32
    %dma_start3A_871 = arith.constant 0 : i32
    %dma_start3A_872 = tpu.memref_slice %arg10[%dma_start3A_870, %dma_start3A_871] : memref<10000x128xf32, #tpu.memory_space<vmem_shared>> -> memref<10000x128xf32, #tpu.memory_space<vmem_shared>>
    tpu.enqueue_indirect_dma source(%arg14 : memref<80x128xf32, #tpu.memory_space<vmem>>) target(%dma_start3A_872 : memref<10000x128xf32, #tpu.memory_space<vmem_shared>>) offsets(%dma_start3A_869 : memref<80xi32, #tpu.memory_space<vmem>>) semaphore(%arg22 : memref<!tpu.dma_semaphore, #tpu.memory_space<semaphore_mem>>) {add = true}
    %dma_start3A_873 = arith.constant 62 : i32
    %dma_start3A_874 = arith.constant 0 : i32
    %dma_start3A_875 = tpu.memref_slice %arg13[%dma_start3A_873, %dma_start3A_874] : memref<64x80xi32, #tpu.memory_space<vmem>> -> memref<1x80xi32, #tpu.memory_space<vmem>>
    %dma_start3A_876 = tpu.memref_squeeze %dma_start3A_875 : memref<1x80xi32, #tpu.memory_space<vmem>> -> memref<80xi32, #tpu.memory_space<vmem>>
    %dma_start3A_877 = arith.constant 0 : i32
    %dma_start3A_878 = tpu.memref_slice %arg11[%dma_start3A_877] : memref<12048xf32, #tpu.memory_space<vmem_shared>> -> memref<12048xf32, #tpu.memory_space<vmem_shared>>
    tpu.enqueue_indirect_dma source(%arg16 : memref<80xf32, #tpu.memory_space<vmem>>) target(%dma_start3A_878 : memref<12048xf32, #tpu.memory_space<vmem_shared>>) offsets(%dma_start3A_876 : memref<80xi32, #tpu.memory_space<vmem>>) semaphore(%arg24 : memref<!tpu.dma_semaphore, #tpu.memory_space<semaphore_mem>>) {add = true}
    %dma_wait3A_879 = arith.constant 62 : i32
    %dma_wait3A_880 = arith.constant 0 : i32
    %dma_wait3A_881 = tpu.memref_slice %arg13[%dma_wait3A_879, %dma_wait3A_880] : memref<64x80xi32, #tpu.memory_space<vmem>> -> memref<1x80xi32, #tpu.memory_space<vmem>>
    %dma_wait3A_882 = tpu.memref_squeeze %dma_wait3A_881 : memref<1x80xi32, #tpu.memory_space<vmem>> -> memref<80xi32, #tpu.memory_space<vmem>>
    %dma_wait3A_883 = arith.constant 0 : i32
    %dma_wait3A_884 = arith.constant 0 : i32
    %dma_wait3A_885 = tpu.memref_slice %arg10[%dma_wait3A_883, %dma_wait3A_884] : memref<10000x128xf32, #tpu.memory_space<vmem_shared>> -> memref<10000x128xf32, #tpu.memory_space<vmem_shared>>
    tpu.wait_indirect_dma semaphore(%arg22 : memref<!tpu.dma_semaphore, #tpu.memory_space<semaphore_mem>>) src(%arg14 : memref<80x128xf32, #tpu.memory_space<vmem>>) dst(%dma_wait3A_885 : memref<10000x128xf32, #tpu.memory_space<vmem_shared>>)
    %dma_wait3A_886 = arith.constant 62 : i32
    %dma_wait3A_887 = arith.constant 0 : i32
    %dma_wait3A_888 = tpu.memref_slice %arg13[%dma_wait3A_886, %dma_wait3A_887] : memref<64x80xi32, #tpu.memory_space<vmem>> -> memref<1x80xi32, #tpu.memory_space<vmem>>
    %dma_wait3A_889 = tpu.memref_squeeze %dma_wait3A_888 : memref<1x80xi32, #tpu.memory_space<vmem>> -> memref<80xi32, #tpu.memory_space<vmem>>
    %dma_wait3A_890 = arith.constant 0 : i32
    %dma_wait3A_891 = tpu.memref_slice %arg11[%dma_wait3A_890] : memref<12048xf32, #tpu.memory_space<vmem_shared>> -> memref<12048xf32, #tpu.memory_space<vmem_shared>>
    tpu.wait_indirect_dma semaphore(%arg24 : memref<!tpu.dma_semaphore, #tpu.memory_space<semaphore_mem>>) src(%arg16 : memref<80xf32, #tpu.memory_space<vmem>>) dst(%dma_wait3A_891 : memref<12048xf32, #tpu.memory_space<vmem_shared>>)
    %dma_wait3A_892 = arith.constant 63 : i32
    %dma_wait3A_893 = arith.constant 0 : i32
    %dma_wait3A_894 = tpu.memref_slice %arg12[%dma_wait3A_892, %dma_wait3A_893] : memref<64x80xi32, #tpu.memory_space<vmem>> -> memref<1x80xi32, #tpu.memory_space<vmem>>
    %dma_wait3A_895 = tpu.memref_squeeze %dma_wait3A_894 : memref<1x80xi32, #tpu.memory_space<vmem>> -> memref<80xi32, #tpu.memory_space<vmem>>
    %dma_wait3A_896 = arith.constant 0 : i32
    %dma_wait3A_897 = arith.constant 0 : i32
    %dma_wait3A_898 = tpu.memref_slice %arg2[%dma_wait3A_896, %dma_wait3A_897] : memref<12048x128xf32, #tpu.memory_space<hbm>> -> memref<12048x128xf32, #tpu.memory_space<hbm>>
    tpu.wait_indirect_dma semaphore(%arg19 : memref<!tpu.dma_semaphore, #tpu.memory_space<semaphore_mem>>) src(%dma_wait3A_898 : memref<12048x128xf32, #tpu.memory_space<hbm>>) dst(%arg15 : memref<80x128xf32, #tpu.memory_space<vmem>>)
    %get3A_899 = arith.constant 63 : i32
    %get3A_900 = arith.index_cast %get3A_899 : i32 to index
    %get3A_901 = arith.constant 0 : index
    %get3A_902 = tpu.vector_load %arg12[%get3A_900, %get3A_901] {strides = array<i32>} : memref<64x80xi32, #tpu.memory_space<vmem>>, vector<1x16xi32>,
    %get3A_903 = vector.shape_cast %get3A_902 : vector<1x16xi32> to vector<16xi32>
    %lt3A_904 = arith.constant 10000 : i32
    %lt3A_905 = vector.broadcast %lt3A_904 : i32 to vector<16xi32>
    %lt3A_906 = arith.cmpi slt, %get3A_903, %lt3A_905 : vector<16xi32>
    %jit3A_907 = arith.constant 1.000000e+00 : f32
    %jit3A_908 = arith.constant 0.000000e+00 : f32
    %broadcast_in_dim3A_909 = vector.broadcast %jit3A_907 : f32 to vector<16xf32>
    %broadcast_in_dim3A_910 = vector.broadcast %jit3A_908 : f32 to vector<16xf32>
    %select_n3A_911 = arith.select %lt3A_906, %broadcast_in_dim3A_909, %broadcast_in_dim3A_910 : vector<16xi1>, vector<16xf32>
    %swap3A_912 = arith.constant 0 : index
    %swap3A_913 = tpu.vector_load %arg17[%swap3A_912] {strides = array<i32>} : memref<80xf32, #tpu.memory_space<vmem>>, vector<16xf32>,
    %swap3A_914 = vector.shape_cast %swap3A_913 : vector<16xf32> to vector<16xf32>
    %swap3A_915 = vector.shape_cast %select_n3A_911 : vector<16xf32> to vector<16xf32>
    tpu.vector_store %arg17[%swap3A_912], %swap3A_915 {strides = array<i32>} : memref<80xf32, #tpu.memory_space<vmem>>, vector<16xf32>,
    %get3A_916 = arith.constant 63 : i32
    %get3A_917 = arith.index_cast %get3A_916 : i32 to index
    %get3A_918 = arith.constant 16 : index
    %get3A_919 = tpu.vector_load %arg12[%get3A_917, %get3A_918] {strides = array<i32>} : memref<64x80xi32, #tpu.memory_space<vmem>>, vector<1x16xi32>,
    %get3A_920 = vector.shape_cast %get3A_919 : vector<1x16xi32> to vector<16xi32>
    %lt3A_921 = arith.constant 10000 : i32
    %lt3A_922 = vector.broadcast %lt3A_921 : i32 to vector<16xi32>
    %lt3A_923 = arith.cmpi slt, %get3A_920, %lt3A_922 : vector<16xi32>
    %jit3A_924 = arith.constant 1.000000e+00 : f32
    %jit3A_925 = arith.constant 0.000000e+00 : f32
    %broadcast_in_dim3A_926 = vector.broadcast %jit3A_924 : f32 to vector<16xf32>
    %broadcast_in_dim3A_927 = vector.broadcast %jit3A_925 : f32 to vector<16xf32>
    %select_n3A_928 = arith.select %lt3A_923, %broadcast_in_dim3A_926, %broadcast_in_dim3A_927 : vector<16xi1>, vector<16xf32>
    %swap3A_929 = arith.constant 16 : index
    %swap3A_930 = tpu.vector_load %arg17[%swap3A_929] {strides = array<i32>} : memref<80xf32, #tpu.memory_space<vmem>>, vector<16xf32>,
    %swap3A_931 = vector.shape_cast %swap3A_930 : vector<16xf32> to vector<16xf32>
    %swap3A_932 = vector.shape_cast %select_n3A_928 : vector<16xf32> to vector<16xf32>
    tpu.vector_store %arg17[%swap3A_929], %swap3A_932 {strides = array<i32>} : memref<80xf32, #tpu.memory_space<vmem>>, vector<16xf32>,
    %get3A_933 = arith.constant 63 : i32
    %get3A_934 = arith.index_cast %get3A_933 : i32 to index
    %get3A_935 = arith.constant 32 : index
    %get3A_936 = tpu.vector_load %arg12[%get3A_934, %get3A_935] {strides = array<i32>} : memref<64x80xi32, #tpu.memory_space<vmem>>, vector<1x16xi32>,
    %get3A_937 = vector.shape_cast %get3A_936 : vector<1x16xi32> to vector<16xi32>
    %lt3A_938 = arith.constant 10000 : i32
    %lt3A_939 = vector.broadcast %lt3A_938 : i32 to vector<16xi32>
    %lt3A_940 = arith.cmpi slt, %get3A_937, %lt3A_939 : vector<16xi32>
    %jit3A_941 = arith.constant 1.000000e+00 : f32
    %jit3A_942 = arith.constant 0.000000e+00 : f32
    %broadcast_in_dim3A_943 = vector.broadcast %jit3A_941 : f32 to vector<16xf32>
    %broadcast_in_dim3A_944 = vector.broadcast %jit3A_942 : f32 to vector<16xf32>
    %select_n3A_945 = arith.select %lt3A_940, %broadcast_in_dim3A_943, %broadcast_in_dim3A_944 : vector<16xi1>, vector<16xf32>
    %swap3A_946 = arith.constant 32 : index
    %swap3A_947 = tpu.vector_load %arg17[%swap3A_946] {strides = array<i32>} : memref<80xf32, #tpu.memory_space<vmem>>, vector<16xf32>,
    %swap3A_948 = vector.shape_cast %swap3A_947 : vector<16xf32> to vector<16xf32>
    %swap3A_949 = vector.shape_cast %select_n3A_945 : vector<16xf32> to vector<16xf32>
    tpu.vector_store %arg17[%swap3A_946], %swap3A_949 {strides = array<i32>} : memref<80xf32, #tpu.memory_space<vmem>>, vector<16xf32>,
    %get3A_950 = arith.constant 63 : i32
    %get3A_951 = arith.index_cast %get3A_950 : i32 to index
    %get3A_952 = arith.constant 48 : index
    %get3A_953 = tpu.vector_load %arg12[%get3A_951, %get3A_952] {strides = array<i32>} : memref<64x80xi32, #tpu.memory_space<vmem>>, vector<1x16xi32>,
    %get3A_954 = vector.shape_cast %get3A_953 : vector<1x16xi32> to vector<16xi32>
    %lt3A_955 = arith.constant 10000 : i32
    %lt3A_956 = vector.broadcast %lt3A_955 : i32 to vector<16xi32>
    %lt3A_957 = arith.cmpi slt, %get3A_954, %lt3A_956 : vector<16xi32>
    %jit3A_958 = arith.constant 1.000000e+00 : f32
    %jit3A_959 = arith.constant 0.000000e+00 : f32
    %broadcast_in_dim3A_960 = vector.broadcast %jit3A_958 : f32 to vector<16xf32>
    %broadcast_in_dim3A_961 = vector.broadcast %jit3A_959 : f32 to vector<16xf32>
    %select_n3A_962 = arith.select %lt3A_957, %broadcast_in_dim3A_960, %broadcast_in_dim3A_961 : vector<16xi1>, vector<16xf32>
    %swap3A_963 = arith.constant 48 : index
    %swap3A_964 = tpu.vector_load %arg17[%swap3A_963] {strides = array<i32>} : memref<80xf32, #tpu.memory_space<vmem>>, vector<16xf32>,
    %swap3A_965 = vector.shape_cast %swap3A_964 : vector<16xf32> to vector<16xf32>
    %swap3A_966 = vector.shape_cast %select_n3A_962 : vector<16xf32> to vector<16xf32>
    tpu.vector_store %arg17[%swap3A_963], %swap3A_966 {strides = array<i32>} : memref<80xf32, #tpu.memory_space<vmem>>, vector<16xf32>,
    %get3A_967 = arith.constant 63 : i32
    %get3A_968 = arith.index_cast %get3A_967 : i32 to index
    %get3A_969 = arith.constant 64 : index
    %get3A_970 = tpu.vector_load %arg12[%get3A_968, %get3A_969] {strides = array<i32>} : memref<64x80xi32, #tpu.memory_space<vmem>>, vector<1x16xi32>,
    %get3A_971 = vector.shape_cast %get3A_970 : vector<1x16xi32> to vector<16xi32>
    %lt3A_972 = arith.constant 10000 : i32
    %lt3A_973 = vector.broadcast %lt3A_972 : i32 to vector<16xi32>
    %lt3A_974 = arith.cmpi slt, %get3A_971, %lt3A_973 : vector<16xi32>
    %jit3A_975 = arith.constant 1.000000e+00 : f32
    %jit3A_976 = arith.constant 0.000000e+00 : f32
    %broadcast_in_dim3A_977 = vector.broadcast %jit3A_975 : f32 to vector<16xf32>
    %broadcast_in_dim3A_978 = vector.broadcast %jit3A_976 : f32 to vector<16xf32>
    %select_n3A_979 = arith.select %lt3A_974, %broadcast_in_dim3A_977, %broadcast_in_dim3A_978 : vector<16xi1>, vector<16xf32>
    %swap3A_980 = arith.constant 64 : index
    %swap3A_981 = tpu.vector_load %arg17[%swap3A_980] {strides = array<i32>} : memref<80xf32, #tpu.memory_space<vmem>>, vector<16xf32>,
    %swap3A_982 = vector.shape_cast %swap3A_981 : vector<16xf32> to vector<16xf32>
    %swap3A_983 = vector.shape_cast %select_n3A_979 : vector<16xf32> to vector<16xf32>
    tpu.vector_store %arg17[%swap3A_980], %swap3A_983 {strides = array<i32>} : memref<80xf32, #tpu.memory_space<vmem>>, vector<16xf32>,
    %dma_start3A_984 = arith.constant 63 : i32
    %dma_start3A_985 = arith.constant 0 : i32
    %dma_start3A_986 = tpu.memref_slice %arg13[%dma_start3A_984, %dma_start3A_985] : memref<64x80xi32, #tpu.memory_space<vmem>> -> memref<1x80xi32, #tpu.memory_space<vmem>>
    %dma_start3A_987 = tpu.memref_squeeze %dma_start3A_986 : memref<1x80xi32, #tpu.memory_space<vmem>> -> memref<80xi32, #tpu.memory_space<vmem>>
    %dma_start3A_988 = arith.constant 0 : i32
    %dma_start3A_989 = arith.constant 0 : i32
    %dma_start3A_990 = tpu.memref_slice %arg10[%dma_start3A_988, %dma_start3A_989] : memref<10000x128xf32, #tpu.memory_space<vmem_shared>> -> memref<10000x128xf32, #tpu.memory_space<vmem_shared>>
    tpu.enqueue_indirect_dma source(%arg15 : memref<80x128xf32, #tpu.memory_space<vmem>>) target(%dma_start3A_990 : memref<10000x128xf32, #tpu.memory_space<vmem_shared>>) offsets(%dma_start3A_987 : memref<80xi32, #tpu.memory_space<vmem>>) semaphore(%arg23 : memref<!tpu.dma_semaphore, #tpu.memory_space<semaphore_mem>>) {add = true}
    %dma_start3A_991 = arith.constant 63 : i32
    %dma_start3A_992 = arith.constant 0 : i32
    %dma_start3A_993 = tpu.memref_slice %arg13[%dma_start3A_991, %dma_start3A_992] : memref<64x80xi32, #tpu.memory_space<vmem>> -> memref<1x80xi32, #tpu.memory_space<vmem>>
    %dma_start3A_994 = tpu.memref_squeeze %dma_start3A_993 : memref<1x80xi32, #tpu.memory_space<vmem>> -> memref<80xi32, #tpu.memory_space<vmem>>
    %dma_start3A_995 = arith.constant 0 : i32
    %dma_start3A_996 = tpu.memref_slice %arg11[%dma_start3A_995] : memref<12048xf32, #tpu.memory_space<vmem_shared>> -> memref<12048xf32, #tpu.memory_space<vmem_shared>>
    tpu.enqueue_indirect_dma source(%arg17 : memref<80xf32, #tpu.memory_space<vmem>>) target(%dma_start3A_996 : memref<12048xf32, #tpu.memory_space<vmem_shared>>) offsets(%dma_start3A_994 : memref<80xi32, #tpu.memory_space<vmem>>) semaphore(%arg25 : memref<!tpu.dma_semaphore, #tpu.memory_space<semaphore_mem>>) {add = true}
    %dma_wait3A_997 = arith.constant 63 : i32
    %dma_wait3A_998 = arith.constant 0 : i32
    %dma_wait3A_999 = tpu.memref_slice %arg13[%dma_wait3A_997, %dma_wait3A_998] : memref<64x80xi32, #tpu.memory_space<vmem>> -> memref<1x80xi32, #tpu.memory_space<vmem>>
    %dma_wait3A_1000 = tpu.memref_squeeze %dma_wait3A_999 : memref<1x80xi32, #tpu.memory_space<vmem>> -> memref<80xi32, #tpu.memory_space<vmem>>
    %dma_wait3A_1001 = arith.constant 0 : i32
    %dma_wait3A_1002 = arith.constant 0 : i32
    %dma_wait3A_1003 = tpu.memref_slice %arg10[%dma_wait3A_1001, %dma_wait3A_1002] : memref<10000x128xf32, #tpu.memory_space<vmem_shared>> -> memref<10000x128xf32, #tpu.memory_space<vmem_shared>>
    tpu.wait_indirect_dma semaphore(%arg23 : memref<!tpu.dma_semaphore, #tpu.memory_space<semaphore_mem>>) src(%arg15 : memref<80x128xf32, #tpu.memory_space<vmem>>) dst(%dma_wait3A_1003 : memref<10000x128xf32, #tpu.memory_space<vmem_shared>>)
    %dma_wait3A_1004 = arith.constant 63 : i32
    %dma_wait3A_1005 = arith.constant 0 : i32
    %dma_wait3A_1006 = tpu.memref_slice %arg13[%dma_wait3A_1004, %dma_wait3A_1005] : memref<64x80xi32, #tpu.memory_space<vmem>> -> memref<1x80xi32, #tpu.memory_space<vmem>>
    %dma_wait3A_1007 = tpu.memref_squeeze %dma_wait3A_1006 : memref<1x80xi32, #tpu.memory_space<vmem>> -> memref<80xi32, #tpu.memory_space<vmem>>
    %dma_wait3A_1008 = arith.constant 0 : i32
    %dma_wait3A_1009 = tpu.memref_slice %arg11[%dma_wait3A_1008] : memref<12048xf32, #tpu.memory_space<vmem_shared>> -> memref<12048xf32, #tpu.memory_space<vmem_shared>>
    tpu.wait_indirect_dma semaphore(%arg25 : memref<!tpu.dma_semaphore, #tpu.memory_space<semaphore_mem>>) src(%arg17 : memref<80xf32, #tpu.memory_space<vmem>>) dst(%dma_wait3A_1009 : memref<12048xf32, #tpu.memory_space<vmem_shared>>)
    %barrier3A_1010 = arith.constant 0 : index
    tpu.barrier barrier_id(%barrier3A_1010)
    %mul3A_1011 = arith.constant 624 : i32
    %mul3A_1012 = arith.muli %arg1, %mul3A_1011 : i32
    %mul3A_1013 = arith.constant 624 : i32
    %mul3A_1014 = arith.muli %arg1, %mul3A_1013 : i32
    "tpu.region"() ({
      %run_scoped3A = tpu.sem_alloc : memref<!tpu.dma_semaphore, #tpu.memory_space<semaphore_mem>>
      %dma_start3A_1020 = arith.constant 0 : i32
      %dma_start3A_1021 = tpu.memref_slice %arg8[%arg0, %mul3A_1014, %dma_start3A_1020] : memref<2x10000x128xf32, #tpu.memory_space<hbm>> -> memref<1x624x128xf32, #tpu.memory_space<hbm>>
      %dma_start3A_1022 = tpu.memref_squeeze %dma_start3A_1021 : memref<1x624x128xf32, #tpu.memory_space<hbm>> -> memref<624x128xf32, #tpu.memory_space<hbm>>
      %dma_start3A_1023 = arith.constant 0 : i32
      %dma_start3A_1024 = tpu.memref_slice %arg10[%mul3A_1012, %dma_start3A_1023] : memref<10000x128xf32, #tpu.memory_space<vmem_shared>> -> memref<624x128xf32, #tpu.memory_space<vmem_shared>>
      tpu.enqueue_dma source(%dma_start3A_1024 : memref<624x128xf32, #tpu.memory_space<vmem_shared>>) target(%dma_start3A_1022 : memref<624x128xf32, #tpu.memory_space<hbm>>) target_semaphore(%run_scoped3A : memref<!tpu.dma_semaphore, #tpu.memory_space<semaphore_mem>>)
      %dma_wait3A_1025 = arith.constant 0 : i32
      %dma_wait3A_1026 = tpu.memref_slice %arg8[%arg0, %mul3A_1014, %dma_wait3A_1025] : memref<2x10000x128xf32, #tpu.memory_space<hbm>> -> memref<1x624x128xf32, #tpu.memory_space<hbm>>
      %dma_wait3A_1027 = tpu.memref_squeeze %dma_wait3A_1026 : memref<1x624x128xf32, #tpu.memory_space<hbm>> -> memref<624x128xf32, #tpu.memory_space<hbm>>
      %dma_wait3A_1028 = arith.constant 0 : i32
      %dma_wait3A_1029 = tpu.memref_slice %arg10[%mul3A_1012, %dma_wait3A_1028] : memref<10000x128xf32, #tpu.memory_space<vmem_shared>> -> memref<624x128xf32, #tpu.memory_space<vmem_shared>>
      tpu.wait_dma2 semaphore(%run_scoped3A : memref<!tpu.dma_semaphore, #tpu.memory_space<semaphore_mem>>) src(%dma_wait3A_1029 : memref<624x128xf32, #tpu.memory_space<vmem_shared>>) dst(%dma_wait3A_1027 : memref<624x128xf32, #tpu.memory_space<hbm>>)
      tpu.yield
    }) : () -> ()
    %eq3A_1015 = arith.constant 0 : i32
    %eq3A_1016 = arith.cmpi eq, %arg1, %eq3A_1015 : i32
    %convert_element_type3A_1017 = arith.extui %eq3A_1016 : i1 to i32
    %cond3A_1018 = arith.constant 0 : i32
    %cond3A_1019 = arith.cmpi ne, %convert_element_type3A_1017, %cond3A_1018 : i32
    scf.if %cond3A_1019 {
      "tpu.region"() ({
        %run_scoped3A = tpu.sem_alloc : memref<!tpu.dma_semaphore, #tpu.memory_space<semaphore_mem>>
        %dma_start3A_1020 = arith.constant 9984 : i32
        %dma_start3A_1021 = arith.constant 0 : i32
        %dma_start3A_1022 = tpu.memref_slice %arg8[%arg0, %dma_start3A_1020, %dma_start3A_1021] : memref<2x10000x128xf32, #tpu.memory_space<hbm>> -> memref<1x16x128xf32, #tpu.memory_space<hbm>>
        %dma_start3A_1023 = tpu.memref_squeeze %dma_start3A_1022 : memref<1x16x128xf32, #tpu.memory_space<hbm>> -> memref<16x128xf32, #tpu.memory_space<hbm>>
        %dma_start3A_1024 = arith.constant 9984 : i32
        %dma_start3A_1025 = arith.constant 0 : i32
        %dma_start3A_1026 = tpu.memref_slice %arg10[%dma_start3A_1024, %dma_start3A_1025] : memref<10000x128xf32, #tpu.memory_space<vmem_shared>> -> memref<16x128xf32, #tpu.memory_space<vmem_shared>>
        tpu.enqueue_dma source(%dma_start3A_1026 : memref<16x128xf32, #tpu.memory_space<vmem_shared>>) target(%dma_start3A_1023 : memref<16x128xf32, #tpu.memory_space<hbm>>) target_semaphore(%run_scoped3A : memref<!tpu.dma_semaphore, #tpu.memory_space<semaphore_mem>>)
        %dma_wait3A_1027 = arith.constant 9984 : i32
        %dma_wait3A_1028 = arith.constant 0 : i32
        %dma_wait3A_1029 = tpu.memref_slice %arg8[%arg0, %dma_wait3A_1027, %dma_wait3A_1028] : memref<2x10000x128xf32, #tpu.memory_space<hbm>> -> memref<1x16x128xf32, #tpu.memory_space<hbm>>
        %dma_wait3A_1030 = tpu.memref_squeeze %dma_wait3A_1029 : memref<1x16x128xf32, #tpu.memory_space<hbm>> -> memref<16x128xf32, #tpu.memory_space<hbm>>
        %dma_wait3A_1031 = arith.constant 9984 : i32
        %dma_wait3A_1032 = arith.constant 0 : i32
        %dma_wait3A_1033 = tpu.memref_slice %arg10[%dma_wait3A_1031, %dma_wait3A_1032] : memref<10000x128xf32, #tpu.memory_space<vmem_shared>> -> memref<16x128xf32, #tpu.memory_space<vmem_shared>>
        tpu.wait_dma2 semaphore(%run_scoped3A : memref<!tpu.dma_semaphore, #tpu.memory_space<semaphore_mem>>) src(%dma_wait3A_1033 : memref<16x128xf32, #tpu.memory_space<vmem_shared>>) dst(%dma_wait3A_1030 : memref<16x128xf32, #tpu.memory_space<hbm>>)
        tpu.yield
      }) : () -> ()
      "tpu.region"() ({
        %run_scoped3A = tpu.sem_alloc : memref<!tpu.dma_semaphore, #tpu.memory_space<semaphore_mem>>
        %dma_start3A_1020 = arith.constant 0 : i32
        %dma_start3A_1021 = tpu.memref_slice %arg9[%arg0, %dma_start3A_1020] : memref<2x12048xf32, #tpu.memory_space<hbm>> -> memref<1x12048xf32, #tpu.memory_space<hbm>>
        %dma_start3A_1022 = tpu.memref_squeeze %dma_start3A_1021 : memref<1x12048xf32, #tpu.memory_space<hbm>> -> memref<12048xf32, #tpu.memory_space<hbm>>
        tpu.enqueue_dma source(%arg11 : memref<12048xf32, #tpu.memory_space<vmem_shared>>) target(%dma_start3A_1022 : memref<12048xf32, #tpu.memory_space<hbm>>) target_semaphore(%run_scoped3A : memref<!tpu.dma_semaphore, #tpu.memory_space<semaphore_mem>>)
        %dma_wait3A_1023 = arith.constant 0 : i32
        %dma_wait3A_1024 = tpu.memref_slice %arg9[%arg0, %dma_wait3A_1023] : memref<2x12048xf32, #tpu.memory_space<hbm>> -> memref<1x12048xf32, #tpu.memory_space<hbm>>
        %dma_wait3A_1025 = tpu.memref_squeeze %dma_wait3A_1024 : memref<1x12048xf32, #tpu.memory_space<hbm>> -> memref<12048xf32, #tpu.memory_space<hbm>>
        tpu.wait_dma2 semaphore(%run_scoped3A : memref<!tpu.dma_semaphore, #tpu.memory_space<semaphore_mem>>) src(%arg11 : memref<12048xf32, #tpu.memory_space<vmem_shared>>) dst(%dma_wait3A_1025 : memref<12048xf32, #tpu.memory_space<hbm>>)
        tpu.yield
      }) : () -> ()
    } else {
    }
    return
  }
}

#map = affine_map<(d0, d1) -> (0, 0)>
#map1 = affine_map<(d0, d1) -> (0, 0, 0)>
#map2 = affine_map<(d0, d1) -> (0)>
module attributes {stable_mosaic.version = 14 : i64} {
  func.func @body(%arg0: i32, %arg1: i32, %arg2: memref<12048x128xf32, #tpu.memory_space<hbm>>, %arg3: memref<32x128x80xi32, #tpu.memory_space<hbm>>, %arg4: memref<32x128x80xi32, #tpu.memory_space<hbm>>, %arg5: memref<12048xf32, #tpu.memory_space<hbm>>, %arg6: memref<10000x128xf32, #tpu.memory_space<hbm>>, %arg7: memref<12048xf32, #tpu.memory_space<hbm>>, %arg8: memref<2x10000x128xf32, #tpu.memory_space<hbm>>, %arg9: memref<2x12048xf32, #tpu.memory_space<hbm>>, %arg10: memref<10000x128xf32, #tpu.memory_space<vmem_shared>>, %arg11: memref<12048xf32, #tpu.memory_space<vmem_shared>>, %arg12: memref<64x80xi32, #tpu.memory_space<vmem>>, %arg13: memref<64x80xi32, #tpu.memory_space<vmem>>, %arg14: memref<80x128xf32, #tpu.memory_space<vmem>>, %arg15: memref<80x128xf32, #tpu.memory_space<vmem>>, %arg16: memref<80xf32, #tpu.memory_space<vmem>>, %arg17: memref<80xf32, #tpu.memory_space<vmem>>, %arg18: memref<!tpu.dma_semaphore, #tpu.memory_space<semaphore_mem>>, %arg19: memref<!tpu.dma_semaphore, #tpu.memory_space<semaphore_mem>>, %arg20: memref<!tpu.dma_semaphore, #tpu.memory_space<semaphore_mem>>, %arg21: memref<!tpu.dma_semaphore, #tpu.memory_space<semaphore_mem>>, %arg22: memref<!tpu.dma_semaphore, #tpu.memory_space<semaphore_mem>>, %arg23: memref<!tpu.dma_semaphore, #tpu.memory_space<semaphore_mem>>, %arg24: memref<!tpu.dma_semaphore, #tpu.memory_space<semaphore_mem>>, %arg25: memref<!tpu.dma_semaphore, #tpu.memory_space<semaphore_mem>>) attributes {dimension_semantics = [#tpu.dimension_semantics<core_parallel>, #tpu.dimension_semantics<subcore_parallel>], iteration_bounds = array<i64: 2, 16>, scalar_prefetch = 0 : i64, scratch_operands = 16 : i64, tpu.core_type = #tpu.core_type<sc_vector_subcore>, window_params = [{transform_indices = #map}, {transform_indices = #map1}, {transform_indices = #map1}, {transform_indices = #map2}, {transform_indices = #map}, {transform_indices = #map2}, {transform_indices = #map1}, {transform_indices = #map}]} {
    %mul3A = arith.constant 16 : i32
    %mul3A_0 = arith.muli %arg0, %mul3A : i32
    %add3A = arith.addi %mul3A_0, %arg1 : i32
    %mul3A_1 = arith.constant 624 : i32
    %mul3A_2 = arith.muli %arg1, %mul3A_1 : i32
    %mul3A_3 = arith.constant 624 : i32
    %mul3A_4 = arith.muli %arg1, %mul3A_3 : i32
    "tpu.region"() ({
      %run_scoped3A = tpu.sem_alloc : memref<!tpu.dma_semaphore, #tpu.memory_space<semaphore_mem>>
      %dma_start3A_442 = arith.constant 0 : i32
      %dma_start3A_443 = tpu.memref_slice %arg10[%mul3A_4, %dma_start3A_442] : memref<10000x128xf32, #tpu.memory_space<vmem_shared>> -> memref<624x128xf32, #tpu.memory_space<vmem_shared>>
      %dma_start3A_444 = arith.constant 0 : i32
      %dma_start3A_445 = tpu.memref_slice %arg6[%mul3A_2, %dma_start3A_444] : memref<10000x128xf32, #tpu.memory_space<hbm>> -> memref<624x128xf32, #tpu.memory_space<hbm>>
      tpu.enqueue_dma source(%dma_start3A_445 : memref<624x128xf32, #tpu.memory_space<hbm>>) target(%dma_start3A_443 : memref<624x128xf32, #tpu.memory_space<vmem_shared>>) target_semaphore(%run_scoped3A : memref<!tpu.dma_semaphore, #tpu.memory_space<semaphore_mem>>)
      %dma_wait3A_446 = arith.constant 0 : i32
      %dma_wait3A_447 = tpu.memref_slice %arg10[%mul3A_4, %dma_wait3A_446] : memref<10000x128xf32, #tpu.memory_space<vmem_shared>> -> memref<624x128xf32, #tpu.memory_space<vmem_shared>>
      %dma_wait3A_448 = arith.constant 0 : i32
      %dma_wait3A_449 = tpu.memref_slice %arg6[%mul3A_2, %dma_wait3A_448] : memref<10000x128xf32, #tpu.memory_space<hbm>> -> memref<624x128xf32, #tpu.memory_space<hbm>>
      tpu.wait_dma2 semaphore(%run_scoped3A : memref<!tpu.dma_semaphore, #tpu.memory_space<semaphore_mem>>) src(%dma_wait3A_449 : memref<624x128xf32, #tpu.memory_space<hbm>>) dst(%dma_wait3A_447 : memref<624x128xf32, #tpu.memory_space<vmem_shared>>)
      tpu.yield
    }) : () -> ()
    %eq3A = arith.constant 0 : i32
    %eq3A_5 = arith.cmpi eq, %arg1, %eq3A : i32
    %convert_element_type3A = arith.extui %eq3A_5 : i1 to i32
    %cond3A = arith.constant 0 : i32
    %cond3A_6 = arith.cmpi ne, %convert_element_type3A, %cond3A : i32
    scf.if %cond3A_6 {
      "tpu.region"() ({
        %run_scoped3A = tpu.sem_alloc : memref<!tpu.dma_semaphore, #tpu.memory_space<semaphore_mem>>
        %dma_start3A_442 = arith.constant 9984 : i32
        %dma_start3A_443 = arith.constant 0 : i32
        %dma_start3A_444 = tpu.memref_slice %arg10[%dma_start3A_442, %dma_start3A_443] : memref<10000x128xf32, #tpu.memory_space<vmem_shared>> -> memref<16x128xf32, #tpu.memory_space<vmem_shared>>
        %dma_start3A_445 = arith.constant 9984 : i32
        %dma_start3A_446 = arith.constant 0 : i32
        %dma_start3A_447 = tpu.memref_slice %arg6[%dma_start3A_445, %dma_start3A_446] : memref<10000x128xf32, #tpu.memory_space<hbm>> -> memref<16x128xf32, #tpu.memory_space<hbm>>
        tpu.enqueue_dma source(%dma_start3A_447 : memref<16x128xf32, #tpu.memory_space<hbm>>) target(%dma_start3A_444 : memref<16x128xf32, #tpu.memory_space<vmem_shared>>) target_semaphore(%run_scoped3A : memref<!tpu.dma_semaphore, #tpu.memory_space<semaphore_mem>>)
        %dma_wait3A_448 = arith.constant 9984 : i32
        %dma_wait3A_449 = arith.constant 0 : i32
        %dma_wait3A_450 = tpu.memref_slice %arg10[%dma_wait3A_448, %dma_wait3A_449] : memref<10000x128xf32, #tpu.memory_space<vmem_shared>> -> memref<16x128xf32, #tpu.memory_space<vmem_shared>>
        %dma_wait3A_451 = arith.constant 9984 : i32
        %dma_wait3A_452 = arith.constant 0 : i32
        %dma_wait3A_453 = tpu.memref_slice %arg6[%dma_wait3A_451, %dma_wait3A_452] : memref<10000x128xf32, #tpu.memory_space<hbm>> -> memref<16x128xf32, #tpu.memory_space<hbm>>
        tpu.wait_dma2 semaphore(%run_scoped3A : memref<!tpu.dma_semaphore, #tpu.memory_space<semaphore_mem>>) src(%dma_wait3A_453 : memref<16x128xf32, #tpu.memory_space<hbm>>) dst(%dma_wait3A_450 : memref<16x128xf32, #tpu.memory_space<vmem_shared>>)
        tpu.yield
      }) : () -> ()
      "tpu.region"() ({
        %run_scoped3A = tpu.sem_alloc : memref<!tpu.dma_semaphore, #tpu.memory_space<semaphore_mem>>
        tpu.enqueue_dma source(%arg7 : memref<12048xf32, #tpu.memory_space<hbm>>) target(%arg11 : memref<12048xf32, #tpu.memory_space<vmem_shared>>) target_semaphore(%run_scoped3A : memref<!tpu.dma_semaphore, #tpu.memory_space<semaphore_mem>>)
        tpu.wait_dma2 semaphore(%run_scoped3A : memref<!tpu.dma_semaphore, #tpu.memory_space<semaphore_mem>>) src(%arg7 : memref<12048xf32, #tpu.memory_space<hbm>>) dst(%arg11 : memref<12048xf32, #tpu.memory_space<vmem_shared>>)
        tpu.yield
      }) : () -> ()
    } else {
    }
    %barrier3A = arith.constant 0 : index
    tpu.barrier barrier_id(%barrier3A)
    "tpu.region"() ({
      %run_scoped3A = tpu.sem_alloc : memref<!tpu.dma_semaphore, #tpu.memory_space<semaphore_mem>>
      %dma_start3A_442 = arith.constant 0 : i32
      %dma_start3A_443 = arith.constant 0 : i32
      %dma_start3A_444 = tpu.memref_slice %arg3[%add3A, %dma_start3A_442, %dma_start3A_443] : memref<32x128x80xi32, #tpu.memory_space<hbm>> -> memref<1x64x80xi32, #tpu.memory_space<hbm>>
      %dma_start3A_445 = tpu.memref_squeeze %dma_start3A_444 : memref<1x64x80xi32, #tpu.memory_space<hbm>> -> memref<64x80xi32, #tpu.memory_space<hbm>>
      %dma_start3A_446 = arith.constant 0 : i32
      %dma_start3A_447 = arith.constant 0 : i32
      %dma_start3A_448 = tpu.memref_slice %arg3[%add3A, %dma_start3A_446, %dma_start3A_447] : memref<32x128x80xi32, #tpu.memory_space<hbm>> -> memref<1x64x80xi32, #tpu.memory_space<hbm>>
      %dma_start3A_449 = tpu.memref_squeeze %dma_start3A_448 : memref<1x64x80xi32, #tpu.memory_space<hbm>> -> memref<64x80xi32, #tpu.memory_space<hbm>>
      tpu.enqueue_dma source(%dma_start3A_449 : memref<64x80xi32, #tpu.memory_space<hbm>>) target(%arg12 : memref<64x80xi32, #tpu.memory_space<vmem>>) target_semaphore(%run_scoped3A : memref<!tpu.dma_semaphore, #tpu.memory_space<semaphore_mem>>)
      %dma_wait3A_450 = arith.constant 0 : i32
      %dma_wait3A_451 = arith.constant 0 : i32
      %dma_wait3A_452 = tpu.memref_slice %arg3[%add3A, %dma_wait3A_450, %dma_wait3A_451] : memref<32x128x80xi32, #tpu.memory_space<hbm>> -> memref<1x64x80xi32, #tpu.memory_space<hbm>>
      %dma_wait3A_453 = tpu.memref_squeeze %dma_wait3A_452 : memref<1x64x80xi32, #tpu.memory_space<hbm>> -> memref<64x80xi32, #tpu.memory_space<hbm>>
      %dma_wait3A_454 = arith.constant 0 : i32
      %dma_wait3A_455 = arith.constant 0 : i32
      %dma_wait3A_456 = tpu.memref_slice %arg3[%add3A, %dma_wait3A_454, %dma_wait3A_455] : memref<32x128x80xi32, #tpu.memory_space<hbm>> -> memref<1x64x80xi32, #tpu.memory_space<hbm>>
      %dma_wait3A_457 = tpu.memref_squeeze %dma_wait3A_456 : memref<1x64x80xi32, #tpu.memory_space<hbm>> -> memref<64x80xi32, #tpu.memory_space<hbm>>
      tpu.wait_dma2 semaphore(%run_scoped3A : memref<!tpu.dma_semaphore, #tpu.memory_space<semaphore_mem>>) src(%dma_wait3A_457 : memref<64x80xi32, #tpu.memory_space<hbm>>) dst(%arg12 : memref<64x80xi32, #tpu.memory_space<vmem>>)
      tpu.yield
    }) : () -> ()
    "tpu.region"() ({
      %run_scoped3A = tpu.sem_alloc : memref<!tpu.dma_semaphore, #tpu.memory_space<semaphore_mem>>
      %dma_start3A_442 = arith.constant 0 : i32
      %dma_start3A_443 = arith.constant 0 : i32
      %dma_start3A_444 = tpu.memref_slice %arg4[%add3A, %dma_start3A_442, %dma_start3A_443] : memref<32x128x80xi32, #tpu.memory_space<hbm>> -> memref<1x64x80xi32, #tpu.memory_space<hbm>>
      %dma_start3A_445 = tpu.memref_squeeze %dma_start3A_444 : memref<1x64x80xi32, #tpu.memory_space<hbm>> -> memref<64x80xi32, #tpu.memory_space<hbm>>
      %dma_start3A_446 = arith.constant 0 : i32
      %dma_start3A_447 = arith.constant 0 : i32
      %dma_start3A_448 = tpu.memref_slice %arg4[%add3A, %dma_start3A_446, %dma_start3A_447] : memref<32x128x80xi32, #tpu.memory_space<hbm>> -> memref<1x64x80xi32, #tpu.memory_space<hbm>>
      %dma_start3A_449 = tpu.memref_squeeze %dma_start3A_448 : memref<1x64x80xi32, #tpu.memory_space<hbm>> -> memref<64x80xi32, #tpu.memory_space<hbm>>
      tpu.enqueue_dma source(%dma_start3A_449 : memref<64x80xi32, #tpu.memory_space<hbm>>) target(%arg13 : memref<64x80xi32, #tpu.memory_space<vmem>>) target_semaphore(%run_scoped3A : memref<!tpu.dma_semaphore, #tpu.memory_space<semaphore_mem>>)
      %dma_wait3A_450 = arith.constant 0 : i32
      %dma_wait3A_451 = arith.constant 0 : i32
      %dma_wait3A_452 = tpu.memref_slice %arg4[%add3A, %dma_wait3A_450, %dma_wait3A_451] : memref<32x128x80xi32, #tpu.memory_space<hbm>> -> memref<1x64x80xi32, #tpu.memory_space<hbm>>
      %dma_wait3A_453 = tpu.memref_squeeze %dma_wait3A_452 : memref<1x64x80xi32, #tpu.memory_space<hbm>> -> memref<64x80xi32, #tpu.memory_space<hbm>>
      %dma_wait3A_454 = arith.constant 0 : i32
      %dma_wait3A_455 = arith.constant 0 : i32
      %dma_wait3A_456 = tpu.memref_slice %arg4[%add3A, %dma_wait3A_454, %dma_wait3A_455] : memref<32x128x80xi32, #tpu.memory_space<hbm>> -> memref<1x64x80xi32, #tpu.memory_space<hbm>>
      %dma_wait3A_457 = tpu.memref_squeeze %dma_wait3A_456 : memref<1x64x80xi32, #tpu.memory_space<hbm>> -> memref<64x80xi32, #tpu.memory_space<hbm>>
      tpu.wait_dma2 semaphore(%run_scoped3A : memref<!tpu.dma_semaphore, #tpu.memory_space<semaphore_mem>>) src(%dma_wait3A_457 : memref<64x80xi32, #tpu.memory_space<hbm>>) dst(%arg13 : memref<64x80xi32, #tpu.memory_space<vmem>>)
      tpu.yield
    }) : () -> ()
    %dma_start3A = arith.constant 0 : i32
    %dma_start3A_7 = arith.constant 0 : i32
    %dma_start3A_8 = tpu.memref_slice %arg12[%dma_start3A, %dma_start3A_7] : memref<64x80xi32, #tpu.memory_space<vmem>> -> memref<1x80xi32, #tpu.memory_space<vmem>>
    %dma_start3A_9 = tpu.memref_squeeze %dma_start3A_8 : memref<1x80xi32, #tpu.memory_space<vmem>> -> memref<80xi32, #tpu.memory_space<vmem>>
    %dma_start3A_10 = arith.constant 0 : i32
    %dma_start3A_11 = arith.constant 0 : i32
    %dma_start3A_12 = tpu.memref_slice %arg2[%dma_start3A_10, %dma_start3A_11] : memref<12048x128xf32, #tpu.memory_space<hbm>> -> memref<12048x128xf32, #tpu.memory_space<hbm>>
    tpu.enqueue_indirect_dma source(%dma_start3A_12 : memref<12048x128xf32, #tpu.memory_space<hbm>>) target(%arg14 : memref<80x128xf32, #tpu.memory_space<vmem>>) offsets(%dma_start3A_9 : memref<80xi32, #tpu.memory_space<vmem>>) semaphore(%arg18 : memref<!tpu.dma_semaphore, #tpu.memory_space<semaphore_mem>>)
    %dma_start3A_13 = arith.constant 0 : i32
    %dma_start3A_14 = arith.constant 0 : i32
    %dma_start3A_15 = tpu.memref_slice %arg13[%dma_start3A_13, %dma_start3A_14] : memref<64x80xi32, #tpu.memory_space<vmem>> -> memref<1x80xi32, #tpu.memory_space<vmem>>
    %dma_start3A_16 = tpu.memref_squeeze %dma_start3A_15 : memref<1x80xi32, #tpu.memory_space<vmem>> -> memref<80xi32, #tpu.memory_space<vmem>>
    %dma_start3A_17 = arith.constant 0 : i32
    %dma_start3A_18 = tpu.memref_slice %arg5[%dma_start3A_17] : memref<12048xf32, #tpu.memory_space<hbm>> -> memref<12048xf32, #tpu.memory_space<hbm>>
    tpu.enqueue_indirect_dma source(%dma_start3A_18 : memref<12048xf32, #tpu.memory_space<hbm>>) target(%arg16 : memref<80xf32, #tpu.memory_space<vmem>>) offsets(%dma_start3A_16 : memref<80xi32, #tpu.memory_space<vmem>>) semaphore(%arg20 : memref<!tpu.dma_semaphore, #tpu.memory_space<semaphore_mem>>)
    %dma_start3A_19 = arith.constant 1 : i32
    %dma_start3A_20 = arith.constant 0 : i32
    %dma_start3A_21 = tpu.memref_slice %arg12[%dma_start3A_19, %dma_start3A_20] : memref<64x80xi32, #tpu.memory_space<vmem>> -> memref<1x80xi32, #tpu.memory_space<vmem>>
    %dma_start3A_22 = tpu.memref_squeeze %dma_start3A_21 : memref<1x80xi32, #tpu.memory_space<vmem>> -> memref<80xi32, #tpu.memory_space<vmem>>
    %dma_start3A_23 = arith.constant 0 : i32
    %dma_start3A_24 = arith.constant 0 : i32
    %dma_start3A_25 = tpu.memref_slice %arg2[%dma_start3A_23, %dma_start3A_24] : memref<12048x128xf32, #tpu.memory_space<hbm>> -> memref<12048x128xf32, #tpu.memory_space<hbm>>
    tpu.enqueue_indirect_dma source(%dma_start3A_25 : memref<12048x128xf32, #tpu.memory_space<hbm>>) target(%arg15 : memref<80x128xf32, #tpu.memory_space<vmem>>) offsets(%dma_start3A_22 : memref<80xi32, #tpu.memory_space<vmem>>) semaphore(%arg19 : memref<!tpu.dma_semaphore, #tpu.memory_space<semaphore_mem>>)
    %dma_start3A_26 = arith.constant 1 : i32
    %dma_start3A_27 = arith.constant 0 : i32
    %dma_start3A_28 = tpu.memref_slice %arg13[%dma_start3A_26, %dma_start3A_27] : memref<64x80xi32, #tpu.memory_space<vmem>> -> memref<1x80xi32, #tpu.memory_space<vmem>>
    %dma_start3A_29 = tpu.memref_squeeze %dma_start3A_28 : memref<1x80xi32, #tpu.memory_space<vmem>> -> memref<80xi32, #tpu.memory_space<vmem>>
    %dma_start3A_30 = arith.constant 0 : i32
    %dma_start3A_31 = tpu.memref_slice %arg5[%dma_start3A_30] : memref<12048xf32, #tpu.memory_space<hbm>> -> memref<12048xf32, #tpu.memory_space<hbm>>
    tpu.enqueue_indirect_dma source(%dma_start3A_31 : memref<12048xf32, #tpu.memory_space<hbm>>) target(%arg17 : memref<80xf32, #tpu.memory_space<vmem>>) offsets(%dma_start3A_29 : memref<80xi32, #tpu.memory_space<vmem>>) semaphore(%arg21 : memref<!tpu.dma_semaphore, #tpu.memory_space<semaphore_mem>>)
    %dma_wait3A = arith.constant 0 : i32
    %dma_wait3A_32 = arith.constant 0 : i32
    %dma_wait3A_33 = tpu.memref_slice %arg12[%dma_wait3A, %dma_wait3A_32] : memref<64x80xi32, #tpu.memory_space<vmem>> -> memref<1x80xi32, #tpu.memory_space<vmem>>
    %dma_wait3A_34 = tpu.memref_squeeze %dma_wait3A_33 : memref<1x80xi32, #tpu.memory_space<vmem>> -> memref<80xi32, #tpu.memory_space<vmem>>
    %dma_wait3A_35 = arith.constant 0 : i32
    %dma_wait3A_36 = arith.constant 0 : i32
    %dma_wait3A_37 = tpu.memref_slice %arg2[%dma_wait3A_35, %dma_wait3A_36] : memref<12048x128xf32, #tpu.memory_space<hbm>> -> memref<12048x128xf32, #tpu.memory_space<hbm>>
    tpu.wait_indirect_dma semaphore(%arg18 : memref<!tpu.dma_semaphore, #tpu.memory_space<semaphore_mem>>) src(%dma_wait3A_37 : memref<12048x128xf32, #tpu.memory_space<hbm>>) dst(%arg14 : memref<80x128xf32, #tpu.memory_space<vmem>>)
    %dma_wait3A_38 = arith.constant 0 : i32
    %dma_wait3A_39 = arith.constant 0 : i32
    %dma_wait3A_40 = tpu.memref_slice %arg13[%dma_wait3A_38, %dma_wait3A_39] : memref<64x80xi32, #tpu.memory_space<vmem>> -> memref<1x80xi32, #tpu.memory_space<vmem>>
    %dma_wait3A_41 = tpu.memref_squeeze %dma_wait3A_40 : memref<1x80xi32, #tpu.memory_space<vmem>> -> memref<80xi32, #tpu.memory_space<vmem>>
    %dma_wait3A_42 = arith.constant 0 : i32
    %dma_wait3A_43 = tpu.memref_slice %arg5[%dma_wait3A_42] : memref<12048xf32, #tpu.memory_space<hbm>> -> memref<12048xf32, #tpu.memory_space<hbm>>
    tpu.wait_indirect_dma semaphore(%arg20 : memref<!tpu.dma_semaphore, #tpu.memory_space<semaphore_mem>>) src(%dma_wait3A_43 : memref<12048xf32, #tpu.memory_space<hbm>>) dst(%arg16 : memref<80xf32, #tpu.memory_space<vmem>>)
    %dma_start3A_44 = arith.constant 0 : i32
    %dma_start3A_45 = arith.constant 0 : i32
    %dma_start3A_46 = tpu.memref_slice %arg13[%dma_start3A_44, %dma_start3A_45] : memref<64x80xi32, #tpu.memory_space<vmem>> -> memref<1x80xi32, #tpu.memory_space<vmem>>
    %dma_start3A_47 = tpu.memref_squeeze %dma_start3A_46 : memref<1x80xi32, #tpu.memory_space<vmem>> -> memref<80xi32, #tpu.memory_space<vmem>>
    %dma_start3A_48 = arith.constant 0 : i32
    %dma_start3A_49 = arith.constant 0 : i32
    %dma_start3A_50 = tpu.memref_slice %arg10[%dma_start3A_48, %dma_start3A_49] : memref<10000x128xf32, #tpu.memory_space<vmem_shared>> -> memref<10000x128xf32, #tpu.memory_space<vmem_shared>>
    tpu.enqueue_indirect_dma source(%arg14 : memref<80x128xf32, #tpu.memory_space<vmem>>) target(%dma_start3A_50 : memref<10000x128xf32, #tpu.memory_space<vmem_shared>>) offsets(%dma_start3A_47 : memref<80xi32, #tpu.memory_space<vmem>>) semaphore(%arg22 : memref<!tpu.dma_semaphore, #tpu.memory_space<semaphore_mem>>) {add = true}
    %dma_start3A_51 = arith.constant 0 : i32
    %dma_start3A_52 = arith.constant 0 : i32
    %dma_start3A_53 = tpu.memref_slice %arg12[%dma_start3A_51, %dma_start3A_52] : memref<64x80xi32, #tpu.memory_space<vmem>> -> memref<1x80xi32, #tpu.memory_space<vmem>>
    %dma_start3A_54 = tpu.memref_squeeze %dma_start3A_53 : memref<1x80xi32, #tpu.memory_space<vmem>> -> memref<80xi32, #tpu.memory_space<vmem>>
    %dma_start3A_55 = arith.constant 0 : i32
    %dma_start3A_56 = tpu.memref_slice %arg11[%dma_start3A_55] : memref<12048xf32, #tpu.memory_space<vmem_shared>> -> memref<12048xf32, #tpu.memory_space<vmem_shared>>
    tpu.enqueue_indirect_dma source(%arg16 : memref<80xf32, #tpu.memory_space<vmem>>) target(%dma_start3A_56 : memref<12048xf32, #tpu.memory_space<vmem_shared>>) offsets(%dma_start3A_54 : memref<80xi32, #tpu.memory_space<vmem>>) semaphore(%arg24 : memref<!tpu.dma_semaphore, #tpu.memory_space<semaphore_mem>>) {add = true}
    %dma_wait3A_57 = arith.constant 0 : i32
    %dma_wait3A_58 = arith.constant 0 : i32
    %dma_wait3A_59 = tpu.memref_slice %arg13[%dma_wait3A_57, %dma_wait3A_58] : memref<64x80xi32, #tpu.memory_space<vmem>> -> memref<1x80xi32, #tpu.memory_space<vmem>>
    %dma_wait3A_60 = tpu.memref_squeeze %dma_wait3A_59 : memref<1x80xi32, #tpu.memory_space<vmem>> -> memref<80xi32, #tpu.memory_space<vmem>>
    %dma_wait3A_61 = arith.constant 0 : i32
    %dma_wait3A_62 = arith.constant 0 : i32
    %dma_wait3A_63 = tpu.memref_slice %arg10[%dma_wait3A_61, %dma_wait3A_62] : memref<10000x128xf32, #tpu.memory_space<vmem_shared>> -> memref<10000x128xf32, #tpu.memory_space<vmem_shared>>
    tpu.wait_indirect_dma semaphore(%arg22 : memref<!tpu.dma_semaphore, #tpu.memory_space<semaphore_mem>>) src(%arg14 : memref<80x128xf32, #tpu.memory_space<vmem>>) dst(%dma_wait3A_63 : memref<10000x128xf32, #tpu.memory_space<vmem_shared>>)
    %dma_wait3A_64 = arith.constant 0 : i32
    %dma_wait3A_65 = arith.constant 0 : i32
    %dma_wait3A_66 = tpu.memref_slice %arg12[%dma_wait3A_64, %dma_wait3A_65] : memref<64x80xi32, #tpu.memory_space<vmem>> -> memref<1x80xi32, #tpu.memory_space<vmem>>
    %dma_wait3A_67 = tpu.memref_squeeze %dma_wait3A_66 : memref<1x80xi32, #tpu.memory_space<vmem>> -> memref<80xi32, #tpu.memory_space<vmem>>
    %dma_wait3A_68 = arith.constant 0 : i32
    %dma_wait3A_69 = tpu.memref_slice %arg11[%dma_wait3A_68] : memref<12048xf32, #tpu.memory_space<vmem_shared>> -> memref<12048xf32, #tpu.memory_space<vmem_shared>>
    tpu.wait_indirect_dma semaphore(%arg24 : memref<!tpu.dma_semaphore, #tpu.memory_space<semaphore_mem>>) src(%arg16 : memref<80xf32, #tpu.memory_space<vmem>>) dst(%dma_wait3A_69 : memref<12048xf32, #tpu.memory_space<vmem_shared>>)
    %dma_wait3A_70 = arith.constant 1 : i32
    %dma_wait3A_71 = arith.constant 0 : i32
    %dma_wait3A_72 = tpu.memref_slice %arg12[%dma_wait3A_70, %dma_wait3A_71] : memref<64x80xi32, #tpu.memory_space<vmem>> -> memref<1x80xi32, #tpu.memory_space<vmem>>
    %dma_wait3A_73 = tpu.memref_squeeze %dma_wait3A_72 : memref<1x80xi32, #tpu.memory_space<vmem>> -> memref<80xi32, #tpu.memory_space<vmem>>
    %dma_wait3A_74 = arith.constant 0 : i32
    %dma_wait3A_75 = arith.constant 0 : i32
    %dma_wait3A_76 = tpu.memref_slice %arg2[%dma_wait3A_74, %dma_wait3A_75] : memref<12048x128xf32, #tpu.memory_space<hbm>> -> memref<12048x128xf32, #tpu.memory_space<hbm>>
    tpu.wait_indirect_dma semaphore(%arg19 : memref<!tpu.dma_semaphore, #tpu.memory_space<semaphore_mem>>) src(%dma_wait3A_76 : memref<12048x128xf32, #tpu.memory_space<hbm>>) dst(%arg15 : memref<80x128xf32, #tpu.memory_space<vmem>>)
    %dma_wait3A_77 = arith.constant 1 : i32
    %dma_wait3A_78 = arith.constant 0 : i32
    %dma_wait3A_79 = tpu.memref_slice %arg13[%dma_wait3A_77, %dma_wait3A_78] : memref<64x80xi32, #tpu.memory_space<vmem>> -> memref<1x80xi32, #tpu.memory_space<vmem>>
    %dma_wait3A_80 = tpu.memref_squeeze %dma_wait3A_79 : memref<1x80xi32, #tpu.memory_space<vmem>> -> memref<80xi32, #tpu.memory_space<vmem>>
    %dma_wait3A_81 = arith.constant 0 : i32
    %dma_wait3A_82 = tpu.memref_slice %arg5[%dma_wait3A_81] : memref<12048xf32, #tpu.memory_space<hbm>> -> memref<12048xf32, #tpu.memory_space<hbm>>
    tpu.wait_indirect_dma semaphore(%arg21 : memref<!tpu.dma_semaphore, #tpu.memory_space<semaphore_mem>>) src(%dma_wait3A_82 : memref<12048xf32, #tpu.memory_space<hbm>>) dst(%arg17 : memref<80xf32, #tpu.memory_space<vmem>>)
    %dma_start3A_83 = arith.constant 1 : i32
    %dma_start3A_84 = arith.constant 0 : i32
    %dma_start3A_85 = tpu.memref_slice %arg13[%dma_start3A_83, %dma_start3A_84] : memref<64x80xi32, #tpu.memory_space<vmem>> -> memref<1x80xi32, #tpu.memory_space<vmem>>
    %dma_start3A_86 = tpu.memref_squeeze %dma_start3A_85 : memref<1x80xi32, #tpu.memory_space<vmem>> -> memref<80xi32, #tpu.memory_space<vmem>>
    %dma_start3A_87 = arith.constant 0 : i32
    %dma_start3A_88 = arith.constant 0 : i32
    %dma_start3A_89 = tpu.memref_slice %arg10[%dma_start3A_87, %dma_start3A_88] : memref<10000x128xf32, #tpu.memory_space<vmem_shared>> -> memref<10000x128xf32, #tpu.memory_space<vmem_shared>>
    tpu.enqueue_indirect_dma source(%arg15 : memref<80x128xf32, #tpu.memory_space<vmem>>) target(%dma_start3A_89 : memref<10000x128xf32, #tpu.memory_space<vmem_shared>>) offsets(%dma_start3A_86 : memref<80xi32, #tpu.memory_space<vmem>>) semaphore(%arg23 : memref<!tpu.dma_semaphore, #tpu.memory_space<semaphore_mem>>) {add = true}
    %dma_start3A_90 = arith.constant 1 : i32
    %dma_start3A_91 = arith.constant 0 : i32
    %dma_start3A_92 = tpu.memref_slice %arg12[%dma_start3A_90, %dma_start3A_91] : memref<64x80xi32, #tpu.memory_space<vmem>> -> memref<1x80xi32, #tpu.memory_space<vmem>>
    %dma_start3A_93 = tpu.memref_squeeze %dma_start3A_92 : memref<1x80xi32, #tpu.memory_space<vmem>> -> memref<80xi32, #tpu.memory_space<vmem>>
    %dma_start3A_94 = arith.constant 0 : i32
    %dma_start3A_95 = tpu.memref_slice %arg11[%dma_start3A_94] : memref<12048xf32, #tpu.memory_space<vmem_shared>> -> memref<12048xf32, #tpu.memory_space<vmem_shared>>
    tpu.enqueue_indirect_dma source(%arg17 : memref<80xf32, #tpu.memory_space<vmem>>) target(%dma_start3A_95 : memref<12048xf32, #tpu.memory_space<vmem_shared>>) offsets(%dma_start3A_93 : memref<80xi32, #tpu.memory_space<vmem>>) semaphore(%arg25 : memref<!tpu.dma_semaphore, #tpu.memory_space<semaphore_mem>>) {add = true}
    %dma_wait3A_96 = arith.constant 1 : i32
    %dma_wait3A_97 = arith.constant 0 : i32
    %dma_wait3A_98 = tpu.memref_slice %arg13[%dma_wait3A_96, %dma_wait3A_97] : memref<64x80xi32, #tpu.memory_space<vmem>> -> memref<1x80xi32, #tpu.memory_space<vmem>>
    %dma_wait3A_99 = tpu.memref_squeeze %dma_wait3A_98 : memref<1x80xi32, #tpu.memory_space<vmem>> -> memref<80xi32, #tpu.memory_space<vmem>>
    %dma_wait3A_100 = arith.constant 0 : i32
    %dma_wait3A_101 = arith.constant 0 : i32
    %dma_wait3A_102 = tpu.memref_slice %arg10[%dma_wait3A_100, %dma_wait3A_101] : memref<10000x128xf32, #tpu.memory_space<vmem_shared>> -> memref<10000x128xf32, #tpu.memory_space<vmem_shared>>
    tpu.wait_indirect_dma semaphore(%arg23 : memref<!tpu.dma_semaphore, #tpu.memory_space<semaphore_mem>>) src(%arg15 : memref<80x128xf32, #tpu.memory_space<vmem>>) dst(%dma_wait3A_102 : memref<10000x128xf32, #tpu.memory_space<vmem_shared>>)
    %dma_wait3A_103 = arith.constant 1 : i32
    %dma_wait3A_104 = arith.constant 0 : i32
    %dma_wait3A_105 = tpu.memref_slice %arg12[%dma_wait3A_103, %dma_wait3A_104] : memref<64x80xi32, #tpu.memory_space<vmem>> -> memref<1x80xi32, #tpu.memory_space<vmem>>
    %dma_wait3A_106 = tpu.memref_squeeze %dma_wait3A_105 : memref<1x80xi32, #tpu.memory_space<vmem>> -> memref<80xi32, #tpu.memory_space<vmem>>
    %dma_wait3A_107 = arith.constant 0 : i32
    %dma_wait3A_108 = tpu.memref_slice %arg11[%dma_wait3A_107] : memref<12048xf32, #tpu.memory_space<vmem_shared>> -> memref<12048xf32, #tpu.memory_space<vmem_shared>>
    tpu.wait_indirect_dma semaphore(%arg25 : memref<!tpu.dma_semaphore, #tpu.memory_space<semaphore_mem>>) src(%arg17 : memref<80xf32, #tpu.memory_space<vmem>>) dst(%dma_wait3A_108 : memref<12048xf32, #tpu.memory_space<vmem_shared>>)
    %dma_start3A_109 = arith.constant 2 : i32
    %dma_start3A_110 = arith.constant 0 : i32
    %dma_start3A_111 = tpu.memref_slice %arg12[%dma_start3A_109, %dma_start3A_110] : memref<64x80xi32, #tpu.memory_space<vmem>> -> memref<1x80xi32, #tpu.memory_space<vmem>>
    %dma_start3A_112 = tpu.memref_squeeze %dma_start3A_111 : memref<1x80xi32, #tpu.memory_space<vmem>> -> memref<80xi32, #tpu.memory_space<vmem>>
    %dma_start3A_113 = arith.constant 0 : i32
    %dma_start3A_114 = arith.constant 0 : i32
    %dma_start3A_115 = tpu.memref_slice %arg2[%dma_start3A_113, %dma_start3A_114] : memref<12048x128xf32, #tpu.memory_space<hbm>> -> memref<12048x128xf32, #tpu.memory_space<hbm>>
    tpu.enqueue_indirect_dma source(%dma_start3A_115 : memref<12048x128xf32, #tpu.memory_space<hbm>>) target(%arg14 : memref<80x128xf32, #tpu.memory_space<vmem>>) offsets(%dma_start3A_112 : memref<80xi32, #tpu.memory_space<vmem>>) semaphore(%arg18 : memref<!tpu.dma_semaphore, #tpu.memory_space<semaphore_mem>>)
    %dma_start3A_116 = arith.constant 2 : i32
    %dma_start3A_117 = arith.constant 0 : i32
    %dma_start3A_118 = tpu.memref_slice %arg13[%dma_start3A_116, %dma_start3A_117] : memref<64x80xi32, #tpu.memory_space<vmem>> -> memref<1x80xi32, #tpu.memory_space<vmem>>
    %dma_start3A_119 = tpu.memref_squeeze %dma_start3A_118 : memref<1x80xi32, #tpu.memory_space<vmem>> -> memref<80xi32, #tpu.memory_space<vmem>>
    %dma_start3A_120 = arith.constant 0 : i32
    %dma_start3A_121 = tpu.memref_slice %arg5[%dma_start3A_120] : memref<12048xf32, #tpu.memory_space<hbm>> -> memref<12048xf32, #tpu.memory_space<hbm>>
    tpu.enqueue_indirect_dma source(%dma_start3A_121 : memref<12048xf32, #tpu.memory_space<hbm>>) target(%arg16 : memref<80xf32, #tpu.memory_space<vmem>>) offsets(%dma_start3A_119 : memref<80xi32, #tpu.memory_space<vmem>>) semaphore(%arg20 : memref<!tpu.dma_semaphore, #tpu.memory_space<semaphore_mem>>)
    %dma_start3A_122 = arith.constant 3 : i32
    %dma_start3A_123 = arith.constant 0 : i32
    %dma_start3A_124 = tpu.memref_slice %arg12[%dma_start3A_122, %dma_start3A_123] : memref<64x80xi32, #tpu.memory_space<vmem>> -> memref<1x80xi32, #tpu.memory_space<vmem>>
    %dma_start3A_125 = tpu.memref_squeeze %dma_start3A_124 : memref<1x80xi32, #tpu.memory_space<vmem>> -> memref<80xi32, #tpu.memory_space<vmem>>
    %dma_start3A_126 = arith.constant 0 : i32
    %dma_start3A_127 = arith.constant 0 : i32
    %dma_start3A_128 = tpu.memref_slice %arg2[%dma_start3A_126, %dma_start3A_127] : memref<12048x128xf32, #tpu.memory_space<hbm>> -> memref<12048x128xf32, #tpu.memory_space<hbm>>
    tpu.enqueue_indirect_dma source(%dma_start3A_128 : memref<12048x128xf32, #tpu.memory_space<hbm>>) target(%arg15 : memref<80x128xf32, #tpu.memory_space<vmem>>) offsets(%dma_start3A_125 : memref<80xi32, #tpu.memory_space<vmem>>) semaphore(%arg19 : memref<!tpu.dma_semaphore, #tpu.memory_space<semaphore_mem>>)
    %dma_start3A_129 = arith.constant 3 : i32
    %dma_start3A_130 = arith.constant 0 : i32
    %dma_start3A_131 = tpu.memref_slice %arg13[%dma_start3A_129, %dma_start3A_130] : memref<64x80xi32, #tpu.memory_space<vmem>> -> memref<1x80xi32, #tpu.memory_space<vmem>>
    %dma_start3A_132 = tpu.memref_squeeze %dma_start3A_131 : memref<1x80xi32, #tpu.memory_space<vmem>> -> memref<80xi32, #tpu.memory_space<vmem>>
    %dma_start3A_133 = arith.constant 0 : i32
    %dma_start3A_134 = tpu.memref_slice %arg5[%dma_start3A_133] : memref<12048xf32, #tpu.memory_space<hbm>> -> memref<12048xf32, #tpu.memory_space<hbm>>
    tpu.enqueue_indirect_dma source(%dma_start3A_134 : memref<12048xf32, #tpu.memory_space<hbm>>) target(%arg17 : memref<80xf32, #tpu.memory_space<vmem>>) offsets(%dma_start3A_132 : memref<80xi32, #tpu.memory_space<vmem>>) semaphore(%arg21 : memref<!tpu.dma_semaphore, #tpu.memory_space<semaphore_mem>>)
    %scan3A = arith.constant 0 : i32
    %scan3A_135 = arith.constant 1 : i32
    %scan3A_136 = arith.constant 30 : i32
    %scan3A_137 = arith.addi %scan3A_135, %scan3A_136 : i32
    %scan3A_138 = arith.constant 1 : i32
    scf.for %scan3A_442 = %scan3A_135 to %scan3A_137 step %scan3A_138  : i32 {
      %mul3A_443 = arith.constant 2 : i32
      %mul3A_444 = arith.muli %scan3A_442, %mul3A_443 : i32
      %add3A_445 = arith.constant 0 : i32
      %add3A_446 = arith.addi %mul3A_444, %add3A_445 : i32
      %dma_wait3A_447 = arith.constant 0 : i32
      %dma_wait3A_448 = tpu.memref_slice %arg12[%add3A_446, %dma_wait3A_447] : memref<64x80xi32, #tpu.memory_space<vmem>> -> memref<1x80xi32, #tpu.memory_space<vmem>>
      %dma_wait3A_449 = tpu.memref_squeeze %dma_wait3A_448 : memref<1x80xi32, #tpu.memory_space<vmem>> -> memref<80xi32, #tpu.memory_space<vmem>>
      %dma_wait3A_450 = arith.constant 0 : i32
      %dma_wait3A_451 = arith.constant 0 : i32
      %dma_wait3A_452 = tpu.memref_slice %arg2[%dma_wait3A_450, %dma_wait3A_451] : memref<12048x128xf32, #tpu.memory_space<hbm>> -> memref<12048x128xf32, #tpu.memory_space<hbm>>
      tpu.wait_indirect_dma semaphore(%arg18 : memref<!tpu.dma_semaphore, #tpu.memory_space<semaphore_mem>>) src(%dma_wait3A_452 : memref<12048x128xf32, #tpu.memory_space<hbm>>) dst(%arg14 : memref<80x128xf32, #tpu.memory_space<vmem>>)
      %dma_wait3A_453 = arith.constant 0 : i32
      %dma_wait3A_454 = tpu.memref_slice %arg13[%add3A_446, %dma_wait3A_453] : memref<64x80xi32, #tpu.memory_space<vmem>> -> memref<1x80xi32, #tpu.memory_space<vmem>>
      %dma_wait3A_455 = tpu.memref_squeeze %dma_wait3A_454 : memref<1x80xi32, #tpu.memory_space<vmem>> -> memref<80xi32, #tpu.memory_space<vmem>>
      %dma_wait3A_456 = arith.constant 0 : i32
      %dma_wait3A_457 = tpu.memref_slice %arg5[%dma_wait3A_456] : memref<12048xf32, #tpu.memory_space<hbm>> -> memref<12048xf32, #tpu.memory_space<hbm>>
      tpu.wait_indirect_dma semaphore(%arg20 : memref<!tpu.dma_semaphore, #tpu.memory_space<semaphore_mem>>) src(%dma_wait3A_457 : memref<12048xf32, #tpu.memory_space<hbm>>) dst(%arg16 : memref<80xf32, #tpu.memory_space<vmem>>)
      %dma_start3A_458 = arith.constant 0 : i32
      %dma_start3A_459 = tpu.memref_slice %arg13[%add3A_446, %dma_start3A_458] : memref<64x80xi32, #tpu.memory_space<vmem>> -> memref<1x80xi32, #tpu.memory_space<vmem>>
      %dma_start3A_460 = tpu.memref_squeeze %dma_start3A_459 : memref<1x80xi32, #tpu.memory_space<vmem>> -> memref<80xi32, #tpu.memory_space<vmem>>
      %dma_start3A_461 = arith.constant 0 : i32
      %dma_start3A_462 = arith.constant 0 : i32
      %dma_start3A_463 = tpu.memref_slice %arg10[%dma_start3A_461, %dma_start3A_462] : memref<10000x128xf32, #tpu.memory_space<vmem_shared>> -> memref<10000x128xf32, #tpu.memory_space<vmem_shared>>
      tpu.enqueue_indirect_dma source(%arg14 : memref<80x128xf32, #tpu.memory_space<vmem>>) target(%dma_start3A_463 : memref<10000x128xf32, #tpu.memory_space<vmem_shared>>) offsets(%dma_start3A_460 : memref<80xi32, #tpu.memory_space<vmem>>) semaphore(%arg22 : memref<!tpu.dma_semaphore, #tpu.memory_space<semaphore_mem>>) {add = true}
      %dma_start3A_464 = arith.constant 0 : i32
      %dma_start3A_465 = tpu.memref_slice %arg12[%add3A_446, %dma_start3A_464] : memref<64x80xi32, #tpu.memory_space<vmem>> -> memref<1x80xi32, #tpu.memory_space<vmem>>
      %dma_start3A_466 = tpu.memref_squeeze %dma_start3A_465 : memref<1x80xi32, #tpu.memory_space<vmem>> -> memref<80xi32, #tpu.memory_space<vmem>>
      %dma_start3A_467 = arith.constant 0 : i32
      %dma_start3A_468 = tpu.memref_slice %arg11[%dma_start3A_467] : memref<12048xf32, #tpu.memory_space<vmem_shared>> -> memref<12048xf32, #tpu.memory_space<vmem_shared>>
      tpu.enqueue_indirect_dma source(%arg16 : memref<80xf32, #tpu.memory_space<vmem>>) target(%dma_start3A_468 : memref<12048xf32, #tpu.memory_space<vmem_shared>>) offsets(%dma_start3A_466 : memref<80xi32, #tpu.memory_space<vmem>>) semaphore(%arg24 : memref<!tpu.dma_semaphore, #tpu.memory_space<semaphore_mem>>) {add = true}
      %dma_wait3A_469 = arith.constant 0 : i32
      %dma_wait3A_470 = tpu.memref_slice %arg13[%add3A_446, %dma_wait3A_469] : memref<64x80xi32, #tpu.memory_space<vmem>> -> memref<1x80xi32, #tpu.memory_space<vmem>>
      %dma_wait3A_471 = tpu.memref_squeeze %dma_wait3A_470 : memref<1x80xi32, #tpu.memory_space<vmem>> -> memref<80xi32, #tpu.memory_space<vmem>>
      %dma_wait3A_472 = arith.constant 0 : i32
      %dma_wait3A_473 = arith.constant 0 : i32
      %dma_wait3A_474 = tpu.memref_slice %arg10[%dma_wait3A_472, %dma_wait3A_473] : memref<10000x128xf32, #tpu.memory_space<vmem_shared>> -> memref<10000x128xf32, #tpu.memory_space<vmem_shared>>
      tpu.wait_indirect_dma semaphore(%arg22 : memref<!tpu.dma_semaphore, #tpu.memory_space<semaphore_mem>>) src(%arg14 : memref<80x128xf32, #tpu.memory_space<vmem>>) dst(%dma_wait3A_474 : memref<10000x128xf32, #tpu.memory_space<vmem_shared>>)
      %dma_wait3A_475 = arith.constant 0 : i32
      %dma_wait3A_476 = tpu.memref_slice %arg12[%add3A_446, %dma_wait3A_475] : memref<64x80xi32, #tpu.memory_space<vmem>> -> memref<1x80xi32, #tpu.memory_space<vmem>>
      %dma_wait3A_477 = tpu.memref_squeeze %dma_wait3A_476 : memref<1x80xi32, #tpu.memory_space<vmem>> -> memref<80xi32, #tpu.memory_space<vmem>>
      %dma_wait3A_478 = arith.constant 0 : i32
      %dma_wait3A_479 = tpu.memref_slice %arg11[%dma_wait3A_478] : memref<12048xf32, #tpu.memory_space<vmem_shared>> -> memref<12048xf32, #tpu.memory_space<vmem_shared>>
      tpu.wait_indirect_dma semaphore(%arg24 : memref<!tpu.dma_semaphore, #tpu.memory_space<semaphore_mem>>) src(%arg16 : memref<80xf32, #tpu.memory_space<vmem>>) dst(%dma_wait3A_479 : memref<12048xf32, #tpu.memory_space<vmem_shared>>)
      %mul3A_480 = arith.constant 2 : i32
      %mul3A_481 = arith.muli %scan3A_442, %mul3A_480 : i32
      %add3A_482 = arith.constant 1 : i32
      %add3A_483 = arith.addi %mul3A_481, %add3A_482 : i32
      %dma_wait3A_484 = arith.constant 0 : i32
      %dma_wait3A_485 = tpu.memref_slice %arg12[%add3A_483, %dma_wait3A_484] : memref<64x80xi32, #tpu.memory_space<vmem>> -> memref<1x80xi32, #tpu.memory_space<vmem>>
      %dma_wait3A_486 = tpu.memref_squeeze %dma_wait3A_485 : memref<1x80xi32, #tpu.memory_space<vmem>> -> memref<80xi32, #tpu.memory_space<vmem>>
      %dma_wait3A_487 = arith.constant 0 : i32
      %dma_wait3A_488 = arith.constant 0 : i32
      %dma_wait3A_489 = tpu.memref_slice %arg2[%dma_wait3A_487, %dma_wait3A_488] : memref<12048x128xf32, #tpu.memory_space<hbm>> -> memref<12048x128xf32, #tpu.memory_space<hbm>>
      tpu.wait_indirect_dma semaphore(%arg19 : memref<!tpu.dma_semaphore, #tpu.memory_space<semaphore_mem>>) src(%dma_wait3A_489 : memref<12048x128xf32, #tpu.memory_space<hbm>>) dst(%arg15 : memref<80x128xf32, #tpu.memory_space<vmem>>)
      %dma_wait3A_490 = arith.constant 0 : i32
      %dma_wait3A_491 = tpu.memref_slice %arg13[%add3A_483, %dma_wait3A_490] : memref<64x80xi32, #tpu.memory_space<vmem>> -> memref<1x80xi32, #tpu.memory_space<vmem>>
      %dma_wait3A_492 = tpu.memref_squeeze %dma_wait3A_491 : memref<1x80xi32, #tpu.memory_space<vmem>> -> memref<80xi32, #tpu.memory_space<vmem>>
      %dma_wait3A_493 = arith.constant 0 : i32
      %dma_wait3A_494 = tpu.memref_slice %arg5[%dma_wait3A_493] : memref<12048xf32, #tpu.memory_space<hbm>> -> memref<12048xf32, #tpu.memory_space<hbm>>
      tpu.wait_indirect_dma semaphore(%arg21 : memref<!tpu.dma_semaphore, #tpu.memory_space<semaphore_mem>>) src(%dma_wait3A_494 : memref<12048xf32, #tpu.memory_space<hbm>>) dst(%arg17 : memref<80xf32, #tpu.memory_space<vmem>>)
      %dma_start3A_495 = arith.constant 0 : i32
      %dma_start3A_496 = tpu.memref_slice %arg13[%add3A_483, %dma_start3A_495] : memref<64x80xi32, #tpu.memory_space<vmem>> -> memref<1x80xi32, #tpu.memory_space<vmem>>
      %dma_start3A_497 = tpu.memref_squeeze %dma_start3A_496 : memref<1x80xi32, #tpu.memory_space<vmem>> -> memref<80xi32, #tpu.memory_space<vmem>>
      %dma_start3A_498 = arith.constant 0 : i32
      %dma_start3A_499 = arith.constant 0 : i32
      %dma_start3A_500 = tpu.memref_slice %arg10[%dma_start3A_498, %dma_start3A_499] : memref<10000x128xf32, #tpu.memory_space<vmem_shared>> -> memref<10000x128xf32, #tpu.memory_space<vmem_shared>>
      tpu.enqueue_indirect_dma source(%arg15 : memref<80x128xf32, #tpu.memory_space<vmem>>) target(%dma_start3A_500 : memref<10000x128xf32, #tpu.memory_space<vmem_shared>>) offsets(%dma_start3A_497 : memref<80xi32, #tpu.memory_space<vmem>>) semaphore(%arg23 : memref<!tpu.dma_semaphore, #tpu.memory_space<semaphore_mem>>) {add = true}
      %dma_start3A_501 = arith.constant 0 : i32
      %dma_start3A_502 = tpu.memref_slice %arg12[%add3A_483, %dma_start3A_501] : memref<64x80xi32, #tpu.memory_space<vmem>> -> memref<1x80xi32, #tpu.memory_space<vmem>>
      %dma_start3A_503 = tpu.memref_squeeze %dma_start3A_502 : memref<1x80xi32, #tpu.memory_space<vmem>> -> memref<80xi32, #tpu.memory_space<vmem>>
      %dma_start3A_504 = arith.constant 0 : i32
      %dma_start3A_505 = tpu.memref_slice %arg11[%dma_start3A_504] : memref<12048xf32, #tpu.memory_space<vmem_shared>> -> memref<12048xf32, #tpu.memory_space<vmem_shared>>
      tpu.enqueue_indirect_dma source(%arg17 : memref<80xf32, #tpu.memory_space<vmem>>) target(%dma_start3A_505 : memref<12048xf32, #tpu.memory_space<vmem_shared>>) offsets(%dma_start3A_503 : memref<80xi32, #tpu.memory_space<vmem>>) semaphore(%arg25 : memref<!tpu.dma_semaphore, #tpu.memory_space<semaphore_mem>>) {add = true}
      %dma_wait3A_506 = arith.constant 0 : i32
      %dma_wait3A_507 = tpu.memref_slice %arg13[%add3A_483, %dma_wait3A_506] : memref<64x80xi32, #tpu.memory_space<vmem>> -> memref<1x80xi32, #tpu.memory_space<vmem>>
      %dma_wait3A_508 = tpu.memref_squeeze %dma_wait3A_507 : memref<1x80xi32, #tpu.memory_space<vmem>> -> memref<80xi32, #tpu.memory_space<vmem>>
      %dma_wait3A_509 = arith.constant 0 : i32
      %dma_wait3A_510 = arith.constant 0 : i32
      %dma_wait3A_511 = tpu.memref_slice %arg10[%dma_wait3A_509, %dma_wait3A_510] : memref<10000x128xf32, #tpu.memory_space<vmem_shared>> -> memref<10000x128xf32, #tpu.memory_space<vmem_shared>>
      tpu.wait_indirect_dma semaphore(%arg23 : memref<!tpu.dma_semaphore, #tpu.memory_space<semaphore_mem>>) src(%arg15 : memref<80x128xf32, #tpu.memory_space<vmem>>) dst(%dma_wait3A_511 : memref<10000x128xf32, #tpu.memory_space<vmem_shared>>)
      %dma_wait3A_512 = arith.constant 0 : i32
      %dma_wait3A_513 = tpu.memref_slice %arg12[%add3A_483, %dma_wait3A_512] : memref<64x80xi32, #tpu.memory_space<vmem>> -> memref<1x80xi32, #tpu.memory_space<vmem>>
      %dma_wait3A_514 = tpu.memref_squeeze %dma_wait3A_513 : memref<1x80xi32, #tpu.memory_space<vmem>> -> memref<80xi32, #tpu.memory_space<vmem>>
      %dma_wait3A_515 = arith.constant 0 : i32
      %dma_wait3A_516 = tpu.memref_slice %arg11[%dma_wait3A_515] : memref<12048xf32, #tpu.memory_space<vmem_shared>> -> memref<12048xf32, #tpu.memory_space<vmem_shared>>
      tpu.wait_indirect_dma semaphore(%arg25 : memref<!tpu.dma_semaphore, #tpu.memory_space<semaphore_mem>>) src(%arg17 : memref<80xf32, #tpu.memory_space<vmem>>) dst(%dma_wait3A_516 : memref<12048xf32, #tpu.memory_space<vmem_shared>>)
      %add3A_517 = arith.constant 1 : i32
      %add3A_518 = arith.addi %scan3A_442, %add3A_517 : i32
      %mul3A_519 = arith.constant 2 : i32
      %mul3A_520 = arith.muli %add3A_518, %mul3A_519 : i32
      %add3A_521 = arith.constant 0 : i32
      %add3A_522 = arith.addi %mul3A_520, %add3A_521 : i32
      %dma_start3A_523 = arith.constant 0 : i32
      %dma_start3A_524 = tpu.memref_slice %arg12[%add3A_522, %dma_start3A_523] : memref<64x80xi32, #tpu.memory_space<vmem>> -> memref<1x80xi32, #tpu.memory_space<vmem>>
      %dma_start3A_525 = tpu.memref_squeeze %dma_start3A_524 : memref<1x80xi32, #tpu.memory_space<vmem>> -> memref<80xi32, #tpu.memory_space<vmem>>
      %dma_start3A_526 = arith.constant 0 : i32
      %dma_start3A_527 = arith.constant 0 : i32
      %dma_start3A_528 = tpu.memref_slice %arg2[%dma_start3A_526, %dma_start3A_527] : memref<12048x128xf32, #tpu.memory_space<hbm>> -> memref<12048x128xf32, #tpu.memory_space<hbm>>
      tpu.enqueue_indirect_dma source(%dma_start3A_528 : memref<12048x128xf32, #tpu.memory_space<hbm>>) target(%arg14 : memref<80x128xf32, #tpu.memory_space<vmem>>) offsets(%dma_start3A_525 : memref<80xi32, #tpu.memory_space<vmem>>) semaphore(%arg18 : memref<!tpu.dma_semaphore, #tpu.memory_space<semaphore_mem>>)
      %dma_start3A_529 = arith.constant 0 : i32
      %dma_start3A_530 = tpu.memref_slice %arg13[%add3A_522, %dma_start3A_529] : memref<64x80xi32, #tpu.memory_space<vmem>> -> memref<1x80xi32, #tpu.memory_space<vmem>>
      %dma_start3A_531 = tpu.memref_squeeze %dma_start3A_530 : memref<1x80xi32, #tpu.memory_space<vmem>> -> memref<80xi32, #tpu.memory_space<vmem>>
      %dma_start3A_532 = arith.constant 0 : i32
      %dma_start3A_533 = tpu.memref_slice %arg5[%dma_start3A_532] : memref<12048xf32, #tpu.memory_space<hbm>> -> memref<12048xf32, #tpu.memory_space<hbm>>
      tpu.enqueue_indirect_dma source(%dma_start3A_533 : memref<12048xf32, #tpu.memory_space<hbm>>) target(%arg16 : memref<80xf32, #tpu.memory_space<vmem>>) offsets(%dma_start3A_531 : memref<80xi32, #tpu.memory_space<vmem>>) semaphore(%arg20 : memref<!tpu.dma_semaphore, #tpu.memory_space<semaphore_mem>>)
      %add3A_534 = arith.constant 1 : i32
      %add3A_535 = arith.addi %scan3A_442, %add3A_534 : i32
      %mul3A_536 = arith.constant 2 : i32
      %mul3A_537 = arith.muli %add3A_535, %mul3A_536 : i32
      %add3A_538 = arith.constant 1 : i32
      %add3A_539 = arith.addi %mul3A_537, %add3A_538 : i32
      %dma_start3A_540 = arith.constant 0 : i32
      %dma_start3A_541 = tpu.memref_slice %arg12[%add3A_539, %dma_start3A_540] : memref<64x80xi32, #tpu.memory_space<vmem>> -> memref<1x80xi32, #tpu.memory_space<vmem>>
      %dma_start3A_542 = tpu.memref_squeeze %dma_start3A_541 : memref<1x80xi32, #tpu.memory_space<vmem>> -> memref<80xi32, #tpu.memory_space<vmem>>
      %dma_start3A_543 = arith.constant 0 : i32
      %dma_start3A_544 = arith.constant 0 : i32
      %dma_start3A_545 = tpu.memref_slice %arg2[%dma_start3A_543, %dma_start3A_544] : memref<12048x128xf32, #tpu.memory_space<hbm>> -> memref<12048x128xf32, #tpu.memory_space<hbm>>
      tpu.enqueue_indirect_dma source(%dma_start3A_545 : memref<12048x128xf32, #tpu.memory_space<hbm>>) target(%arg15 : memref<80x128xf32, #tpu.memory_space<vmem>>) offsets(%dma_start3A_542 : memref<80xi32, #tpu.memory_space<vmem>>) semaphore(%arg19 : memref<!tpu.dma_semaphore, #tpu.memory_space<semaphore_mem>>)
      %dma_start3A_546 = arith.constant 0 : i32
      %dma_start3A_547 = tpu.memref_slice %arg13[%add3A_539, %dma_start3A_546] : memref<64x80xi32, #tpu.memory_space<vmem>> -> memref<1x80xi32, #tpu.memory_space<vmem>>
      %dma_start3A_548 = tpu.memref_squeeze %dma_start3A_547 : memref<1x80xi32, #tpu.memory_space<vmem>> -> memref<80xi32, #tpu.memory_space<vmem>>
      %dma_start3A_549 = arith.constant 0 : i32
      %dma_start3A_550 = tpu.memref_slice %arg5[%dma_start3A_549] : memref<12048xf32, #tpu.memory_space<hbm>> -> memref<12048xf32, #tpu.memory_space<hbm>>
      tpu.enqueue_indirect_dma source(%dma_start3A_550 : memref<12048xf32, #tpu.memory_space<hbm>>) target(%arg17 : memref<80xf32, #tpu.memory_space<vmem>>) offsets(%dma_start3A_548 : memref<80xi32, #tpu.memory_space<vmem>>) semaphore(%arg21 : memref<!tpu.dma_semaphore, #tpu.memory_space<semaphore_mem>>)
    }
    %scan3A_139 = arith.constant 30 : i32
    %dma_wait3A_140 = arith.constant 62 : i32
    %dma_wait3A_141 = arith.constant 0 : i32
    %dma_wait3A_142 = tpu.memref_slice %arg12[%dma_wait3A_140, %dma_wait3A_141] : memref<64x80xi32, #tpu.memory_space<vmem>> -> memref<1x80xi32, #tpu.memory_space<vmem>>
    %dma_wait3A_143 = tpu.memref_squeeze %dma_wait3A_142 : memref<1x80xi32, #tpu.memory_space<vmem>> -> memref<80xi32, #tpu.memory_space<vmem>>
    %dma_wait3A_144 = arith.constant 0 : i32
    %dma_wait3A_145 = arith.constant 0 : i32
    %dma_wait3A_146 = tpu.memref_slice %arg2[%dma_wait3A_144, %dma_wait3A_145] : memref<12048x128xf32, #tpu.memory_space<hbm>> -> memref<12048x128xf32, #tpu.memory_space<hbm>>
    tpu.wait_indirect_dma semaphore(%arg18 : memref<!tpu.dma_semaphore, #tpu.memory_space<semaphore_mem>>) src(%dma_wait3A_146 : memref<12048x128xf32, #tpu.memory_space<hbm>>) dst(%arg14 : memref<80x128xf32, #tpu.memory_space<vmem>>)
    %dma_wait3A_147 = arith.constant 62 : i32
    %dma_wait3A_148 = arith.constant 0 : i32
    %dma_wait3A_149 = tpu.memref_slice %arg13[%dma_wait3A_147, %dma_wait3A_148] : memref<64x80xi32, #tpu.memory_space<vmem>> -> memref<1x80xi32, #tpu.memory_space<vmem>>
    %dma_wait3A_150 = tpu.memref_squeeze %dma_wait3A_149 : memref<1x80xi32, #tpu.memory_space<vmem>> -> memref<80xi32, #tpu.memory_space<vmem>>
    %dma_wait3A_151 = arith.constant 0 : i32
    %dma_wait3A_152 = tpu.memref_slice %arg5[%dma_wait3A_151] : memref<12048xf32, #tpu.memory_space<hbm>> -> memref<12048xf32, #tpu.memory_space<hbm>>
    tpu.wait_indirect_dma semaphore(%arg20 : memref<!tpu.dma_semaphore, #tpu.memory_space<semaphore_mem>>) src(%dma_wait3A_152 : memref<12048xf32, #tpu.memory_space<hbm>>) dst(%arg16 : memref<80xf32, #tpu.memory_space<vmem>>)
    %dma_start3A_153 = arith.constant 62 : i32
    %dma_start3A_154 = arith.constant 0 : i32
    %dma_start3A_155 = tpu.memref_slice %arg13[%dma_start3A_153, %dma_start3A_154] : memref<64x80xi32, #tpu.memory_space<vmem>> -> memref<1x80xi32, #tpu.memory_space<vmem>>
    %dma_start3A_156 = tpu.memref_squeeze %dma_start3A_155 : memref<1x80xi32, #tpu.memory_space<vmem>> -> memref<80xi32, #tpu.memory_space<vmem>>
    %dma_start3A_157 = arith.constant 0 : i32
    %dma_start3A_158 = arith.constant 0 : i32
    %dma_start3A_159 = tpu.memref_slice %arg10[%dma_start3A_157, %dma_start3A_158] : memref<10000x128xf32, #tpu.memory_space<vmem_shared>> -> memref<10000x128xf32, #tpu.memory_space<vmem_shared>>
    tpu.enqueue_indirect_dma source(%arg14 : memref<80x128xf32, #tpu.memory_space<vmem>>) target(%dma_start3A_159 : memref<10000x128xf32, #tpu.memory_space<vmem_shared>>) offsets(%dma_start3A_156 : memref<80xi32, #tpu.memory_space<vmem>>) semaphore(%arg22 : memref<!tpu.dma_semaphore, #tpu.memory_space<semaphore_mem>>) {add = true}
    %dma_start3A_160 = arith.constant 62 : i32
    %dma_start3A_161 = arith.constant 0 : i32
    %dma_start3A_162 = tpu.memref_slice %arg12[%dma_start3A_160, %dma_start3A_161] : memref<64x80xi32, #tpu.memory_space<vmem>> -> memref<1x80xi32, #tpu.memory_space<vmem>>
    %dma_start3A_163 = tpu.memref_squeeze %dma_start3A_162 : memref<1x80xi32, #tpu.memory_space<vmem>> -> memref<80xi32, #tpu.memory_space<vmem>>
    %dma_start3A_164 = arith.constant 0 : i32
    %dma_start3A_165 = tpu.memref_slice %arg11[%dma_start3A_164] : memref<12048xf32, #tpu.memory_space<vmem_shared>> -> memref<12048xf32, #tpu.memory_space<vmem_shared>>
    tpu.enqueue_indirect_dma source(%arg16 : memref<80xf32, #tpu.memory_space<vmem>>) target(%dma_start3A_165 : memref<12048xf32, #tpu.memory_space<vmem_shared>>) offsets(%dma_start3A_163 : memref<80xi32, #tpu.memory_space<vmem>>) semaphore(%arg24 : memref<!tpu.dma_semaphore, #tpu.memory_space<semaphore_mem>>) {add = true}
    %dma_wait3A_166 = arith.constant 62 : i32
    %dma_wait3A_167 = arith.constant 0 : i32
    %dma_wait3A_168 = tpu.memref_slice %arg13[%dma_wait3A_166, %dma_wait3A_167] : memref<64x80xi32, #tpu.memory_space<vmem>> -> memref<1x80xi32, #tpu.memory_space<vmem>>
    %dma_wait3A_169 = tpu.memref_squeeze %dma_wait3A_168 : memref<1x80xi32, #tpu.memory_space<vmem>> -> memref<80xi32, #tpu.memory_space<vmem>>
    %dma_wait3A_170 = arith.constant 0 : i32
    %dma_wait3A_171 = arith.constant 0 : i32
    %dma_wait3A_172 = tpu.memref_slice %arg10[%dma_wait3A_170, %dma_wait3A_171] : memref<10000x128xf32, #tpu.memory_space<vmem_shared>> -> memref<10000x128xf32, #tpu.memory_space<vmem_shared>>
    tpu.wait_indirect_dma semaphore(%arg22 : memref<!tpu.dma_semaphore, #tpu.memory_space<semaphore_mem>>) src(%arg14 : memref<80x128xf32, #tpu.memory_space<vmem>>) dst(%dma_wait3A_172 : memref<10000x128xf32, #tpu.memory_space<vmem_shared>>)
    %dma_wait3A_173 = arith.constant 62 : i32
    %dma_wait3A_174 = arith.constant 0 : i32
    %dma_wait3A_175 = tpu.memref_slice %arg12[%dma_wait3A_173, %dma_wait3A_174] : memref<64x80xi32, #tpu.memory_space<vmem>> -> memref<1x80xi32, #tpu.memory_space<vmem>>
    %dma_wait3A_176 = tpu.memref_squeeze %dma_wait3A_175 : memref<1x80xi32, #tpu.memory_space<vmem>> -> memref<80xi32, #tpu.memory_space<vmem>>
    %dma_wait3A_177 = arith.constant 0 : i32
    %dma_wait3A_178 = tpu.memref_slice %arg11[%dma_wait3A_177] : memref<12048xf32, #tpu.memory_space<vmem_shared>> -> memref<12048xf32, #tpu.memory_space<vmem_shared>>
    tpu.wait_indirect_dma semaphore(%arg24 : memref<!tpu.dma_semaphore, #tpu.memory_space<semaphore_mem>>) src(%arg16 : memref<80xf32, #tpu.memory_space<vmem>>) dst(%dma_wait3A_178 : memref<12048xf32, #tpu.memory_space<vmem_shared>>)
    %dma_wait3A_179 = arith.constant 63 : i32
    %dma_wait3A_180 = arith.constant 0 : i32
    %dma_wait3A_181 = tpu.memref_slice %arg12[%dma_wait3A_179, %dma_wait3A_180] : memref<64x80xi32, #tpu.memory_space<vmem>> -> memref<1x80xi32, #tpu.memory_space<vmem>>
    %dma_wait3A_182 = tpu.memref_squeeze %dma_wait3A_181 : memref<1x80xi32, #tpu.memory_space<vmem>> -> memref<80xi32, #tpu.memory_space<vmem>>
    %dma_wait3A_183 = arith.constant 0 : i32
    %dma_wait3A_184 = arith.constant 0 : i32
    %dma_wait3A_185 = tpu.memref_slice %arg2[%dma_wait3A_183, %dma_wait3A_184] : memref<12048x128xf32, #tpu.memory_space<hbm>> -> memref<12048x128xf32, #tpu.memory_space<hbm>>
    tpu.wait_indirect_dma semaphore(%arg19 : memref<!tpu.dma_semaphore, #tpu.memory_space<semaphore_mem>>) src(%dma_wait3A_185 : memref<12048x128xf32, #tpu.memory_space<hbm>>) dst(%arg15 : memref<80x128xf32, #tpu.memory_space<vmem>>)
    %dma_wait3A_186 = arith.constant 63 : i32
    %dma_wait3A_187 = arith.constant 0 : i32
    %dma_wait3A_188 = tpu.memref_slice %arg13[%dma_wait3A_186, %dma_wait3A_187] : memref<64x80xi32, #tpu.memory_space<vmem>> -> memref<1x80xi32, #tpu.memory_space<vmem>>
    %dma_wait3A_189 = tpu.memref_squeeze %dma_wait3A_188 : memref<1x80xi32, #tpu.memory_space<vmem>> -> memref<80xi32, #tpu.memory_space<vmem>>
    %dma_wait3A_190 = arith.constant 0 : i32
    %dma_wait3A_191 = tpu.memref_slice %arg5[%dma_wait3A_190] : memref<12048xf32, #tpu.memory_space<hbm>> -> memref<12048xf32, #tpu.memory_space<hbm>>
    tpu.wait_indirect_dma semaphore(%arg21 : memref<!tpu.dma_semaphore, #tpu.memory_space<semaphore_mem>>) src(%dma_wait3A_191 : memref<12048xf32, #tpu.memory_space<hbm>>) dst(%arg17 : memref<80xf32, #tpu.memory_space<vmem>>)
    %dma_start3A_192 = arith.constant 63 : i32
    %dma_start3A_193 = arith.constant 0 : i32
    %dma_start3A_194 = tpu.memref_slice %arg13[%dma_start3A_192, %dma_start3A_193] : memref<64x80xi32, #tpu.memory_space<vmem>> -> memref<1x80xi32, #tpu.memory_space<vmem>>
    %dma_start3A_195 = tpu.memref_squeeze %dma_start3A_194 : memref<1x80xi32, #tpu.memory_space<vmem>> -> memref<80xi32, #tpu.memory_space<vmem>>
    %dma_start3A_196 = arith.constant 0 : i32
    %dma_start3A_197 = arith.constant 0 : i32
    %dma_start3A_198 = tpu.memref_slice %arg10[%dma_start3A_196, %dma_start3A_197] : memref<10000x128xf32, #tpu.memory_space<vmem_shared>> -> memref<10000x128xf32, #tpu.memory_space<vmem_shared>>
    tpu.enqueue_indirect_dma source(%arg15 : memref<80x128xf32, #tpu.memory_space<vmem>>) target(%dma_start3A_198 : memref<10000x128xf32, #tpu.memory_space<vmem_shared>>) offsets(%dma_start3A_195 : memref<80xi32, #tpu.memory_space<vmem>>) semaphore(%arg23 : memref<!tpu.dma_semaphore, #tpu.memory_space<semaphore_mem>>) {add = true}
    %dma_start3A_199 = arith.constant 63 : i32
    %dma_start3A_200 = arith.constant 0 : i32
    %dma_start3A_201 = tpu.memref_slice %arg12[%dma_start3A_199, %dma_start3A_200] : memref<64x80xi32, #tpu.memory_space<vmem>> -> memref<1x80xi32, #tpu.memory_space<vmem>>
    %dma_start3A_202 = tpu.memref_squeeze %dma_start3A_201 : memref<1x80xi32, #tpu.memory_space<vmem>> -> memref<80xi32, #tpu.memory_space<vmem>>
    %dma_start3A_203 = arith.constant 0 : i32
    %dma_start3A_204 = tpu.memref_slice %arg11[%dma_start3A_203] : memref<12048xf32, #tpu.memory_space<vmem_shared>> -> memref<12048xf32, #tpu.memory_space<vmem_shared>>
    tpu.enqueue_indirect_dma source(%arg17 : memref<80xf32, #tpu.memory_space<vmem>>) target(%dma_start3A_204 : memref<12048xf32, #tpu.memory_space<vmem_shared>>) offsets(%dma_start3A_202 : memref<80xi32, #tpu.memory_space<vmem>>) semaphore(%arg25 : memref<!tpu.dma_semaphore, #tpu.memory_space<semaphore_mem>>) {add = true}
    %dma_wait3A_205 = arith.constant 63 : i32
    %dma_wait3A_206 = arith.constant 0 : i32
    %dma_wait3A_207 = tpu.memref_slice %arg13[%dma_wait3A_205, %dma_wait3A_206] : memref<64x80xi32, #tpu.memory_space<vmem>> -> memref<1x80xi32, #tpu.memory_space<vmem>>
    %dma_wait3A_208 = tpu.memref_squeeze %dma_wait3A_207 : memref<1x80xi32, #tpu.memory_space<vmem>> -> memref<80xi32, #tpu.memory_space<vmem>>
    %dma_wait3A_209 = arith.constant 0 : i32
    %dma_wait3A_210 = arith.constant 0 : i32
    %dma_wait3A_211 = tpu.memref_slice %arg10[%dma_wait3A_209, %dma_wait3A_210] : memref<10000x128xf32, #tpu.memory_space<vmem_shared>> -> memref<10000x128xf32, #tpu.memory_space<vmem_shared>>
    tpu.wait_indirect_dma semaphore(%arg23 : memref<!tpu.dma_semaphore, #tpu.memory_space<semaphore_mem>>) src(%arg15 : memref<80x128xf32, #tpu.memory_space<vmem>>) dst(%dma_wait3A_211 : memref<10000x128xf32, #tpu.memory_space<vmem_shared>>)
    %dma_wait3A_212 = arith.constant 63 : i32
    %dma_wait3A_213 = arith.constant 0 : i32
    %dma_wait3A_214 = tpu.memref_slice %arg12[%dma_wait3A_212, %dma_wait3A_213] : memref<64x80xi32, #tpu.memory_space<vmem>> -> memref<1x80xi32, #tpu.memory_space<vmem>>
    %dma_wait3A_215 = tpu.memref_squeeze %dma_wait3A_214 : memref<1x80xi32, #tpu.memory_space<vmem>> -> memref<80xi32, #tpu.memory_space<vmem>>
    %dma_wait3A_216 = arith.constant 0 : i32
    %dma_wait3A_217 = tpu.memref_slice %arg11[%dma_wait3A_216] : memref<12048xf32, #tpu.memory_space<vmem_shared>> -> memref<12048xf32, #tpu.memory_space<vmem_shared>>
    tpu.wait_indirect_dma semaphore(%arg25 : memref<!tpu.dma_semaphore, #tpu.memory_space<semaphore_mem>>) src(%arg17 : memref<80xf32, #tpu.memory_space<vmem>>) dst(%dma_wait3A_217 : memref<12048xf32, #tpu.memory_space<vmem_shared>>)
    "tpu.region"() ({
      %run_scoped3A = tpu.sem_alloc : memref<!tpu.dma_semaphore, #tpu.memory_space<semaphore_mem>>
      %dma_start3A_442 = arith.constant 64 : i32
      %dma_start3A_443 = arith.constant 0 : i32
      %dma_start3A_444 = tpu.memref_slice %arg3[%add3A, %dma_start3A_442, %dma_start3A_443] : memref<32x128x80xi32, #tpu.memory_space<hbm>> -> memref<1x64x80xi32, #tpu.memory_space<hbm>>
      %dma_start3A_445 = tpu.memref_squeeze %dma_start3A_444 : memref<1x64x80xi32, #tpu.memory_space<hbm>> -> memref<64x80xi32, #tpu.memory_space<hbm>>
      %dma_start3A_446 = arith.constant 64 : i32
      %dma_start3A_447 = arith.constant 0 : i32
      %dma_start3A_448 = tpu.memref_slice %arg3[%add3A, %dma_start3A_446, %dma_start3A_447] : memref<32x128x80xi32, #tpu.memory_space<hbm>> -> memref<1x64x80xi32, #tpu.memory_space<hbm>>
      %dma_start3A_449 = tpu.memref_squeeze %dma_start3A_448 : memref<1x64x80xi32, #tpu.memory_space<hbm>> -> memref<64x80xi32, #tpu.memory_space<hbm>>
      tpu.enqueue_dma source(%dma_start3A_449 : memref<64x80xi32, #tpu.memory_space<hbm>>) target(%arg12 : memref<64x80xi32, #tpu.memory_space<vmem>>) target_semaphore(%run_scoped3A : memref<!tpu.dma_semaphore, #tpu.memory_space<semaphore_mem>>)
      %dma_wait3A_450 = arith.constant 64 : i32
      %dma_wait3A_451 = arith.constant 0 : i32
      %dma_wait3A_452 = tpu.memref_slice %arg3[%add3A, %dma_wait3A_450, %dma_wait3A_451] : memref<32x128x80xi32, #tpu.memory_space<hbm>> -> memref<1x64x80xi32, #tpu.memory_space<hbm>>
      %dma_wait3A_453 = tpu.memref_squeeze %dma_wait3A_452 : memref<1x64x80xi32, #tpu.memory_space<hbm>> -> memref<64x80xi32, #tpu.memory_space<hbm>>
      %dma_wait3A_454 = arith.constant 64 : i32
      %dma_wait3A_455 = arith.constant 0 : i32
      %dma_wait3A_456 = tpu.memref_slice %arg3[%add3A, %dma_wait3A_454, %dma_wait3A_455] : memref<32x128x80xi32, #tpu.memory_space<hbm>> -> memref<1x64x80xi32, #tpu.memory_space<hbm>>
      %dma_wait3A_457 = tpu.memref_squeeze %dma_wait3A_456 : memref<1x64x80xi32, #tpu.memory_space<hbm>> -> memref<64x80xi32, #tpu.memory_space<hbm>>
      tpu.wait_dma2 semaphore(%run_scoped3A : memref<!tpu.dma_semaphore, #tpu.memory_space<semaphore_mem>>) src(%dma_wait3A_457 : memref<64x80xi32, #tpu.memory_space<hbm>>) dst(%arg12 : memref<64x80xi32, #tpu.memory_space<vmem>>)
      tpu.yield
    }) : () -> ()
    "tpu.region"() ({
      %run_scoped3A = tpu.sem_alloc : memref<!tpu.dma_semaphore, #tpu.memory_space<semaphore_mem>>
      %dma_start3A_442 = arith.constant 64 : i32
      %dma_start3A_443 = arith.constant 0 : i32
      %dma_start3A_444 = tpu.memref_slice %arg4[%add3A, %dma_start3A_442, %dma_start3A_443] : memref<32x128x80xi32, #tpu.memory_space<hbm>> -> memref<1x64x80xi32, #tpu.memory_space<hbm>>
      %dma_start3A_445 = tpu.memref_squeeze %dma_start3A_444 : memref<1x64x80xi32, #tpu.memory_space<hbm>> -> memref<64x80xi32, #tpu.memory_space<hbm>>
      %dma_start3A_446 = arith.constant 64 : i32
      %dma_start3A_447 = arith.constant 0 : i32
      %dma_start3A_448 = tpu.memref_slice %arg4[%add3A, %dma_start3A_446, %dma_start3A_447] : memref<32x128x80xi32, #tpu.memory_space<hbm>> -> memref<1x64x80xi32, #tpu.memory_space<hbm>>
      %dma_start3A_449 = tpu.memref_squeeze %dma_start3A_448 : memref<1x64x80xi32, #tpu.memory_space<hbm>> -> memref<64x80xi32, #tpu.memory_space<hbm>>
      tpu.enqueue_dma source(%dma_start3A_449 : memref<64x80xi32, #tpu.memory_space<hbm>>) target(%arg13 : memref<64x80xi32, #tpu.memory_space<vmem>>) target_semaphore(%run_scoped3A : memref<!tpu.dma_semaphore, #tpu.memory_space<semaphore_mem>>)
      %dma_wait3A_450 = arith.constant 64 : i32
      %dma_wait3A_451 = arith.constant 0 : i32
      %dma_wait3A_452 = tpu.memref_slice %arg4[%add3A, %dma_wait3A_450, %dma_wait3A_451] : memref<32x128x80xi32, #tpu.memory_space<hbm>> -> memref<1x64x80xi32, #tpu.memory_space<hbm>>
      %dma_wait3A_453 = tpu.memref_squeeze %dma_wait3A_452 : memref<1x64x80xi32, #tpu.memory_space<hbm>> -> memref<64x80xi32, #tpu.memory_space<hbm>>
      %dma_wait3A_454 = arith.constant 64 : i32
      %dma_wait3A_455 = arith.constant 0 : i32
      %dma_wait3A_456 = tpu.memref_slice %arg4[%add3A, %dma_wait3A_454, %dma_wait3A_455] : memref<32x128x80xi32, #tpu.memory_space<hbm>> -> memref<1x64x80xi32, #tpu.memory_space<hbm>>
      %dma_wait3A_457 = tpu.memref_squeeze %dma_wait3A_456 : memref<1x64x80xi32, #tpu.memory_space<hbm>> -> memref<64x80xi32, #tpu.memory_space<hbm>>
      tpu.wait_dma2 semaphore(%run_scoped3A : memref<!tpu.dma_semaphore, #tpu.memory_space<semaphore_mem>>) src(%dma_wait3A_457 : memref<64x80xi32, #tpu.memory_space<hbm>>) dst(%arg13 : memref<64x80xi32, #tpu.memory_space<vmem>>)
      tpu.yield
    }) : () -> ()
    %dma_start3A_218 = arith.constant 0 : i32
    %dma_start3A_219 = arith.constant 0 : i32
    %dma_start3A_220 = tpu.memref_slice %arg12[%dma_start3A_218, %dma_start3A_219] : memref<64x80xi32, #tpu.memory_space<vmem>> -> memref<1x80xi32, #tpu.memory_space<vmem>>
    %dma_start3A_221 = tpu.memref_squeeze %dma_start3A_220 : memref<1x80xi32, #tpu.memory_space<vmem>> -> memref<80xi32, #tpu.memory_space<vmem>>
    %dma_start3A_222 = arith.constant 0 : i32
    %dma_start3A_223 = arith.constant 0 : i32
    %dma_start3A_224 = tpu.memref_slice %arg2[%dma_start3A_222, %dma_start3A_223] : memref<12048x128xf32, #tpu.memory_space<hbm>> -> memref<12048x128xf32, #tpu.memory_space<hbm>>
    tpu.enqueue_indirect_dma source(%dma_start3A_224 : memref<12048x128xf32, #tpu.memory_space<hbm>>) target(%arg14 : memref<80x128xf32, #tpu.memory_space<vmem>>) offsets(%dma_start3A_221 : memref<80xi32, #tpu.memory_space<vmem>>) semaphore(%arg18 : memref<!tpu.dma_semaphore, #tpu.memory_space<semaphore_mem>>)
    %dma_start3A_225 = arith.constant 0 : i32
    %dma_start3A_226 = arith.constant 0 : i32
    %dma_start3A_227 = tpu.memref_slice %arg13[%dma_start3A_225, %dma_start3A_226] : memref<64x80xi32, #tpu.memory_space<vmem>> -> memref<1x80xi32, #tpu.memory_space<vmem>>
    %dma_start3A_228 = tpu.memref_squeeze %dma_start3A_227 : memref<1x80xi32, #tpu.memory_space<vmem>> -> memref<80xi32, #tpu.memory_space<vmem>>
    %dma_start3A_229 = arith.constant 0 : i32
    %dma_start3A_230 = tpu.memref_slice %arg5[%dma_start3A_229] : memref<12048xf32, #tpu.memory_space<hbm>> -> memref<12048xf32, #tpu.memory_space<hbm>>
    tpu.enqueue_indirect_dma source(%dma_start3A_230 : memref<12048xf32, #tpu.memory_space<hbm>>) target(%arg16 : memref<80xf32, #tpu.memory_space<vmem>>) offsets(%dma_start3A_228 : memref<80xi32, #tpu.memory_space<vmem>>) semaphore(%arg20 : memref<!tpu.dma_semaphore, #tpu.memory_space<semaphore_mem>>)
    %dma_start3A_231 = arith.constant 1 : i32
    %dma_start3A_232 = arith.constant 0 : i32
    %dma_start3A_233 = tpu.memref_slice %arg12[%dma_start3A_231, %dma_start3A_232] : memref<64x80xi32, #tpu.memory_space<vmem>> -> memref<1x80xi32, #tpu.memory_space<vmem>>
    %dma_start3A_234 = tpu.memref_squeeze %dma_start3A_233 : memref<1x80xi32, #tpu.memory_space<vmem>> -> memref<80xi32, #tpu.memory_space<vmem>>
    %dma_start3A_235 = arith.constant 0 : i32
    %dma_start3A_236 = arith.constant 0 : i32
    %dma_start3A_237 = tpu.memref_slice %arg2[%dma_start3A_235, %dma_start3A_236] : memref<12048x128xf32, #tpu.memory_space<hbm>> -> memref<12048x128xf32, #tpu.memory_space<hbm>>
    tpu.enqueue_indirect_dma source(%dma_start3A_237 : memref<12048x128xf32, #tpu.memory_space<hbm>>) target(%arg15 : memref<80x128xf32, #tpu.memory_space<vmem>>) offsets(%dma_start3A_234 : memref<80xi32, #tpu.memory_space<vmem>>) semaphore(%arg19 : memref<!tpu.dma_semaphore, #tpu.memory_space<semaphore_mem>>)
    %dma_start3A_238 = arith.constant 1 : i32
    %dma_start3A_239 = arith.constant 0 : i32
    %dma_start3A_240 = tpu.memref_slice %arg13[%dma_start3A_238, %dma_start3A_239] : memref<64x80xi32, #tpu.memory_space<vmem>> -> memref<1x80xi32, #tpu.memory_space<vmem>>
    %dma_start3A_241 = tpu.memref_squeeze %dma_start3A_240 : memref<1x80xi32, #tpu.memory_space<vmem>> -> memref<80xi32, #tpu.memory_space<vmem>>
    %dma_start3A_242 = arith.constant 0 : i32
    %dma_start3A_243 = tpu.memref_slice %arg5[%dma_start3A_242] : memref<12048xf32, #tpu.memory_space<hbm>> -> memref<12048xf32, #tpu.memory_space<hbm>>
    tpu.enqueue_indirect_dma source(%dma_start3A_243 : memref<12048xf32, #tpu.memory_space<hbm>>) target(%arg17 : memref<80xf32, #tpu.memory_space<vmem>>) offsets(%dma_start3A_241 : memref<80xi32, #tpu.memory_space<vmem>>) semaphore(%arg21 : memref<!tpu.dma_semaphore, #tpu.memory_space<semaphore_mem>>)
    %dma_wait3A_244 = arith.constant 0 : i32
    %dma_wait3A_245 = arith.constant 0 : i32
    %dma_wait3A_246 = tpu.memref_slice %arg12[%dma_wait3A_244, %dma_wait3A_245] : memref<64x80xi32, #tpu.memory_space<vmem>> -> memref<1x80xi32, #tpu.memory_space<vmem>>
    %dma_wait3A_247 = tpu.memref_squeeze %dma_wait3A_246 : memref<1x80xi32, #tpu.memory_space<vmem>> -> memref<80xi32, #tpu.memory_space<vmem>>
    %dma_wait3A_248 = arith.constant 0 : i32
    %dma_wait3A_249 = arith.constant 0 : i32
    %dma_wait3A_250 = tpu.memref_slice %arg2[%dma_wait3A_248, %dma_wait3A_249] : memref<12048x128xf32, #tpu.memory_space<hbm>> -> memref<12048x128xf32, #tpu.memory_space<hbm>>
    tpu.wait_indirect_dma semaphore(%arg18 : memref<!tpu.dma_semaphore, #tpu.memory_space<semaphore_mem>>) src(%dma_wait3A_250 : memref<12048x128xf32, #tpu.memory_space<hbm>>) dst(%arg14 : memref<80x128xf32, #tpu.memory_space<vmem>>)
    %dma_wait3A_251 = arith.constant 0 : i32
    %dma_wait3A_252 = arith.constant 0 : i32
    %dma_wait3A_253 = tpu.memref_slice %arg13[%dma_wait3A_251, %dma_wait3A_252] : memref<64x80xi32, #tpu.memory_space<vmem>> -> memref<1x80xi32, #tpu.memory_space<vmem>>
    %dma_wait3A_254 = tpu.memref_squeeze %dma_wait3A_253 : memref<1x80xi32, #tpu.memory_space<vmem>> -> memref<80xi32, #tpu.memory_space<vmem>>
    %dma_wait3A_255 = arith.constant 0 : i32
    %dma_wait3A_256 = tpu.memref_slice %arg5[%dma_wait3A_255] : memref<12048xf32, #tpu.memory_space<hbm>> -> memref<12048xf32, #tpu.memory_space<hbm>>
    tpu.wait_indirect_dma semaphore(%arg20 : memref<!tpu.dma_semaphore, #tpu.memory_space<semaphore_mem>>) src(%dma_wait3A_256 : memref<12048xf32, #tpu.memory_space<hbm>>) dst(%arg16 : memref<80xf32, #tpu.memory_space<vmem>>)
    %dma_start3A_257 = arith.constant 0 : i32
    %dma_start3A_258 = arith.constant 0 : i32
    %dma_start3A_259 = tpu.memref_slice %arg13[%dma_start3A_257, %dma_start3A_258] : memref<64x80xi32, #tpu.memory_space<vmem>> -> memref<1x80xi32, #tpu.memory_space<vmem>>
    %dma_start3A_260 = tpu.memref_squeeze %dma_start3A_259 : memref<1x80xi32, #tpu.memory_space<vmem>> -> memref<80xi32, #tpu.memory_space<vmem>>
    %dma_start3A_261 = arith.constant 0 : i32
    %dma_start3A_262 = arith.constant 0 : i32
    %dma_start3A_263 = tpu.memref_slice %arg10[%dma_start3A_261, %dma_start3A_262] : memref<10000x128xf32, #tpu.memory_space<vmem_shared>> -> memref<10000x128xf32, #tpu.memory_space<vmem_shared>>
    tpu.enqueue_indirect_dma source(%arg14 : memref<80x128xf32, #tpu.memory_space<vmem>>) target(%dma_start3A_263 : memref<10000x128xf32, #tpu.memory_space<vmem_shared>>) offsets(%dma_start3A_260 : memref<80xi32, #tpu.memory_space<vmem>>) semaphore(%arg22 : memref<!tpu.dma_semaphore, #tpu.memory_space<semaphore_mem>>) {add = true}
    %dma_start3A_264 = arith.constant 0 : i32
    %dma_start3A_265 = arith.constant 0 : i32
    %dma_start3A_266 = tpu.memref_slice %arg12[%dma_start3A_264, %dma_start3A_265] : memref<64x80xi32, #tpu.memory_space<vmem>> -> memref<1x80xi32, #tpu.memory_space<vmem>>
    %dma_start3A_267 = tpu.memref_squeeze %dma_start3A_266 : memref<1x80xi32, #tpu.memory_space<vmem>> -> memref<80xi32, #tpu.memory_space<vmem>>
    %dma_start3A_268 = arith.constant 0 : i32
    %dma_start3A_269 = tpu.memref_slice %arg11[%dma_start3A_268] : memref<12048xf32, #tpu.memory_space<vmem_shared>> -> memref<12048xf32, #tpu.memory_space<vmem_shared>>
    tpu.enqueue_indirect_dma source(%arg16 : memref<80xf32, #tpu.memory_space<vmem>>) target(%dma_start3A_269 : memref<12048xf32, #tpu.memory_space<vmem_shared>>) offsets(%dma_start3A_267 : memref<80xi32, #tpu.memory_space<vmem>>) semaphore(%arg24 : memref<!tpu.dma_semaphore, #tpu.memory_space<semaphore_mem>>) {add = true}
    %dma_wait3A_270 = arith.constant 0 : i32
    %dma_wait3A_271 = arith.constant 0 : i32
    %dma_wait3A_272 = tpu.memref_slice %arg13[%dma_wait3A_270, %dma_wait3A_271] : memref<64x80xi32, #tpu.memory_space<vmem>> -> memref<1x80xi32, #tpu.memory_space<vmem>>
    %dma_wait3A_273 = tpu.memref_squeeze %dma_wait3A_272 : memref<1x80xi32, #tpu.memory_space<vmem>> -> memref<80xi32, #tpu.memory_space<vmem>>
    %dma_wait3A_274 = arith.constant 0 : i32
    %dma_wait3A_275 = arith.constant 0 : i32
    %dma_wait3A_276 = tpu.memref_slice %arg10[%dma_wait3A_274, %dma_wait3A_275] : memref<10000x128xf32, #tpu.memory_space<vmem_shared>> -> memref<10000x128xf32, #tpu.memory_space<vmem_shared>>
    tpu.wait_indirect_dma semaphore(%arg22 : memref<!tpu.dma_semaphore, #tpu.memory_space<semaphore_mem>>) src(%arg14 : memref<80x128xf32, #tpu.memory_space<vmem>>) dst(%dma_wait3A_276 : memref<10000x128xf32, #tpu.memory_space<vmem_shared>>)
    %dma_wait3A_277 = arith.constant 0 : i32
    %dma_wait3A_278 = arith.constant 0 : i32
    %dma_wait3A_279 = tpu.memref_slice %arg12[%dma_wait3A_277, %dma_wait3A_278] : memref<64x80xi32, #tpu.memory_space<vmem>> -> memref<1x80xi32, #tpu.memory_space<vmem>>
    %dma_wait3A_280 = tpu.memref_squeeze %dma_wait3A_279 : memref<1x80xi32, #tpu.memory_space<vmem>> -> memref<80xi32, #tpu.memory_space<vmem>>
    %dma_wait3A_281 = arith.constant 0 : i32
    %dma_wait3A_282 = tpu.memref_slice %arg11[%dma_wait3A_281] : memref<12048xf32, #tpu.memory_space<vmem_shared>> -> memref<12048xf32, #tpu.memory_space<vmem_shared>>
    tpu.wait_indirect_dma semaphore(%arg24 : memref<!tpu.dma_semaphore, #tpu.memory_space<semaphore_mem>>) src(%arg16 : memref<80xf32, #tpu.memory_space<vmem>>) dst(%dma_wait3A_282 : memref<12048xf32, #tpu.memory_space<vmem_shared>>)
    %dma_wait3A_283 = arith.constant 1 : i32
    %dma_wait3A_284 = arith.constant 0 : i32
    %dma_wait3A_285 = tpu.memref_slice %arg12[%dma_wait3A_283, %dma_wait3A_284] : memref<64x80xi32, #tpu.memory_space<vmem>> -> memref<1x80xi32, #tpu.memory_space<vmem>>
    %dma_wait3A_286 = tpu.memref_squeeze %dma_wait3A_285 : memref<1x80xi32, #tpu.memory_space<vmem>> -> memref<80xi32, #tpu.memory_space<vmem>>
    %dma_wait3A_287 = arith.constant 0 : i32
    %dma_wait3A_288 = arith.constant 0 : i32
    %dma_wait3A_289 = tpu.memref_slice %arg2[%dma_wait3A_287, %dma_wait3A_288] : memref<12048x128xf32, #tpu.memory_space<hbm>> -> memref<12048x128xf32, #tpu.memory_space<hbm>>
    tpu.wait_indirect_dma semaphore(%arg19 : memref<!tpu.dma_semaphore, #tpu.memory_space<semaphore_mem>>) src(%dma_wait3A_289 : memref<12048x128xf32, #tpu.memory_space<hbm>>) dst(%arg15 : memref<80x128xf32, #tpu.memory_space<vmem>>)
    %dma_wait3A_290 = arith.constant 1 : i32
    %dma_wait3A_291 = arith.constant 0 : i32
    %dma_wait3A_292 = tpu.memref_slice %arg13[%dma_wait3A_290, %dma_wait3A_291] : memref<64x80xi32, #tpu.memory_space<vmem>> -> memref<1x80xi32, #tpu.memory_space<vmem>>
    %dma_wait3A_293 = tpu.memref_squeeze %dma_wait3A_292 : memref<1x80xi32, #tpu.memory_space<vmem>> -> memref<80xi32, #tpu.memory_space<vmem>>
    %dma_wait3A_294 = arith.constant 0 : i32
    %dma_wait3A_295 = tpu.memref_slice %arg5[%dma_wait3A_294] : memref<12048xf32, #tpu.memory_space<hbm>> -> memref<12048xf32, #tpu.memory_space<hbm>>
    tpu.wait_indirect_dma semaphore(%arg21 : memref<!tpu.dma_semaphore, #tpu.memory_space<semaphore_mem>>) src(%dma_wait3A_295 : memref<12048xf32, #tpu.memory_space<hbm>>) dst(%arg17 : memref<80xf32, #tpu.memory_space<vmem>>)
    %dma_start3A_296 = arith.constant 1 : i32
    %dma_start3A_297 = arith.constant 0 : i32
    %dma_start3A_298 = tpu.memref_slice %arg13[%dma_start3A_296, %dma_start3A_297] : memref<64x80xi32, #tpu.memory_space<vmem>> -> memref<1x80xi32, #tpu.memory_space<vmem>>
    %dma_start3A_299 = tpu.memref_squeeze %dma_start3A_298 : memref<1x80xi32, #tpu.memory_space<vmem>> -> memref<80xi32, #tpu.memory_space<vmem>>
    %dma_start3A_300 = arith.constant 0 : i32
    %dma_start3A_301 = arith.constant 0 : i32
    %dma_start3A_302 = tpu.memref_slice %arg10[%dma_start3A_300, %dma_start3A_301] : memref<10000x128xf32, #tpu.memory_space<vmem_shared>> -> memref<10000x128xf32, #tpu.memory_space<vmem_shared>>
    tpu.enqueue_indirect_dma source(%arg15 : memref<80x128xf32, #tpu.memory_space<vmem>>) target(%dma_start3A_302 : memref<10000x128xf32, #tpu.memory_space<vmem_shared>>) offsets(%dma_start3A_299 : memref<80xi32, #tpu.memory_space<vmem>>) semaphore(%arg23 : memref<!tpu.dma_semaphore, #tpu.memory_space<semaphore_mem>>) {add = true}
    %dma_start3A_303 = arith.constant 1 : i32
    %dma_start3A_304 = arith.constant 0 : i32
    %dma_start3A_305 = tpu.memref_slice %arg12[%dma_start3A_303, %dma_start3A_304] : memref<64x80xi32, #tpu.memory_space<vmem>> -> memref<1x80xi32, #tpu.memory_space<vmem>>
    %dma_start3A_306 = tpu.memref_squeeze %dma_start3A_305 : memref<1x80xi32, #tpu.memory_space<vmem>> -> memref<80xi32, #tpu.memory_space<vmem>>
    %dma_start3A_307 = arith.constant 0 : i32
    %dma_start3A_308 = tpu.memref_slice %arg11[%dma_start3A_307] : memref<12048xf32, #tpu.memory_space<vmem_shared>> -> memref<12048xf32, #tpu.memory_space<vmem_shared>>
    tpu.enqueue_indirect_dma source(%arg17 : memref<80xf32, #tpu.memory_space<vmem>>) target(%dma_start3A_308 : memref<12048xf32, #tpu.memory_space<vmem_shared>>) offsets(%dma_start3A_306 : memref<80xi32, #tpu.memory_space<vmem>>) semaphore(%arg25 : memref<!tpu.dma_semaphore, #tpu.memory_space<semaphore_mem>>) {add = true}
    %dma_wait3A_309 = arith.constant 1 : i32
    %dma_wait3A_310 = arith.constant 0 : i32
    %dma_wait3A_311 = tpu.memref_slice %arg13[%dma_wait3A_309, %dma_wait3A_310] : memref<64x80xi32, #tpu.memory_space<vmem>> -> memref<1x80xi32, #tpu.memory_space<vmem>>
    %dma_wait3A_312 = tpu.memref_squeeze %dma_wait3A_311 : memref<1x80xi32, #tpu.memory_space<vmem>> -> memref<80xi32, #tpu.memory_space<vmem>>
    %dma_wait3A_313 = arith.constant 0 : i32
    %dma_wait3A_314 = arith.constant 0 : i32
    %dma_wait3A_315 = tpu.memref_slice %arg10[%dma_wait3A_313, %dma_wait3A_314] : memref<10000x128xf32, #tpu.memory_space<vmem_shared>> -> memref<10000x128xf32, #tpu.memory_space<vmem_shared>>
    tpu.wait_indirect_dma semaphore(%arg23 : memref<!tpu.dma_semaphore, #tpu.memory_space<semaphore_mem>>) src(%arg15 : memref<80x128xf32, #tpu.memory_space<vmem>>) dst(%dma_wait3A_315 : memref<10000x128xf32, #tpu.memory_space<vmem_shared>>)
    %dma_wait3A_316 = arith.constant 1 : i32
    %dma_wait3A_317 = arith.constant 0 : i32
    %dma_wait3A_318 = tpu.memref_slice %arg12[%dma_wait3A_316, %dma_wait3A_317] : memref<64x80xi32, #tpu.memory_space<vmem>> -> memref<1x80xi32, #tpu.memory_space<vmem>>
    %dma_wait3A_319 = tpu.memref_squeeze %dma_wait3A_318 : memref<1x80xi32, #tpu.memory_space<vmem>> -> memref<80xi32, #tpu.memory_space<vmem>>
    %dma_wait3A_320 = arith.constant 0 : i32
    %dma_wait3A_321 = tpu.memref_slice %arg11[%dma_wait3A_320] : memref<12048xf32, #tpu.memory_space<vmem_shared>> -> memref<12048xf32, #tpu.memory_space<vmem_shared>>
    tpu.wait_indirect_dma semaphore(%arg25 : memref<!tpu.dma_semaphore, #tpu.memory_space<semaphore_mem>>) src(%arg17 : memref<80xf32, #tpu.memory_space<vmem>>) dst(%dma_wait3A_321 : memref<12048xf32, #tpu.memory_space<vmem_shared>>)
    %dma_start3A_322 = arith.constant 2 : i32
    %dma_start3A_323 = arith.constant 0 : i32
    %dma_start3A_324 = tpu.memref_slice %arg12[%dma_start3A_322, %dma_start3A_323] : memref<64x80xi32, #tpu.memory_space<vmem>> -> memref<1x80xi32, #tpu.memory_space<vmem>>
    %dma_start3A_325 = tpu.memref_squeeze %dma_start3A_324 : memref<1x80xi32, #tpu.memory_space<vmem>> -> memref<80xi32, #tpu.memory_space<vmem>>
    %dma_start3A_326 = arith.constant 0 : i32
    %dma_start3A_327 = arith.constant 0 : i32
    %dma_start3A_328 = tpu.memref_slice %arg2[%dma_start3A_326, %dma_start3A_327] : memref<12048x128xf32, #tpu.memory_space<hbm>> -> memref<12048x128xf32, #tpu.memory_space<hbm>>
    tpu.enqueue_indirect_dma source(%dma_start3A_328 : memref<12048x128xf32, #tpu.memory_space<hbm>>) target(%arg14 : memref<80x128xf32, #tpu.memory_space<vmem>>) offsets(%dma_start3A_325 : memref<80xi32, #tpu.memory_space<vmem>>) semaphore(%arg18 : memref<!tpu.dma_semaphore, #tpu.memory_space<semaphore_mem>>)
    %dma_start3A_329 = arith.constant 2 : i32
    %dma_start3A_330 = arith.constant 0 : i32
    %dma_start3A_331 = tpu.memref_slice %arg13[%dma_start3A_329, %dma_start3A_330] : memref<64x80xi32, #tpu.memory_space<vmem>> -> memref<1x80xi32, #tpu.memory_space<vmem>>
    %dma_start3A_332 = tpu.memref_squeeze %dma_start3A_331 : memref<1x80xi32, #tpu.memory_space<vmem>> -> memref<80xi32, #tpu.memory_space<vmem>>
    %dma_start3A_333 = arith.constant 0 : i32
    %dma_start3A_334 = tpu.memref_slice %arg5[%dma_start3A_333] : memref<12048xf32, #tpu.memory_space<hbm>> -> memref<12048xf32, #tpu.memory_space<hbm>>
    tpu.enqueue_indirect_dma source(%dma_start3A_334 : memref<12048xf32, #tpu.memory_space<hbm>>) target(%arg16 : memref<80xf32, #tpu.memory_space<vmem>>) offsets(%dma_start3A_332 : memref<80xi32, #tpu.memory_space<vmem>>) semaphore(%arg20 : memref<!tpu.dma_semaphore, #tpu.memory_space<semaphore_mem>>)
    %dma_start3A_335 = arith.constant 3 : i32
    %dma_start3A_336 = arith.constant 0 : i32
    %dma_start3A_337 = tpu.memref_slice %arg12[%dma_start3A_335, %dma_start3A_336] : memref<64x80xi32, #tpu.memory_space<vmem>> -> memref<1x80xi32, #tpu.memory_space<vmem>>
    %dma_start3A_338 = tpu.memref_squeeze %dma_start3A_337 : memref<1x80xi32, #tpu.memory_space<vmem>> -> memref<80xi32, #tpu.memory_space<vmem>>
    %dma_start3A_339 = arith.constant 0 : i32
    %dma_start3A_340 = arith.constant 0 : i32
    %dma_start3A_341 = tpu.memref_slice %arg2[%dma_start3A_339, %dma_start3A_340] : memref<12048x128xf32, #tpu.memory_space<hbm>> -> memref<12048x128xf32, #tpu.memory_space<hbm>>
    tpu.enqueue_indirect_dma source(%dma_start3A_341 : memref<12048x128xf32, #tpu.memory_space<hbm>>) target(%arg15 : memref<80x128xf32, #tpu.memory_space<vmem>>) offsets(%dma_start3A_338 : memref<80xi32, #tpu.memory_space<vmem>>) semaphore(%arg19 : memref<!tpu.dma_semaphore, #tpu.memory_space<semaphore_mem>>)
    %dma_start3A_342 = arith.constant 3 : i32
    %dma_start3A_343 = arith.constant 0 : i32
    %dma_start3A_344 = tpu.memref_slice %arg13[%dma_start3A_342, %dma_start3A_343] : memref<64x80xi32, #tpu.memory_space<vmem>> -> memref<1x80xi32, #tpu.memory_space<vmem>>
    %dma_start3A_345 = tpu.memref_squeeze %dma_start3A_344 : memref<1x80xi32, #tpu.memory_space<vmem>> -> memref<80xi32, #tpu.memory_space<vmem>>
    %dma_start3A_346 = arith.constant 0 : i32
    %dma_start3A_347 = tpu.memref_slice %arg5[%dma_start3A_346] : memref<12048xf32, #tpu.memory_space<hbm>> -> memref<12048xf32, #tpu.memory_space<hbm>>
    tpu.enqueue_indirect_dma source(%dma_start3A_347 : memref<12048xf32, #tpu.memory_space<hbm>>) target(%arg17 : memref<80xf32, #tpu.memory_space<vmem>>) offsets(%dma_start3A_345 : memref<80xi32, #tpu.memory_space<vmem>>) semaphore(%arg21 : memref<!tpu.dma_semaphore, #tpu.memory_space<semaphore_mem>>)
    %scan3A_348 = arith.constant 0 : i32
    %scan3A_349 = arith.constant 1 : i32
    %scan3A_350 = arith.constant 30 : i32
    %scan3A_351 = arith.addi %scan3A_349, %scan3A_350 : i32
    %scan3A_352 = arith.constant 1 : i32
    scf.for %scan3A_442 = %scan3A_349 to %scan3A_351 step %scan3A_352  : i32 {
      %mul3A_443 = arith.constant 2 : i32
      %mul3A_444 = arith.muli %scan3A_442, %mul3A_443 : i32
      %add3A_445 = arith.constant 0 : i32
      %add3A_446 = arith.addi %mul3A_444, %add3A_445 : i32
      %dma_wait3A_447 = arith.constant 0 : i32
      %dma_wait3A_448 = tpu.memref_slice %arg12[%add3A_446, %dma_wait3A_447] : memref<64x80xi32, #tpu.memory_space<vmem>> -> memref<1x80xi32, #tpu.memory_space<vmem>>
      %dma_wait3A_449 = tpu.memref_squeeze %dma_wait3A_448 : memref<1x80xi32, #tpu.memory_space<vmem>> -> memref<80xi32, #tpu.memory_space<vmem>>
      %dma_wait3A_450 = arith.constant 0 : i32
      %dma_wait3A_451 = arith.constant 0 : i32
      %dma_wait3A_452 = tpu.memref_slice %arg2[%dma_wait3A_450, %dma_wait3A_451] : memref<12048x128xf32, #tpu.memory_space<hbm>> -> memref<12048x128xf32, #tpu.memory_space<hbm>>
      tpu.wait_indirect_dma semaphore(%arg18 : memref<!tpu.dma_semaphore, #tpu.memory_space<semaphore_mem>>) src(%dma_wait3A_452 : memref<12048x128xf32, #tpu.memory_space<hbm>>) dst(%arg14 : memref<80x128xf32, #tpu.memory_space<vmem>>)
      %dma_wait3A_453 = arith.constant 0 : i32
      %dma_wait3A_454 = tpu.memref_slice %arg13[%add3A_446, %dma_wait3A_453] : memref<64x80xi32, #tpu.memory_space<vmem>> -> memref<1x80xi32, #tpu.memory_space<vmem>>
      %dma_wait3A_455 = tpu.memref_squeeze %dma_wait3A_454 : memref<1x80xi32, #tpu.memory_space<vmem>> -> memref<80xi32, #tpu.memory_space<vmem>>
      %dma_wait3A_456 = arith.constant 0 : i32
      %dma_wait3A_457 = tpu.memref_slice %arg5[%dma_wait3A_456] : memref<12048xf32, #tpu.memory_space<hbm>> -> memref<12048xf32, #tpu.memory_space<hbm>>
      tpu.wait_indirect_dma semaphore(%arg20 : memref<!tpu.dma_semaphore, #tpu.memory_space<semaphore_mem>>) src(%dma_wait3A_457 : memref<12048xf32, #tpu.memory_space<hbm>>) dst(%arg16 : memref<80xf32, #tpu.memory_space<vmem>>)
      %dma_start3A_458 = arith.constant 0 : i32
      %dma_start3A_459 = tpu.memref_slice %arg13[%add3A_446, %dma_start3A_458] : memref<64x80xi32, #tpu.memory_space<vmem>> -> memref<1x80xi32, #tpu.memory_space<vmem>>
      %dma_start3A_460 = tpu.memref_squeeze %dma_start3A_459 : memref<1x80xi32, #tpu.memory_space<vmem>> -> memref<80xi32, #tpu.memory_space<vmem>>
      %dma_start3A_461 = arith.constant 0 : i32
      %dma_start3A_462 = arith.constant 0 : i32
      %dma_start3A_463 = tpu.memref_slice %arg10[%dma_start3A_461, %dma_start3A_462] : memref<10000x128xf32, #tpu.memory_space<vmem_shared>> -> memref<10000x128xf32, #tpu.memory_space<vmem_shared>>
      tpu.enqueue_indirect_dma source(%arg14 : memref<80x128xf32, #tpu.memory_space<vmem>>) target(%dma_start3A_463 : memref<10000x128xf32, #tpu.memory_space<vmem_shared>>) offsets(%dma_start3A_460 : memref<80xi32, #tpu.memory_space<vmem>>) semaphore(%arg22 : memref<!tpu.dma_semaphore, #tpu.memory_space<semaphore_mem>>) {add = true}
      %dma_start3A_464 = arith.constant 0 : i32
      %dma_start3A_465 = tpu.memref_slice %arg12[%add3A_446, %dma_start3A_464] : memref<64x80xi32, #tpu.memory_space<vmem>> -> memref<1x80xi32, #tpu.memory_space<vmem>>
      %dma_start3A_466 = tpu.memref_squeeze %dma_start3A_465 : memref<1x80xi32, #tpu.memory_space<vmem>> -> memref<80xi32, #tpu.memory_space<vmem>>
      %dma_start3A_467 = arith.constant 0 : i32
      %dma_start3A_468 = tpu.memref_slice %arg11[%dma_start3A_467] : memref<12048xf32, #tpu.memory_space<vmem_shared>> -> memref<12048xf32, #tpu.memory_space<vmem_shared>>
      tpu.enqueue_indirect_dma source(%arg16 : memref<80xf32, #tpu.memory_space<vmem>>) target(%dma_start3A_468 : memref<12048xf32, #tpu.memory_space<vmem_shared>>) offsets(%dma_start3A_466 : memref<80xi32, #tpu.memory_space<vmem>>) semaphore(%arg24 : memref<!tpu.dma_semaphore, #tpu.memory_space<semaphore_mem>>) {add = true}
      %dma_wait3A_469 = arith.constant 0 : i32
      %dma_wait3A_470 = tpu.memref_slice %arg13[%add3A_446, %dma_wait3A_469] : memref<64x80xi32, #tpu.memory_space<vmem>> -> memref<1x80xi32, #tpu.memory_space<vmem>>
      %dma_wait3A_471 = tpu.memref_squeeze %dma_wait3A_470 : memref<1x80xi32, #tpu.memory_space<vmem>> -> memref<80xi32, #tpu.memory_space<vmem>>
      %dma_wait3A_472 = arith.constant 0 : i32
      %dma_wait3A_473 = arith.constant 0 : i32
      %dma_wait3A_474 = tpu.memref_slice %arg10[%dma_wait3A_472, %dma_wait3A_473] : memref<10000x128xf32, #tpu.memory_space<vmem_shared>> -> memref<10000x128xf32, #tpu.memory_space<vmem_shared>>
      tpu.wait_indirect_dma semaphore(%arg22 : memref<!tpu.dma_semaphore, #tpu.memory_space<semaphore_mem>>) src(%arg14 : memref<80x128xf32, #tpu.memory_space<vmem>>) dst(%dma_wait3A_474 : memref<10000x128xf32, #tpu.memory_space<vmem_shared>>)
      %dma_wait3A_475 = arith.constant 0 : i32
      %dma_wait3A_476 = tpu.memref_slice %arg12[%add3A_446, %dma_wait3A_475] : memref<64x80xi32, #tpu.memory_space<vmem>> -> memref<1x80xi32, #tpu.memory_space<vmem>>
      %dma_wait3A_477 = tpu.memref_squeeze %dma_wait3A_476 : memref<1x80xi32, #tpu.memory_space<vmem>> -> memref<80xi32, #tpu.memory_space<vmem>>
      %dma_wait3A_478 = arith.constant 0 : i32
      %dma_wait3A_479 = tpu.memref_slice %arg11[%dma_wait3A_478] : memref<12048xf32, #tpu.memory_space<vmem_shared>> -> memref<12048xf32, #tpu.memory_space<vmem_shared>>
      tpu.wait_indirect_dma semaphore(%arg24 : memref<!tpu.dma_semaphore, #tpu.memory_space<semaphore_mem>>) src(%arg16 : memref<80xf32, #tpu.memory_space<vmem>>) dst(%dma_wait3A_479 : memref<12048xf32, #tpu.memory_space<vmem_shared>>)
      %mul3A_480 = arith.constant 2 : i32
      %mul3A_481 = arith.muli %scan3A_442, %mul3A_480 : i32
      %add3A_482 = arith.constant 1 : i32
      %add3A_483 = arith.addi %mul3A_481, %add3A_482 : i32
      %dma_wait3A_484 = arith.constant 0 : i32
      %dma_wait3A_485 = tpu.memref_slice %arg12[%add3A_483, %dma_wait3A_484] : memref<64x80xi32, #tpu.memory_space<vmem>> -> memref<1x80xi32, #tpu.memory_space<vmem>>
      %dma_wait3A_486 = tpu.memref_squeeze %dma_wait3A_485 : memref<1x80xi32, #tpu.memory_space<vmem>> -> memref<80xi32, #tpu.memory_space<vmem>>
      %dma_wait3A_487 = arith.constant 0 : i32
      %dma_wait3A_488 = arith.constant 0 : i32
      %dma_wait3A_489 = tpu.memref_slice %arg2[%dma_wait3A_487, %dma_wait3A_488] : memref<12048x128xf32, #tpu.memory_space<hbm>> -> memref<12048x128xf32, #tpu.memory_space<hbm>>
      tpu.wait_indirect_dma semaphore(%arg19 : memref<!tpu.dma_semaphore, #tpu.memory_space<semaphore_mem>>) src(%dma_wait3A_489 : memref<12048x128xf32, #tpu.memory_space<hbm>>) dst(%arg15 : memref<80x128xf32, #tpu.memory_space<vmem>>)
      %dma_wait3A_490 = arith.constant 0 : i32
      %dma_wait3A_491 = tpu.memref_slice %arg13[%add3A_483, %dma_wait3A_490] : memref<64x80xi32, #tpu.memory_space<vmem>> -> memref<1x80xi32, #tpu.memory_space<vmem>>
      %dma_wait3A_492 = tpu.memref_squeeze %dma_wait3A_491 : memref<1x80xi32, #tpu.memory_space<vmem>> -> memref<80xi32, #tpu.memory_space<vmem>>
      %dma_wait3A_493 = arith.constant 0 : i32
      %dma_wait3A_494 = tpu.memref_slice %arg5[%dma_wait3A_493] : memref<12048xf32, #tpu.memory_space<hbm>> -> memref<12048xf32, #tpu.memory_space<hbm>>
      tpu.wait_indirect_dma semaphore(%arg21 : memref<!tpu.dma_semaphore, #tpu.memory_space<semaphore_mem>>) src(%dma_wait3A_494 : memref<12048xf32, #tpu.memory_space<hbm>>) dst(%arg17 : memref<80xf32, #tpu.memory_space<vmem>>)
      %dma_start3A_495 = arith.constant 0 : i32
      %dma_start3A_496 = tpu.memref_slice %arg13[%add3A_483, %dma_start3A_495] : memref<64x80xi32, #tpu.memory_space<vmem>> -> memref<1x80xi32, #tpu.memory_space<vmem>>
      %dma_start3A_497 = tpu.memref_squeeze %dma_start3A_496 : memref<1x80xi32, #tpu.memory_space<vmem>> -> memref<80xi32, #tpu.memory_space<vmem>>
      %dma_start3A_498 = arith.constant 0 : i32
      %dma_start3A_499 = arith.constant 0 : i32
      %dma_start3A_500 = tpu.memref_slice %arg10[%dma_start3A_498, %dma_start3A_499] : memref<10000x128xf32, #tpu.memory_space<vmem_shared>> -> memref<10000x128xf32, #tpu.memory_space<vmem_shared>>
      tpu.enqueue_indirect_dma source(%arg15 : memref<80x128xf32, #tpu.memory_space<vmem>>) target(%dma_start3A_500 : memref<10000x128xf32, #tpu.memory_space<vmem_shared>>) offsets(%dma_start3A_497 : memref<80xi32, #tpu.memory_space<vmem>>) semaphore(%arg23 : memref<!tpu.dma_semaphore, #tpu.memory_space<semaphore_mem>>) {add = true}
      %dma_start3A_501 = arith.constant 0 : i32
      %dma_start3A_502 = tpu.memref_slice %arg12[%add3A_483, %dma_start3A_501] : memref<64x80xi32, #tpu.memory_space<vmem>> -> memref<1x80xi32, #tpu.memory_space<vmem>>
      %dma_start3A_503 = tpu.memref_squeeze %dma_start3A_502 : memref<1x80xi32, #tpu.memory_space<vmem>> -> memref<80xi32, #tpu.memory_space<vmem>>
      %dma_start3A_504 = arith.constant 0 : i32
      %dma_start3A_505 = tpu.memref_slice %arg11[%dma_start3A_504] : memref<12048xf32, #tpu.memory_space<vmem_shared>> -> memref<12048xf32, #tpu.memory_space<vmem_shared>>
      tpu.enqueue_indirect_dma source(%arg17 : memref<80xf32, #tpu.memory_space<vmem>>) target(%dma_start3A_505 : memref<12048xf32, #tpu.memory_space<vmem_shared>>) offsets(%dma_start3A_503 : memref<80xi32, #tpu.memory_space<vmem>>) semaphore(%arg25 : memref<!tpu.dma_semaphore, #tpu.memory_space<semaphore_mem>>) {add = true}
      %dma_wait3A_506 = arith.constant 0 : i32
      %dma_wait3A_507 = tpu.memref_slice %arg13[%add3A_483, %dma_wait3A_506] : memref<64x80xi32, #tpu.memory_space<vmem>> -> memref<1x80xi32, #tpu.memory_space<vmem>>
      %dma_wait3A_508 = tpu.memref_squeeze %dma_wait3A_507 : memref<1x80xi32, #tpu.memory_space<vmem>> -> memref<80xi32, #tpu.memory_space<vmem>>
      %dma_wait3A_509 = arith.constant 0 : i32
      %dma_wait3A_510 = arith.constant 0 : i32
      %dma_wait3A_511 = tpu.memref_slice %arg10[%dma_wait3A_509, %dma_wait3A_510] : memref<10000x128xf32, #tpu.memory_space<vmem_shared>> -> memref<10000x128xf32, #tpu.memory_space<vmem_shared>>
      tpu.wait_indirect_dma semaphore(%arg23 : memref<!tpu.dma_semaphore, #tpu.memory_space<semaphore_mem>>) src(%arg15 : memref<80x128xf32, #tpu.memory_space<vmem>>) dst(%dma_wait3A_511 : memref<10000x128xf32, #tpu.memory_space<vmem_shared>>)
      %dma_wait3A_512 = arith.constant 0 : i32
      %dma_wait3A_513 = tpu.memref_slice %arg12[%add3A_483, %dma_wait3A_512] : memref<64x80xi32, #tpu.memory_space<vmem>> -> memref<1x80xi32, #tpu.memory_space<vmem>>
      %dma_wait3A_514 = tpu.memref_squeeze %dma_wait3A_513 : memref<1x80xi32, #tpu.memory_space<vmem>> -> memref<80xi32, #tpu.memory_space<vmem>>
      %dma_wait3A_515 = arith.constant 0 : i32
      %dma_wait3A_516 = tpu.memref_slice %arg11[%dma_wait3A_515] : memref<12048xf32, #tpu.memory_space<vmem_shared>> -> memref<12048xf32, #tpu.memory_space<vmem_shared>>
      tpu.wait_indirect_dma semaphore(%arg25 : memref<!tpu.dma_semaphore, #tpu.memory_space<semaphore_mem>>) src(%arg17 : memref<80xf32, #tpu.memory_space<vmem>>) dst(%dma_wait3A_516 : memref<12048xf32, #tpu.memory_space<vmem_shared>>)
      %add3A_517 = arith.constant 1 : i32
      %add3A_518 = arith.addi %scan3A_442, %add3A_517 : i32
      %mul3A_519 = arith.constant 2 : i32
      %mul3A_520 = arith.muli %add3A_518, %mul3A_519 : i32
      %add3A_521 = arith.constant 0 : i32
      %add3A_522 = arith.addi %mul3A_520, %add3A_521 : i32
      %dma_start3A_523 = arith.constant 0 : i32
      %dma_start3A_524 = tpu.memref_slice %arg12[%add3A_522, %dma_start3A_523] : memref<64x80xi32, #tpu.memory_space<vmem>> -> memref<1x80xi32, #tpu.memory_space<vmem>>
      %dma_start3A_525 = tpu.memref_squeeze %dma_start3A_524 : memref<1x80xi32, #tpu.memory_space<vmem>> -> memref<80xi32, #tpu.memory_space<vmem>>
      %dma_start3A_526 = arith.constant 0 : i32
      %dma_start3A_527 = arith.constant 0 : i32
      %dma_start3A_528 = tpu.memref_slice %arg2[%dma_start3A_526, %dma_start3A_527] : memref<12048x128xf32, #tpu.memory_space<hbm>> -> memref<12048x128xf32, #tpu.memory_space<hbm>>
      tpu.enqueue_indirect_dma source(%dma_start3A_528 : memref<12048x128xf32, #tpu.memory_space<hbm>>) target(%arg14 : memref<80x128xf32, #tpu.memory_space<vmem>>) offsets(%dma_start3A_525 : memref<80xi32, #tpu.memory_space<vmem>>) semaphore(%arg18 : memref<!tpu.dma_semaphore, #tpu.memory_space<semaphore_mem>>)
      %dma_start3A_529 = arith.constant 0 : i32
      %dma_start3A_530 = tpu.memref_slice %arg13[%add3A_522, %dma_start3A_529] : memref<64x80xi32, #tpu.memory_space<vmem>> -> memref<1x80xi32, #tpu.memory_space<vmem>>
      %dma_start3A_531 = tpu.memref_squeeze %dma_start3A_530 : memref<1x80xi32, #tpu.memory_space<vmem>> -> memref<80xi32, #tpu.memory_space<vmem>>
      %dma_start3A_532 = arith.constant 0 : i32
      %dma_start3A_533 = tpu.memref_slice %arg5[%dma_start3A_532] : memref<12048xf32, #tpu.memory_space<hbm>> -> memref<12048xf32, #tpu.memory_space<hbm>>
      tpu.enqueue_indirect_dma source(%dma_start3A_533 : memref<12048xf32, #tpu.memory_space<hbm>>) target(%arg16 : memref<80xf32, #tpu.memory_space<vmem>>) offsets(%dma_start3A_531 : memref<80xi32, #tpu.memory_space<vmem>>) semaphore(%arg20 : memref<!tpu.dma_semaphore, #tpu.memory_space<semaphore_mem>>)
      %add3A_534 = arith.constant 1 : i32
      %add3A_535 = arith.addi %scan3A_442, %add3A_534 : i32
      %mul3A_536 = arith.constant 2 : i32
      %mul3A_537 = arith.muli %add3A_535, %mul3A_536 : i32
      %add3A_538 = arith.constant 1 : i32
      %add3A_539 = arith.addi %mul3A_537, %add3A_538 : i32
      %dma_start3A_540 = arith.constant 0 : i32
      %dma_start3A_541 = tpu.memref_slice %arg12[%add3A_539, %dma_start3A_540] : memref<64x80xi32, #tpu.memory_space<vmem>> -> memref<1x80xi32, #tpu.memory_space<vmem>>
      %dma_start3A_542 = tpu.memref_squeeze %dma_start3A_541 : memref<1x80xi32, #tpu.memory_space<vmem>> -> memref<80xi32, #tpu.memory_space<vmem>>
      %dma_start3A_543 = arith.constant 0 : i32
      %dma_start3A_544 = arith.constant 0 : i32
      %dma_start3A_545 = tpu.memref_slice %arg2[%dma_start3A_543, %dma_start3A_544] : memref<12048x128xf32, #tpu.memory_space<hbm>> -> memref<12048x128xf32, #tpu.memory_space<hbm>>
      tpu.enqueue_indirect_dma source(%dma_start3A_545 : memref<12048x128xf32, #tpu.memory_space<hbm>>) target(%arg15 : memref<80x128xf32, #tpu.memory_space<vmem>>) offsets(%dma_start3A_542 : memref<80xi32, #tpu.memory_space<vmem>>) semaphore(%arg19 : memref<!tpu.dma_semaphore, #tpu.memory_space<semaphore_mem>>)
      %dma_start3A_546 = arith.constant 0 : i32
      %dma_start3A_547 = tpu.memref_slice %arg13[%add3A_539, %dma_start3A_546] : memref<64x80xi32, #tpu.memory_space<vmem>> -> memref<1x80xi32, #tpu.memory_space<vmem>>
      %dma_start3A_548 = tpu.memref_squeeze %dma_start3A_547 : memref<1x80xi32, #tpu.memory_space<vmem>> -> memref<80xi32, #tpu.memory_space<vmem>>
      %dma_start3A_549 = arith.constant 0 : i32
      %dma_start3A_550 = tpu.memref_slice %arg5[%dma_start3A_549] : memref<12048xf32, #tpu.memory_space<hbm>> -> memref<12048xf32, #tpu.memory_space<hbm>>
      tpu.enqueue_indirect_dma source(%dma_start3A_550 : memref<12048xf32, #tpu.memory_space<hbm>>) target(%arg17 : memref<80xf32, #tpu.memory_space<vmem>>) offsets(%dma_start3A_548 : memref<80xi32, #tpu.memory_space<vmem>>) semaphore(%arg21 : memref<!tpu.dma_semaphore, #tpu.memory_space<semaphore_mem>>)
    }
    %scan3A_353 = arith.constant 30 : i32
    %dma_wait3A_354 = arith.constant 62 : i32
    %dma_wait3A_355 = arith.constant 0 : i32
    %dma_wait3A_356 = tpu.memref_slice %arg12[%dma_wait3A_354, %dma_wait3A_355] : memref<64x80xi32, #tpu.memory_space<vmem>> -> memref<1x80xi32, #tpu.memory_space<vmem>>
    %dma_wait3A_357 = tpu.memref_squeeze %dma_wait3A_356 : memref<1x80xi32, #tpu.memory_space<vmem>> -> memref<80xi32, #tpu.memory_space<vmem>>
    %dma_wait3A_358 = arith.constant 0 : i32
    %dma_wait3A_359 = arith.constant 0 : i32
    %dma_wait3A_360 = tpu.memref_slice %arg2[%dma_wait3A_358, %dma_wait3A_359] : memref<12048x128xf32, #tpu.memory_space<hbm>> -> memref<12048x128xf32, #tpu.memory_space<hbm>>
    tpu.wait_indirect_dma semaphore(%arg18 : memref<!tpu.dma_semaphore, #tpu.memory_space<semaphore_mem>>) src(%dma_wait3A_360 : memref<12048x128xf32, #tpu.memory_space<hbm>>) dst(%arg14 : memref<80x128xf32, #tpu.memory_space<vmem>>)
    %dma_wait3A_361 = arith.constant 62 : i32
    %dma_wait3A_362 = arith.constant 0 : i32
    %dma_wait3A_363 = tpu.memref_slice %arg13[%dma_wait3A_361, %dma_wait3A_362] : memref<64x80xi32, #tpu.memory_space<vmem>> -> memref<1x80xi32, #tpu.memory_space<vmem>>
    %dma_wait3A_364 = tpu.memref_squeeze %dma_wait3A_363 : memref<1x80xi32, #tpu.memory_space<vmem>> -> memref<80xi32, #tpu.memory_space<vmem>>
    %dma_wait3A_365 = arith.constant 0 : i32
    %dma_wait3A_366 = tpu.memref_slice %arg5[%dma_wait3A_365] : memref<12048xf32, #tpu.memory_space<hbm>> -> memref<12048xf32, #tpu.memory_space<hbm>>
    tpu.wait_indirect_dma semaphore(%arg20 : memref<!tpu.dma_semaphore, #tpu.memory_space<semaphore_mem>>) src(%dma_wait3A_366 : memref<12048xf32, #tpu.memory_space<hbm>>) dst(%arg16 : memref<80xf32, #tpu.memory_space<vmem>>)
    %dma_start3A_367 = arith.constant 62 : i32
    %dma_start3A_368 = arith.constant 0 : i32
    %dma_start3A_369 = tpu.memref_slice %arg13[%dma_start3A_367, %dma_start3A_368] : memref<64x80xi32, #tpu.memory_space<vmem>> -> memref<1x80xi32, #tpu.memory_space<vmem>>
    %dma_start3A_370 = tpu.memref_squeeze %dma_start3A_369 : memref<1x80xi32, #tpu.memory_space<vmem>> -> memref<80xi32, #tpu.memory_space<vmem>>
    %dma_start3A_371 = arith.constant 0 : i32
    %dma_start3A_372 = arith.constant 0 : i32
    %dma_start3A_373 = tpu.memref_slice %arg10[%dma_start3A_371, %dma_start3A_372] : memref<10000x128xf32, #tpu.memory_space<vmem_shared>> -> memref<10000x128xf32, #tpu.memory_space<vmem_shared>>
    tpu.enqueue_indirect_dma source(%arg14 : memref<80x128xf32, #tpu.memory_space<vmem>>) target(%dma_start3A_373 : memref<10000x128xf32, #tpu.memory_space<vmem_shared>>) offsets(%dma_start3A_370 : memref<80xi32, #tpu.memory_space<vmem>>) semaphore(%arg22 : memref<!tpu.dma_semaphore, #tpu.memory_space<semaphore_mem>>) {add = true}
    %dma_start3A_374 = arith.constant 62 : i32
    %dma_start3A_375 = arith.constant 0 : i32
    %dma_start3A_376 = tpu.memref_slice %arg12[%dma_start3A_374, %dma_start3A_375] : memref<64x80xi32, #tpu.memory_space<vmem>> -> memref<1x80xi32, #tpu.memory_space<vmem>>
    %dma_start3A_377 = tpu.memref_squeeze %dma_start3A_376 : memref<1x80xi32, #tpu.memory_space<vmem>> -> memref<80xi32, #tpu.memory_space<vmem>>
    %dma_start3A_378 = arith.constant 0 : i32
    %dma_start3A_379 = tpu.memref_slice %arg11[%dma_start3A_378] : memref<12048xf32, #tpu.memory_space<vmem_shared>> -> memref<12048xf32, #tpu.memory_space<vmem_shared>>
    tpu.enqueue_indirect_dma source(%arg16 : memref<80xf32, #tpu.memory_space<vmem>>) target(%dma_start3A_379 : memref<12048xf32, #tpu.memory_space<vmem_shared>>) offsets(%dma_start3A_377 : memref<80xi32, #tpu.memory_space<vmem>>) semaphore(%arg24 : memref<!tpu.dma_semaphore, #tpu.memory_space<semaphore_mem>>) {add = true}
    %dma_wait3A_380 = arith.constant 62 : i32
    %dma_wait3A_381 = arith.constant 0 : i32
    %dma_wait3A_382 = tpu.memref_slice %arg13[%dma_wait3A_380, %dma_wait3A_381] : memref<64x80xi32, #tpu.memory_space<vmem>> -> memref<1x80xi32, #tpu.memory_space<vmem>>
    %dma_wait3A_383 = tpu.memref_squeeze %dma_wait3A_382 : memref<1x80xi32, #tpu.memory_space<vmem>> -> memref<80xi32, #tpu.memory_space<vmem>>
    %dma_wait3A_384 = arith.constant 0 : i32
    %dma_wait3A_385 = arith.constant 0 : i32
    %dma_wait3A_386 = tpu.memref_slice %arg10[%dma_wait3A_384, %dma_wait3A_385] : memref<10000x128xf32, #tpu.memory_space<vmem_shared>> -> memref<10000x128xf32, #tpu.memory_space<vmem_shared>>
    tpu.wait_indirect_dma semaphore(%arg22 : memref<!tpu.dma_semaphore, #tpu.memory_space<semaphore_mem>>) src(%arg14 : memref<80x128xf32, #tpu.memory_space<vmem>>) dst(%dma_wait3A_386 : memref<10000x128xf32, #tpu.memory_space<vmem_shared>>)
    %dma_wait3A_387 = arith.constant 62 : i32
    %dma_wait3A_388 = arith.constant 0 : i32
    %dma_wait3A_389 = tpu.memref_slice %arg12[%dma_wait3A_387, %dma_wait3A_388] : memref<64x80xi32, #tpu.memory_space<vmem>> -> memref<1x80xi32, #tpu.memory_space<vmem>>
    %dma_wait3A_390 = tpu.memref_squeeze %dma_wait3A_389 : memref<1x80xi32, #tpu.memory_space<vmem>> -> memref<80xi32, #tpu.memory_space<vmem>>
    %dma_wait3A_391 = arith.constant 0 : i32
    %dma_wait3A_392 = tpu.memref_slice %arg11[%dma_wait3A_391] : memref<12048xf32, #tpu.memory_space<vmem_shared>> -> memref<12048xf32, #tpu.memory_space<vmem_shared>>
    tpu.wait_indirect_dma semaphore(%arg24 : memref<!tpu.dma_semaphore, #tpu.memory_space<semaphore_mem>>) src(%arg16 : memref<80xf32, #tpu.memory_space<vmem>>) dst(%dma_wait3A_392 : memref<12048xf32, #tpu.memory_space<vmem_shared>>)
    %dma_wait3A_393 = arith.constant 63 : i32
    %dma_wait3A_394 = arith.constant 0 : i32
    %dma_wait3A_395 = tpu.memref_slice %arg12[%dma_wait3A_393, %dma_wait3A_394] : memref<64x80xi32, #tpu.memory_space<vmem>> -> memref<1x80xi32, #tpu.memory_space<vmem>>
    %dma_wait3A_396 = tpu.memref_squeeze %dma_wait3A_395 : memref<1x80xi32, #tpu.memory_space<vmem>> -> memref<80xi32, #tpu.memory_space<vmem>>
    %dma_wait3A_397 = arith.constant 0 : i32
    %dma_wait3A_398 = arith.constant 0 : i32
    %dma_wait3A_399 = tpu.memref_slice %arg2[%dma_wait3A_397, %dma_wait3A_398] : memref<12048x128xf32, #tpu.memory_space<hbm>> -> memref<12048x128xf32, #tpu.memory_space<hbm>>
    tpu.wait_indirect_dma semaphore(%arg19 : memref<!tpu.dma_semaphore, #tpu.memory_space<semaphore_mem>>) src(%dma_wait3A_399 : memref<12048x128xf32, #tpu.memory_space<hbm>>) dst(%arg15 : memref<80x128xf32, #tpu.memory_space<vmem>>)
    %dma_wait3A_400 = arith.constant 63 : i32
    %dma_wait3A_401 = arith.constant 0 : i32
    %dma_wait3A_402 = tpu.memref_slice %arg13[%dma_wait3A_400, %dma_wait3A_401] : memref<64x80xi32, #tpu.memory_space<vmem>> -> memref<1x80xi32, #tpu.memory_space<vmem>>
    %dma_wait3A_403 = tpu.memref_squeeze %dma_wait3A_402 : memref<1x80xi32, #tpu.memory_space<vmem>> -> memref<80xi32, #tpu.memory_space<vmem>>
    %dma_wait3A_404 = arith.constant 0 : i32
    %dma_wait3A_405 = tpu.memref_slice %arg5[%dma_wait3A_404] : memref<12048xf32, #tpu.memory_space<hbm>> -> memref<12048xf32, #tpu.memory_space<hbm>>
    tpu.wait_indirect_dma semaphore(%arg21 : memref<!tpu.dma_semaphore, #tpu.memory_space<semaphore_mem>>) src(%dma_wait3A_405 : memref<12048xf32, #tpu.memory_space<hbm>>) dst(%arg17 : memref<80xf32, #tpu.memory_space<vmem>>)
    %dma_start3A_406 = arith.constant 63 : i32
    %dma_start3A_407 = arith.constant 0 : i32
    %dma_start3A_408 = tpu.memref_slice %arg13[%dma_start3A_406, %dma_start3A_407] : memref<64x80xi32, #tpu.memory_space<vmem>> -> memref<1x80xi32, #tpu.memory_space<vmem>>
    %dma_start3A_409 = tpu.memref_squeeze %dma_start3A_408 : memref<1x80xi32, #tpu.memory_space<vmem>> -> memref<80xi32, #tpu.memory_space<vmem>>
    %dma_start3A_410 = arith.constant 0 : i32
    %dma_start3A_411 = arith.constant 0 : i32
    %dma_start3A_412 = tpu.memref_slice %arg10[%dma_start3A_410, %dma_start3A_411] : memref<10000x128xf32, #tpu.memory_space<vmem_shared>> -> memref<10000x128xf32, #tpu.memory_space<vmem_shared>>
    tpu.enqueue_indirect_dma source(%arg15 : memref<80x128xf32, #tpu.memory_space<vmem>>) target(%dma_start3A_412 : memref<10000x128xf32, #tpu.memory_space<vmem_shared>>) offsets(%dma_start3A_409 : memref<80xi32, #tpu.memory_space<vmem>>) semaphore(%arg23 : memref<!tpu.dma_semaphore, #tpu.memory_space<semaphore_mem>>) {add = true}
    %dma_start3A_413 = arith.constant 63 : i32
    %dma_start3A_414 = arith.constant 0 : i32
    %dma_start3A_415 = tpu.memref_slice %arg12[%dma_start3A_413, %dma_start3A_414] : memref<64x80xi32, #tpu.memory_space<vmem>> -> memref<1x80xi32, #tpu.memory_space<vmem>>
    %dma_start3A_416 = tpu.memref_squeeze %dma_start3A_415 : memref<1x80xi32, #tpu.memory_space<vmem>> -> memref<80xi32, #tpu.memory_space<vmem>>
    %dma_start3A_417 = arith.constant 0 : i32
    %dma_start3A_418 = tpu.memref_slice %arg11[%dma_start3A_417] : memref<12048xf32, #tpu.memory_space<vmem_shared>> -> memref<12048xf32, #tpu.memory_space<vmem_shared>>
    tpu.enqueue_indirect_dma source(%arg17 : memref<80xf32, #tpu.memory_space<vmem>>) target(%dma_start3A_418 : memref<12048xf32, #tpu.memory_space<vmem_shared>>) offsets(%dma_start3A_416 : memref<80xi32, #tpu.memory_space<vmem>>) semaphore(%arg25 : memref<!tpu.dma_semaphore, #tpu.memory_space<semaphore_mem>>) {add = true}
    %dma_wait3A_419 = arith.constant 63 : i32
    %dma_wait3A_420 = arith.constant 0 : i32
    %dma_wait3A_421 = tpu.memref_slice %arg13[%dma_wait3A_419, %dma_wait3A_420] : memref<64x80xi32, #tpu.memory_space<vmem>> -> memref<1x80xi32, #tpu.memory_space<vmem>>
    %dma_wait3A_422 = tpu.memref_squeeze %dma_wait3A_421 : memref<1x80xi32, #tpu.memory_space<vmem>> -> memref<80xi32, #tpu.memory_space<vmem>>
    %dma_wait3A_423 = arith.constant 0 : i32
    %dma_wait3A_424 = arith.constant 0 : i32
    %dma_wait3A_425 = tpu.memref_slice %arg10[%dma_wait3A_423, %dma_wait3A_424] : memref<10000x128xf32, #tpu.memory_space<vmem_shared>> -> memref<10000x128xf32, #tpu.memory_space<vmem_shared>>
    tpu.wait_indirect_dma semaphore(%arg23 : memref<!tpu.dma_semaphore, #tpu.memory_space<semaphore_mem>>) src(%arg15 : memref<80x128xf32, #tpu.memory_space<vmem>>) dst(%dma_wait3A_425 : memref<10000x128xf32, #tpu.memory_space<vmem_shared>>)
    %dma_wait3A_426 = arith.constant 63 : i32
    %dma_wait3A_427 = arith.constant 0 : i32
    %dma_wait3A_428 = tpu.memref_slice %arg12[%dma_wait3A_426, %dma_wait3A_427] : memref<64x80xi32, #tpu.memory_space<vmem>> -> memref<1x80xi32, #tpu.memory_space<vmem>>
    %dma_wait3A_429 = tpu.memref_squeeze %dma_wait3A_428 : memref<1x80xi32, #tpu.memory_space<vmem>> -> memref<80xi32, #tpu.memory_space<vmem>>
    %dma_wait3A_430 = arith.constant 0 : i32
    %dma_wait3A_431 = tpu.memref_slice %arg11[%dma_wait3A_430] : memref<12048xf32, #tpu.memory_space<vmem_shared>> -> memref<12048xf32, #tpu.memory_space<vmem_shared>>
    tpu.wait_indirect_dma semaphore(%arg25 : memref<!tpu.dma_semaphore, #tpu.memory_space<semaphore_mem>>) src(%arg17 : memref<80xf32, #tpu.memory_space<vmem>>) dst(%dma_wait3A_431 : memref<12048xf32, #tpu.memory_space<vmem_shared>>)
    %barrier3A_432 = arith.constant 0 : index
    tpu.barrier barrier_id(%barrier3A_432)
    %mul3A_433 = arith.constant 624 : i32
    %mul3A_434 = arith.muli %arg1, %mul3A_433 : i32
    %mul3A_435 = arith.constant 624 : i32
    %mul3A_436 = arith.muli %arg1, %mul3A_435 : i32
    "tpu.region"() ({
      %run_scoped3A = tpu.sem_alloc : memref<!tpu.dma_semaphore, #tpu.memory_space<semaphore_mem>>
      %dma_start3A_442 = arith.constant 0 : i32
      %dma_start3A_443 = tpu.memref_slice %arg8[%arg0, %mul3A_436, %dma_start3A_442] : memref<2x10000x128xf32, #tpu.memory_space<hbm>> -> memref<1x624x128xf32, #tpu.memory_space<hbm>>
      %dma_start3A_444 = tpu.memref_squeeze %dma_start3A_443 : memref<1x624x128xf32, #tpu.memory_space<hbm>> -> memref<624x128xf32, #tpu.memory_space<hbm>>
      %dma_start3A_445 = arith.constant 0 : i32
      %dma_start3A_446 = tpu.memref_slice %arg10[%mul3A_434, %dma_start3A_445] : memref<10000x128xf32, #tpu.memory_space<vmem_shared>> -> memref<624x128xf32, #tpu.memory_space<vmem_shared>>
      tpu.enqueue_dma source(%dma_start3A_446 : memref<624x128xf32, #tpu.memory_space<vmem_shared>>) target(%dma_start3A_444 : memref<624x128xf32, #tpu.memory_space<hbm>>) target_semaphore(%run_scoped3A : memref<!tpu.dma_semaphore, #tpu.memory_space<semaphore_mem>>)
      %dma_wait3A_447 = arith.constant 0 : i32
      %dma_wait3A_448 = tpu.memref_slice %arg8[%arg0, %mul3A_436, %dma_wait3A_447] : memref<2x10000x128xf32, #tpu.memory_space<hbm>> -> memref<1x624x128xf32, #tpu.memory_space<hbm>>
      %dma_wait3A_449 = tpu.memref_squeeze %dma_wait3A_448 : memref<1x624x128xf32, #tpu.memory_space<hbm>> -> memref<624x128xf32, #tpu.memory_space<hbm>>
      %dma_wait3A_450 = arith.constant 0 : i32
      %dma_wait3A_451 = tpu.memref_slice %arg10[%mul3A_434, %dma_wait3A_450] : memref<10000x128xf32, #tpu.memory_space<vmem_shared>> -> memref<624x128xf32, #tpu.memory_space<vmem_shared>>
      tpu.wait_dma2 semaphore(%run_scoped3A : memref<!tpu.dma_semaphore, #tpu.memory_space<semaphore_mem>>) src(%dma_wait3A_451 : memref<624x128xf32, #tpu.memory_space<vmem_shared>>) dst(%dma_wait3A_449 : memref<624x128xf32, #tpu.memory_space<hbm>>)
      tpu.yield
    }) : () -> ()
    %eq3A_437 = arith.constant 0 : i32
    %eq3A_438 = arith.cmpi eq, %arg1, %eq3A_437 : i32
    %convert_element_type3A_439 = arith.extui %eq3A_438 : i1 to i32
    %cond3A_440 = arith.constant 0 : i32
    %cond3A_441 = arith.cmpi ne, %convert_element_type3A_439, %cond3A_440 : i32
    scf.if %cond3A_441 {
      "tpu.region"() ({
        %run_scoped3A = tpu.sem_alloc : memref<!tpu.dma_semaphore, #tpu.memory_space<semaphore_mem>>
        %dma_start3A_442 = arith.constant 9984 : i32
        %dma_start3A_443 = arith.constant 0 : i32
        %dma_start3A_444 = tpu.memref_slice %arg8[%arg0, %dma_start3A_442, %dma_start3A_443] : memref<2x10000x128xf32, #tpu.memory_space<hbm>> -> memref<1x16x128xf32, #tpu.memory_space<hbm>>
        %dma_start3A_445 = tpu.memref_squeeze %dma_start3A_444 : memref<1x16x128xf32, #tpu.memory_space<hbm>> -> memref<16x128xf32, #tpu.memory_space<hbm>>
        %dma_start3A_446 = arith.constant 9984 : i32
        %dma_start3A_447 = arith.constant 0 : i32
        %dma_start3A_448 = tpu.memref_slice %arg10[%dma_start3A_446, %dma_start3A_447] : memref<10000x128xf32, #tpu.memory_space<vmem_shared>> -> memref<16x128xf32, #tpu.memory_space<vmem_shared>>
        tpu.enqueue_dma source(%dma_start3A_448 : memref<16x128xf32, #tpu.memory_space<vmem_shared>>) target(%dma_start3A_445 : memref<16x128xf32, #tpu.memory_space<hbm>>) target_semaphore(%run_scoped3A : memref<!tpu.dma_semaphore, #tpu.memory_space<semaphore_mem>>)
        %dma_wait3A_449 = arith.constant 9984 : i32
        %dma_wait3A_450 = arith.constant 0 : i32
        %dma_wait3A_451 = tpu.memref_slice %arg8[%arg0, %dma_wait3A_449, %dma_wait3A_450] : memref<2x10000x128xf32, #tpu.memory_space<hbm>> -> memref<1x16x128xf32, #tpu.memory_space<hbm>>
        %dma_wait3A_452 = tpu.memref_squeeze %dma_wait3A_451 : memref<1x16x128xf32, #tpu.memory_space<hbm>> -> memref<16x128xf32, #tpu.memory_space<hbm>>
        %dma_wait3A_453 = arith.constant 9984 : i32
        %dma_wait3A_454 = arith.constant 0 : i32
        %dma_wait3A_455 = tpu.memref_slice %arg10[%dma_wait3A_453, %dma_wait3A_454] : memref<10000x128xf32, #tpu.memory_space<vmem_shared>> -> memref<16x128xf32, #tpu.memory_space<vmem_shared>>
        tpu.wait_dma2 semaphore(%run_scoped3A : memref<!tpu.dma_semaphore, #tpu.memory_space<semaphore_mem>>) src(%dma_wait3A_455 : memref<16x128xf32, #tpu.memory_space<vmem_shared>>) dst(%dma_wait3A_452 : memref<16x128xf32, #tpu.memory_space<hbm>>)
        tpu.yield
      }) : () -> ()
      "tpu.region"() ({
        %run_scoped3A = tpu.sem_alloc : memref<!tpu.dma_semaphore, #tpu.memory_space<semaphore_mem>>
        %dma_start3A_442 = arith.constant 0 : i32
        %dma_start3A_443 = tpu.memref_slice %arg9[%arg0, %dma_start3A_442] : memref<2x12048xf32, #tpu.memory_space<hbm>> -> memref<1x12048xf32, #tpu.memory_space<hbm>>
        %dma_start3A_444 = tpu.memref_squeeze %dma_start3A_443 : memref<1x12048xf32, #tpu.memory_space<hbm>> -> memref<12048xf32, #tpu.memory_space<hbm>>
        tpu.enqueue_dma source(%arg11 : memref<12048xf32, #tpu.memory_space<vmem_shared>>) target(%dma_start3A_444 : memref<12048xf32, #tpu.memory_space<hbm>>) target_semaphore(%run_scoped3A : memref<!tpu.dma_semaphore, #tpu.memory_space<semaphore_mem>>)
        %dma_wait3A_445 = arith.constant 0 : i32
        %dma_wait3A_446 = tpu.memref_slice %arg9[%arg0, %dma_wait3A_445] : memref<2x12048xf32, #tpu.memory_space<hbm>> -> memref<1x12048xf32, #tpu.memory_space<hbm>>
        %dma_wait3A_447 = tpu.memref_squeeze %dma_wait3A_446 : memref<1x12048xf32, #tpu.memory_space<hbm>> -> memref<12048xf32, #tpu.memory_space<hbm>>
        tpu.wait_dma2 semaphore(%run_scoped3A : memref<!tpu.dma_semaphore, #tpu.memory_space<semaphore_mem>>) src(%arg11 : memref<12048xf32, #tpu.memory_space<vmem_shared>>) dst(%dma_wait3A_447 : memref<12048xf32, #tpu.memory_space<hbm>>)
        tpu.yield
      }) : () -> ()
    } else {
    }
    return
  }
}

module attributes {stable_mosaic.version = 14 : i64} {
  func.func @_layer1_body(%arg0: memref<2x10000x128xf32, #tpu.memory_space<vmem>>, %arg1: memref<2x12048xf32, #tpu.memory_space<vmem>>, %arg2: memref<10000x128xf32, #tpu.memory_space<vmem>>, %arg3: memref<128x128xf32, #tpu.memory_space<vmem>>, %arg4: memref<128x128xf32, #tpu.memory_space<vmem>>, %arg5: memref<128xf32, #tpu.memory_space<vmem>>, %arg6: memref<128xf32, #tpu.memory_space<vmem>>, %arg7: memref<128xf32, #tpu.memory_space<vmem>>, %arg8: memref<12048x128xf32, #tpu.memory_space<vmem>>, %arg9: memref<12048xf32, #tpu.memory_space<vmem>>) attributes {dimension_semantics = [], scalar_prefetch = 0 : i64, scratch_operands = 0 : i64, tpu.core_type = #tpu.core_type<tc>} {
    %get3A = arith.constant 0 : index
    %get3A_0 = arith.constant 0 : index
    %get3A_1 = vector.load %arg1[%get3A, %get3A_0] : memref<2x12048xf32, #tpu.memory_space<vmem>>, vector<1x12048xf32>
    %get3A_2 = vector.shape_cast %get3A_1 : vector<1x12048xf32> to vector<12048xf32>
    %get3A_3 = arith.constant 1 : index
    %get3A_4 = arith.constant 0 : index
    %get3A_5 = vector.load %arg1[%get3A_3, %get3A_4] : memref<2x12048xf32, #tpu.memory_space<vmem>>, vector<1x12048xf32>
    %get3A_6 = vector.shape_cast %get3A_5 : vector<1x12048xf32> to vector<12048xf32>
    %add3A = arith.addf %get3A_2, %get3A_6 : vector<12048xf32>
    %max3A = arith.constant 1.000000e+00 : f32
    %max3A_7 = vector.broadcast %max3A : f32 to vector<12048xf32>
    %max3A_8 = arith.maximumf %add3A, %max3A_7 : vector<12048xf32>
    %div3A = arith.constant 1.000000e+00 : f32
    %div3A_9 = vector.broadcast %div3A : f32 to vector<12048xf32>
    %div3A_10 = arith.divf %div3A_9, %max3A_8 : vector<12048xf32>
    %slice3A = vector.extract_strided_slice %div3A_10 {offsets = [0], sizes = [10000], strides = [1]} : vector<12048xf32> to vector<10000xf32>
    %get3A_11 = arith.constant 0 : index
    %get3A_12 = arith.constant 0 : index
    %get3A_13 = arith.constant 0 : index
    %get3A_14 = vector.load %arg0[%get3A_11, %get3A_12, %get3A_13] : memref<2x10000x128xf32, #tpu.memory_space<vmem>>, vector<1x10000x128xf32>
    %get3A_15 = vector.shape_cast %get3A_14 : vector<1x10000x128xf32> to vector<10000x128xf32>
    %get3A_16 = arith.constant 1 : index
    %get3A_17 = arith.constant 0 : index
    %get3A_18 = arith.constant 0 : index
    %get3A_19 = vector.load %arg0[%get3A_16, %get3A_17, %get3A_18] : memref<2x10000x128xf32, #tpu.memory_space<vmem>>, vector<1x10000x128xf32>
    %get3A_20 = vector.shape_cast %get3A_19 : vector<1x10000x128xf32> to vector<10000x128xf32>
    %add3A_21 = arith.addf %get3A_15, %get3A_20 : vector<10000x128xf32>
    %broadcast_in_dim3A = vector.shape_cast %slice3A : vector<10000xf32> to vector<10000x1xf32>
    %mul3A = vector.broadcast %broadcast_in_dim3A : vector<10000x1xf32> to vector<10000x128xf32>
    %mul3A_22 = arith.mulf %add3A_21, %mul3A : vector<10000x128xf32>
    %get3A_23 = arith.constant 0 : index
    %get3A_24 = arith.constant 0 : index
    %get3A_25 = vector.load %arg3[%get3A_23, %get3A_24] : memref<128x128xf32, #tpu.memory_space<vmem>>, vector<128x128xf32>
    %dot_general3A = arith.constant dense<0.000000e+00> : vector<10000x128xf32>
    %dot_general3A_26 = tpu.matmul %mul3A_22, %get3A_25, %dot_general3A {dimension_numbers = #tpu.dot_dimension_numbers<[1], [0], [0], [1], [0, 0, 1, 1], [], []>, transpose_lhs_hint = false} : vector<10000x128xf32>, vector<128x128xf32>, vector<10000x128xf32> -> vector<10000x128xf32>
    %get3A_27 = arith.constant 0 : index
    %get3A_28 = arith.constant 0 : index
    %get3A_29 = vector.load %arg2[%get3A_27, %get3A_28] : memref<10000x128xf32, #tpu.memory_space<vmem>>, vector<10000x128xf32>
    %get3A_30 = arith.constant 0 : index
    %get3A_31 = arith.constant 0 : index
    %get3A_32 = vector.load %arg4[%get3A_30, %get3A_31] : memref<128x128xf32, #tpu.memory_space<vmem>>, vector<128x128xf32>
    %dot_general3A_33 = arith.constant dense<0.000000e+00> : vector<10000x128xf32>
    %dot_general3A_34 = tpu.matmul %get3A_29, %get3A_32, %dot_general3A_33 {dimension_numbers = #tpu.dot_dimension_numbers<[1], [0], [0], [1], [0, 0, 1, 1], [], []>, transpose_lhs_hint = false} : vector<10000x128xf32>, vector<128x128xf32>, vector<10000x128xf32> -> vector<10000x128xf32>
    %add3A_35 = arith.addf %dot_general3A_26, %dot_general3A_34 : vector<10000x128xf32>
    %get3A_36 = arith.constant 0 : index
    %get3A_37 = vector.load %arg5[%get3A_36] : memref<128xf32, #tpu.memory_space<vmem>>, vector<128xf32>
    %broadcast_in_dim3A_38 = vector.shape_cast %get3A_37 : vector<128xf32> to vector<1x128xf32>
    %add3A_39 = vector.broadcast %broadcast_in_dim3A_38 : vector<1x128xf32> to vector<10000x128xf32>
    %add3A_40 = arith.addf %add3A_35, %add3A_39 : vector<10000x128xf32>
    %reduce_sum3A = arith.constant dense<0.000000e+00> : vector<128xf32>
    %reduce_sum3A_41 = vector.multi_reduction <add>, %add3A_40, %reduce_sum3A [0] : vector<10000x128xf32> to vector<128xf32>
    %div3A_42 = arith.constant 1.000000e+04 : f32
    %div3A_43 = vector.broadcast %div3A_42 : f32 to vector<128xf32>
    %div3A_44 = arith.divf %reduce_sum3A_41, %div3A_43 : vector<128xf32>
    %broadcast_in_dim3A_45 = vector.shape_cast %div3A_44 : vector<128xf32> to vector<1x128xf32>
    %sub3A = vector.broadcast %broadcast_in_dim3A_45 : vector<1x128xf32> to vector<10000x128xf32>
    %sub3A_46 = arith.subf %add3A_40, %sub3A : vector<10000x128xf32>
    %integer_pow3A = arith.mulf %sub3A_46, %sub3A_46 : vector<10000x128xf32>
    %reduce_sum3A_47 = arith.constant dense<0.000000e+00> : vector<128xf32>
    %reduce_sum3A_48 = vector.multi_reduction <add>, %integer_pow3A, %reduce_sum3A_47 [0] : vector<10000x128xf32> to vector<128xf32>
    %div3A_49 = arith.constant 1.000000e+04 : f32
    %div3A_50 = vector.broadcast %div3A_49 : f32 to vector<128xf32>
    %div3A_51 = arith.divf %reduce_sum3A_48, %div3A_50 : vector<128xf32>
    %get3A_52 = arith.constant 0 : index
    %get3A_53 = vector.load %arg6[%get3A_52] : memref<128xf32, #tpu.memory_space<vmem>>, vector<128xf32>
    %broadcast_in_dim3A_54 = vector.shape_cast %div3A_44 : vector<128xf32> to vector<1x128xf32>
    %sub3A_55 = vector.broadcast %broadcast_in_dim3A_54 : vector<1x128xf32> to vector<10000x128xf32>
    %sub3A_56 = arith.subf %add3A_40, %sub3A_55 : vector<10000x128xf32>
    %broadcast_in_dim3A_57 = vector.shape_cast %get3A_53 : vector<128xf32> to vector<1x128xf32>
    %mul3A_58 = vector.broadcast %broadcast_in_dim3A_57 : vector<1x128xf32> to vector<10000x128xf32>
    %mul3A_59 = arith.mulf %mul3A_58, %sub3A_56 : vector<10000x128xf32>
    %add3A_60 = arith.constant 9.99999974E-6 : f32
    %add3A_61 = vector.broadcast %add3A_60 : f32 to vector<128xf32>
    %add3A_62 = arith.addf %div3A_51, %add3A_61 : vector<128xf32>
    %sqrt3A = math.sqrt %add3A_62 : vector<128xf32>
    %broadcast_in_dim3A_63 = vector.shape_cast %sqrt3A : vector<128xf32> to vector<1x128xf32>
    %div3A_64 = vector.broadcast %broadcast_in_dim3A_63 : vector<1x128xf32> to vector<10000x128xf32>
    %div3A_65 = arith.divf %mul3A_59, %div3A_64 : vector<10000x128xf32>
    %get3A_66 = arith.constant 0 : index
    %get3A_67 = vector.load %arg7[%get3A_66] : memref<128xf32, #tpu.memory_space<vmem>>, vector<128xf32>
    %broadcast_in_dim3A_68 = vector.shape_cast %get3A_67 : vector<128xf32> to vector<1x128xf32>
    %add3A_69 = vector.broadcast %broadcast_in_dim3A_68 : vector<1x128xf32> to vector<10000x128xf32>
    %add3A_70 = arith.addf %div3A_65, %add3A_69 : vector<10000x128xf32>
    %max3A_71 = arith.constant 0.000000e+00 : f32
    %max3A_72 = vector.broadcast %max3A_71 : f32 to vector<10000x128xf32>
    %max3A_73 = arith.maximumf %add3A_70, %max3A_72 : vector<10000x128xf32>
    %broadcast_in_dim3A_74 = arith.constant 0.000000e+00 : f32
    %broadcast_in_dim3A_75 = vector.broadcast %broadcast_in_dim3A_74 : f32 to vector<2048x128xf32>
    %concatenate3A = tpu.concatenate %max3A_73, %broadcast_in_dim3A_75 in 0 : vector<10000x128xf32>, vector<2048x128xf32> -> vector<12048x128xf32>
    %swap3A = arith.constant 0 : index
    %swap3A_76 = arith.constant 0 : index
    %swap3A_77 = vector.load %arg8[%swap3A, %swap3A_76] : memref<12048x128xf32, #tpu.memory_space<vmem>>, vector<12048x128xf32>
    tpu.vector_store %arg8[%swap3A, %swap3A_76], %concatenate3A {strides = array<i32>} : memref<12048x128xf32, #tpu.memory_space<vmem>>, vector<12048x128xf32>,
    %swap3A_78 = arith.constant 0 : index
    %swap3A_79 = vector.load %arg9[%swap3A_78] : memref<12048xf32, #tpu.memory_space<vmem>>, vector<12048xf32>
    tpu.vector_store %arg9[%swap3A_78], %div3A_10 {strides = array<i32>} : memref<12048xf32, #tpu.memory_space<vmem>>, vector<12048xf32>,
    return
  }
}

module attributes {stable_mosaic.version = 14 : i64} {
  func.func @_layer23_body(%arg0: memref<2x10000x128xf32, #tpu.memory_space<vmem>>, %arg1: memref<2x12048xf32, #tpu.memory_space<vmem>>, %arg2: memref<12048xf32, #tpu.memory_space<vmem>>, %arg3: memref<12048x128xf32, #tpu.memory_space<vmem>>, %arg4: memref<128x128xf32, #tpu.memory_space<vmem>>, %arg5: memref<128x128xf32, #tpu.memory_space<vmem>>, %arg6: memref<128xf32, #tpu.memory_space<vmem>>, %arg7: memref<128xf32, #tpu.memory_space<vmem>>, %arg8: memref<128xf32, #tpu.memory_space<vmem>>, %arg9: memref<128x64xf32, #tpu.memory_space<vmem>>, %arg10: memref<128x64xf32, #tpu.memory_space<vmem>>, %arg11: memref<64xf32, #tpu.memory_space<vmem>>, %arg12: memref<1x64xf32, #tpu.memory_space<vmem>>) attributes {dimension_semantics = [], scalar_prefetch = 0 : i64, scratch_operands = 0 : i64, tpu.core_type = #tpu.core_type<tc>} {
    %get3A = arith.constant 0 : index
    %get3A_0 = vector.load %arg2[%get3A] : memref<12048xf32, #tpu.memory_space<vmem>>, vector<12048xf32>
    %slice3A = vector.extract_strided_slice %get3A_0 {offsets = [0], sizes = [10000], strides = [1]} : vector<12048xf32> to vector<10000xf32>
    %get3A_1 = arith.constant 0 : index
    %get3A_2 = arith.constant 0 : index
    %get3A_3 = vector.load %arg3[%get3A_1, %get3A_2] : memref<12048x128xf32, #tpu.memory_space<vmem>>, vector<12048x128xf32>
    %slice3A_4 = vector.extract_strided_slice %get3A_3 {offsets = [0, 0], sizes = [10000, 128], strides = [1, 1]} : vector<12048x128xf32> to vector<10000x128xf32>
    %get3A_5 = arith.constant 0 : index
    %get3A_6 = arith.constant 0 : index
    %get3A_7 = arith.constant 0 : index
    %get3A_8 = vector.load %arg0[%get3A_5, %get3A_6, %get3A_7] : memref<2x10000x128xf32, #tpu.memory_space<vmem>>, vector<1x10000x128xf32>
    %get3A_9 = vector.shape_cast %get3A_8 : vector<1x10000x128xf32> to vector<10000x128xf32>
    %get3A_10 = arith.constant 1 : index
    %get3A_11 = arith.constant 0 : index
    %get3A_12 = arith.constant 0 : index
    %get3A_13 = vector.load %arg0[%get3A_10, %get3A_11, %get3A_12] : memref<2x10000x128xf32, #tpu.memory_space<vmem>>, vector<1x10000x128xf32>
    %get3A_14 = vector.shape_cast %get3A_13 : vector<1x10000x128xf32> to vector<10000x128xf32>
    %add3A = arith.addf %get3A_9, %get3A_14 : vector<10000x128xf32>
    %broadcast_in_dim3A = vector.shape_cast %slice3A : vector<10000xf32> to vector<10000x1xf32>
    %mul3A = vector.broadcast %broadcast_in_dim3A : vector<10000x1xf32> to vector<10000x128xf32>
    %mul3A_15 = arith.mulf %add3A, %mul3A : vector<10000x128xf32>
    %get3A_16 = arith.constant 0 : index
    %get3A_17 = arith.constant 0 : index
    %get3A_18 = vector.load %arg4[%get3A_16, %get3A_17] : memref<128x128xf32, #tpu.memory_space<vmem>>, vector<128x128xf32>
    %dot_general3A = arith.constant dense<0.000000e+00> : vector<10000x128xf32>
    %dot_general3A_19 = tpu.matmul %mul3A_15, %get3A_18, %dot_general3A {dimension_numbers = #tpu.dot_dimension_numbers<[1], [0], [0], [1], [0, 0, 1, 1], [], []>, transpose_lhs_hint = false} : vector<10000x128xf32>, vector<128x128xf32>, vector<10000x128xf32> -> vector<10000x128xf32>
    %get3A_20 = arith.constant 0 : index
    %get3A_21 = arith.constant 0 : index
    %get3A_22 = vector.load %arg5[%get3A_20, %get3A_21] : memref<128x128xf32, #tpu.memory_space<vmem>>, vector<128x128xf32>
    %dot_general3A_23 = arith.constant dense<0.000000e+00> : vector<10000x128xf32>
    %dot_general3A_24 = tpu.matmul %slice3A_4, %get3A_22, %dot_general3A_23 {dimension_numbers = #tpu.dot_dimension_numbers<[1], [0], [0], [1], [0, 0, 1, 1], [], []>, transpose_lhs_hint = false} : vector<10000x128xf32>, vector<128x128xf32>, vector<10000x128xf32> -> vector<10000x128xf32>
    %add3A_25 = arith.addf %dot_general3A_19, %dot_general3A_24 : vector<10000x128xf32>
    %get3A_26 = arith.constant 0 : index
    %get3A_27 = vector.load %arg6[%get3A_26] : memref<128xf32, #tpu.memory_space<vmem>>, vector<128xf32>
    %broadcast_in_dim3A_28 = vector.shape_cast %get3A_27 : vector<128xf32> to vector<1x128xf32>
    %add3A_29 = vector.broadcast %broadcast_in_dim3A_28 : vector<1x128xf32> to vector<10000x128xf32>
    %add3A_30 = arith.addf %add3A_25, %add3A_29 : vector<10000x128xf32>
    %reduce_sum3A = arith.constant dense<0.000000e+00> : vector<128xf32>
    %reduce_sum3A_31 = vector.multi_reduction <add>, %add3A_30, %reduce_sum3A [0] : vector<10000x128xf32> to vector<128xf32>
    %div3A = arith.constant 1.000000e+04 : f32
    %div3A_32 = vector.broadcast %div3A : f32 to vector<128xf32>
    %div3A_33 = arith.divf %reduce_sum3A_31, %div3A_32 : vector<128xf32>
    %broadcast_in_dim3A_34 = vector.shape_cast %div3A_33 : vector<128xf32> to vector<1x128xf32>
    %sub3A = vector.broadcast %broadcast_in_dim3A_34 : vector<1x128xf32> to vector<10000x128xf32>
    %sub3A_35 = arith.subf %add3A_30, %sub3A : vector<10000x128xf32>
    %integer_pow3A = arith.mulf %sub3A_35, %sub3A_35 : vector<10000x128xf32>
    %reduce_sum3A_36 = arith.constant dense<0.000000e+00> : vector<128xf32>
    %reduce_sum3A_37 = vector.multi_reduction <add>, %integer_pow3A, %reduce_sum3A_36 [0] : vector<10000x128xf32> to vector<128xf32>
    %div3A_38 = arith.constant 1.000000e+04 : f32
    %div3A_39 = vector.broadcast %div3A_38 : f32 to vector<128xf32>
    %div3A_40 = arith.divf %reduce_sum3A_37, %div3A_39 : vector<128xf32>
    %get3A_41 = arith.constant 0 : index
    %get3A_42 = vector.load %arg7[%get3A_41] : memref<128xf32, #tpu.memory_space<vmem>>, vector<128xf32>
    %broadcast_in_dim3A_43 = vector.shape_cast %div3A_33 : vector<128xf32> to vector<1x128xf32>
    %sub3A_44 = vector.broadcast %broadcast_in_dim3A_43 : vector<1x128xf32> to vector<10000x128xf32>
    %sub3A_45 = arith.subf %add3A_30, %sub3A_44 : vector<10000x128xf32>
    %broadcast_in_dim3A_46 = vector.shape_cast %get3A_42 : vector<128xf32> to vector<1x128xf32>
    %mul3A_47 = vector.broadcast %broadcast_in_dim3A_46 : vector<1x128xf32> to vector<10000x128xf32>
    %mul3A_48 = arith.mulf %mul3A_47, %sub3A_45 : vector<10000x128xf32>
    %add3A_49 = arith.constant 9.99999974E-6 : f32
    %add3A_50 = vector.broadcast %add3A_49 : f32 to vector<128xf32>
    %add3A_51 = arith.addf %div3A_40, %add3A_50 : vector<128xf32>
    %sqrt3A = math.sqrt %add3A_51 : vector<128xf32>
    %broadcast_in_dim3A_52 = vector.shape_cast %sqrt3A : vector<128xf32> to vector<1x128xf32>
    %div3A_53 = vector.broadcast %broadcast_in_dim3A_52 : vector<1x128xf32> to vector<10000x128xf32>
    %div3A_54 = arith.divf %mul3A_48, %div3A_53 : vector<10000x128xf32>
    %get3A_55 = arith.constant 0 : index
    %get3A_56 = vector.load %arg8[%get3A_55] : memref<128xf32, #tpu.memory_space<vmem>>, vector<128xf32>
    %broadcast_in_dim3A_57 = vector.shape_cast %get3A_56 : vector<128xf32> to vector<1x128xf32>
    %add3A_58 = vector.broadcast %broadcast_in_dim3A_57 : vector<1x128xf32> to vector<10000x128xf32>
    %add3A_59 = arith.addf %div3A_54, %add3A_58 : vector<10000x128xf32>
    %max3A = arith.constant 0.000000e+00 : f32
    %max3A_60 = vector.broadcast %max3A : f32 to vector<10000x128xf32>
    %max3A_61 = arith.maximumf %add3A_59, %max3A_60 : vector<10000x128xf32>
    %get3A_62 = arith.constant 0 : index
    %get3A_63 = arith.constant 0 : index
    %get3A_64 = vector.load %arg1[%get3A_62, %get3A_63] : memref<2x12048xf32, #tpu.memory_space<vmem>>, vector<1x12048xf32>
    %get3A_65 = vector.shape_cast %get3A_64 : vector<1x12048xf32> to vector<12048xf32>
    %get3A_66 = arith.constant 1 : index
    %get3A_67 = arith.constant 0 : index
    %get3A_68 = vector.load %arg1[%get3A_66, %get3A_67] : memref<2x12048xf32, #tpu.memory_space<vmem>>, vector<1x12048xf32>
    %get3A_69 = vector.shape_cast %get3A_68 : vector<1x12048xf32> to vector<12048xf32>
    %add3A_70 = arith.addf %get3A_65, %get3A_69 : vector<12048xf32>
    %slice3A_71 = vector.extract_strided_slice %add3A_70 {offsets = [0], sizes = [10000], strides = [1]} : vector<12048xf32> to vector<10000xf32>
    %broadcast_in_dim3A_72 = vector.shape_cast %slice3A_71 : vector<10000xf32> to vector<10000x1xf32>
    %mul3A_73 = vector.broadcast %broadcast_in_dim3A_72 : vector<10000x1xf32> to vector<10000x128xf32>
    %mul3A_74 = arith.mulf %max3A_61, %mul3A_73 : vector<10000x128xf32>
    %reduce_sum3A_75 = arith.constant dense<0.000000e+00> : vector<128xf32>
    %reduce_sum3A_76 = vector.multi_reduction <add>, %mul3A_74, %reduce_sum3A_75 [0] : vector<10000x128xf32> to vector<128xf32>
    %broadcast_in_dim3A_77 = vector.shape_cast %reduce_sum3A_76 : vector<128xf32> to vector<1x128xf32>
    %reduce_sum3A_78 = arith.constant dense<0.000000e+00> : vector<128xf32>
    %reduce_sum3A_79 = vector.multi_reduction <add>, %max3A_61, %reduce_sum3A_78 [0] : vector<10000x128xf32> to vector<128xf32>
    %broadcast_in_dim3A_80 = vector.shape_cast %reduce_sum3A_79 : vector<128xf32> to vector<1x128xf32>
    %get3A_81 = arith.constant 0 : index
    %get3A_82 = arith.constant 0 : index
    %get3A_83 = vector.load %arg9[%get3A_81, %get3A_82] : memref<128x64xf32, #tpu.memory_space<vmem>>, vector<128x64xf32>
    %dot_general3A_84 = arith.constant dense<0.000000e+00> : vector<1x64xf32>
    %dot_general3A_85 = tpu.matmul %broadcast_in_dim3A_77, %get3A_83, %dot_general3A_84 {dimension_numbers = #tpu.dot_dimension_numbers<[1], [0], [0], [1], [0, 0, 1, 1], [], []>, transpose_lhs_hint = false} : vector<1x128xf32>, vector<128x64xf32>, vector<1x64xf32> -> vector<1x64xf32>
    %get3A_86 = arith.constant 0 : index
    %get3A_87 = arith.constant 0 : index
    %get3A_88 = vector.load %arg10[%get3A_86, %get3A_87] : memref<128x64xf32, #tpu.memory_space<vmem>>, vector<128x64xf32>
    %dot_general3A_89 = arith.constant dense<0.000000e+00> : vector<1x64xf32>
    %dot_general3A_90 = tpu.matmul %broadcast_in_dim3A_80, %get3A_88, %dot_general3A_89 {dimension_numbers = #tpu.dot_dimension_numbers<[1], [0], [0], [1], [0, 0, 1, 1], [], []>, transpose_lhs_hint = false} : vector<1x128xf32>, vector<128x64xf32>, vector<1x64xf32> -> vector<1x64xf32>
    %add3A_91 = arith.addf %dot_general3A_85, %dot_general3A_90 : vector<1x64xf32>
    %mul3A_92 = arith.constant 9.99999974E-5 : f32
    %mul3A_93 = vector.broadcast %mul3A_92 : f32 to vector<1x64xf32>
    %mul3A_94 = arith.mulf %add3A_91, %mul3A_93 : vector<1x64xf32>
    %get3A_95 = arith.constant 0 : index
    %get3A_96 = vector.load %arg11[%get3A_95] : memref<64xf32, #tpu.memory_space<vmem>>, vector<64xf32>
    %broadcast_in_dim3A_97 = vector.shape_cast %get3A_96 : vector<64xf32> to vector<1x64xf32>
    %add3A_98 = arith.addf %mul3A_94, %broadcast_in_dim3A_97 : vector<1x64xf32>
    %swap3A = arith.constant 0 : index
    %swap3A_99 = arith.constant 0 : index
    %swap3A_100 = vector.load %arg12[%swap3A, %swap3A_99] : memref<1x64xf32, #tpu.memory_space<vmem>>, vector<1x64xf32>
    tpu.vector_store %arg12[%swap3A, %swap3A_99], %add3A_98 {strides = array<i32>} : memref<1x64xf32, #tpu.memory_space<vmem>>, vector<1x64xf32>,
    return
  }
}

</mosaic_0001>

<sc_bundles>
// kernel: kernel.6.cloned.1.call-start
scs
__scs_entry_jumppad:
0x0: {  	(pc) =	sbr.rel $0x88, $3  }
0x1: {  	(tag) =	ssettag $0x0;
	lr =	simm.s32 $0x1  }
0x2: {  	[smem:$0x3F92] =	sst lr;
	_ =	strace $0xD0000000  }
0x3: {  	_ = 	snop  }
0x4: {  	_ = 	snop  }
0x5: {  	_ = 	snop  }
0x6: {  	_ = 	snop  }
0x7: {  	_ = 	snop  }
__scs_overlays_trampoline_lowered:
0x8: {  	[smem:$0x3FA1] =	sst s0  }
0x9: {  	[smem:$0x3FA2] =	sst s1  }
0xa: {  	[smem:$0x3FA3] =	sst s2  }
0xb: {  	[smem:$0x3FA4] =	sst s3  }
0xc: {  	[smem:$0x3FA5] =	sst s4  }
0xd: {  	[smem:$0x3FA6] =	sst s5  }
0xe: {  	[smem:$0x3FA7] =	sst s6  }
0xf: {  	[smem:$0x3FA8] =	sst s7  }
0x10: {  	[smem:$0x3FA9] =	sst s8  }
0x11: {  	[smem:$0x3FAA] =	sst s9;
	s0 =	simm.s32 @!p0 $0x0  }
0x12: {  	s1 =	sld [smem:$0x3F90];
	s0 =	simm.s32 @p0 $0x1  }
0x13: {  	[smem:$0x3FAB] =	sst s0;
	s0 =	simm.s32 @!p1 $0x0  }
0x14: {  	s2 =	sld [smem:$0x3F8F];
	s0 =	simm.s32 @p1 $0x1  }
0x15: {  	[smem:$0x3FAC] =	sst s0;
	s0 =	simm.s32 @!p2 $0x0  }
0x16: {  	s3 =	sld [smem:$0x3FDB];
	s0 =	simm.s32 @p2 $0x1  }
0x17: {  	s4 =	simm.s32 $0x1BF5;
	[smem:$0x3FAE] =	sst s0  }
0x18: {  	s0 =	sld [smem:$0x3F91];
	_ =	swait.ge [sflag:s4], $0x0  }
0x19: {  	s7 =	sld [smem:$0x3F92]  }
0x1a: {  	s8 =	sadd.s32 $0xFFFFE003, lr  }
0x1b: {  	s9 =	sadd.s32 $0xFFFFFEF7, lr;
	s5 =	simm.s32 $0xFFFFFFFF;
	p2 =	slt.u32 s8, $0xFFFFF086  }
0x1c: {  	p1 =	slt.u32 s9, $0xF7A;
	s5 =	simm.s32 @!p2 $0x0  }
0x1d: {  	s5 =	simm.s32 @p1 $0x1;
	p0 =	seq.s32 s7, s2  }
0x1e: {  	s7 =	smul.u32 @!p0 $0xF7A, s2;
	p2 =	seq.s32 @!p0 s5, $0x0  }
0x1f: {  	s9 =	smul.u32 $0xF7A, s1;
	s8 =	simm.s32 @!p0 $0x1BF5;
	p2 =	por !p2, p0  }
0x20: {  	[sflag:s8] =	ssyncset.s32 @!p0 $0xFFFFF086;
	s6 =	sadd.s32 @!p0 s3, s7;
	s7 =	simm.s32 @!p0 $0x108  }
0x21: {  	s3 =	sadd.s32 s3, s9;
	s6 =	sadd.s32 @!p0 $0x88, s6;
	s7 =	simm.s32 @p2 $0x1082  }
0x22: {  	[simem:s7], [sflag:s8] =	dma.local @!p0 [hbm:s6], $0xF7A  }
0x23: {  	s9 =	sor.u32 $0xD0000000, s2;
	s6 =	simm.s32 $0x108;
	_ =	swait.ge @!p0 [sflag:s8], $0x0  }
0x24: {  	s3 =	sadd.s32 $0x88, s3;
	s6 =	simm.s32 @!p1 $0x1082;
	[sflag:s4] =	ssyncset.s32 $0xFFFFF086  }
0x25: {  	[simem:s6], [sflag:s4] =	dma.local [hbm:s3], $0xF7A  }
0x26: {  	[smem:$0x3F92] =	sst s1;
	(tag) =	ssettag s2;
	_ =	strace s9  }
0x27: {  	s1 =	sld [smem:$0x3FA2]  }
0x28: {  	s2 =	sld [smem:$0x3FA3]  }
0x29: {  	s4 =	sld [smem:$0x3FA5]  }
0x2a: {  	p0 =	seq.s32 s5, $0x0;
	s5 =	sld [smem:$0x3FA6]  }
0x2b: {  	s6 =	sld [smem:$0x3FA7]  }
0x2c: {  	s7 =	sld [smem:$0x3FA8]  }
0x2d: {  	s3 =	simm.s32 $0x108;
	s8 =	sld [smem:$0x3FA9]  }
0x2e: {  	s3 =	simm.s32 @!p0 $0x1082;
	s9 =	sld [smem:$0x3FAA]  }
0x2f: {  	lr =	sadd.s32 s0, s3;
	s0 =	sld [smem:$0x3FA1]  }
0x30: {  	s3 =	sld [smem:$0x3FA4]  }
0x31: {  	[smem:$0x3FAD] =	sst s10  }
0x32: {  	s10 =	sld [smem:$0x3FAB];
	_ =	sdelay $0x3  }
0x33: {  	p0 =	seq.s32 s10, $0x1;
	s10 =	sld [smem:$0x3FAD];
	_ =	sdelay $0x3  }
0x34: {  	[smem:$0x3FAD] =	sst s10  }
0x35: {  	s10 =	sld [smem:$0x3FAC];
	_ =	sdelay $0x3  }
0x36: {  	p1 =	seq.s32 s10, $0x1;
	s10 =	sld [smem:$0x3FAD];
	_ =	sdelay $0x3  }
0x37: {  	[smem:$0x3FAD] =	sst s10  }
0x38: {  	s10 =	sld [smem:$0x3FAE]  }
0x39: {  	_ = 	snop;
	(pc) =	sbr.ind lr, $3  }
0x3a: {  	_ = 	snop  }
0x3b: {  	_ = 	snop  }
0x3c: {  	p2 =	seq.s32 s10, $0x1;
	s10 =	sld [smem:$0x3FAD]  }
0x3d: {  	_ =	shalt  }
0x3e: {  	_ =	shalt  }
0x3f: {  	_ =	shalt  }
0x40: {  	_ =	shalt  }
0x41: {  	_ =	shalt  }
0x42: {  	_ =	shalt  }
0x43: {  	_ =	shalt  }
0x44: {  	_ =	shalt  }
0x45: {  	_ =	shalt  }
0x46: {  	_ =	shalt  }
0x47: {  	_ =	shalt  }
0x48: {  	_ =	shalt  }
0x49: {  	_ =	shalt  }
0x4a: {  	_ =	shalt  }
0x4b: {  	_ =	shalt  }
0x4c: {  	_ =	shalt  }
0x4d: {  	_ =	shalt  }
0x4e: {  	_ =	shalt  }
0x4f: {  	_ =	shalt  }
0x50: {  	_ =	shalt  }
0x51: {  	_ =	shalt  }
0x52: {  	_ =	shalt  }
0x53: {  	_ =	shalt  }
0x54: {  	_ =	shalt  }
0x55: {  	_ =	shalt  }
0x56: {  	_ =	shalt  }
0x57: {  	_ =	shalt  }
0x58: {  	_ =	shalt  }
0x59: {  	_ =	shalt  }
0x5a: {  	_ =	shalt  }
0x5b: {  	_ =	shalt  }
0x5c: {  	_ =	shalt  }
0x5d: {  	_ =	shalt  }
0x5e: {  	_ =	shalt  }
0x5f: {  	_ =	shalt  }
0x60: {  	_ =	shalt  }
0x61: {  	_ =	shalt  }
0x62: {  	_ =	shalt  }
0x63: {  	_ =	shalt  }
0x64: {  	_ =	shalt  }
0x65: {  	_ =	shalt  }
0x66: {  	_ =	shalt  }
0x67: {  	_ =	shalt  }
0x68: {  	_ =	shalt  }
0x69: {  	_ =	shalt  }
0x6a: {  	_ =	shalt  }
0x6b: {  	_ =	shalt  }
0x6c: {  	_ =	shalt  }
0x6d: {  	_ =	shalt  }
0x6e: {  	_ =	shalt  }
0x6f: {  	_ =	shalt  }
0x70: {  	_ =	shalt  }
0x71: {  	_ =	shalt  }
0x72: {  	_ =	shalt  }
0x73: {  	_ =	shalt  }
0x74: {  	_ =	shalt  }
0x75: {  	_ =	shalt  }
0x76: {  	_ =	shalt  }
0x77: {  	_ =	shalt  }
0x78: {  	_ =	shalt  }
0x79: {  	_ =	shalt  }
0x7a: {  	_ =	shalt  }
0x7b: {  	_ =	shalt  }
0x7c: {  	_ =	shalt  }
0x7d: {  	_ =	shalt  }
0x7e: {  	_ =	shalt  }
0x7f: {  	_ =	shalt  }
0x80: {  	_ =	shalt  }
0x81: {  	_ =	shalt  }
0x82: {  	_ =	shalt  }
0x83: {  	_ =	shalt  }
0x84: {  	_ =	shalt  }
0x85: {  	_ =	shalt  }
0x86: {  	_ =	shalt  }
0x87: {  	_ =	shalt  }
.Lfunc_end0:
.L_simem_size_0:
called_computation_lowered:
.L_overlay_start_0:
0x88: {  	s2 =	sld [smem:$0x3FD9]  }
0x89: {  	s3 =	sld [smem:$0x3FFE];
	_ =	sdelay $0x1  }
0x8a: {  	s1 =	srdreg.scid  }
0x8b: {  	s0 =	sand.u32 $0x1, s1  }
0x8c: {  	s16 =	sshll.u32 s0, $0xA;
	s2 =	sadd.s32 s3, s2  }
0x8d: {  	s2 =	sadd.s32 s2, s16  }
0x8e: {  	[smem:$0x3FB9] =	sst s2  }
0x8f: {  	_ = 	snop  }
0x90: {  	(tm) =	ssettm $0x1  }
0x91: {  	s17 =	sld [smem:$0x3FFB];
	_ =	sdelay $0x3  }
0x92: {  	_ =	strace s17  }
0x93: {  	s2 =	sld [smem:$0x3FFC];
	_ =	sdelay $0x3  }
0x94: {  	_ =	strace s2  }
0x95: {  	s2 =	sld [smem:$0x3FFD];
	_ =	sdelay $0x3  }
0x96: {  	_ =	strace s2  }
0x97: {  	_ =	strace $0x8FFFFFFF  }
0x98: {  	s18 =	sld [smem:$0x3FDB];
	_ =	sdelay $0x1  }
0x99: {  	s19 =	simm.s32 $_scs_section_size  }
0x9a: {  	s4 =	simm.s32 $_size__tile_overlayer_lowered;
	s5 =	simm.s32 $_tile_overlayer_lowered  }
0x9b: {  	s22 =	simm.s32 $0x1BFF;
	s21 =	sshll.u32 s5, $0x1;
	s2 =	sadd.s32 s19, s18  }
0x9c: {  	s6 =	simm.s32 $0x0;
	s20 =	sshll.u32 s4, $0x1;
	s4 =	sadd.s32 s21, s2  }
0x9d: {  	[timem:s6], [sflag:s22] =	dma.local [hbm:s4], s20  }
0x9e: {  	_ =	swait.ge [sflag:s22], s20  }
0x9f: {  	s3 =	ssub.s32 $0x0, s20;
	[sflag:s22] =	ssyncset.done $0x0  }
0xa0: {  	[sflag:s22] =	ssyncadd.s32 s3;
	_ =	sdelay $0x1  }
0xa1: {  	s23 =	simm.s32 $0x1B8B  }
0xa2: {  	_ =	swait.ge [sflag:s23], $0x1  }
0xa3: {  	[sflag:s23] =	ssyncset.done $0x0  }
0xa4: {  	s25 =	simm.s32 $0x1B8E;
	s24 =	sld [smem:$0x3FFE];
	[sflag:s23] =	ssyncadd.s32 $0xFFFFFFFF  }
0xa5: {  	s26 =	simm.s32 $execute0_lowered;
	[smem:$0x3FD2] =	sst s25  }
0xa6: {  	s4 =	sshll.u32 s26, $0x1;
	_ =	strace $0x80000046;
	[dreg:$0x1] =	wrdreg $0xFFFFFFFF  }
0xa7: {  	s28 =	simm.s32 $_size_execute0_lowered;
	s2 =	sadd.s32 s2, s4;
	[dreg:$0x0] =	wrdreg $0x0  }
0xa8: {  	s4 =	sshll.u32 s28, $0x1;
	[dreg:$0x2] =	wrdreg s2  }
0xa9: {  	[dreg:$0x3] =	wrdreg s4  }
0xaa: {  	[dreg:$0x4] =	wrdreg $0xC0  }
0xab: {  	_ =	task [dreg:s6], $0x5FFFF  }
0xac: {  	[dreg:$0x1] =	wrdreg $0xFFFFFFFF  }
0xad: {  	[dreg:$0x0] =	wrdreg $0x60  }
0xae: {  	[dreg:$0x2] =	wrdreg s24  }
0xaf: {  	[dreg:$0x3] =	wrdreg $0x0  }
0xb0: {  	[dreg:$0x4] =	wrdreg $0x138800  }
0xb1: {  	[dreg:$0x5] =	wrdreg $0x9  }
0xb2: {  	_ =	task.clear_ibuf [dreg:s6], $0x6FFFF;
	_ =	strace $0x90000046  }
0xb3: {  	s29 =	simm.s32 $0x9;
	_ =	strace $0x80000048  }
0xb4: {  	_ =	swait.ge [sflag:s29], $0x1  }
0xb5: {  	[sflag:s29] =	ssyncadd.s32 $0xFFFFFFFF  }
0xb6: {  	_ =	strace $0x90000048  }
0xb7: {  	_ =	sfence  }
0xb8: {  	s30 =	sld [smem:$0x0];
	_ =	sdelay $0x2  }
0xb9: {  	s31 =	sshll.u32 s1, $0xD;
	s1 =	sshrl.u32 s1, $0x2  }
0xba: {  	s3 =	sand.u32 $0x4000, s31;
	s1 =	sadd.s32 s1, s30  }
0xbb: {  	s0 =	sor.u32 s3, s0;
	s1 =	sshll.u32 s1, $0x11  }
0xbc: {  	s0 =	sor.u32 s1, s0  }
0xbd: {  	s0 =	sadd.s32 $0x8F2B, s0  }
0xbe: {  	[sflag:s0] =	ssyncadd.remote.s32 $0x1  }
0xbf: {  	_ =	sfence.sel $0xFFFF  }
0xc0: {  	[dreg:$0x0] =	wrdreg $0xFFFFFFFF;
	(pc) =	sbr.abs _section_cstart, $3  }
0xc1: {  	[dreg:$0x1] =	wrdreg $0xFFFFFFFF  }
0xc2: {  	_ =	task.clear_ibuf [dreg:s6], $0x2FFFF;
	_ =	strace $0x9FFFFFFF  }
0xc3: {  	(tm) =	ssettm $0x7FFFFFFF  }
tec
execute0_lowered:
.L_overlay_start_1:
0x0: {  	(tag) =	ssettag $0x1  }
0x1: {  	s0 =	rddreg [dreg:$0x0]  }
0x2: {  	s1 =	rddreg [dreg:$0x1]  }
0x3: {  	s2 =	rddreg [dreg:$0x2];
	s4 =	simm.s32 $0x0  }
0x4: {  	s3 =	stileid.u32;
	s9 =	srdreg.scid;
	s28 =	simm.s32 $0x1CB78  }
0x5: {  	s29 =	simm.s32 $0x3;
	s30 =	simm.s32 $0x5;
	s31 =	simm.s32 $0x2  }
0x6: {  	[smem:$0x7FF] =	sst s4;
	s5 =	smul.u32 $0x13800, s3;
	s4 =	sadd.s32 $0x24400, s0  }
0x7: {  	s6 =	sadd.s32 $0x4400, s0;
	s8 =	sadd.s32 $0x14400, s0;
	s10 =	sadd.s32 $0x7A800, s0  }
0x8: {  	s9 =	sand.u32 $0x1, s9;
	s12 =	smul.u32 $0x4E000, s3;
	s13 =	sadd.s32 $0x7AE00, s0  }
0x9: {  	s16 =	sshll.u32 s3, $0x6;
	s17 =	sadd.s32 $0x138000, s1;
	p0 =	sne.s32 s3, $0x0  }
0xa: {  	_ =	strace $0x80000047;
	[dreg:$0x4] =	wrdreg s10;
	s15 =	sshll.u32 s9, $0x4  }
0xb: {  	s11 =	ssub.s32 $0x2, s9;
	[dreg:$0x6] =	wrdreg s17;
	s18 =	sshll.u32 s9, $0xF  }
0xc: {  	s9 =	smul.u32 $0x138800, s9;
	s17 =	simm.s32 $0x13BF8;
	s7 =	sshrl.u32 s5, $0x3  }
0xd: {  	s10 =	sadd.s32 s15, s0;
	s14 =	sshrl.u32 s11, $0x1;
	s12 =	sshrl.u32 s12, $0x2  }
0xe: {  	s15 =	sshll.u32 s3, $0xB;
	s3 =	simm.s32 $0x1CBF8;
	s7 =	sadd.s32 s7, s0  }
0xf: {  	s11 =	ssub.s32 s11, s14;
	s12 =	sadd.s32 s12, s1;
	s0 =	sadd.s32 $0x7A600, s0  }
0x10: {  	s19 =	sor.u32 s15, s18;
	s5 =	sadd.s32 s5, s9;
	s21 =	sshrl.u32 s9, $0x3  }
0x11: {  	s25 =	sadd.s32 $0xC9000, s10;
	s9 =	simm.s32 $0x13CF8;
	s10 =	simm.s32 $0x17A78  }
0x12: {  	s7 =	sadd.s32 $0x53600, s7;
	[dreg:$0x7] =	wrdreg s0;
	s14 =	sadd.s32 s6, s19  }
0x13: {  	s20 =	sadd.s32 s8, s19;
	s0 =	sor.u32 $0x400, s19;
	s22 =	sshrl.u32 s5, $0x3  }
0x14: {  	s23 =	sadd.s32 s13, s21;
	[dreg:$0xe] =	wrdreg s25;
	s26 =	smax.u32 s11, $0x1  }
0x15: {  	s18 =	sshrl.u32 s12, $0x3;
	s19 =	simm.s32 $0x7;
	s21 =	simm.s32 $0x15B78  }
0x16: {  	s25 =	simm.s32 $0x1A378;
	s5 =	simm.s32 $0x4;
	[dreg:$0x5] =	wrdreg s7  }
0x17: {  	s11 =	simm.s32 $0x17AF8;
	s12 =	simm.s32 $0x0;
	[dreg:$0x8] =	wrdreg s14  }
0x18: {  	s7 =	sor.u32 $0x1C07, s16;
	[dreg:$0x9] =	wrdreg s20;
	s6 =	sadd.s32 s6, s0  }
0x19: {  	s0 =	sadd.s32 s8, s0;
	s24 =	sadd.s32 $0x27000, s23;
	[dreg:$0xf] =	wrdreg s26  }
0x1a: {  	s20 =	simm.s32 $0x13B78;
	s23 =	simm.s32 $0x17B78;
	[dreg:$0xa] =	wrdreg s6  }
0x1b: {  	s26 =	simm.s32 $0x1;
	s8 =	simm.s32 $0x13C78;
	[dreg:$0xb] =	wrdreg s0  }
0x1c: {  	s0 =	sadd.s32 s13, s22;
	[dreg:$0xd] =	wrdreg s24;
	s22 =	simm.s32 $0x50  }
0x1d: {  	v0 =	vimm.f32 $0.0e+00;
	s6 =	simm.s32 $0x6;
	[dreg:$0xc] =	wrdreg s0;
	s0 =	simm.s32 $0x15BF8  }
.LBB2_1:
0x1e: {  	s13 =	rddreg [dreg:$0x5]  }
0x1f: {  	[spmem:s18], [sflag:s7] =	dma.local [hbm:s13], $0x2700  }
0x20: {  	_ =	swait.ge [sflag:s19], $0x2700  }
0x21: {  	s14 =	simm.s32 @!p0 $0x7;
	[sflag:s19] =	ssyncset.done $0x0;
	s13 =	rddreg [dreg:$0x6]  }
0x22: {  	[sflag:s19] =	ssyncadd.s32 $0xFFFFD900;
	s24 =	sshrl.u32 @!p0 s13, $0x3;
	s13 =	rddreg [dreg:$0x7]  }
0x23: {  	[spmem:s24], [sflag:s7] =	dma.local @!p0 [hbm:s13], $0x100  }
0x24: {  	_ =	swait.ge @!p0 [sflag:s14], $0x100  }
0x25: {  	[sflag:s14] =	ssyncset.done @!p0 $0x0  }
0x26: {  	s13 =	sshrl.u32 @!p0 s2, $0x3;
	s15 =	rddreg [dreg:$0x4];
	[sflag:s14] =	ssyncadd.s32 @!p0 $0xFFFFFF00  }
0x27: {  	[spmem:s13], [sflag:s7] =	dma.local @!p0 [hbm:s15], $0x5F0  }
0x28: {  	_ =	swait.ge @!p0 [sflag:s14], $0x5F0  }
0x29: {  	[sflag:s14] =	ssyncset.done @!p0 $0x0  }
0x2a: {  	[sflag:s14] =	ssyncadd.s32 @!p0 $0xFFFFFA10  }
0x2b: {  	[bflag:$0x0] =	sbarrier.arrive $0xFFFF  }
0x2c: {  	s14 =	simm.s32 $0x0;
	s16 =	rddreg [dreg:$0x8]  }
0x2d: {  	[tilespmem:s20], [sflag:$0x7] =	stream.linear.gather [hbm4b:s16+s14], $0x2000, $0x38;
	[tilespmem:$0x1CC78] =	vst v63  }
0x2e: {  	_ =	swait.ge [sflag:s19], $0x2000  }
0x2f: {  	[sflag:s19] =	ssyncset.done $0x0  }
0x30: {  	s16 =	rddreg [dreg:$0x9];
	[sflag:s19] =	ssyncadd.s32 $0xFFFFE000  }
0x31: {  	[tilespmem:s21], [sflag:$0x7] =	stream.linear.gather [hbm4b:s16+s14], $0x2000, $0x38;
	[tilespmem:$0x1CC78] =	vst v63  }
0x32: {  	_ =	swait.ge [sflag:s19], $0x2000  }
0x33: {  	[sflag:s19] =	ssyncset.done $0x0  }
0x34: {  	[sflag:s19] =	ssyncadd.s32 $0xFFFFE000  }
0x35: {  	[tilespmem:s23], [sflag:$0x1] =	stream.indirect.gather [hbm4b:s4+s22], $0x80, s20, s22, $0xb8;
	[tilespmem:$0x1CC78] =	vst v63  }
0x36: {  	_ = 	snop  }
0x37: {  	[tilespmem:s25], [sflag:$0x2] =	stream.indirect.gather [hbm4b:s4+s22], $0x80, s17, s22, $0xb8;
	[tilespmem:$0x1CC78] =	vst v63  }
0x38: {  	_ =	swait.ge [sflag:s26], $0x2800  }
0x39: {  	[sflag:s26] =	ssyncset.done $0x0  }
0x3a: {  	[sflag:s26] =	ssyncadd.s32 $0xFFFFD800  }
0x3b: {  	v1 =	vld [tilespmem:$0x13B78]  }
0x3c: {  	v2 =	vld [tilespmem:$0x13B88]  }
0x3d: {  	v3 =	vld [tilespmem:$0x13B98]  }
0x3e: {  	v4 =	vld [tilespmem:$0x13BA8]  }
0x3f: {  	v5 =	vld [tilespmem:$0x13BB8]  }
0x40: {  	vm0 =	vlt.s32 v1, $0x2710  }
0x41: {  	vm9 =	vlt.s32 v2, $0x2710;
	v1 =	vsel vm0, $0x3F800000, v0  }
0x42: {  	vm10 =	vlt.s32 v3, $0x2710;
	[tilespmem:$0x1CB78] =	vst v1;
	v1 =	vsel vm9, $0x3F800000, v0  }
0x43: {  	vm11 =	vlt.s32 v4, $0x2710;
	[tilespmem:$0x1CB88] =	vst v1;
	v1 =	vsel vm10, $0x3F800000, v0  }
0x44: {  	vm12 =	vlt.s32 v5, $0x2710;
	[tilespmem:$0x1CB98] =	vst v1;
	v1 =	vsel vm11, $0x3F800000, v0  }
0x45: {  	[tilespmem:$0x1CBA8] =	vst v1;
	v1 =	vsel vm12, $0x3F800000, v0  }
0x46: {  	[tilespmem:$0x1CBB8] =	vst v1  }
0x47: {  	[spmem:s1] =	stream.indirect.scatter.add.f32 [tilespmem:s23], [sflag:$0x3], $0x80, s21, s22, $0xb8;
	[tilespmem:$0x1CC78] =	vst v63  }
0x48: {  	_ = 	snop  }
0x49: {  	[spmem:s2] =	stream.indirect.scatter.add.f32 [tilespmem:s28], [sflag:$0x5], $0x1, s21, s22, $0xb8;
	[tilespmem:$0x1CC78] =	vst v63  }
0x4a: {  	_ =	swait.ge [sflag:s29], $0x2800  }
0x4b: {  	[sflag:s29] =	ssyncset.done $0x0  }
0x4c: {  	[sflag:s29] =	ssyncadd.s32 $0xFFFFD800  }
0x4d: {  	_ =	swait.ge [sflag:s30], $0x50  }
0x4e: {  	[sflag:s30] =	ssyncset.done $0x0  }
0x4f: {  	[sflag:s30] =	ssyncadd.s32 $0xFFFFFFB0  }
0x50: {  	_ =	swait.ge [sflag:s31], $0x2800  }
0x51: {  	[sflag:s31] =	ssyncset.done $0x0  }
0x52: {  	[sflag:s31] =	ssyncadd.s32 $0xFFFFD800  }
0x53: {  	v1 =	vld [tilespmem:$0x13BF8]  }
0x54: {  	v2 =	vld [tilespmem:$0x13C08]  }
0x55: {  	v3 =	vld [tilespmem:$0x13C18]  }
0x56: {  	v62 =	vld [tilespmem:$0x13C28]  }
0x57: {  	v63 =	vld [tilespmem:$0x13C38]  }
0x58: {  	vm13 =	vlt.s32 v1, $0x2710  }
0x59: {  	vm14 =	vlt.s32 v2, $0x2710;
	v1 =	vsel vm13, $0x3F800000, v0  }
0x5a: {  	vm15 =	vlt.s32 v3, $0x2710;
	[tilespmem:$0x1CBF8] =	vst v1;
	v1 =	vsel vm14, $0x3F800000, v0  }
0x5b: {  	vm4 =	vlt.s32 v62, $0x2710;
	[tilespmem:$0x1CC08] =	vst v1;
	v1 =	vsel vm15, $0x3F800000, v0  }
0x5c: {  	vm5 =	vlt.s32 v63, $0x2710;
	[tilespmem:$0x1CC18] =	vst v1;
	v1 =	vsel vm4, $0x3F800000, v0  }
0x5d: {  	[tilespmem:$0x1CC28] =	vst v1;
	v1 =	vsel vm5, $0x3F800000, v0  }
0x5e: {  	[tilespmem:$0x1CC38] =	vst v1  }
0x5f: {  	[spmem:s1] =	stream.indirect.scatter.add.f32 [tilespmem:s25], [sflag:$0x4], $0x80, s0, s22, $0xb8;
	[tilespmem:$0x1CC78] =	vst v63  }
0x60: {  	_ = 	snop  }
0x61: {  	[spmem:s2] =	stream.indirect.scatter.add.f32 [tilespmem:s3], [sflag:$0x6], $0x1, s0, s22, $0xb8;
	[tilespmem:$0x1CC78] =	vst v63  }
0x62: {  	_ =	swait.ge [sflag:s5], $0x2800  }
0x63: {  	[sflag:s5] =	ssyncset.done $0x0  }
0x64: {  	[sflag:s5] =	ssyncadd.s32 $0xFFFFD800  }
0x65: {  	_ =	swait.ge [sflag:s6], $0x50  }
0x66: {  	[sflag:s6] =	ssyncset.done $0x0  }
0x67: {  	[sflag:s6] =	ssyncadd.s32 $0xFFFFFFB0  }
0x68: {  	[tilespmem:s23], [sflag:$0x1] =	stream.indirect.gather [hbm4b:s4+s22], $0x80, s8, s22, $0xb8;
	[tilespmem:$0x1CC78] =	vst v63  }
0x69: {  	_ = 	snop  }
0x6a: {  	[tilespmem:s25], [sflag:$0x2] =	stream.indirect.gather [hbm4b:s4+s22], $0x80, s9, s22, $0xb8;
	[tilespmem:$0x1CC78] =	vst v63  }
0x6b: {  	_ =	swait.ge [sflag:s26], $0x2800  }
0x6c: {  	[sflag:s26] =	ssyncset.done $0x0  }
0x6d: {  	s14 =	simm.s32 $0x0;
	[sflag:s26] =	ssyncadd.s32 $0xFFFFD800  }
0x6e: {  	v1 =	vld [tilespmem:s14+$0x13C78];
	_ =	sdelay $0x4  }
0x6f: {  	vm6 =	vlt.s32 v1, $0x2710  }
0x70: {  	v1 =	vsel vm6, $0x3F800000, v0  }
0x71: {  	[tilespmem:$0x1CB78] =	vst v1  }
0x72: {  	v1 =	vld [tilespmem:s14+$0x13C88];
	_ =	sdelay $0x4  }
0x73: {  	vm7 =	vlt.s32 v1, $0x2710  }
0x74: {  	v1 =	vsel vm7, $0x3F800000, v0  }
0x75: {  	[tilespmem:$0x1CB88] =	vst v1  }
0x76: {  	v1 =	vld [tilespmem:s14+$0x13C98];
	_ =	sdelay $0x4  }
0x77: {  	vm8 =	vlt.s32 v1, $0x2710  }
0x78: {  	v1 =	vsel vm8, $0x3F800000, v0  }
0x79: {  	[tilespmem:$0x1CB98] =	vst v1  }
0x7a: {  	v1 =	vld [tilespmem:s14+$0x13CA8];
	_ =	sdelay $0x4  }
0x7b: {  	vm9 =	vlt.s32 v1, $0x2710  }
0x7c: {  	v1 =	vsel vm9, $0x3F800000, v0  }
0x7d: {  	[tilespmem:$0x1CBA8] =	vst v1  }
0x7e: {  	v1 =	vld [tilespmem:s14+$0x13CB8];
	_ =	sdelay $0x4  }
0x7f: {  	vm10 =	vlt.s32 v1, $0x2710  }
0x80: {  	v1 =	vsel vm10, $0x3F800000, v0  }
0x81: {  	s16 =	simm.s32 $0x15C78;
	[tilespmem:$0x1CBB8] =	vst v1  }
0x82: {  	[spmem:s1] =	stream.indirect.scatter.add.f32 [tilespmem:s23], [sflag:$0x3], $0x80, s16, s22, $0xb8;
	[tilespmem:$0x1CC78] =	vst v63  }
0x83: {  	_ = 	snop  }
0x84: {  	[spmem:s2] =	stream.indirect.scatter.add.f32 [tilespmem:s28], [sflag:$0x5], $0x1, s16, s22, $0xb8;
	[tilespmem:$0x1CC78] =	vst v63  }
0x85: {  	_ =	swait.ge [sflag:s29], $0x2800  }
0x86: {  	[sflag:s29] =	ssyncset.done $0x0  }
0x87: {  	[sflag:s29] =	ssyncadd.s32 $0xFFFFD800  }
0x88: {  	_ =	swait.ge [sflag:s30], $0x50  }
0x89: {  	[sflag:s30] =	ssyncset.done $0x0  }
0x8a: {  	[sflag:s30] =	ssyncadd.s32 $0xFFFFFFB0  }
0x8b: {  	_ =	swait.ge [sflag:s31], $0x2800  }
0x8c: {  	[sflag:s31] =	ssyncset.done $0x0  }
0x8d: {  	[sflag:s31] =	ssyncadd.s32 $0xFFFFD800  }
0x8e: {  	v1 =	vld [tilespmem:s14+$0x13CF8];
	_ =	sdelay $0x4  }
0x8f: {  	vm11 =	vlt.s32 v1, $0x2710  }
0x90: {  	v1 =	vsel vm11, $0x3F800000, v0  }
0x91: {  	[tilespmem:$0x1CBF8] =	vst v1  }
0x92: {  	v1 =	vld [tilespmem:s14+$0x13D08];
	_ =	sdelay $0x4  }
0x93: {  	vm12 =	vlt.s32 v1, $0x2710  }
0x94: {  	v1 =	vsel vm12, $0x3F800000, v0  }
0x95: {  	[tilespmem:$0x1CC08] =	vst v1  }
0x96: {  	v1 =	vld [tilespmem:s14+$0x13D18];
	_ =	sdelay $0x4  }
0x97: {  	vm13 =	vlt.s32 v1, $0x2710  }
0x98: {  	v1 =	vsel vm13, $0x3F800000, v0  }
0x99: {  	[tilespmem:$0x1CC18] =	vst v1  }
0x9a: {  	v1 =	vld [tilespmem:s14+$0x13D28];
	_ =	sdelay $0x4  }
0x9b: {  	vm14 =	vlt.s32 v1, $0x2710  }
0x9c: {  	v1 =	vsel vm14, $0x3F800000, v0  }
0x9d: {  	[tilespmem:$0x1CC28] =	vst v1  }
0x9e: {  	v1 =	vld [tilespmem:s14+$0x13D38];
	_ =	sdelay $0x4  }
0x9f: {  	vm15 =	vlt.s32 v1, $0x2710  }
0xa0: {  	v1 =	vsel vm15, $0x3F800000, v0  }
0xa1: {  	s15 =	simm.s32 $0x15CF8;
	[tilespmem:$0x1CC38] =	vst v1  }
0xa2: {  	[spmem:s1] =	stream.indirect.scatter.add.f32 [tilespmem:s25], [sflag:$0x4], $0x80, s15, s22, $0xb8;
	[tilespmem:$0x1CC78] =	vst v63  }
0xa3: {  	_ = 	snop  }
0xa4: {  	[spmem:s2] =	stream.indirect.scatter.add.f32 [tilespmem:s3], [sflag:$0x6], $0x1, s15, s22, $0xb8;
	[tilespmem:$0x1CC78] =	vst v63  }
0xa5: {  	_ =	swait.ge [sflag:s5], $0x2800  }
0xa6: {  	[sflag:s5] =	ssyncset.done $0x0  }
0xa7: {  	[sflag:s5] =	ssyncadd.s32 $0xFFFFD800  }
0xa8: {  	_ =	swait.ge [sflag:s6], $0x50  }
0xa9: {  	s16 =	simm.s32 $0x13D78;
	[sflag:s6] =	ssyncset.done $0x0  }
0xaa: {  	s14 =	simm.s32 $0x400;
	s15 =	simm.s32 $0x13DF8;
	[sflag:s6] =	ssyncadd.s32 $0xFFFFFFB0  }
0xab: {  	[tilespmem:s23], [sflag:$0x1] =	stream.indirect.gather [hbm4b:s4+s22], $0x80, s16, s22, $0xb8;
	[tilespmem:$0x1CC78] =	vst v63  }
.LBB2_2:
0xac: {  	[tilespmem:s25], [sflag:$0x2] =	stream.indirect.gather [hbm4b:s4+s22], $0x80, s15, s22, $0xb8;
	[tilespmem:$0x1CC78] =	vst v63  }
0xad: {  	s15 =	smov.u32 s14  }
0xae: {  	p1 =	sne.s32 s14, $0x7400;
	s14 =	sadd.s32 $0x400, s14;
	_ =	swait.ge [sflag:s26], $0x2800  }
0xaf: {  	[sflag:s26] =	ssyncset.done $0x0  }
0xb0: {  	s15 =	sshra.s32 s15, $0x2;
	[sflag:s26] =	ssyncadd.s32 $0xFFFFD800  }
0xb1: {  	v1 =	vld [tilespmem:s15+$0x13C78];
	_ =	sdelay $0x4  }
0xb2: {  	vm0 =	vlt.s32 v1, $0x2710  }
0xb3: {  	v1 =	vsel vm0, $0x3F800000, v0  }
0xb4: {  	[tilespmem:$0x1CB78] =	vst v1  }
0xb5: {  	v1 =	vld [tilespmem:s15+$0x13C88];
	_ =	sdelay $0x4  }
0xb6: {  	vm0 =	vlt.s32 v1, $0x2710  }
0xb7: {  	v1 =	vsel vm0, $0x3F800000, v0  }
0xb8: {  	[tilespmem:$0x1CB88] =	vst v1  }
0xb9: {  	v1 =	vld [tilespmem:s15+$0x13C98];
	_ =	sdelay $0x4  }
0xba: {  	vm0 =	vlt.s32 v1, $0x2710  }
0xbb: {  	v1 =	vsel vm0, $0x3F800000, v0  }
0xbc: {  	[tilespmem:$0x1CB98] =	vst v1  }
0xbd: {  	v1 =	vld [tilespmem:s15+$0x13CA8];
	_ =	sdelay $0x4  }
0xbe: {  	vm0 =	vlt.s32 v1, $0x2710  }
0xbf: {  	v1 =	vsel vm0, $0x3F800000, v0  }
0xc0: {  	[tilespmem:$0x1CBA8] =	vst v1  }
0xc1: {  	v1 =	vld [tilespmem:s15+$0x13CB8];
	_ =	sdelay $0x4  }
0xc2: {  	vm0 =	vlt.s32 v1, $0x2710  }
0xc3: {  	v1 =	vsel vm0, $0x3F800000, v0  }
0xc4: {  	s16 =	sadd.s32 $0x15C78, s15;
	[tilespmem:$0x1CBB8] =	vst v1  }
0xc5: {  	[spmem:s1] =	stream.indirect.scatter.add.f32 [tilespmem:s23], [sflag:$0x3], $0x80, s16, s22, $0xb8;
	[tilespmem:$0x1CC78] =	vst v63  }
0xc6: {  	_ = 	snop  }
0xc7: {  	[spmem:s2] =	stream.indirect.scatter.add.f32 [tilespmem:s28], [sflag:$0x5], $0x1, s16, s22, $0xb8;
	[tilespmem:$0x1CC78] =	vst v63  }
0xc8: {  	_ =	swait.ge [sflag:s29], $0x2800  }
0xc9: {  	[sflag:s29] =	ssyncset.done $0x0  }
0xca: {  	[sflag:s29] =	ssyncadd.s32 $0xFFFFD800  }
0xcb: {  	_ =	swait.ge [sflag:s30], $0x50  }
0xcc: {  	[sflag:s30] =	ssyncset.done $0x0  }
0xcd: {  	[sflag:s30] =	ssyncadd.s32 $0xFFFFFFB0  }
0xce: {  	_ =	swait.ge [sflag:s31], $0x2800  }
0xcf: {  	[sflag:s31] =	ssyncset.done $0x0  }
0xd0: {  	[sflag:s31] =	ssyncadd.s32 $0xFFFFD800  }
0xd1: {  	v1 =	vld [tilespmem:s15+$0x13CF8];
	_ =	sdelay $0x4  }
0xd2: {  	vm0 =	vlt.s32 v1, $0x2710  }
0xd3: {  	v1 =	vsel vm0, $0x3F800000, v0  }
0xd4: {  	[tilespmem:$0x1CBF8] =	vst v1  }
0xd5: {  	v1 =	vld [tilespmem:s15+$0x13D08];
	_ =	sdelay $0x4  }
0xd6: {  	vm0 =	vlt.s32 v1, $0x2710  }
0xd7: {  	v1 =	vsel vm0, $0x3F800000, v0  }
0xd8: {  	[tilespmem:$0x1CC08] =	vst v1  }
0xd9: {  	v1 =	vld [tilespmem:s15+$0x13D18];
	_ =	sdelay $0x4  }
0xda: {  	vm0 =	vlt.s32 v1, $0x2710  }
0xdb: {  	v1 =	vsel vm0, $0x3F800000, v0  }
0xdc: {  	[tilespmem:$0x1CC18] =	vst v1  }
0xdd: {  	v1 =	vld [tilespmem:s15+$0x13D28];
	_ =	sdelay $0x4  }
0xde: {  	vm0 =	vlt.s32 v1, $0x2710  }
0xdf: {  	v1 =	vsel vm0, $0x3F800000, v0  }
0xe0: {  	[tilespmem:$0x1CC28] =	vst v1  }
0xe1: {  	v1 =	vld [tilespmem:s15+$0x13D38];
	_ =	sdelay $0x4  }
0xe2: {  	vm0 =	vlt.s32 v1, $0x2710  }
0xe3: {  	v1 =	vsel vm0, $0x3F800000, v0  }
0xe4: {  	s16 =	sadd.s32 $0x15CF8, s15;
	[tilespmem:$0x1CC38] =	vst v1  }
0xe5: {  	[spmem:s1] =	stream.indirect.scatter.add.f32 [tilespmem:s25], [sflag:$0x4], $0x80, s16, s22, $0xb8;
	[tilespmem:$0x1CC78] =	vst v63  }
0xe6: {  	_ = 	snop  }
0xe7: {  	[spmem:s2] =	stream.indirect.scatter.add.f32 [tilespmem:s3], [sflag:$0x6], $0x1, s16, s22, $0xb8;
	[tilespmem:$0x1CC78] =	vst v63  }
0xe8: {  	_ =	swait.ge [sflag:s5], $0x2800  }
0xe9: {  	[sflag:s5] =	ssyncset.done $0x0  }
0xea: {  	[sflag:s5] =	ssyncadd.s32 $0xFFFFD800  }
.Ltmp0:
0xeb: {  	_ =	swait.ge [sflag:s6], $0x50;
	(pc) =	sbr.rel @p1 .LBB2_2-.Ltmp0, $4  }
0xec: {  	[sflag:s6] =	ssyncset.done $0x0  }
0xed: {  	s16 =	sadd.s32 $0x13D78, s15;
	[sflag:s6] =	ssyncadd.s32 $0xFFFFFFB0  }
0xee: {  	[tilespmem:s23], [sflag:$0x1] =	stream.indirect.gather [hbm4b:s4+s22], $0x80, s16, s22, $0xb8;
	[tilespmem:$0x1CC78] =	vst v63  }
0xef: {  	s15 =	sadd.s32 $0x13DF8, s15  }
0xf0: {  	[tilespmem:s25], [sflag:$0x2] =	stream.indirect.gather [hbm4b:s4+s22], $0x80, s15, s22, $0xb8;
	[tilespmem:$0x1CC78] =	vst v63  }
0xf1: {  	_ =	swait.ge [sflag:s26], $0x2800  }
0xf2: {  	[sflag:s26] =	ssyncset.done $0x0  }
0xf3: {  	[sflag:s26] =	ssyncadd.s32 $0xFFFFD800  }
0xf4: {  	v1 =	vld [tilespmem:$0x15A78]  }
0xf5: {  	v2 =	vld [tilespmem:$0x15A88]  }
0xf6: {  	v3 =	vld [tilespmem:$0x15A98]  }
0xf7: {  	v4 =	vld [tilespmem:$0x15AA8]  }
0xf8: {  	v5 =	vld [tilespmem:$0x15AB8]  }
0xf9: {  	vm0 =	vlt.s32 v1, $0x2710  }
0xfa: {  	vm11 =	vlt.s32 v2, $0x2710;
	v1 =	vsel vm0, $0x3F800000, v0  }
0xfb: {  	vm12 =	vlt.s32 v3, $0x2710;
	[tilespmem:$0x1CB78] =	vst v1;
	v1 =	vsel vm11, $0x3F800000, v0  }
0xfc: {  	vm13 =	vlt.s32 v4, $0x2710;
	[tilespmem:$0x1CB88] =	vst v1;
	v1 =	vsel vm12, $0x3F800000, v0  }
0xfd: {  	vm14 =	vlt.s32 v5, $0x2710;
	[tilespmem:$0x1CB98] =	vst v1;
	v1 =	vsel vm13, $0x3F800000, v0  }
0xfe: {  	[tilespmem:$0x1CBA8] =	vst v1;
	v1 =	vsel vm14, $0x3F800000, v0  }
0xff: {  	[tilespmem:$0x1CBB8] =	vst v1  }
0x100: {  	[spmem:s1] =	stream.indirect.scatter.add.f32 [tilespmem:s23], [sflag:$0x3], $0x80, s10, s22, $0xb8;
	[tilespmem:$0x1CC78] =	vst v63  }
0x101: {  	_ = 	snop  }
0x102: {  	[spmem:s2] =	stream.indirect.scatter.add.f32 [tilespmem:s28], [sflag:$0x5], $0x1, s10, s22, $0xb8;
	[tilespmem:$0x1CC78] =	vst v63  }
0x103: {  	_ =	swait.ge [sflag:s29], $0x2800  }
0x104: {  	[sflag:s29] =	ssyncset.done $0x0  }
0x105: {  	[sflag:s29] =	ssyncadd.s32 $0xFFFFD800  }
0x106: {  	_ =	swait.ge [sflag:s30], $0x50  }
0x107: {  	[sflag:s30] =	ssyncset.done $0x0  }
0x108: {  	[sflag:s30] =	ssyncadd.s32 $0xFFFFFFB0  }
0x109: {  	_ =	swait.ge [sflag:s31], $0x2800  }
0x10a: {  	[sflag:s31] =	ssyncset.done $0x0  }
0x10b: {  	[sflag:s31] =	ssyncadd.s32 $0xFFFFD800  }
0x10c: {  	v1 =	vld [tilespmem:$0x15AF8]  }
0x10d: {  	v2 =	vld [tilespmem:$0x15B08]  }
0x10e: {  	v3 =	vld [tilespmem:$0x15B18]  }
0x10f: {  	v58 =	vld [tilespmem:$0x15B28]  }
0x110: {  	v59 =	vld [tilespmem:$0x15B38]  }
0x111: {  	vm15 =	vlt.s32 v1, $0x2710  }
0x112: {  	vm4 =	vlt.s32 v2, $0x2710;
	v1 =	vsel vm15, $0x3F800000, v0  }
0x113: {  	vm5 =	vlt.s32 v3, $0x2710;
	[tilespmem:$0x1CBF8] =	vst v1;
	v1 =	vsel vm4, $0x3F800000, v0  }
0x114: {  	vm6 =	vlt.s32 v58, $0x2710;
	[tilespmem:$0x1CC08] =	vst v1;
	v1 =	vsel vm5, $0x3F800000, v0  }
0x115: {  	vm7 =	vlt.s32 v59, $0x2710;
	[tilespmem:$0x1CC18] =	vst v1;
	v1 =	vsel vm6, $0x3F800000, v0  }
0x116: {  	[tilespmem:$0x1CC28] =	vst v1;
	v1 =	vsel vm7, $0x3F800000, v0  }
0x117: {  	[tilespmem:$0x1CC38] =	vst v1  }
0x118: {  	[spmem:s1] =	stream.indirect.scatter.add.f32 [tilespmem:s25], [sflag:$0x4], $0x80, s11, s22, $0xb8;
	[tilespmem:$0x1CC78] =	vst v63  }
0x119: {  	_ = 	snop  }
0x11a: {  	[spmem:s2] =	stream.indirect.scatter.add.f32 [tilespmem:s3], [sflag:$0x6], $0x1, s11, s22, $0xb8;
	[tilespmem:$0x1CC78] =	vst v63  }
0x11b: {  	_ =	swait.ge [sflag:s5], $0x2800  }
0x11c: {  	[sflag:s5] =	ssyncset.done $0x0  }
0x11d: {  	[sflag:s5] =	ssyncadd.s32 $0xFFFFD800  }
0x11e: {  	_ =	swait.ge [sflag:s6], $0x50  }
0x11f: {  	[sflag:s6] =	ssyncset.done $0x0  }
0x120: {  	s14 =	simm.s32 $0x0;
	s16 =	rddreg [dreg:$0xa];
	[sflag:s6] =	ssyncadd.s32 $0xFFFFFFB0  }
0x121: {  	[tilespmem:s20], [sflag:$0x7] =	stream.linear.gather [hbm4b:s16+s14], $0x2000, $0x38;
	[tilespmem:$0x1CC78] =	vst v63  }
0x122: {  	_ =	swait.ge [sflag:s19], $0x2000  }
0x123: {  	[sflag:s19] =	ssyncset.done $0x0  }
0x124: {  	s16 =	rddreg [dreg:$0xb];
	[sflag:s19] =	ssyncadd.s32 $0xFFFFE000  }
0x125: {  	[tilespmem:s21], [sflag:$0x7] =	stream.linear.gather [hbm4b:s16+s14], $0x2000, $0x38;
	[tilespmem:$0x1CC78] =	vst v63  }
0x126: {  	_ =	swait.ge [sflag:s19], $0x2000  }
0x127: {  	[sflag:s19] =	ssyncset.done $0x0  }
0x128: {  	[sflag:s19] =	ssyncadd.s32 $0xFFFFE000  }
0x129: {  	[tilespmem:s23], [sflag:$0x1] =	stream.indirect.gather [hbm4b:s4+s22], $0x80, s20, s22, $0xb8;
	[tilespmem:$0x1CC78] =	vst v63  }
0x12a: {  	_ = 	snop  }
0x12b: {  	[tilespmem:s25], [sflag:$0x2] =	stream.indirect.gather [hbm4b:s4+s22], $0x80, s17, s22, $0xb8;
	[tilespmem:$0x1CC78] =	vst v63  }
0x12c: {  	_ =	swait.ge [sflag:s26], $0x2800  }
0x12d: {  	[sflag:s26] =	ssyncset.done $0x0  }
0x12e: {  	[sflag:s26] =	ssyncadd.s32 $0xFFFFD800  }
0x12f: {  	v1 =	vld [tilespmem:$0x13B78]  }
0x130: {  	v2 =	vld [tilespmem:$0x13B88]  }
0x131: {  	v3 =	vld [tilespmem:$0x13B98]  }
0x132: {  	v60 =	vld [tilespmem:$0x13BA8]  }
0x133: {  	v61 =	vld [tilespmem:$0x13BB8]  }
0x134: {  	vm8 =	vlt.s32 v1, $0x2710  }
0x135: {  	vm9 =	vlt.s32 v2, $0x2710;
	v1 =	vsel vm8, $0x3F800000, v0  }
0x136: {  	vm10 =	vlt.s32 v3, $0x2710;
	[tilespmem:$0x1CB78] =	vst v1;
	v1 =	vsel vm9, $0x3F800000, v0  }
0x137: {  	vm11 =	vlt.s32 v60, $0x2710;
	[tilespmem:$0x1CB88] =	vst v1;
	v1 =	vsel vm10, $0x3F800000, v0  }
0x138: {  	vm12 =	vlt.s32 v61, $0x2710;
	[tilespmem:$0x1CB98] =	vst v1;
	v1 =	vsel vm11, $0x3F800000, v0  }
0x139: {  	[tilespmem:$0x1CBA8] =	vst v1;
	v1 =	vsel vm12, $0x3F800000, v0  }
0x13a: {  	[tilespmem:$0x1CBB8] =	vst v1  }
0x13b: {  	[spmem:s1] =	stream.indirect.scatter.add.f32 [tilespmem:s23], [sflag:$0x3], $0x80, s21, s22, $0xb8;
	[tilespmem:$0x1CC78] =	vst v63  }
0x13c: {  	_ = 	snop  }
0x13d: {  	[spmem:s2] =	stream.indirect.scatter.add.f32 [tilespmem:s28], [sflag:$0x5], $0x1, s21, s22, $0xb8;
	[tilespmem:$0x1CC78] =	vst v63  }
0x13e: {  	_ =	swait.ge [sflag:s29], $0x2800  }
0x13f: {  	[sflag:s29] =	ssyncset.done $0x0  }
0x140: {  	[sflag:s29] =	ssyncadd.s32 $0xFFFFD800  }
0x141: {  	_ =	swait.ge [sflag:s30], $0x50  }
0x142: {  	[sflag:s30] =	ssyncset.done $0x0  }
0x143: {  	[sflag:s30] =	ssyncadd.s32 $0xFFFFFFB0  }
0x144: {  	_ =	swait.ge [sflag:s31], $0x2800  }
0x145: {  	[sflag:s31] =	ssyncset.done $0x0  }
0x146: {  	[sflag:s31] =	ssyncadd.s32 $0xFFFFD800  }
0x147: {  	v1 =	vld [tilespmem:$0x13BF8]  }
0x148: {  	v2 =	vld [tilespmem:$0x13C08]  }
0x149: {  	v3 =	vld [tilespmem:$0x13C18]  }
0x14a: {  	v62 =	vld [tilespmem:$0x13C28]  }
0x14b: {  	v63 =	vld [tilespmem:$0x13C38]  }
0x14c: {  	vm13 =	vlt.s32 v1, $0x2710  }
0x14d: {  	vm14 =	vlt.s32 v2, $0x2710;
	v1 =	vsel vm13, $0x3F800000, v0  }
0x14e: {  	vm15 =	vlt.s32 v3, $0x2710;
	[tilespmem:$0x1CBF8] =	vst v1;
	v1 =	vsel vm14, $0x3F800000, v0  }
0x14f: {  	vm4 =	vlt.s32 v62, $0x2710;
	[tilespmem:$0x1CC08] =	vst v1;
	v1 =	vsel vm15, $0x3F800000, v0  }
0x150: {  	vm5 =	vlt.s32 v63, $0x2710;
	[tilespmem:$0x1CC18] =	vst v1;
	v1 =	vsel vm4, $0x3F800000, v0  }
0x151: {  	[tilespmem:$0x1CC28] =	vst v1;
	v1 =	vsel vm5, $0x3F800000, v0  }
0x152: {  	[tilespmem:$0x1CC38] =	vst v1  }
0x153: {  	[spmem:s1] =	stream.indirect.scatter.add.f32 [tilespmem:s25], [sflag:$0x4], $0x80, s0, s22, $0xb8;
	[tilespmem:$0x1CC78] =	vst v63  }
0x154: {  	_ = 	snop  }
0x155: {  	[spmem:s2] =	stream.indirect.scatter.add.f32 [tilespmem:s3], [sflag:$0x6], $0x1, s0, s22, $0xb8;
	[tilespmem:$0x1CC78] =	vst v63  }
0x156: {  	_ =	swait.ge [sflag:s5], $0x2800  }
0x157: {  	[sflag:s5] =	ssyncset.done $0x0  }
0x158: {  	[sflag:s5] =	ssyncadd.s32 $0xFFFFD800  }
0x159: {  	_ =	swait.ge [sflag:s6], $0x50  }
0x15a: {  	[sflag:s6] =	ssyncset.done $0x0  }
0x15b: {  	[sflag:s6] =	ssyncadd.s32 $0xFFFFFFB0  }
0x15c: {  	[tilespmem:s23], [sflag:$0x1] =	stream.indirect.gather [hbm4b:s4+s22], $0x80, s8, s22, $0xb8;
	[tilespmem:$0x1CC78] =	vst v63  }
0x15d: {  	_ = 	snop  }
0x15e: {  	[tilespmem:s25], [sflag:$0x2] =	stream.indirect.gather [hbm4b:s4+s22], $0x80, s9, s22, $0xb8;
	[tilespmem:$0x1CC78] =	vst v63  }
0x15f: {  	_ =	swait.ge [sflag:s26], $0x2800  }
0x160: {  	[sflag:s26] =	ssyncset.done $0x0  }
0x161: {  	s16 =	simm.s32 $0x0;
	[sflag:s26] =	ssyncadd.s32 $0xFFFFD800  }
0x162: {  	v1 =	vld [tilespmem:s16+$0x13C78];
	_ =	sdelay $0x4  }
0x163: {  	vm6 =	vlt.s32 v1, $0x2710  }
0x164: {  	v1 =	vsel vm6, $0x3F800000, v0  }
0x165: {  	[tilespmem:$0x1CB78] =	vst v1  }
0x166: {  	v1 =	vld [tilespmem:s16+$0x13C88];
	_ =	sdelay $0x4  }
0x167: {  	vm7 =	vlt.s32 v1, $0x2710  }
0x168: {  	v1 =	vsel vm7, $0x3F800000, v0  }
0x169: {  	[tilespmem:$0x1CB88] =	vst v1  }
0x16a: {  	v1 =	vld [tilespmem:s16+$0x13C98];
	_ =	sdelay $0x4  }
0x16b: {  	vm8 =	vlt.s32 v1, $0x2710  }
0x16c: {  	v1 =	vsel vm8, $0x3F800000, v0  }
0x16d: {  	[tilespmem:$0x1CB98] =	vst v1  }
0x16e: {  	v1 =	vld [tilespmem:s16+$0x13CA8];
	_ =	sdelay $0x4  }
0x16f: {  	vm9 =	vlt.s32 v1, $0x2710  }
0x170: {  	v1 =	vsel vm9, $0x3F800000, v0  }
0x171: {  	[tilespmem:$0x1CBA8] =	vst v1  }
0x172: {  	v1 =	vld [tilespmem:s16+$0x13CB8];
	_ =	sdelay $0x4  }
0x173: {  	vm10 =	vlt.s32 v1, $0x2710  }
0x174: {  	v1 =	vsel vm10, $0x3F800000, v0  }
0x175: {  	s17 =	simm.s32 $0x15C78;
	[tilespmem:$0x1CBB8] =	vst v1  }
0x176: {  	[spmem:s1] =	stream.indirect.scatter.add.f32 [tilespmem:s23], [sflag:$0x3], $0x80, s17, s22, $0xb8;
	[tilespmem:$0x1CC78] =	vst v63  }
0x177: {  	_ = 	snop  }
0x178: {  	[spmem:s2] =	stream.indirect.scatter.add.f32 [tilespmem:s28], [sflag:$0x5], $0x1, s17, s22, $0xb8;
	[tilespmem:$0x1CC78] =	vst v63  }
0x179: {  	_ =	swait.ge [sflag:s29], $0x2800  }
0x17a: {  	[sflag:s29] =	ssyncset.done $0x0  }
0x17b: {  	[sflag:s29] =	ssyncadd.s32 $0xFFFFD800  }
0x17c: {  	_ =	swait.ge [sflag:s30], $0x50  }
0x17d: {  	[sflag:s30] =	ssyncset.done $0x0  }
0x17e: {  	[sflag:s30] =	ssyncadd.s32 $0xFFFFFFB0  }
0x17f: {  	_ =	swait.ge [sflag:s31], $0x2800  }
0x180: {  	[sflag:s31] =	ssyncset.done $0x0  }
0x181: {  	[sflag:s31] =	ssyncadd.s32 $0xFFFFD800  }
0x182: {  	v1 =	vld [tilespmem:s16+$0x13CF8];
	_ =	sdelay $0x4  }
0x183: {  	vm11 =	vlt.s32 v1, $0x2710  }
0x184: {  	v1 =	vsel vm11, $0x3F800000, v0  }
0x185: {  	[tilespmem:$0x1CBF8] =	vst v1  }
0x186: {  	v1 =	vld [tilespmem:s16+$0x13D08];
	_ =	sdelay $0x4  }
0x187: {  	vm12 =	vlt.s32 v1, $0x2710  }
0x188: {  	v1 =	vsel vm12, $0x3F800000, v0  }
0x189: {  	[tilespmem:$0x1CC08] =	vst v1  }
0x18a: {  	v1 =	vld [tilespmem:s16+$0x13D18];
	_ =	sdelay $0x4  }
0x18b: {  	vm13 =	vlt.s32 v1, $0x2710  }
0x18c: {  	v1 =	vsel vm13, $0x3F800000, v0  }
0x18d: {  	[tilespmem:$0x1CC18] =	vst v1  }
0x18e: {  	v1 =	vld [tilespmem:s16+$0x13D28];
	_ =	sdelay $0x4  }
0x18f: {  	vm14 =	vlt.s32 v1, $0x2710  }
0x190: {  	v1 =	vsel vm14, $0x3F800000, v0  }
0x191: {  	[tilespmem:$0x1CC28] =	vst v1  }
0x192: {  	v1 =	vld [tilespmem:s16+$0x13D38];
	_ =	sdelay $0x4  }
0x193: {  	vm15 =	vlt.s32 v1, $0x2710  }
0x194: {  	v1 =	vsel vm15, $0x3F800000, v0  }
0x195: {  	s16 =	simm.s32 $0x15CF8;
	[tilespmem:$0x1CC38] =	vst v1  }
0x196: {  	[spmem:s1] =	stream.indirect.scatter.add.f32 [tilespmem:s25], [sflag:$0x4], $0x80, s16, s22, $0xb8;
	[tilespmem:$0x1CC78] =	vst v63  }
0x197: {  	_ = 	snop  }
0x198: {  	[spmem:s2] =	stream.indirect.scatter.add.f32 [tilespmem:s3], [sflag:$0x6], $0x1, s16, s22, $0xb8;
	[tilespmem:$0x1CC78] =	vst v63  }
0x199: {  	_ =	swait.ge [sflag:s5], $0x2800  }
0x19a: {  	[sflag:s5] =	ssyncset.done $0x0  }
0x19b: {  	[sflag:s5] =	ssyncadd.s32 $0xFFFFD800  }
0x19c: {  	_ =	swait.ge [sflag:s6], $0x50  }
0x19d: {  	s15 =	simm.s32 $0x13DF8;
	[sflag:s6] =	ssyncset.done $0x0  }
0x19e: {  	s14 =	simm.s32 $0x400;
	s17 =	simm.s32 $0x13D78;
	[sflag:s6] =	ssyncadd.s32 $0xFFFFFFB0  }
0x19f: {  	[tilespmem:s23], [sflag:$0x1] =	stream.indirect.gather [hbm4b:s4+s22], $0x80, s17, s22, $0xb8;
	[tilespmem:$0x1CC78] =	vst v63  }
.LBB2_4:
0x1a0: {  	[tilespmem:s25], [sflag:$0x2] =	stream.indirect.gather [hbm4b:s4+s22], $0x80, s15, s22, $0xb8;
	[tilespmem:$0x1CC78] =	vst v63  }
0x1a1: {  	s15 =	smov.u32 s14  }
0x1a2: {  	p1 =	sne.s32 s14, $0x7400;
	s14 =	sadd.s32 $0x400, s14;
	_ =	swait.ge [sflag:s26], $0x2800  }
0x1a3: {  	[sflag:s26] =	ssyncset.done $0x0  }
0x1a4: {  	s15 =	sshra.s32 s15, $0x2;
	[sflag:s26] =	ssyncadd.s32 $0xFFFFD800  }
0x1a5: {  	v1 =	vld [tilespmem:s15+$0x13C78];
	_ =	sdelay $0x4  }
0x1a6: {  	vm0 =	vlt.s32 v1, $0x2710  }
0x1a7: {  	v1 =	vsel vm0, $0x3F800000, v0  }
0x1a8: {  	[tilespmem:$0x1CB78] =	vst v1  }
0x1a9: {  	v1 =	vld [tilespmem:s15+$0x13C88];
	_ =	sdelay $0x4  }
0x1aa: {  	vm0 =	vlt.s32 v1, $0x2710  }
0x1ab: {  	v1 =	vsel vm0, $0x3F800000, v0  }
0x1ac: {  	[tilespmem:$0x1CB88] =	vst v1  }
0x1ad: {  	v1 =	vld [tilespmem:s15+$0x13C98];
	_ =	sdelay $0x4  }
0x1ae: {  	vm0 =	vlt.s32 v1, $0x2710  }
0x1af: {  	v1 =	vsel vm0, $0x3F800000, v0  }
0x1b0: {  	[tilespmem:$0x1CB98] =	vst v1  }
0x1b1: {  	v1 =	vld [tilespmem:s15+$0x13CA8];
	_ =	sdelay $0x4  }
0x1b2: {  	vm0 =	vlt.s32 v1, $0x2710  }
0x1b3: {  	v1 =	vsel vm0, $0x3F800000, v0  }
0x1b4: {  	[tilespmem:$0x1CBA8] =	vst v1  }
0x1b5: {  	v1 =	vld [tilespmem:s15+$0x13CB8];
	_ =	sdelay $0x4  }
0x1b6: {  	vm0 =	vlt.s32 v1, $0x2710  }
0x1b7: {  	v1 =	vsel vm0, $0x3F800000, v0  }
0x1b8: {  	s16 =	sadd.s32 $0x15C78, s15;
	[tilespmem:$0x1CBB8] =	vst v1  }
0x1b9: {  	[spmem:s1] =	stream.indirect.scatter.add.f32 [tilespmem:s23], [sflag:$0x3], $0x80, s16, s22, $0xb8;
	[tilespmem:$0x1CC78] =	vst v63  }
0x1ba: {  	_ = 	snop  }
0x1bb: {  	[spmem:s2] =	stream.indirect.scatter.add.f32 [tilespmem:s28], [sflag:$0x5], $0x1, s16, s22, $0xb8;
	[tilespmem:$0x1CC78] =	vst v63  }
0x1bc: {  	_ =	swait.ge [sflag:s29], $0x2800  }
0x1bd: {  	[sflag:s29] =	ssyncset.done $0x0  }
0x1be: {  	[sflag:s29] =	ssyncadd.s32 $0xFFFFD800  }
0x1bf: {  	_ =	swait.ge [sflag:s30], $0x50  }
0x1c0: {  	[sflag:s30] =	ssyncset.done $0x0  }
0x1c1: {  	[sflag:s30] =	ssyncadd.s32 $0xFFFFFFB0  }
0x1c2: {  	_ =	swait.ge [sflag:s31], $0x2800  }
0x1c3: {  	[sflag:s31] =	ssyncset.done $0x0  }
0x1c4: {  	[sflag:s31] =	ssyncadd.s32 $0xFFFFD800  }
0x1c5: {  	v1 =	vld [tilespmem:s15+$0x13CF8];
	_ =	sdelay $0x4  }
0x1c6: {  	vm0 =	vlt.s32 v1, $0x2710  }
0x1c7: {  	v1 =	vsel vm0, $0x3F800000, v0  }
0x1c8: {  	[tilespmem:$0x1CBF8] =	vst v1  }
0x1c9: {  	v1 =	vld [tilespmem:s15+$0x13D08];
	_ =	sdelay $0x4  }
0x1ca: {  	vm0 =	vlt.s32 v1, $0x2710  }
0x1cb: {  	v1 =	vsel vm0, $0x3F800000, v0  }
0x1cc: {  	[tilespmem:$0x1CC08] =	vst v1  }
0x1cd: {  	v1 =	vld [tilespmem:s15+$0x13D18];
	_ =	sdelay $0x4  }
0x1ce: {  	vm0 =	vlt.s32 v1, $0x2710  }
0x1cf: {  	v1 =	vsel vm0, $0x3F800000, v0  }
0x1d0: {  	[tilespmem:$0x1CC18] =	vst v1  }
0x1d1: {  	v1 =	vld [tilespmem:s15+$0x13D28];
	_ =	sdelay $0x4  }
0x1d2: {  	vm0 =	vlt.s32 v1, $0x2710  }
0x1d3: {  	v1 =	vsel vm0, $0x3F800000, v0  }
0x1d4: {  	[tilespmem:$0x1CC28] =	vst v1  }
0x1d5: {  	v1 =	vld [tilespmem:s15+$0x13D38];
	_ =	sdelay $0x4  }
0x1d6: {  	vm0 =	vlt.s32 v1, $0x2710  }
0x1d7: {  	v1 =	vsel vm0, $0x3F800000, v0  }
0x1d8: {  	s16 =	sadd.s32 $0x15CF8, s15;
	[tilespmem:$0x1CC38] =	vst v1  }
0x1d9: {  	[spmem:s1] =	stream.indirect.scatter.add.f32 [tilespmem:s25], [sflag:$0x4], $0x80, s16, s22, $0xb8;
	[tilespmem:$0x1CC78] =	vst v63  }
0x1da: {  	_ = 	snop  }
0x1db: {  	[spmem:s2] =	stream.indirect.scatter.add.f32 [tilespmem:s3], [sflag:$0x6], $0x1, s16, s22, $0xb8;
	[tilespmem:$0x1CC78] =	vst v63  }
0x1dc: {  	_ =	swait.ge [sflag:s5], $0x2800  }
0x1dd: {  	[sflag:s5] =	ssyncset.done $0x0  }
0x1de: {  	[sflag:s5] =	ssyncadd.s32 $0xFFFFD800  }
.Ltmp1:
0x1df: {  	_ =	swait.ge [sflag:s6], $0x50;
	(pc) =	sbr.rel @p1 .LBB2_4-.Ltmp1, $4  }
0x1e0: {  	[sflag:s6] =	ssyncset.done $0x0  }
0x1e1: {  	s16 =	sadd.s32 $0x13D78, s15;
	[sflag:s6] =	ssyncadd.s32 $0xFFFFFFB0  }
0x1e2: {  	[tilespmem:s23], [sflag:$0x1] =	stream.indirect.gather [hbm4b:s4+s22], $0x80, s16, s22, $0xb8;
	[tilespmem:$0x1CC78] =	vst v63  }
0x1e3: {  	s15 =	sadd.s32 $0x13DF8, s15  }
0x1e4: {  	[tilespmem:s25], [sflag:$0x2] =	stream.indirect.gather [hbm4b:s4+s22], $0x80, s15, s22, $0xb8;
	[tilespmem:$0x1CC78] =	vst v63  }
0x1e5: {  	_ =	swait.ge [sflag:s26], $0x2800  }
0x1e6: {  	[sflag:s26] =	ssyncset.done $0x0  }
0x1e7: {  	[sflag:s26] =	ssyncadd.s32 $0xFFFFD800  }
0x1e8: {  	v1 =	vld [tilespmem:$0x15A78]  }
0x1e9: {  	v2 =	vld [tilespmem:$0x15A88]  }
0x1ea: {  	v3 =	vld [tilespmem:$0x15A98]  }
0x1eb: {  	v4 =	vld [tilespmem:$0x15AA8]  }
0x1ec: {  	v5 =	vld [tilespmem:$0x15AB8]  }
0x1ed: {  	vm0 =	vlt.s32 v1, $0x2710  }
0x1ee: {  	vm7 =	vlt.s32 v2, $0x2710;
	v1 =	vsel vm0, $0x3F800000, v0  }
0x1ef: {  	vm8 =	vlt.s32 v3, $0x2710;
	[tilespmem:$0x1CB78] =	vst v1;
	v1 =	vsel vm7, $0x3F800000, v0  }
0x1f0: {  	vm9 =	vlt.s32 v4, $0x2710;
	[tilespmem:$0x1CB88] =	vst v1;
	v1 =	vsel vm8, $0x3F800000, v0  }
0x1f1: {  	vm10 =	vlt.s32 v5, $0x2710;
	[tilespmem:$0x1CB98] =	vst v1;
	v1 =	vsel vm9, $0x3F800000, v0  }
0x1f2: {  	[tilespmem:$0x1CBA8] =	vst v1;
	v1 =	vsel vm10, $0x3F800000, v0  }
0x1f3: {  	[tilespmem:$0x1CBB8] =	vst v1  }
0x1f4: {  	[spmem:s1] =	stream.indirect.scatter.add.f32 [tilespmem:s23], [sflag:$0x3], $0x80, s10, s22, $0xb8;
	[tilespmem:$0x1CC78] =	vst v63  }
0x1f5: {  	_ = 	snop  }
0x1f6: {  	[spmem:s2] =	stream.indirect.scatter.add.f32 [tilespmem:s28], [sflag:$0x5], $0x1, s10, s22, $0xb8;
	[tilespmem:$0x1CC78] =	vst v63  }
0x1f7: {  	_ =	swait.ge [sflag:s29], $0x2800  }
0x1f8: {  	[sflag:s29] =	ssyncset.done $0x0  }
0x1f9: {  	[sflag:s29] =	ssyncadd.s32 $0xFFFFD800  }
0x1fa: {  	_ =	swait.ge [sflag:s30], $0x50  }
0x1fb: {  	[sflag:s30] =	ssyncset.done $0x0  }
0x1fc: {  	[sflag:s30] =	ssyncadd.s32 $0xFFFFFFB0  }
0x1fd: {  	_ =	swait.ge [sflag:s31], $0x2800  }
0x1fe: {  	[sflag:s31] =	ssyncset.done $0x0  }
0x1ff: {  	[sflag:s31] =	ssyncadd.s32 $0xFFFFD800  }
0x200: {  	v1 =	vld [tilespmem:$0x15AF8]  }
0x201: {  	v2 =	vld [tilespmem:$0x15B08]  }
0x202: {  	v3 =	vld [tilespmem:$0x15B18]  }
0x203: {  	v62 =	vld [tilespmem:$0x15B28]  }
0x204: {  	v63 =	vld [tilespmem:$0x15B38]  }
0x205: {  	vm11 =	vlt.s32 v1, $0x2710  }
0x206: {  	vm12 =	vlt.s32 v2, $0x2710;
	v1 =	vsel vm11, $0x3F800000, v0  }
0x207: {  	vm13 =	vlt.s32 v3, $0x2710;
	[tilespmem:$0x1CBF8] =	vst v1;
	v1 =	vsel vm12, $0x3F800000, v0  }
0x208: {  	vm14 =	vlt.s32 v62, $0x2710;
	[tilespmem:$0x1CC08] =	vst v1;
	v1 =	vsel vm13, $0x3F800000, v0  }
0x209: {  	vm15 =	vlt.s32 v63, $0x2710;
	[tilespmem:$0x1CC18] =	vst v1;
	v1 =	vsel vm14, $0x3F800000, v0  }
0x20a: {  	[tilespmem:$0x1CC28] =	vst v1;
	v1 =	vsel vm15, $0x3F800000, v0  }
0x20b: {  	[tilespmem:$0x1CC38] =	vst v1  }
0x20c: {  	[spmem:s1] =	stream.indirect.scatter.add.f32 [tilespmem:s25], [sflag:$0x4], $0x80, s11, s22, $0xb8;
	[tilespmem:$0x1CC78] =	vst v63  }
0x20d: {  	_ = 	snop  }
0x20e: {  	[spmem:s2] =	stream.indirect.scatter.add.f32 [tilespmem:s3], [sflag:$0x6], $0x1, s11, s22, $0xb8;
	[tilespmem:$0x1CC78] =	vst v63  }
0x20f: {  	_ =	swait.ge [sflag:s5], $0x2800  }
0x210: {  	[sflag:s5] =	ssyncset.done $0x0  }
0x211: {  	[sflag:s5] =	ssyncadd.s32 $0xFFFFD800  }
0x212: {  	_ =	swait.ge [sflag:s6], $0x50  }
0x213: {  	[sflag:s6] =	ssyncset.done $0x0  }
0x214: {  	[sflag:s6] =	ssyncadd.s32 $0xFFFFFFB0  }
0x215: {  	[bflag:$0x0] =	sbarrier.arrive $0xFFFF  }
0x216: {  	s14 =	rddreg [dreg:$0xc]  }
0x217: {  	[hbm:s14], [sflag:s7] =	dma.local [spmem:s18], $0x2700  }
0x218: {  	_ =	swait.ge [sflag:s19], $0x2700  }
0x219: {  	[sflag:s19] =	ssyncset.done $0x0  }
0x21a: {  	s14 =	rddreg [dreg:$0xd];
	[sflag:s19] =	ssyncadd.s32 $0xFFFFD900  }
0x21b: {  	[hbm:s14], [sflag:s7] =	dma.local @!p0 [spmem:s24], $0x100  }
0x21c: {  	s14 =	simm.s32 @!p0 $0x7  }
0x21d: {  	_ =	swait.ge @!p0 [sflag:s14], $0x100  }
0x21e: {  	s15 =	simm.s32 @!p0 $0x1;
	s16 =	simm.s32 @!p0 $0x20;
	[sflag:s14] =	ssyncset.done @!p0 $0x0  }
0x21f: {  	s24 =	simm.s32 @!p0 $0x10;
	s17 =	rddreg [dreg:$0xe];
	[sflag:s14] =	ssyncadd.s32 @!p0 $0xFFFFFF00  }
0x220: {  	[hbm:s17@s16], [sflag:s7] =	dma.strided @!p0 [spmem:s13@s24], $0x5F0, s15, $0x10   }
0x221: {  	_ =	swait.ge @!p0 [sflag:s14], $0x5F0  }
0x222: {  	s12 =	sadd.s32 $0x1, s12;
	s24 =	rddreg [dreg:$0xf]  }
0x223: {  	p1 =	sne.s32 s12, s24  }
.Ltmp2:
0x224: {  	_ = 	snop;
	(pc) =	sbr.rel @p1 .LBB2_1-.Ltmp2, $3  }
0x225: {  	_ =	sdelay $0x1  }
0x226: {  	[sflag:s14] =	ssyncset.done @!p0 $0x0  }
0x227: {  	s17 =	simm.s32 $0x13BF8;
	[sflag:s14] =	ssyncadd.s32 @!p0 $0xFFFFFA10  }
0x228: {  	_ =	sfence.sel $0x180000  }
0x229: {  	[bflag:$0x0] =	sbarrier.arrive $0xFFFF  }
0x22a: {  	_ =	strace $0x90000047  }
0x22b: {  	[bflag:$0x2] =	sbarrier.arrive $0xFFFF  }
0x22c: {  	s0 =	rddreg [dreg:$0x3]  }
0x22d: {  	s0 =	sadd.s32 @!p0 $0x100000, s0  }
0x22e: {  	[sflag:s0] =	ssyncadd.tile.s32 @!p0 $0x1;
	_ =	shalt  }
.Lfunc_end2:
_tile_overlayer_lowered:
.L_overlay_start_2:
0x22f: {  	(tag) =	ssettag $0x2  }
0x230: {  	s0 =	rddreg [dreg:$0x0];
	s2 =	stileid.u32  }
0x231: {  	s1 =	rddreg [dreg:$0x1];
	p0 =	sne.s32 s2, $0x0  }
0x232: {  	s3 =	rddreg [dreg:$0x2];
	[bflag:$0x3] =	sbarrier.arrive $0xFFFF;
	s2 =	simm.s32 @!p0 $0x1C07  }
0x233: {  	[timem:s3], [sflag:s2] =	dma.local @!p0 [hbm:s0], s1  }
0x234: {  	s0 =	simm.s32 @!p0 $0x7  }
0x235: {  	_ =	swait.ge @!p0 [sflag:s0], s1  }
0x236: {  	s1 =	ssub.s32 @!p0 $0x0, s1;
	[sflag:s0] =	ssyncset.done @!p0 $0x0  }
0x237: {  	[sflag:s0] =	ssyncadd.s32 @!p0 s1  }
0x238: {  	[bflag:$0x3] =	sbarrier.arrive $0xFFFF  }
0x239: {  	_ =	shalt  }

// kernel: kernel.9.cloned.1.call-start
scs
__scs_entry_jumppad:
0x0: {  	(pc) =	sbr.rel $0x88, $3  }
0x1: {  	(tag) =	ssettag $0x0;
	lr =	simm.s32 $0x1  }
0x2: {  	[smem:$0x3F92] =	sst lr;
	_ =	strace $0xD0000000  }
0x3: {  	_ = 	snop  }
0x4: {  	_ = 	snop  }
0x5: {  	_ = 	snop  }
0x6: {  	_ = 	snop  }
0x7: {  	_ = 	snop  }
__scs_overlays_trampoline_lowered:
0x8: {  	[smem:$0x3FA1] =	sst s0  }
0x9: {  	[smem:$0x3FA2] =	sst s1  }
0xa: {  	[smem:$0x3FA3] =	sst s2  }
0xb: {  	[smem:$0x3FA4] =	sst s3  }
0xc: {  	[smem:$0x3FA5] =	sst s4  }
0xd: {  	[smem:$0x3FA6] =	sst s5  }
0xe: {  	[smem:$0x3FA7] =	sst s6  }
0xf: {  	[smem:$0x3FA8] =	sst s7  }
0x10: {  	[smem:$0x3FA9] =	sst s8  }
0x11: {  	[smem:$0x3FAA] =	sst s9;
	s0 =	simm.s32 @!p0 $0x0  }
0x12: {  	s1 =	sld [smem:$0x3F90];
	s0 =	simm.s32 @p0 $0x1  }
0x13: {  	[smem:$0x3FAB] =	sst s0;
	s0 =	simm.s32 @!p1 $0x0  }
0x14: {  	s2 =	sld [smem:$0x3F8F];
	s0 =	simm.s32 @p1 $0x1  }
0x15: {  	[smem:$0x3FAC] =	sst s0;
	s0 =	simm.s32 @!p2 $0x0  }
0x16: {  	s3 =	sld [smem:$0x3FDB];
	s0 =	simm.s32 @p2 $0x1  }
0x17: {  	s4 =	simm.s32 $0x1BF5;
	[smem:$0x3FAE] =	sst s0  }
0x18: {  	s0 =	sld [smem:$0x3F91];
	_ =	swait.ge [sflag:s4], $0x0  }
0x19: {  	s7 =	sld [smem:$0x3F92]  }
0x1a: {  	s8 =	sadd.s32 $0xFFFFE003, lr  }
0x1b: {  	s9 =	sadd.s32 $0xFFFFFEF7, lr;
	s5 =	simm.s32 $0xFFFFFFFF;
	p2 =	slt.u32 s8, $0xFFFFF086  }
0x1c: {  	p1 =	slt.u32 s9, $0xF7A;
	s5 =	simm.s32 @!p2 $0x0  }
0x1d: {  	s5 =	simm.s32 @p1 $0x1;
	p0 =	seq.s32 s7, s2  }
0x1e: {  	s7 =	smul.u32 @!p0 $0xF7A, s2;
	p2 =	seq.s32 @!p0 s5, $0x0  }
0x1f: {  	s9 =	smul.u32 $0xF7A, s1;
	s8 =	simm.s32 @!p0 $0x1BF5;
	p2 =	por !p2, p0  }
0x20: {  	[sflag:s8] =	ssyncset.s32 @!p0 $0xFFFFF086;
	s6 =	sadd.s32 @!p0 s3, s7;
	s7 =	simm.s32 @!p0 $0x108  }
0x21: {  	s3 =	sadd.s32 s3, s9;
	s6 =	sadd.s32 @!p0 $0x88, s6;
	s7 =	simm.s32 @p2 $0x1082  }
0x22: {  	[simem:s7], [sflag:s8] =	dma.local @!p0 [hbm:s6], $0xF7A  }
0x23: {  	s9 =	sor.u32 $0xD0000000, s2;
	s6 =	simm.s32 $0x108;
	_ =	swait.ge @!p0 [sflag:s8], $0x0  }
0x24: {  	s3 =	sadd.s32 $0x88, s3;
	s6 =	simm.s32 @!p1 $0x1082;
	[sflag:s4] =	ssyncset.s32 $0xFFFFF086  }
0x25: {  	[simem:s6], [sflag:s4] =	dma.local [hbm:s3], $0xF7A  }
0x26: {  	[smem:$0x3F92] =	sst s1;
	(tag) =	ssettag s2;
	_ =	strace s9  }
0x27: {  	s1 =	sld [smem:$0x3FA2]  }
0x28: {  	s2 =	sld [smem:$0x3FA3]  }
0x29: {  	s4 =	sld [smem:$0x3FA5]  }
0x2a: {  	p0 =	seq.s32 s5, $0x0;
	s5 =	sld [smem:$0x3FA6]  }
0x2b: {  	s6 =	sld [smem:$0x3FA7]  }
0x2c: {  	s7 =	sld [smem:$0x3FA8]  }
0x2d: {  	s3 =	simm.s32 $0x108;
	s8 =	sld [smem:$0x3FA9]  }
0x2e: {  	s3 =	simm.s32 @!p0 $0x1082;
	s9 =	sld [smem:$0x3FAA]  }
0x2f: {  	lr =	sadd.s32 s0, s3;
	s0 =	sld [smem:$0x3FA1]  }
0x30: {  	s3 =	sld [smem:$0x3FA4]  }
0x31: {  	[smem:$0x3FAD] =	sst s10  }
0x32: {  	s10 =	sld [smem:$0x3FAB];
	_ =	sdelay $0x3  }
0x33: {  	p0 =	seq.s32 s10, $0x1;
	s10 =	sld [smem:$0x3FAD];
	_ =	sdelay $0x3  }
0x34: {  	[smem:$0x3FAD] =	sst s10  }
0x35: {  	s10 =	sld [smem:$0x3FAC];
	_ =	sdelay $0x3  }
0x36: {  	p1 =	seq.s32 s10, $0x1;
	s10 =	sld [smem:$0x3FAD];
	_ =	sdelay $0x3  }
0x37: {  	[smem:$0x3FAD] =	sst s10  }
0x38: {  	s10 =	sld [smem:$0x3FAE]  }
0x39: {  	_ = 	snop;
	(pc) =	sbr.ind lr, $3  }
0x3a: {  	_ = 	snop  }
0x3b: {  	_ = 	snop  }
0x3c: {  	p2 =	seq.s32 s10, $0x1;
	s10 =	sld [smem:$0x3FAD]  }
0x3d: {  	_ =	shalt  }
0x3e: {  	_ =	shalt  }
0x3f: {  	_ =	shalt  }
0x40: {  	_ =	shalt  }
0x41: {  	_ =	shalt  }
0x42: {  	_ =	shalt  }
0x43: {  	_ =	shalt  }
0x44: {  	_ =	shalt  }
0x45: {  	_ =	shalt  }
0x46: {  	_ =	shalt  }
0x47: {  	_ =	shalt  }
0x48: {  	_ =	shalt  }
0x49: {  	_ =	shalt  }
0x4a: {  	_ =	shalt  }
0x4b: {  	_ =	shalt  }
0x4c: {  	_ =	shalt  }
0x4d: {  	_ =	shalt  }
0x4e: {  	_ =	shalt  }
0x4f: {  	_ =	shalt  }
0x50: {  	_ =	shalt  }
0x51: {  	_ =	shalt  }
0x52: {  	_ =	shalt  }
0x53: {  	_ =	shalt  }
0x54: {  	_ =	shalt  }
0x55: {  	_ =	shalt  }
0x56: {  	_ =	shalt  }
0x57: {  	_ =	shalt  }
0x58: {  	_ =	shalt  }
0x59: {  	_ =	shalt  }
0x5a: {  	_ =	shalt  }
0x5b: {  	_ =	shalt  }
0x5c: {  	_ =	shalt  }
0x5d: {  	_ =	shalt  }
0x5e: {  	_ =	shalt  }
0x5f: {  	_ =	shalt  }
0x60: {  	_ =	shalt  }
0x61: {  	_ =	shalt  }
0x62: {  	_ =	shalt  }
0x63: {  	_ =	shalt  }
0x64: {  	_ =	shalt  }
0x65: {  	_ =	shalt  }
0x66: {  	_ =	shalt  }
0x67: {  	_ =	shalt  }
0x68: {  	_ =	shalt  }
0x69: {  	_ =	shalt  }
0x6a: {  	_ =	shalt  }
0x6b: {  	_ =	shalt  }
0x6c: {  	_ =	shalt  }
0x6d: {  	_ =	shalt  }
0x6e: {  	_ =	shalt  }
0x6f: {  	_ =	shalt  }
0x70: {  	_ =	shalt  }
0x71: {  	_ =	shalt  }
0x72: {  	_ =	shalt  }
0x73: {  	_ =	shalt  }
0x74: {  	_ =	shalt  }
0x75: {  	_ =	shalt  }
0x76: {  	_ =	shalt  }
0x77: {  	_ =	shalt  }
0x78: {  	_ =	shalt  }
0x79: {  	_ =	shalt  }
0x7a: {  	_ =	shalt  }
0x7b: {  	_ =	shalt  }
0x7c: {  	_ =	shalt  }
0x7d: {  	_ =	shalt  }
0x7e: {  	_ =	shalt  }
0x7f: {  	_ =	shalt  }
0x80: {  	_ =	shalt  }
0x81: {  	_ =	shalt  }
0x82: {  	_ =	shalt  }
0x83: {  	_ =	shalt  }
0x84: {  	_ =	shalt  }
0x85: {  	_ =	shalt  }
0x86: {  	_ =	shalt  }
0x87: {  	_ =	shalt  }
.Lfunc_end0:
.L_simem_size_0:
called_computation.1_lowered:
.L_overlay_start_0:
0x88: {  	s2 =	sld [smem:$0x3FD9]  }
0x89: {  	s3 =	sld [smem:$0x3FFE];
	_ =	sdelay $0x1  }
0x8a: {  	s1 =	srdreg.scid  }
0x8b: {  	s0 =	sand.u32 $0x1, s1  }
0x8c: {  	s16 =	sshll.u32 s0, $0xA;
	s2 =	sadd.s32 s3, s2  }
0x8d: {  	s2 =	sadd.s32 s2, s16  }
0x8e: {  	[smem:$0x3FB9] =	sst s2  }
0x8f: {  	_ = 	snop  }
0x90: {  	(tm) =	ssettm $0x1  }
0x91: {  	s17 =	sld [smem:$0x3FFB];
	_ =	sdelay $0x3  }
0x92: {  	_ =	strace s17  }
0x93: {  	s2 =	sld [smem:$0x3FFC];
	_ =	sdelay $0x3  }
0x94: {  	_ =	strace s2  }
0x95: {  	s2 =	sld [smem:$0x3FFD];
	_ =	sdelay $0x3  }
0x96: {  	_ =	strace s2  }
0x97: {  	_ =	strace $0x8FFFFFFF  }
0x98: {  	s18 =	sld [smem:$0x3FDB];
	_ =	sdelay $0x1  }
0x99: {  	s19 =	simm.s32 $_scs_section_size  }
0x9a: {  	s4 =	simm.s32 $_size__tile_overlayer_lowered;
	s5 =	simm.s32 $_tile_overlayer_lowered  }
0x9b: {  	s22 =	simm.s32 $0x1BFF;
	s21 =	sshll.u32 s5, $0x1;
	s2 =	sadd.s32 s19, s18  }
0x9c: {  	s6 =	simm.s32 $0x0;
	s20 =	sshll.u32 s4, $0x1;
	s4 =	sadd.s32 s21, s2  }
0x9d: {  	[timem:s6], [sflag:s22] =	dma.local [hbm:s4], s20  }
0x9e: {  	_ =	swait.ge [sflag:s22], s20  }
0x9f: {  	s3 =	ssub.s32 $0x0, s20;
	[sflag:s22] =	ssyncset.done $0x0  }
0xa0: {  	[sflag:s22] =	ssyncadd.s32 s3;
	_ =	sdelay $0x1  }
0xa1: {  	s23 =	simm.s32 $0x1B8B  }
0xa2: {  	_ =	swait.ge [sflag:s23], $0x1  }
0xa3: {  	[sflag:s23] =	ssyncset.done $0x0  }
0xa4: {  	s25 =	simm.s32 $0x1B8E;
	s24 =	sld [smem:$0x3FFE];
	[sflag:s23] =	ssyncadd.s32 $0xFFFFFFFF  }
0xa5: {  	s26 =	simm.s32 $execute0_lowered;
	[smem:$0x3FD2] =	sst s25  }
0xa6: {  	s4 =	sshll.u32 s26, $0x1;
	_ =	strace $0x80000049;
	[dreg:$0x1] =	wrdreg $0xFFFFFFFF  }
0xa7: {  	s28 =	simm.s32 $_size_execute0_lowered;
	s2 =	sadd.s32 s2, s4;
	[dreg:$0x0] =	wrdreg $0x0  }
0xa8: {  	s4 =	sshll.u32 s28, $0x1;
	[dreg:$0x2] =	wrdreg s2  }
0xa9: {  	[dreg:$0x3] =	wrdreg s4  }
0xaa: {  	[dreg:$0x4] =	wrdreg $0xC0  }
0xab: {  	_ =	task [dreg:s6], $0x5FFFF  }
0xac: {  	[dreg:$0x1] =	wrdreg $0xFFFFFFFF  }
0xad: {  	[dreg:$0x0] =	wrdreg $0x60  }
0xae: {  	[dreg:$0x2] =	wrdreg s24  }
0xaf: {  	[dreg:$0x3] =	wrdreg $0x0  }
0xb0: {  	[dreg:$0x4] =	wrdreg $0x138800  }
0xb1: {  	[dreg:$0x5] =	wrdreg $0x9  }
0xb2: {  	_ =	task.clear_ibuf [dreg:s6], $0x6FFFF;
	_ =	strace $0x90000049  }
0xb3: {  	s29 =	simm.s32 $0x9;
	_ =	strace $0x8000004B  }
0xb4: {  	_ =	swait.ge [sflag:s29], $0x1  }
0xb5: {  	[sflag:s29] =	ssyncadd.s32 $0xFFFFFFFF  }
0xb6: {  	_ =	strace $0x9000004B  }
0xb7: {  	_ =	sfence  }
0xb8: {  	s30 =	sld [smem:$0x0];
	_ =	sdelay $0x2  }
0xb9: {  	s31 =	sshll.u32 s1, $0xD;
	s1 =	sshrl.u32 s1, $0x2  }
0xba: {  	s3 =	sand.u32 $0x4000, s31;
	s1 =	sadd.s32 s1, s30  }
0xbb: {  	s0 =	sor.u32 s3, s0;
	s1 =	sshll.u32 s1, $0x11  }
0xbc: {  	s0 =	sor.u32 s1, s0  }
0xbd: {  	s0 =	sadd.s32 $0x8F2B, s0  }
0xbe: {  	[sflag:s0] =	ssyncadd.remote.s32 $0x1  }
0xbf: {  	_ =	sfence.sel $0xFFFF  }
0xc0: {  	[dreg:$0x0] =	wrdreg $0xFFFFFFFF;
	(pc) =	sbr.abs _section_cstart, $3  }
0xc1: {  	[dreg:$0x1] =	wrdreg $0xFFFFFFFF  }
0xc2: {  	_ =	task.clear_ibuf [dreg:s6], $0x2FFFF;
	_ =	strace $0x9FFFFFFF  }
0xc3: {  	(tm) =	ssettm $0x7FFFFFFF  }
tec
execute0_lowered:
.L_overlay_start_1:
0x0: {  	(tag) =	ssettag $0x1  }
0x1: {  	s0 =	rddreg [dreg:$0x0]  }
0x2: {  	s1 =	rddreg [dreg:$0x1]  }
0x3: {  	s2 =	rddreg [dreg:$0x2];
	s4 =	simm.s32 $0x0  }
0x4: {  	s3 =	stileid.u32;
	s10 =	srdreg.scid;
	s28 =	simm.s32 $0x1A378  }
0x5: {  	s29 =	simm.s32 $0x15BF8;
	s30 =	simm.s32 $0x1CBF8;
	s31 =	simm.s32 $0x1  }
0x6: {  	[smem:$0x7FF] =	sst s4;
	s6 =	smul.u32 $0x13800, s3;
	s4 =	sadd.s32 $0x24400, s0  }
0x7: {  	s7 =	sadd.s32 $0x4400, s0;
	s8 =	sadd.s32 $0x14400, s0;
	s5 =	sadd.s32 $0x7AE00, s0  }
0x8: {  	s10 =	sand.u32 $0x1, s10;
	s11 =	sadd.s32 $0x7A800, s0;
	s12 =	smul.u32 $0x4E000, s3  }
0x9: {  	s13 =	sadd.s32 $0x7B400, s0;
	s16 =	sshll.u32 s3, $0x6;
	s18 =	sshll.u32 s3, $0xB  }
0xa: {  	p0 =	sne.s32 s3, $0x0;
	s3 =	simm.s32 $0x5;
	_ =	strace $0x8000004A  }
0xb: {  	[dreg:$0x4] =	wrdreg s11;
	s26 =	ssub.s32 $0x2, s10;
	s14 =	sshll.u32 s10, $0x4  }
0xc: {  	s17 =	sshll.u32 s10, $0xF;
	s10 =	smul.u32 $0x138800, s10;
	s9 =	sshrl.u32 s6, $0x3  }
0xd: {  	s15 =	sshrl.u32 s26, $0x1;
	s14 =	sadd.s32 s14, s0;
	s12 =	sshrl.u32 s12, $0x2  }
0xe: {  	s9 =	sadd.s32 s9, s0;
	s11 =	ssub.s32 s26, s15;
	s12 =	sadd.s32 s12, s1  }
0xf: {  	s0 =	sadd.s32 $0x7A600, s0;
	s6 =	sadd.s32 s6, s10;
	s10 =	sshrl.u32 s10, $0x3  }
0x10: {  	s25 =	sadd.s32 $0xC9600, s14;
	[dreg:$0x5] =	wrdreg s12;
	s9 =	sadd.s32 $0x53600, s9  }
0x11: {  	s12 =	sor.u32 s18, s17;
	[dreg:$0x8] =	wrdreg s0;
	s6 =	sshrl.u32 s6, $0x3  }
0x12: {  	s22 =	sadd.s32 s13, s10;
	[dreg:$0xf] =	wrdreg s25;
	s26 =	smax.u32 s11, $0x1  }
0x13: {  	s25 =	simm.s32 $0x1CB78;
	s10 =	simm.s32 $0x6;
	s11 =	simm.s32 $0x8  }
0x14: {  	[dreg:$0x6] =	wrdreg s9;
	s9 =	sor.u32 $0x1C09, s16;
	s16 =	sadd.s32 $0x138000, s1  }
0x15: {  	s19 =	sadd.s32 s7, s12;
	s20 =	sadd.s32 s8, s12;
	[dreg:$0x10] =	wrdreg s26  }
0x16: {  	s21 =	sor.u32 $0x400, s12;
	s23 =	sadd.s32 s13, s6;
	[dreg:$0x7] =	wrdreg s16  }
0x17: {  	s24 =	sadd.s32 $0x27000, s22;
	s22 =	simm.s32 $0x15B78;
	[dreg:$0x9] =	wrdreg s19  }
0x18: {  	s26 =	simm.s32 $0x13BF8;
	s6 =	simm.s32 $0x7;
	[dreg:$0xa] =	wrdreg s20  }
0x19: {  	s12 =	simm.s32 $0x0;
	s7 =	sadd.s32 s7, s21;
	[dreg:$0xd] =	wrdreg s23  }
0x1a: {  	s0 =	sadd.s32 s8, s21;
	[dreg:$0xe] =	wrdreg s24;
	s20 =	simm.s32 $0x9  }
0x1b: {  	s21 =	simm.s32 $0x13B78;
	s23 =	simm.s32 $0x50;
	s24 =	simm.s32 $0x17B78  }
0x1c: {  	s8 =	simm.s32 $0x4;
	s19 =	simm.s32 $0x15AF8;
	[dreg:$0xb] =	wrdreg s7  }
0x1d: {  	[dreg:$0xc] =	wrdreg s0;
	s0 =	simm.s32 $0x3;
	s7 =	simm.s32 $0x2  }
.LBB2_1:
0x1e: {  	s13 =	rddreg [dreg:$0x5]  }
0x1f: {  	s17 =	rddreg [dreg:$0x6];
	s14 =	sshrl.u32 s13, $0x3  }
0x20: {  	[spmem:s14], [sflag:s9] =	dma.local [hbm:s17], $0x2700  }
0x21: {  	_ =	swait.ge [sflag:s20], $0x2700  }
0x22: {  	s16 =	simm.s32 @!p0 $0x9;
	[sflag:s20] =	ssyncset.done $0x0;
	s13 =	rddreg [dreg:$0x7]  }
0x23: {  	[sflag:s20] =	ssyncadd.s32 $0xFFFFD900;
	s15 =	sshrl.u32 @!p0 s13, $0x3;
	s13 =	rddreg [dreg:$0x8]  }
0x24: {  	[spmem:s15], [sflag:s9] =	dma.local @!p0 [hbm:s13], $0x100  }
0x25: {  	_ =	swait.ge @!p0 [sflag:s16], $0x100  }
0x26: {  	[sflag:s16] =	ssyncset.done @!p0 $0x0  }
0x27: {  	s13 =	sshrl.u32 @!p0 s2, $0x3;
	s17 =	rddreg [dreg:$0x4];
	[sflag:s16] =	ssyncadd.s32 @!p0 $0xFFFFFF00  }
0x28: {  	[spmem:s13], [sflag:s9] =	dma.local @!p0 [hbm:s17], $0x5F0  }
0x29: {  	_ =	swait.ge @!p0 [sflag:s16], $0x5F0  }
0x2a: {  	[sflag:s16] =	ssyncset.done @!p0 $0x0  }
0x2b: {  	[sflag:s16] =	ssyncadd.s32 @!p0 $0xFFFFFA10  }
0x2c: {  	[bflag:$0x0] =	sbarrier.arrive $0xFFFF  }
0x2d: {  	s16 =	simm.s32 $0x0;
	s18 =	rddreg [dreg:$0x9]  }
0x2e: {  	[tilespmem:s21], [sflag:$0x9] =	stream.linear.gather [hbm4b:s18+s16], $0x2000, $0x38;
	[tilespmem:$0x1CC78] =	vst v63  }
0x2f: {  	_ =	swait.ge [sflag:s20], $0x2000  }
0x30: {  	[sflag:s20] =	ssyncset.done $0x0  }
0x31: {  	s18 =	rddreg [dreg:$0xa];
	[sflag:s20] =	ssyncadd.s32 $0xFFFFE000  }
0x32: {  	[tilespmem:s22], [sflag:$0x9] =	stream.linear.gather [hbm4b:s18+s16], $0x2000, $0x38;
	[tilespmem:$0x1CC78] =	vst v63  }
0x33: {  	_ =	swait.ge [sflag:s20], $0x2000  }
0x34: {  	[sflag:s20] =	ssyncset.done $0x0  }
0x35: {  	[sflag:s20] =	ssyncadd.s32 $0xFFFFE000  }
0x36: {  	[tilespmem:s24], [sflag:$0x1] =	stream.indirect.gather [hbm4b:s4+s23], $0x80, s21, s23, $0xb8;
	[tilespmem:$0x1CC78] =	vst v63  }
0x37: {  	_ = 	snop  }
0x38: {  	[tilespmem:s25], [sflag:$0x3] =	stream.indirect.gather [hbm4b:s5+s23], $0x1, s22, s23, $0xb8;
	[tilespmem:$0x1CC78] =	vst v63  }
0x39: {  	_ = 	snop  }
0x3a: {  	[tilespmem:s28], [sflag:$0x2] =	stream.indirect.gather [hbm4b:s4+s23], $0x80, s26, s23, $0xb8;
	[tilespmem:$0x1CC78] =	vst v63  }
0x3b: {  	_ = 	snop  }
0x3c: {  	[tilespmem:s30], [sflag:$0x4] =	stream.indirect.gather [hbm4b:s5+s23], $0x1, s29, s23, $0xb8;
	[tilespmem:$0x1CC78] =	vst v63  }
0x3d: {  	_ =	swait.ge [sflag:s31], $0x2800  }
0x3e: {  	[sflag:s31] =	ssyncset.done $0x0  }
0x3f: {  	[sflag:s31] =	ssyncadd.s32 $0xFFFFD800  }
0x40: {  	_ =	swait.ge [sflag:s0], $0x50  }
0x41: {  	[sflag:s0] =	ssyncset.done $0x0  }
0x42: {  	[sflag:s0] =	ssyncadd.s32 $0xFFFFFFB0  }
0x43: {  	[spmem:s1] =	stream.indirect.scatter.add.f32 [tilespmem:s24], [sflag:$0x5], $0x80, s22, s23, $0xb8;
	[tilespmem:$0x1CC78] =	vst v63  }
0x44: {  	_ = 	snop  }
0x45: {  	[spmem:s2] =	stream.indirect.scatter.add.f32 [tilespmem:s25], [sflag:$0x7], $0x1, s21, s23, $0xb8;
	[tilespmem:$0x1CC78] =	vst v63  }
0x46: {  	_ =	swait.ge [sflag:s3], $0x2800  }
0x47: {  	[sflag:s3] =	ssyncset.done $0x0  }
0x48: {  	[sflag:s3] =	ssyncadd.s32 $0xFFFFD800  }
0x49: {  	_ =	swait.ge [sflag:s6], $0x50  }
0x4a: {  	[sflag:s6] =	ssyncset.done $0x0  }
0x4b: {  	[sflag:s6] =	ssyncadd.s32 $0xFFFFFFB0  }
0x4c: {  	_ =	swait.ge [sflag:s7], $0x2800  }
0x4d: {  	[sflag:s7] =	ssyncset.done $0x0  }
0x4e: {  	[sflag:s7] =	ssyncadd.s32 $0xFFFFD800  }
0x4f: {  	_ =	swait.ge [sflag:s8], $0x50  }
0x50: {  	[sflag:s8] =	ssyncset.done $0x0  }
0x51: {  	[sflag:s8] =	ssyncadd.s32 $0xFFFFFFB0  }
0x52: {  	[spmem:s1] =	stream.indirect.scatter.add.f32 [tilespmem:s28], [sflag:$0x6], $0x80, s29, s23, $0xb8;
	[tilespmem:$0x1CC78] =	vst v63  }
0x53: {  	_ = 	snop  }
0x54: {  	[spmem:s2] =	stream.indirect.scatter.add.f32 [tilespmem:s30], [sflag:$0x8], $0x1, s26, s23, $0xb8;
	[tilespmem:$0x1CC78] =	vst v63  }
0x55: {  	_ =	swait.ge [sflag:s10], $0x2800  }
0x56: {  	[sflag:s10] =	ssyncset.done $0x0  }
0x57: {  	[sflag:s10] =	ssyncadd.s32 $0xFFFFD800  }
0x58: {  	_ =	swait.ge [sflag:s11], $0x50  }
0x59: {  	[sflag:s11] =	ssyncset.done $0x0  }
0x5a: {  	s18 =	simm.s32 $0x13C78;
	[sflag:s11] =	ssyncadd.s32 $0xFFFFFFB0  }
0x5b: {  	[tilespmem:s24], [sflag:$0x1] =	stream.indirect.gather [hbm4b:s4+s23], $0x80, s18, s23, $0xb8;
	[tilespmem:$0x1CC78] =	vst v63  }
0x5c: {  	s17 =	simm.s32 $0x15C78  }
0x5d: {  	[tilespmem:s25], [sflag:$0x3] =	stream.indirect.gather [hbm4b:s5+s23], $0x1, s17, s23, $0xb8;
	[tilespmem:$0x1CC78] =	vst v63  }
0x5e: {  	s18 =	simm.s32 $0x13CF8  }
0x5f: {  	[tilespmem:s28], [sflag:$0x2] =	stream.indirect.gather [hbm4b:s4+s23], $0x80, s18, s23, $0xb8;
	[tilespmem:$0x1CC78] =	vst v63  }
0x60: {  	s17 =	simm.s32 $0x15CF8  }
0x61: {  	[tilespmem:s30], [sflag:$0x4] =	stream.indirect.gather [hbm4b:s5+s23], $0x1, s17, s23, $0xb8;
	[tilespmem:$0x1CC78] =	vst v63  }
0x62: {  	_ =	swait.ge [sflag:s31], $0x2800  }
0x63: {  	[sflag:s31] =	ssyncset.done $0x0  }
0x64: {  	[sflag:s31] =	ssyncadd.s32 $0xFFFFD800  }
0x65: {  	_ =	swait.ge [sflag:s0], $0x50  }
0x66: {  	[sflag:s0] =	ssyncset.done $0x0  }
0x67: {  	s18 =	simm.s32 $0x15C78;
	[sflag:s0] =	ssyncadd.s32 $0xFFFFFFB0  }
0x68: {  	[spmem:s1] =	stream.indirect.scatter.add.f32 [tilespmem:s24], [sflag:$0x5], $0x80, s18, s23, $0xb8;
	[tilespmem:$0x1CC78] =	vst v63  }
0x69: {  	s17 =	simm.s32 $0x13C78  }
0x6a: {  	[spmem:s2] =	stream.indirect.scatter.add.f32 [tilespmem:s25], [sflag:$0x7], $0x1, s17, s23, $0xb8;
	[tilespmem:$0x1CC78] =	vst v63  }
0x6b: {  	_ =	swait.ge [sflag:s3], $0x2800  }
0x6c: {  	[sflag:s3] =	ssyncset.done $0x0  }
0x6d: {  	[sflag:s3] =	ssyncadd.s32 $0xFFFFD800  }
0x6e: {  	_ =	swait.ge [sflag:s6], $0x50  }
0x6f: {  	[sflag:s6] =	ssyncset.done $0x0  }
0x70: {  	[sflag:s6] =	ssyncadd.s32 $0xFFFFFFB0  }
0x71: {  	_ =	swait.ge [sflag:s7], $0x2800  }
0x72: {  	[sflag:s7] =	ssyncset.done $0x0  }
0x73: {  	[sflag:s7] =	ssyncadd.s32 $0xFFFFD800  }
0x74: {  	_ =	swait.ge [sflag:s8], $0x50  }
0x75: {  	[sflag:s8] =	ssyncset.done $0x0  }
0x76: {  	s18 =	simm.s32 $0x15CF8;
	[sflag:s8] =	ssyncadd.s32 $0xFFFFFFB0  }
0x77: {  	[spmem:s1] =	stream.indirect.scatter.add.f32 [tilespmem:s28], [sflag:$0x6], $0x80, s18, s23, $0xb8;
	[tilespmem:$0x1CC78] =	vst v63  }
0x78: {  	s17 =	simm.s32 $0x13CF8  }
0x79: {  	[spmem:s2] =	stream.indirect.scatter.add.f32 [tilespmem:s30], [sflag:$0x8], $0x1, s17, s23, $0xb8;
	[tilespmem:$0x1CC78] =	vst v63  }
0x7a: {  	_ =	swait.ge [sflag:s10], $0x2800  }
0x7b: {  	[sflag:s10] =	ssyncset.done $0x0  }
0x7c: {  	[sflag:s10] =	ssyncadd.s32 $0xFFFFD800  }
0x7d: {  	_ =	swait.ge [sflag:s11], $0x50  }
0x7e: {  	[sflag:s11] =	ssyncset.done $0x0  }
0x7f: {  	s18 =	simm.s32 $0x13D78;
	[sflag:s11] =	ssyncadd.s32 $0xFFFFFFB0  }
0x80: {  	[tilespmem:s24], [sflag:$0x1] =	stream.indirect.gather [hbm4b:s4+s23], $0x80, s18, s23, $0xb8;
	[tilespmem:$0x1CC78] =	vst v63  }
0x81: {  	s17 =	simm.s32 $0x15D78  }
0x82: {  	[tilespmem:s25], [sflag:$0x3] =	stream.indirect.gather [hbm4b:s5+s23], $0x1, s17, s23, $0xb8;
	[tilespmem:$0x1CC78] =	vst v63  }
0x83: {  	s16 =	simm.s32 $0x400;
	s18 =	simm.s32 $0x13DF8;
	s17 =	simm.s32 $0x15DF8  }
0x84: {  	[tilespmem:s28], [sflag:$0x2] =	stream.indirect.gather [hbm4b:s4+s23], $0x80, s18, s23, $0xb8;
	[tilespmem:$0x1CC78] =	vst v63  }
.LBB2_2:
0x85: {  	[tilespmem:s30], [sflag:$0x4] =	stream.indirect.gather [hbm4b:s5+s23], $0x1, s17, s23, $0xb8;
	[tilespmem:$0x1CC78] =	vst v63  }
0x86: {  	s17 =	smov.u32 s16  }
0x87: {  	p1 =	sne.s32 s16, $0x7400;
	s16 =	sadd.s32 $0x400, s16;
	_ =	swait.ge [sflag:s31], $0x2800  }
0x88: {  	[sflag:s31] =	ssyncset.done $0x0  }
0x89: {  	[sflag:s31] =	ssyncadd.s32 $0xFFFFD800  }
0x8a: {  	_ =	swait.ge [sflag:s0], $0x50  }
0x8b: {  	s17 =	sshra.s32 s17, $0x2;
	[sflag:s0] =	ssyncset.done $0x0  }
0x8c: {  	s18 =	sadd.s32 $0x15C78, s17;
	[sflag:s0] =	ssyncadd.s32 $0xFFFFFFB0  }
0x8d: {  	[spmem:s1] =	stream.indirect.scatter.add.f32 [tilespmem:s24], [sflag:$0x5], $0x80, s18, s23, $0xb8;
	[tilespmem:$0x1CC78] =	vst v63  }
0x8e: {  	s18 =	sadd.s32 $0x13C78, s17  }
0x8f: {  	[spmem:s2] =	stream.indirect.scatter.add.f32 [tilespmem:s25], [sflag:$0x7], $0x1, s18, s23, $0xb8;
	[tilespmem:$0x1CC78] =	vst v63  }
0x90: {  	_ =	swait.ge [sflag:s3], $0x2800  }
0x91: {  	[sflag:s3] =	ssyncset.done $0x0  }
0x92: {  	[sflag:s3] =	ssyncadd.s32 $0xFFFFD800  }
0x93: {  	_ =	swait.ge [sflag:s6], $0x50  }
0x94: {  	[sflag:s6] =	ssyncset.done $0x0  }
0x95: {  	[sflag:s6] =	ssyncadd.s32 $0xFFFFFFB0  }
0x96: {  	_ =	swait.ge [sflag:s7], $0x2800  }
0x97: {  	[sflag:s7] =	ssyncset.done $0x0  }
0x98: {  	[sflag:s7] =	ssyncadd.s32 $0xFFFFD800  }
0x99: {  	_ =	swait.ge [sflag:s8], $0x50  }
0x9a: {  	[sflag:s8] =	ssyncset.done $0x0  }
0x9b: {  	s18 =	sadd.s32 $0x15CF8, s17;
	[sflag:s8] =	ssyncadd.s32 $0xFFFFFFB0  }
0x9c: {  	[spmem:s1] =	stream.indirect.scatter.add.f32 [tilespmem:s28], [sflag:$0x6], $0x80, s18, s23, $0xb8;
	[tilespmem:$0x1CC78] =	vst v63  }
0x9d: {  	s18 =	sadd.s32 $0x13CF8, s17  }
0x9e: {  	[spmem:s2] =	stream.indirect.scatter.add.f32 [tilespmem:s30], [sflag:$0x8], $0x1, s18, s23, $0xb8;
	[tilespmem:$0x1CC78] =	vst v63  }
0x9f: {  	_ =	swait.ge [sflag:s10], $0x2800  }
0xa0: {  	[sflag:s10] =	ssyncset.done $0x0  }
0xa1: {  	[sflag:s10] =	ssyncadd.s32 $0xFFFFD800  }
0xa2: {  	_ =	swait.ge [sflag:s11], $0x50  }
0xa3: {  	[sflag:s11] =	ssyncset.done $0x0  }
0xa4: {  	s18 =	sadd.s32 $0x13D78, s17;
	[sflag:s11] =	ssyncadd.s32 $0xFFFFFFB0  }
0xa5: {  	[tilespmem:s24], [sflag:$0x1] =	stream.indirect.gather [hbm4b:s4+s23], $0x80, s18, s23, $0xb8;
	[tilespmem:$0x1CC78] =	vst v63  }
.Ltmp0:
0xa6: {  	s18 =	sadd.s32 $0x15D78, s17;
	(pc) =	sbr.rel @p1 .LBB2_2-.Ltmp0, $4  }
0xa7: {  	[tilespmem:s25], [sflag:$0x3] =	stream.indirect.gather [hbm4b:s5+s23], $0x1, s18, s23, $0xb8;
	[tilespmem:$0x1CC78] =	vst v63  }
0xa8: {  	s18 =	sadd.s32 $0x13DF8, s17  }
0xa9: {  	[tilespmem:s28], [sflag:$0x2] =	stream.indirect.gather [hbm4b:s4+s23], $0x80, s18, s23, $0xb8;
	[tilespmem:$0x1CC78] =	vst v63  }
0xaa: {  	s17 =	sadd.s32 $0x15DF8, s17  }
0xab: {  	[tilespmem:s30], [sflag:$0x4] =	stream.indirect.gather [hbm4b:s5+s23], $0x1, s17, s23, $0xb8;
	[tilespmem:$0x1CC78] =	vst v63  }
0xac: {  	_ =	swait.ge [sflag:s31], $0x2800  }
0xad: {  	[sflag:s31] =	ssyncset.done $0x0  }
0xae: {  	[sflag:s31] =	ssyncadd.s32 $0xFFFFD800  }
0xaf: {  	_ =	swait.ge [sflag:s0], $0x50  }
0xb0: {  	[sflag:s0] =	ssyncset.done $0x0  }
0xb1: {  	s16 =	simm.s32 $0x17A78;
	[sflag:s0] =	ssyncadd.s32 $0xFFFFFFB0  }
0xb2: {  	[spmem:s1] =	stream.indirect.scatter.add.f32 [tilespmem:s24], [sflag:$0x5], $0x80, s16, s23, $0xb8;
	[tilespmem:$0x1CC78] =	vst v63  }
0xb3: {  	s18 =	simm.s32 $0x15A78  }
0xb4: {  	[spmem:s2] =	stream.indirect.scatter.add.f32 [tilespmem:s25], [sflag:$0x7], $0x1, s18, s23, $0xb8;
	[tilespmem:$0x1CC78] =	vst v63  }
0xb5: {  	_ =	swait.ge [sflag:s3], $0x2800  }
0xb6: {  	[sflag:s3] =	ssyncset.done $0x0  }
0xb7: {  	[sflag:s3] =	ssyncadd.s32 $0xFFFFD800  }
0xb8: {  	_ =	swait.ge [sflag:s6], $0x50  }
0xb9: {  	[sflag:s6] =	ssyncset.done $0x0  }
0xba: {  	[sflag:s6] =	ssyncadd.s32 $0xFFFFFFB0  }
0xbb: {  	_ =	swait.ge [sflag:s7], $0x2800  }
0xbc: {  	[sflag:s7] =	ssyncset.done $0x0  }
0xbd: {  	[sflag:s7] =	ssyncadd.s32 $0xFFFFD800  }
0xbe: {  	_ =	swait.ge [sflag:s8], $0x50  }
0xbf: {  	[sflag:s8] =	ssyncset.done $0x0  }
0xc0: {  	s17 =	simm.s32 $0x17AF8;
	[sflag:s8] =	ssyncadd.s32 $0xFFFFFFB0  }
0xc1: {  	[spmem:s1] =	stream.indirect.scatter.add.f32 [tilespmem:s28], [sflag:$0x6], $0x80, s17, s23, $0xb8;
	[tilespmem:$0x1CC78] =	vst v63  }
0xc2: {  	_ = 	snop  }
0xc3: {  	[spmem:s2] =	stream.indirect.scatter.add.f32 [tilespmem:s30], [sflag:$0x8], $0x1, s19, s23, $0xb8;
	[tilespmem:$0x1CC78] =	vst v63  }
0xc4: {  	_ =	swait.ge [sflag:s10], $0x2800  }
0xc5: {  	[sflag:s10] =	ssyncset.done $0x0  }
0xc6: {  	[sflag:s10] =	ssyncadd.s32 $0xFFFFD800  }
0xc7: {  	_ =	swait.ge [sflag:s11], $0x50  }
0xc8: {  	[sflag:s11] =	ssyncset.done $0x0  }
0xc9: {  	s16 =	simm.s32 $0x0;
	s18 =	rddreg [dreg:$0xb];
	[sflag:s11] =	ssyncadd.s32 $0xFFFFFFB0  }
0xca: {  	[tilespmem:s21], [sflag:$0x9] =	stream.linear.gather [hbm4b:s18+s16], $0x2000, $0x38;
	[tilespmem:$0x1CC78] =	vst v63  }
0xcb: {  	_ =	swait.ge [sflag:s20], $0x2000  }
0xcc: {  	[sflag:s20] =	ssyncset.done $0x0  }
0xcd: {  	s18 =	rddreg [dreg:$0xc];
	[sflag:s20] =	ssyncadd.s32 $0xFFFFE000  }
0xce: {  	[tilespmem:s22], [sflag:$0x9] =	stream.linear.gather [hbm4b:s18+s16], $0x2000, $0x38;
	[tilespmem:$0x1CC78] =	vst v63  }
0xcf: {  	_ =	swait.ge [sflag:s20], $0x2000  }
0xd0: {  	[sflag:s20] =	ssyncset.done $0x0  }
0xd1: {  	[sflag:s20] =	ssyncadd.s32 $0xFFFFE000  }
0xd2: {  	[tilespmem:s24], [sflag:$0x1] =	stream.indirect.gather [hbm4b:s4+s23], $0x80, s21, s23, $0xb8;
	[tilespmem:$0x1CC78] =	vst v63  }
0xd3: {  	_ = 	snop  }
0xd4: {  	[tilespmem:s25], [sflag:$0x3] =	stream.indirect.gather [hbm4b:s5+s23], $0x1, s22, s23, $0xb8;
	[tilespmem:$0x1CC78] =	vst v63  }
0xd5: {  	_ = 	snop  }
0xd6: {  	[tilespmem:s28], [sflag:$0x2] =	stream.indirect.gather [hbm4b:s4+s23], $0x80, s26, s23, $0xb8;
	[tilespmem:$0x1CC78] =	vst v63  }
0xd7: {  	_ = 	snop  }
0xd8: {  	[tilespmem:s30], [sflag:$0x4] =	stream.indirect.gather [hbm4b:s5+s23], $0x1, s29, s23, $0xb8;
	[tilespmem:$0x1CC78] =	vst v63  }
0xd9: {  	_ =	swait.ge [sflag:s31], $0x2800  }
0xda: {  	[sflag:s31] =	ssyncset.done $0x0  }
0xdb: {  	[sflag:s31] =	ssyncadd.s32 $0xFFFFD800  }
0xdc: {  	_ =	swait.ge [sflag:s0], $0x50  }
0xdd: {  	[sflag:s0] =	ssyncset.done $0x0  }
0xde: {  	[sflag:s0] =	ssyncadd.s32 $0xFFFFFFB0  }
0xdf: {  	[spmem:s1] =	stream.indirect.scatter.add.f32 [tilespmem:s24], [sflag:$0x5], $0x80, s22, s23, $0xb8;
	[tilespmem:$0x1CC78] =	vst v63  }
0xe0: {  	_ = 	snop  }
0xe1: {  	[spmem:s2] =	stream.indirect.scatter.add.f32 [tilespmem:s25], [sflag:$0x7], $0x1, s21, s23, $0xb8;
	[tilespmem:$0x1CC78] =	vst v63  }
0xe2: {  	_ =	swait.ge [sflag:s3], $0x2800  }
0xe3: {  	[sflag:s3] =	ssyncset.done $0x0  }
0xe4: {  	[sflag:s3] =	ssyncadd.s32 $0xFFFFD800  }
0xe5: {  	_ =	swait.ge [sflag:s6], $0x50  }
0xe6: {  	[sflag:s6] =	ssyncset.done $0x0  }
0xe7: {  	[sflag:s6] =	ssyncadd.s32 $0xFFFFFFB0  }
0xe8: {  	_ =	swait.ge [sflag:s7], $0x2800  }
0xe9: {  	[sflag:s7] =	ssyncset.done $0x0  }
0xea: {  	[sflag:s7] =	ssyncadd.s32 $0xFFFFD800  }
0xeb: {  	_ =	swait.ge [sflag:s8], $0x50  }
0xec: {  	[sflag:s8] =	ssyncset.done $0x0  }
0xed: {  	[sflag:s8] =	ssyncadd.s32 $0xFFFFFFB0  }
0xee: {  	[spmem:s1] =	stream.indirect.scatter.add.f32 [tilespmem:s28], [sflag:$0x6], $0x80, s29, s23, $0xb8;
	[tilespmem:$0x1CC78] =	vst v63  }
0xef: {  	_ = 	snop  }
0xf0: {  	[spmem:s2] =	stream.indirect.scatter.add.f32 [tilespmem:s30], [sflag:$0x8], $0x1, s26, s23, $0xb8;
	[tilespmem:$0x1CC78] =	vst v63  }
0xf1: {  	_ =	swait.ge [sflag:s10], $0x2800  }
0xf2: {  	[sflag:s10] =	ssyncset.done $0x0  }
0xf3: {  	[sflag:s10] =	ssyncadd.s32 $0xFFFFD800  }
0xf4: {  	_ =	swait.ge [sflag:s11], $0x50  }
0xf5: {  	[sflag:s11] =	ssyncset.done $0x0  }
0xf6: {  	s18 =	simm.s32 $0x13C78;
	[sflag:s11] =	ssyncadd.s32 $0xFFFFFFB0  }
0xf7: {  	[tilespmem:s24], [sflag:$0x1] =	stream.indirect.gather [hbm4b:s4+s23], $0x80, s18, s23, $0xb8;
	[tilespmem:$0x1CC78] =	vst v63  }
0xf8: {  	s17 =	simm.s32 $0x15C78  }
0xf9: {  	[tilespmem:s25], [sflag:$0x3] =	stream.indirect.gather [hbm4b:s5+s23], $0x1, s17, s23, $0xb8;
	[tilespmem:$0x1CC78] =	vst v63  }
0xfa: {  	s18 =	simm.s32 $0x13CF8  }
0xfb: {  	[tilespmem:s28], [sflag:$0x2] =	stream.indirect.gather [hbm4b:s4+s23], $0x80, s18, s23, $0xb8;
	[tilespmem:$0x1CC78] =	vst v63  }
0xfc: {  	s17 =	simm.s32 $0x15CF8  }
0xfd: {  	[tilespmem:s30], [sflag:$0x4] =	stream.indirect.gather [hbm4b:s5+s23], $0x1, s17, s23, $0xb8;
	[tilespmem:$0x1CC78] =	vst v63  }
0xfe: {  	_ =	swait.ge [sflag:s31], $0x2800  }
0xff: {  	[sflag:s31] =	ssyncset.done $0x0  }
0x100: {  	[sflag:s31] =	ssyncadd.s32 $0xFFFFD800  }
0x101: {  	_ =	swait.ge [sflag:s0], $0x50  }
0x102: {  	[sflag:s0] =	ssyncset.done $0x0  }
0x103: {  	s18 =	simm.s32 $0x15C78;
	[sflag:s0] =	ssyncadd.s32 $0xFFFFFFB0  }
0x104: {  	[spmem:s1] =	stream.indirect.scatter.add.f32 [tilespmem:s24], [sflag:$0x5], $0x80, s18, s23, $0xb8;
	[tilespmem:$0x1CC78] =	vst v63  }
0x105: {  	s17 =	simm.s32 $0x13C78  }
0x106: {  	[spmem:s2] =	stream.indirect.scatter.add.f32 [tilespmem:s25], [sflag:$0x7], $0x1, s17, s23, $0xb8;
	[tilespmem:$0x1CC78] =	vst v63  }
0x107: {  	_ =	swait.ge [sflag:s3], $0x2800  }
0x108: {  	[sflag:s3] =	ssyncset.done $0x0  }
0x109: {  	[sflag:s3] =	ssyncadd.s32 $0xFFFFD800  }
0x10a: {  	_ =	swait.ge [sflag:s6], $0x50  }
0x10b: {  	[sflag:s6] =	ssyncset.done $0x0  }
0x10c: {  	[sflag:s6] =	ssyncadd.s32 $0xFFFFFFB0  }
0x10d: {  	_ =	swait.ge [sflag:s7], $0x2800  }
0x10e: {  	[sflag:s7] =	ssyncset.done $0x0  }
0x10f: {  	[sflag:s7] =	ssyncadd.s32 $0xFFFFD800  }
0x110: {  	_ =	swait.ge [sflag:s8], $0x50  }
0x111: {  	[sflag:s8] =	ssyncset.done $0x0  }
0x112: {  	s18 =	simm.s32 $0x15CF8;
	[sflag:s8] =	ssyncadd.s32 $0xFFFFFFB0  }
0x113: {  	[spmem:s1] =	stream.indirect.scatter.add.f32 [tilespmem:s28], [sflag:$0x6], $0x80, s18, s23, $0xb8;
	[tilespmem:$0x1CC78] =	vst v63  }
0x114: {  	s17 =	simm.s32 $0x13CF8  }
0x115: {  	[spmem:s2] =	stream.indirect.scatter.add.f32 [tilespmem:s30], [sflag:$0x8], $0x1, s17, s23, $0xb8;
	[tilespmem:$0x1CC78] =	vst v63  }
0x116: {  	_ =	swait.ge [sflag:s10], $0x2800  }
0x117: {  	[sflag:s10] =	ssyncset.done $0x0  }
0x118: {  	[sflag:s10] =	ssyncadd.s32 $0xFFFFD800  }
0x119: {  	_ =	swait.ge [sflag:s11], $0x50  }
0x11a: {  	[sflag:s11] =	ssyncset.done $0x0  }
0x11b: {  	s18 =	simm.s32 $0x13D78;
	[sflag:s11] =	ssyncadd.s32 $0xFFFFFFB0  }
0x11c: {  	[tilespmem:s24], [sflag:$0x1] =	stream.indirect.gather [hbm4b:s4+s23], $0x80, s18, s23, $0xb8;
	[tilespmem:$0x1CC78] =	vst v63  }
0x11d: {  	s17 =	simm.s32 $0x15D78  }
0x11e: {  	[tilespmem:s25], [sflag:$0x3] =	stream.indirect.gather [hbm4b:s5+s23], $0x1, s17, s23, $0xb8;
	[tilespmem:$0x1CC78] =	vst v63  }
0x11f: {  	s16 =	simm.s32 $0x400;
	s18 =	simm.s32 $0x13DF8;
	s17 =	simm.s32 $0x15DF8  }
0x120: {  	[tilespmem:s28], [sflag:$0x2] =	stream.indirect.gather [hbm4b:s4+s23], $0x80, s18, s23, $0xb8;
	[tilespmem:$0x1CC78] =	vst v63  }
.LBB2_4:
0x121: {  	[tilespmem:s30], [sflag:$0x4] =	stream.indirect.gather [hbm4b:s5+s23], $0x1, s17, s23, $0xb8;
	[tilespmem:$0x1CC78] =	vst v63  }
0x122: {  	s17 =	smov.u32 s16  }
0x123: {  	p1 =	sne.s32 s16, $0x7400;
	s16 =	sadd.s32 $0x400, s16;
	_ =	swait.ge [sflag:s31], $0x2800  }
0x124: {  	[sflag:s31] =	ssyncset.done $0x0  }
0x125: {  	[sflag:s31] =	ssyncadd.s32 $0xFFFFD800  }
0x126: {  	_ =	swait.ge [sflag:s0], $0x50  }
0x127: {  	s17 =	sshra.s32 s17, $0x2;
	[sflag:s0] =	ssyncset.done $0x0  }
0x128: {  	s18 =	sadd.s32 $0x15C78, s17;
	[sflag:s0] =	ssyncadd.s32 $0xFFFFFFB0  }
0x129: {  	[spmem:s1] =	stream.indirect.scatter.add.f32 [tilespmem:s24], [sflag:$0x5], $0x80, s18, s23, $0xb8;
	[tilespmem:$0x1CC78] =	vst v63  }
0x12a: {  	s18 =	sadd.s32 $0x13C78, s17  }
0x12b: {  	[spmem:s2] =	stream.indirect.scatter.add.f32 [tilespmem:s25], [sflag:$0x7], $0x1, s18, s23, $0xb8;
	[tilespmem:$0x1CC78] =	vst v63  }
0x12c: {  	_ =	swait.ge [sflag:s3], $0x2800  }
0x12d: {  	[sflag:s3] =	ssyncset.done $0x0  }
0x12e: {  	[sflag:s3] =	ssyncadd.s32 $0xFFFFD800  }
0x12f: {  	_ =	swait.ge [sflag:s6], $0x50  }
0x130: {  	[sflag:s6] =	ssyncset.done $0x0  }
0x131: {  	[sflag:s6] =	ssyncadd.s32 $0xFFFFFFB0  }
0x132: {  	_ =	swait.ge [sflag:s7], $0x2800  }
0x133: {  	[sflag:s7] =	ssyncset.done $0x0  }
0x134: {  	[sflag:s7] =	ssyncadd.s32 $0xFFFFD800  }
0x135: {  	_ =	swait.ge [sflag:s8], $0x50  }
0x136: {  	[sflag:s8] =	ssyncset.done $0x0  }
0x137: {  	s18 =	sadd.s32 $0x15CF8, s17;
	[sflag:s8] =	ssyncadd.s32 $0xFFFFFFB0  }
0x138: {  	[spmem:s1] =	stream.indirect.scatter.add.f32 [tilespmem:s28], [sflag:$0x6], $0x80, s18, s23, $0xb8;
	[tilespmem:$0x1CC78] =	vst v63  }
0x139: {  	s18 =	sadd.s32 $0x13CF8, s17  }
0x13a: {  	[spmem:s2] =	stream.indirect.scatter.add.f32 [tilespmem:s30], [sflag:$0x8], $0x1, s18, s23, $0xb8;
	[tilespmem:$0x1CC78] =	vst v63  }
0x13b: {  	_ =	swait.ge [sflag:s10], $0x2800  }
0x13c: {  	[sflag:s10] =	ssyncset.done $0x0  }
0x13d: {  	[sflag:s10] =	ssyncadd.s32 $0xFFFFD800  }
0x13e: {  	_ =	swait.ge [sflag:s11], $0x50  }
0x13f: {  	[sflag:s11] =	ssyncset.done $0x0  }
0x140: {  	s18 =	sadd.s32 $0x13D78, s17;
	[sflag:s11] =	ssyncadd.s32 $0xFFFFFFB0  }
0x141: {  	[tilespmem:s24], [sflag:$0x1] =	stream.indirect.gather [hbm4b:s4+s23], $0x80, s18, s23, $0xb8;
	[tilespmem:$0x1CC78] =	vst v63  }
.Ltmp1:
0x142: {  	s18 =	sadd.s32 $0x15D78, s17;
	(pc) =	sbr.rel @p1 .LBB2_4-.Ltmp1, $4  }
0x143: {  	[tilespmem:s25], [sflag:$0x3] =	stream.indirect.gather [hbm4b:s5+s23], $0x1, s18, s23, $0xb8;
	[tilespmem:$0x1CC78] =	vst v63  }
0x144: {  	s18 =	sadd.s32 $0x13DF8, s17  }
0x145: {  	[tilespmem:s28], [sflag:$0x2] =	stream.indirect.gather [hbm4b:s4+s23], $0x80, s18, s23, $0xb8;
	[tilespmem:$0x1CC78] =	vst v63  }
0x146: {  	s17 =	sadd.s32 $0x15DF8, s17  }
0x147: {  	[tilespmem:s30], [sflag:$0x4] =	stream.indirect.gather [hbm4b:s5+s23], $0x1, s17, s23, $0xb8;
	[tilespmem:$0x1CC78] =	vst v63  }
0x148: {  	_ =	swait.ge [sflag:s31], $0x2800  }
0x149: {  	[sflag:s31] =	ssyncset.done $0x0  }
0x14a: {  	[sflag:s31] =	ssyncadd.s32 $0xFFFFD800  }
0x14b: {  	_ =	swait.ge [sflag:s0], $0x50  }
0x14c: {  	[sflag:s0] =	ssyncset.done $0x0  }
0x14d: {  	s16 =	simm.s32 $0x17A78;
	[sflag:s0] =	ssyncadd.s32 $0xFFFFFFB0  }
0x14e: {  	[spmem:s1] =	stream.indirect.scatter.add.f32 [tilespmem:s24], [sflag:$0x5], $0x80, s16, s23, $0xb8;
	[tilespmem:$0x1CC78] =	vst v63  }
0x14f: {  	s17 =	simm.s32 $0x15A78  }
0x150: {  	[spmem:s2] =	stream.indirect.scatter.add.f32 [tilespmem:s25], [sflag:$0x7], $0x1, s17, s23, $0xb8;
	[tilespmem:$0x1CC78] =	vst v63  }
0x151: {  	_ =	swait.ge [sflag:s3], $0x2800  }
0x152: {  	[sflag:s3] =	ssyncset.done $0x0  }
0x153: {  	[sflag:s3] =	ssyncadd.s32 $0xFFFFD800  }
0x154: {  	_ =	swait.ge [sflag:s6], $0x50  }
0x155: {  	[sflag:s6] =	ssyncset.done $0x0  }
0x156: {  	[sflag:s6] =	ssyncadd.s32 $0xFFFFFFB0  }
0x157: {  	_ =	swait.ge [sflag:s7], $0x2800  }
0x158: {  	[sflag:s7] =	ssyncset.done $0x0  }
0x159: {  	[sflag:s7] =	ssyncadd.s32 $0xFFFFD800  }
0x15a: {  	_ =	swait.ge [sflag:s8], $0x50  }
0x15b: {  	[sflag:s8] =	ssyncset.done $0x0  }
0x15c: {  	s18 =	simm.s32 $0x17AF8;
	[sflag:s8] =	ssyncadd.s32 $0xFFFFFFB0  }
0x15d: {  	[spmem:s1] =	stream.indirect.scatter.add.f32 [tilespmem:s28], [sflag:$0x6], $0x80, s18, s23, $0xb8;
	[tilespmem:$0x1CC78] =	vst v63  }
0x15e: {  	_ = 	snop  }
0x15f: {  	[spmem:s2] =	stream.indirect.scatter.add.f32 [tilespmem:s30], [sflag:$0x8], $0x1, s19, s23, $0xb8;
	[tilespmem:$0x1CC78] =	vst v63  }
0x160: {  	_ =	swait.ge [sflag:s10], $0x2800  }
0x161: {  	[sflag:s10] =	ssyncset.done $0x0  }
0x162: {  	[sflag:s10] =	ssyncadd.s32 $0xFFFFD800  }
0x163: {  	_ =	swait.ge [sflag:s11], $0x50  }
0x164: {  	[sflag:s11] =	ssyncset.done $0x0  }
0x165: {  	[sflag:s11] =	ssyncadd.s32 $0xFFFFFFB0  }
0x166: {  	[bflag:$0x0] =	sbarrier.arrive $0xFFFF  }
0x167: {  	s17 =	rddreg [dreg:$0xd]  }
0x168: {  	[hbm:s17], [sflag:s9] =	dma.local [spmem:s14], $0x2700  }
0x169: {  	_ =	swait.ge [sflag:s20], $0x2700  }
0x16a: {  	[sflag:s20] =	ssyncset.done $0x0  }
0x16b: {  	s14 =	rddreg [dreg:$0xe];
	[sflag:s20] =	ssyncadd.s32 $0xFFFFD900  }
0x16c: {  	[hbm:s14], [sflag:s9] =	dma.local @!p0 [spmem:s15], $0x100  }
0x16d: {  	s14 =	simm.s32 @!p0 $0x9  }
0x16e: {  	_ =	swait.ge @!p0 [sflag:s14], $0x100  }
0x16f: {  	s16 =	simm.s32 @!p0 $0x20;
	s17 =	simm.s32 @!p0 $0x10;
	[sflag:s14] =	ssyncset.done @!p0 $0x0  }
0x170: {  	s15 =	simm.s32 @!p0 $0x1;
	s18 =	rddreg [dreg:$0xf];
	[sflag:s14] =	ssyncadd.s32 @!p0 $0xFFFFFF00  }
0x171: {  	[hbm:s18@s16], [sflag:s9] =	dma.strided @!p0 [spmem:s13@s17], $0x5F0, s15, $0x10   }
0x172: {  	_ =	swait.ge @!p0 [sflag:s14], $0x5F0  }
0x173: {  	s12 =	sadd.s32 $0x1, s12;
	s18 =	rddreg [dreg:$0x10]  }
0x174: {  	p1 =	sne.s32 s12, s18  }
.Ltmp2:
0x175: {  	_ = 	snop;
	(pc) =	sbr.rel @p1 .LBB2_1-.Ltmp2, $3  }
0x176: {  	_ =	sdelay $0x1  }
0x177: {  	[sflag:s14] =	ssyncset.done @!p0 $0x0  }
0x178: {  	[sflag:s14] =	ssyncadd.s32 @!p0 $0xFFFFFA10  }
0x179: {  	_ =	sfence.sel $0x180000  }
0x17a: {  	[bflag:$0x0] =	sbarrier.arrive $0xFFFF  }
0x17b: {  	_ =	strace $0x9000004A  }
0x17c: {  	[bflag:$0x2] =	sbarrier.arrive $0xFFFF  }
0x17d: {  	s0 =	rddreg [dreg:$0x3]  }
0x17e: {  	s0 =	sadd.s32 @!p0 $0x100000, s0  }
0x17f: {  	[sflag:s0] =	ssyncadd.tile.s32 @!p0 $0x1;
	_ =	shalt  }
.Lfunc_end2:
_tile_overlayer_lowered:
.L_overlay_start_2:
0x180: {  	(tag) =	ssettag $0x2  }
0x181: {  	s0 =	rddreg [dreg:$0x0];
	s2 =	stileid.u32  }
0x182: {  	s1 =	rddreg [dreg:$0x1];
	p0 =	sne.s32 s2, $0x0  }
0x183: {  	s3 =	rddreg [dreg:$0x2];
	[bflag:$0x3] =	sbarrier.arrive $0xFFFF;
	s2 =	simm.s32 @!p0 $0x1C09  }
0x184: {  	[timem:s3], [sflag:s2] =	dma.local @!p0 [hbm:s0], s1  }
0x185: {  	s0 =	simm.s32 @!p0 $0x9  }
0x186: {  	_ =	swait.ge @!p0 [sflag:s0], s1  }
0x187: {  	s1 =	ssub.s32 @!p0 $0x0, s1;
	[sflag:s0] =	ssyncset.done @!p0 $0x0  }
0x188: {  	[sflag:s0] =	ssyncadd.s32 @!p0 s1  }
0x189: {  	[bflag:$0x3] =	sbarrier.arrive $0xFFFF  }
0x18a: {  	_ =	shalt  }

</sc_bundles>
